<compile_context>
chip_gen: v7x
topology: tpu7x:2x2x1
jax: 0.10.2.dev20260603
libtpu: 0.0.44.dev20260713+nightly
codegen_flags: <defaults>
</compile_context>

<pallas_src>
import functools

import jax
import jax.numpy as jnp
from jax import lax
from jax.experimental import pallas as pl
from jax.experimental.pallas import tpu as pltpu
from jax.experimental.pallas import tpu_sc as plsc

N = 10000
E = 320000
HID = 128
FH = HID // 2
NC_OUT = 6

NTILES = 32
NP = 10240
EP = 16 * 160 * 128
ROWS_PER_TILE = NP // 16

_f32 = jnp.float32


def _mesh():
    return plsc.VectorSubcoreMesh(core_axis_name="c", subcore_axis_name="s")


def _zero_vmem_2d(buf, nrows, width):
    @pl.loop(0, nrows)
    def _(i):
        for k in range(width // 16):
            buf[i, pl.ds(k * 16, 16)] = jnp.zeros((16,), _f32)


def _sc_embed_deg_body(emb_hbm, hp_hbm, dst_hbm, g_out, degp_out,
                       hidx_v, dstv, buf, ones_v, dbuf, acc1,
                       e0, e1, e2, e3, ssem):
    esems = (e0, e1, e2, e3)
    c = lax.axis_index("c")
    s = lax.axis_index("s")
    t = c * 16 + s

    @pl.loop(0, ROWS_PER_TILE // 16)
    def _(i):
        dbuf[pl.ds(i * 16, 16)] = jnp.zeros((16,), _f32)
    pltpu.sync_copy(dbuf, acc1.at[pl.ds(s * ROWS_PER_TILE, ROWS_PER_TILE)])
    for k in range(8):
        ones_v[pl.ds(k * 16, 16)] = jnp.ones((16,), _f32)
    plsc.subcore_barrier()

    pltpu.sync_copy(hp_hbm.at[t], hidx_v)
    descs = [pltpu.async_copy(emb_hbm.at[hidx_v.at[j]],
                              buf.at[pl.ds(j * 80, 80)], esems[j])
             for j in range(4)]

    pltpu.sync_copy(dst_hbm.at[t], dstv)
    @pl.loop(0, 80)
    def _(j):
        pltpu.async_copy(ones_v, acc1.at[dstv.at[j]], ssem, add=True)

    for j in range(4):
        descs[j].wait()
        pltpu.sync_copy(buf.at[pl.ds(j * 80, 80)],
                        g_out.at[pl.ds(t * 320 + j * 80, 80)])

    @pl.loop(0, 80)
    def _(j):
        pltpu.make_async_copy(ones_v, acc1.at[dstv.at[0]], ssem).wait()
    plsc.subcore_barrier()

    pltpu.sync_copy(acc1.at[pl.ds(s * ROWS_PER_TILE, ROWS_PER_TILE)], dbuf)
    pltpu.sync_copy(dbuf, degp_out.at[c, pl.ds(s * ROWS_PER_TILE,
                                               ROWS_PER_TILE)])


@functools.cache
def _sc_embed_deg():
    return pl.kernel(
        _sc_embed_deg_body,
        out_type=[jax.ShapeDtypeStruct((NP, HID), _f32),
                  jax.ShapeDtypeStruct((2, NP), _f32)],
        mesh=_mesh(),
        scratch_types=[
            pltpu.VMEM((4, 80), jnp.int32),
            pltpu.VMEM((80, 128), jnp.int32),
            pltpu.VMEM((320, HID), _f32),
            pltpu.VMEM((128,), _f32),
            pltpu.VMEM((ROWS_PER_TILE,), _f32),
            pltpu.VMEM_SHARED((NP,), _f32),
        ] + [pltpu.SemaphoreType.DMA] * 5,
    )


_NBUF = 5
FQ = HID // 4


def _sc_prop2_body(x_hbm, n2_hbm, src_hbm, dst_hbm, out_hbm,
                   srcv, dstv, n2v, b0, b1, b2, b3, b4,
                   xq, accA, accB,
                   g0, g1, g2, g3, g4, ssem):
    bufs = (b0, b1, b2, b3, b4)
    gsems = (g0, g1, g2, g3, g4)
    c = lax.axis_index("c")
    s = lax.axis_index("s")
    rowbase = s * ROWS_PER_TILE
    qA = c * 2
    qB = c * 2 + 1

    pltpu.sync_copy(src_hbm.at[s], srcv)
    pltpu.sync_copy(dst_hbm.at[s], dstv)
    pltpu.sync_copy(n2_hbm.at[pl.ds(rowbase, ROWS_PER_TILE)],
                    n2v.at[pl.ds(0, ROWS_PER_TILE)])

    drain_src = x_hbm.at[pl.ds(0, 128)]

    def zero_slab(slab):
        _zero_vmem_2d(bufs[0], 128, FQ)
        for j in range(5):
            pltpu.sync_copy(bufs[0], slab.at[pl.ds(rowbase + j * 128, 128)])

    def gather_scatter(src_slab, acc_slab):
        @pl.loop(0, 160, step=_NBUF)
        def _(jj):
            @pl.when(jj > 0)
            def _():
                for b in range(_NBUF):
                    pltpu.make_async_copy(drain_src, bufs[b], ssem).wait()
            descs = [pltpu.async_copy(src_slab.at[srcv.at[jj + b]], bufs[b],
                                      gsems[b]) for b in range(_NBUF)]
            for b in range(_NBUF):
                descs[b].wait()
                pltpu.async_copy(bufs[b], acc_slab.at[dstv.at[jj + b]], ssem,
                                 add=True)
        for b in range(_NBUF):
            pltpu.make_async_copy(drain_src, bufs[b], ssem).wait()

    def copy_out(slab, q):
        for j in range(5):
            pltpu.sync_copy(slab.at[pl.ds(rowbase + j * 128, 128)], bufs[0])
            pltpu.sync_copy(bufs[0],
                            out_hbm.at[q, pl.ds(rowbase + j * 128, 128)])

    pltpu.sync_copy(x_hbm.at[pl.ds(qA * NP + rowbase, ROWS_PER_TILE)],
                    xq.at[pl.ds(rowbase, ROWS_PER_TILE)])
    zero_slab(accA)
    plsc.subcore_barrier()
    gather_scatter(xq, accA)
    plsc.subcore_barrier()

    pltpu.sync_copy(x_hbm.at[pl.ds(qB * NP + rowbase, ROWS_PER_TILE)],
                    xq.at[pl.ds(rowbase, ROWS_PER_TILE)])
    zero_slab(accB)
    plsc.subcore_barrier()
    gather_scatter(xq, accB)
    plsc.subcore_barrier()

    for j in range(5):
        pltpu.sync_copy(accA.at[pl.ds(rowbase + j * 128, 128)], bufs[1])
        pltpu.sync_copy(accB.at[pl.ds(rowbase + j * 128, 128)], bufs[2])

        @pl.loop(0, 128)
        def _(i):
            n = n2v[pl.ds(j * 128 + i, 16)][0]
            for k in range(FQ // 16):
                bufs[1][i, pl.ds(k * 16, 16)] = \
                    bufs[1][i, pl.ds(k * 16, 16)] * n
                bufs[2][i, pl.ds(k * 16, 16)] = \
                    bufs[2][i, pl.ds(k * 16, 16)] * n
        pltpu.sync_copy(bufs[1], accA.at[pl.ds(rowbase + j * 128, 128)])
        pltpu.sync_copy(bufs[2], accB.at[pl.ds(rowbase + j * 128, 128)])
    zero_slab(xq)
    plsc.subcore_barrier()

    gather_scatter(accA, xq)
    plsc.subcore_barrier()
    copy_out(xq, qA)
    zero_slab(accA)
    plsc.subcore_barrier()

    gather_scatter(accB, accA)
    plsc.subcore_barrier()
    copy_out(accA, qB)


@functools.cache
def _sc_prop2():
    return pl.kernel(
        _sc_prop2_body,
        out_type=jax.ShapeDtypeStruct((4, NP, FQ), _f32),
        mesh=_mesh(),
        scratch_types=[
            pltpu.VMEM((160, 128), jnp.int32),
            pltpu.VMEM((160, 128), jnp.int32),
            pltpu.VMEM((ROWS_PER_TILE + 16,), _f32),
        ] + [pltpu.VMEM((128, FQ), _f32)] * _NBUF + [
            pltpu.VMEM_SHARED((NP, FQ), _f32),
            pltpu.VMEM_SHARED((NP, FQ), _f32),
            pltpu.VMEM_SHARED((NP, FQ), _f32),
        ] + [pltpu.SemaphoreType.DMA] * _NBUF + [
            pltpu.SemaphoreType.DMA,
        ],
        compiler_params=pltpu.CompilerParams(use_tc_tiling_on_sc=False),
    )


_BLK = 1024
_GRID = NP // _BLK


def _norm_from_deg(d0, d1):
    deg = jnp.maximum(d0 + d1, 1.0)
    return lax.rsqrt(deg)


def _tc1_body(g_ref, d0_ref, d1_ref, w_ref, b_ref, o_ref, n2_ref):
    norm = _norm_from_deg(d0_ref[...], d1_ref[...])
    x = jnp.dot(g_ref[...], w_ref[0], preferred_element_type=_f32)
    o_ref[...] = (x + b_ref[0]) * norm
    n2_ref[...] = norm * norm


def _tc3_body(q_ref, d0_ref, d1_ref, wp_ref, bp_ref,
              w0_ref, b0_ref, w1_ref, b1_ref, w2_ref, b2_ref, o_ref):
    norm = _norm_from_deg(d0_ref[...], d1_ref[...])
    x = jnp.concatenate([q_ref[i] for i in range(4)], axis=1) * norm
    z = jnp.dot(x, wp_ref[...], preferred_element_type=_f32) + bp_ref[...]
    a = jnp.maximum(jnp.dot(z, w0_ref[...], preferred_element_type=_f32)
                    + b0_ref[...], 0.0)
    b = jnp.maximum(jnp.dot(a, w1_ref[...], preferred_element_type=_f32)
                    + b1_ref[...], 0.0)
    o_ref[...] = jnp.dot(b, w2_ref[...], preferred_element_type=_f32) \
        + b2_ref[...]


def _row_spec(width):
    return pl.BlockSpec((_BLK, width), lambda i: (i, 0))


def _full_spec(shape):
    return pl.BlockSpec(shape, lambda i: tuple(0 for _ in shape))


_tc1 = pl.pallas_call(
    _tc1_body,
    grid=(4, _GRID),
    in_specs=[
        pl.BlockSpec((_BLK, HID), lambda c, g: (g, 0)),
        pl.BlockSpec((_BLK, 1), lambda c, g: (g, 0)),
        pl.BlockSpec((_BLK, 1), lambda c, g: (g, 0)),
        pl.BlockSpec((1, HID, FQ), lambda c, g: (c, 0, 0)),
        pl.BlockSpec((1, 1, FQ), lambda c, g: (c, 0, 0)),
    ],
    out_specs=[pl.BlockSpec((_BLK, FQ), lambda c, g: (c * _GRID + g, 0)),
               pl.BlockSpec((_BLK, 1), lambda c, g: (g, 0))],
    out_shape=[jax.ShapeDtypeStruct((4 * NP, FQ), _f32),
               jax.ShapeDtypeStruct((NP, 1), _f32)],
)

_tc3 = pl.pallas_call(
    _tc3_body,
    grid=(_GRID,),
    in_specs=[pl.BlockSpec((4, _BLK, FQ), lambda g: (0, g, 0)),
              pl.BlockSpec((_BLK, 1), lambda g: (g, 0)),
              pl.BlockSpec((_BLK, 1), lambda g: (g, 0))]
    + [_full_spec((HID, HID)), _full_spec((1, HID))] * 4,
    out_specs=_row_spec(HID),
    out_shape=jax.ShapeDtypeStruct((NP, HID), _f32),
)


def _pad_w(w):
    r, ccols = w.shape
    return jnp.pad(w, ((0, HID - r), (0, HID - ccols)))


def _pad_b(b):
    return jnp.pad(b, (0, HID - b.shape[0])).reshape(1, HID)


def kernel(h, edge_index, e, snorm_n, snorm_e, emb, W1, b1, Wp, bp,
           Wm0, bm0, Wm1, bm1, Wm2, bm2):
    h_p = jnp.pad(h.astype(jnp.int32), (0, NP - N)).reshape(NTILES, 4, 80)
    src = edge_index[0].astype(jnp.int32)
    dst = edge_index[1].astype(jnp.int32)
    src_p = jnp.pad(src, (0, EP - E))
    dst_p = jnp.pad(dst, (0, EP - E), constant_values=NP - 1)
    src16 = src_p.reshape(16, 160, 128)
    dst16 = dst_p.reshape(16, 160, 128)
    dst32 = dst_p.reshape(NTILES, 80, 128)

    g, degp = _sc_embed_deg()(emb, h_p, dst32)
    d0 = degp[0].reshape(NP, 1)
    d1 = degp[1].reshape(NP, 1)

    W1s = jnp.stack([W1[:, i * FQ:(i + 1) * FQ] for i in range(4)])
    b1s = jnp.stack([b1[i * FQ:(i + 1) * FQ]
                     for i in range(4)]).reshape(4, 1, FQ)
    xs, n2 = _tc1(g, d0, d1, W1s, b1s)

    q = _sc_prop2()(xs, n2.reshape(NP), src16, dst16)

    outp = _tc3(q, d0, d1, Wp, bp.reshape(1, HID),
                _pad_w(Wm0), _pad_b(bm0), _pad_w(Wm1), _pad_b(bm1),
                _pad_w(Wm2), _pad_b(bm2))
    return outp[:N, :NC_OUT]

# --- scband reference (transcript-rebuilt; emitter-appended) ---
"""Pipeline reference for scband-sgcnet-65919158059654 (READ-ONLY COPY).

The authoritative reference and input builder live on the scoring server;
editing this copy changes nothing except your own understanding.
"""

import jax, jax.numpy as jnp
import numpy as np

N = 10000
E = 320000
IN_DIM = 128
HID = 128
NC = 6


def setup_inputs(seed: int = 0) -> dict:
    key = jax.random.key(seed)
    ks = jax.random.split(key, 20)
    s = 0.05
    h = jax.random.randint(ks[0], (N,), 0, IN_DIM)
    edge_index = jax.random.randint(ks[1], (2, E), 0, N)
    e = jax.random.normal(ks[2], (E, 4), dtype=jnp.float32)
    snorm_n = jax.random.uniform(ks[3], (N, 1), dtype=jnp.float32)
    snorm_e = jax.random.uniform(ks[4], (E, 1), dtype=jnp.float32)
    emb = jax.random.normal(ks[5], (IN_DIM, HID), dtype=jnp.float32) * s
    W1 = jax.random.normal(ks[6], (HID, HID), dtype=jnp.float32) * s
    b1 = jnp.zeros((HID,), dtype=jnp.float32)
    Wp = jax.random.normal(ks[7], (HID, HID), dtype=jnp.float32) * s
    bp = jnp.zeros((HID,), dtype=jnp.float32)
    Wm0 = jax.random.normal(ks[8], (HID, HID // 2), dtype=jnp.float32) * s
    bm0 = jnp.zeros((HID // 2,), dtype=jnp.float32)
    Wm1 = jax.random.normal(ks[9], (HID // 2, HID // 4), dtype=jnp.float32) * s
    bm1 = jnp.zeros((HID // 4,), dtype=jnp.float32)
    Wm2 = jax.random.normal(ks[10], (HID // 4, NC), dtype=jnp.float32) * s
    bm2 = jnp.zeros((NC,), dtype=jnp.float32)
    return {"h": h, "edge_index": edge_index, "e": e, "snorm_n": snorm_n,
            "snorm_e": snorm_e, "emb": emb, "W1": W1, "b1": b1, "Wp": Wp,
            "bp": bp, "Wm0": Wm0, "bm0": bm0, "Wm1": Wm1, "bm1": bm1,
            "Wm2": Wm2, "bm2": bm2}


def reference(h, edge_index, e, snorm_n, snorm_e, emb, W1, b1, Wp, bp,
              Wm0, bm0, Wm1, bm1, Wm2, bm2):
    # embedding_h (dropout is identity in eval)
    x = jnp.take(emb, h, axis=0)
    # single hidden Linear (L=2 -> 1 layer; it is the last layer so no ReLU)
    x = x @ W1 + b1
    # SGConv, k=2, symmetric normalization as in DGL SGConv
    src = edge_index[0]
    dst = edge_index[1]
    deg = jax.ops.segment_sum(jnp.ones((E,), dtype=jnp.float32), dst, num_segments=N)
    deg = jnp.clip(deg, 1.0, None)
    norm = (deg ** -0.5)[:, None]
    for _ in range(2):
        x = x * norm
        x = jax.ops.segment_sum(jnp.take(x, src, axis=0), dst, num_segments=N)
        x = x * norm
    x = x @ Wp + bp
    # MLPReadout: 128 -> 64 -> 32 -> n_classes
    y = jax.nn.relu(x @ Wm0 + bm0)
    y = jax.nn.relu(y @ Wm1 + bm1)
    y = y @ Wm2 + bm2
    return y

if __name__ == "__main__":
    import jax
    _d = setup_inputs()
    print(jax.jit(kernel)(*tuple(_d.values())))

</pallas_src>

<mosaic_0001>
#map = affine_map<(d0, d1) -> (0, 0)>
#map1 = affine_map<(d0, d1) -> (0, 0, 0)>
module attributes {stable_mosaic.version = 14 : i64} {
  func.func @_sc_embed_deg_body(%arg0: i32, %arg1: i32, %arg2: memref<128x128xf32, #tpu.memory_space<hbm>>, %arg3: memref<32x4x80xi32, #tpu.memory_space<hbm>>, %arg4: memref<32x80x128xi32, #tpu.memory_space<hbm>>, %arg5: memref<10240x128xf32, #tpu.memory_space<hbm>>, %arg6: memref<2x10240xf32, #tpu.memory_space<hbm>>, %arg7: memref<4x80xi32, #tpu.memory_space<vmem>>, %arg8: memref<80x128xi32, #tpu.memory_space<vmem>>, %arg9: memref<320x128xf32, #tpu.memory_space<vmem>>, %arg10: memref<128xf32, #tpu.memory_space<vmem>>, %arg11: memref<640xf32, #tpu.memory_space<vmem>>, %arg12: memref<10240xf32, #tpu.memory_space<vmem_shared>>, %arg13: memref<!tpu.dma_semaphore, #tpu.memory_space<semaphore_mem>>, %arg14: memref<!tpu.dma_semaphore, #tpu.memory_space<semaphore_mem>>, %arg15: memref<!tpu.dma_semaphore, #tpu.memory_space<semaphore_mem>>, %arg16: memref<!tpu.dma_semaphore, #tpu.memory_space<semaphore_mem>>, %arg17: memref<!tpu.dma_semaphore, #tpu.memory_space<semaphore_mem>>) attributes {dimension_semantics = [#tpu.dimension_semantics<core_parallel>, #tpu.dimension_semantics<subcore_parallel>], iteration_bounds = array<i64: 2, 16>, scalar_prefetch = 0 : i64, scratch_operands = 11 : i64, tpu.core_type = #tpu.core_type<sc_vector_subcore>, window_params = [{transform_indices = #map}, {transform_indices = #map1}, {transform_indices = #map1}, {transform_indices = #map}, {transform_indices = #map}]} {
    %mul3A = arith.constant 16 : i32
    %mul3A_0 = arith.muli %arg0, %mul3A : i32
    %add3A = arith.addi %mul3A_0, %arg1 : i32
    %scan3A = arith.constant 0 : i32
    %scan3A_1 = arith.constant 40 : i32
    %scan3A_2 = arith.addi %scan3A, %scan3A_1 : i32
    %scan3A_3 = arith.constant 1 : i32
    scf.for %scan3A_162 = %scan3A to %scan3A_2 step %scan3A_3  : i32 {
      %mul3A_163 = arith.constant 1 : i32
      %mul3A_164 = arith.muli %scan3A_162, %mul3A_163 : i32
      %add3A_165 = arith.constant 0 : i32
      %add3A_166 = arith.addi %add3A_165, %mul3A_164 : i32
      %broadcast_in_dim3A_167 = arith.constant 0.000000e+00 : f32
      %broadcast_in_dim3A_168 = vector.broadcast %broadcast_in_dim3A_167 : f32 to vector<16xf32>
      %mul3A_169 = arith.constant 16 : i32
      %mul3A_170 = arith.muli %add3A_166, %mul3A_169 : i32
      %swap3A_171 = arith.index_cast %mul3A_170 : i32 to index
      %swap3A_172 = tpu.vector_load %arg11[%swap3A_171] {strides = array<i32>} : memref<640xf32, #tpu.memory_space<vmem>>, vector<16xf32>,
      %swap3A_173 = vector.shape_cast %swap3A_172 : vector<16xf32> to vector<16xf32>
      %swap3A_174 = vector.shape_cast %broadcast_in_dim3A_168 : vector<16xf32> to vector<16xf32>
      tpu.vector_store %arg11[%swap3A_171], %swap3A_174 {strides = array<i32>} : memref<640xf32, #tpu.memory_space<vmem>>, vector<16xf32>,
    }
    %scan3A_4 = arith.constant 40 : i32
    %mul3A_5 = arith.constant 640 : i32
    %mul3A_6 = arith.muli %arg1, %mul3A_5 : i32
    "tpu.region"() ({
      %run_scoped3A = tpu.sem_alloc : memref<!tpu.dma_semaphore, #tpu.memory_space<semaphore_mem>>
      %dma_start3A_162 = tpu.memref_slice %arg12[%mul3A_6] : memref<10240xf32, #tpu.memory_space<vmem_shared>> -> memref<640xf32, #tpu.memory_space<vmem_shared>>
      %dma_start3A_163 = tpu.memref_slice %arg12[%mul3A_6] : memref<10240xf32, #tpu.memory_space<vmem_shared>> -> memref<640xf32, #tpu.memory_space<vmem_shared>>
      tpu.enqueue_dma source(%arg11 : memref<640xf32, #tpu.memory_space<vmem>>) target(%dma_start3A_163 : memref<640xf32, #tpu.memory_space<vmem_shared>>) target_semaphore(%run_scoped3A : memref<!tpu.dma_semaphore, #tpu.memory_space<semaphore_mem>>)
      %dma_wait3A_164 = tpu.memref_slice %arg12[%mul3A_6] : memref<10240xf32, #tpu.memory_space<vmem_shared>> -> memref<640xf32, #tpu.memory_space<vmem_shared>>
      %dma_wait3A_165 = tpu.memref_slice %arg12[%mul3A_6] : memref<10240xf32, #tpu.memory_space<vmem_shared>> -> memref<640xf32, #tpu.memory_space<vmem_shared>>
      tpu.wait_dma2 semaphore(%run_scoped3A : memref<!tpu.dma_semaphore, #tpu.memory_space<semaphore_mem>>) src(%arg11 : memref<640xf32, #tpu.memory_space<vmem>>) dst(%dma_wait3A_165 : memref<640xf32, #tpu.memory_space<vmem_shared>>)
      tpu.yield
    }) : () -> ()
    %broadcast_in_dim3A = arith.constant 1.000000e+00 : f32
    %broadcast_in_dim3A_7 = vector.broadcast %broadcast_in_dim3A : f32 to vector<16xf32>
    %swap3A = arith.constant 0 : index
    %swap3A_8 = tpu.vector_load %arg10[%swap3A] {strides = array<i32>} : memref<128xf32, #tpu.memory_space<vmem>>, vector<16xf32>,
    %swap3A_9 = vector.shape_cast %swap3A_8 : vector<16xf32> to vector<16xf32>
    %swap3A_10 = vector.shape_cast %broadcast_in_dim3A_7 : vector<16xf32> to vector<16xf32>
    tpu.vector_store %arg10[%swap3A], %swap3A_10 {strides = array<i32>} : memref<128xf32, #tpu.memory_space<vmem>>, vector<16xf32>,
    %broadcast_in_dim3A_11 = arith.constant 1.000000e+00 : f32
    %broadcast_in_dim3A_12 = vector.broadcast %broadcast_in_dim3A_11 : f32 to vector<16xf32>
    %swap3A_13 = arith.constant 16 : index
    %swap3A_14 = tpu.vector_load %arg10[%swap3A_13] {strides = array<i32>} : memref<128xf32, #tpu.memory_space<vmem>>, vector<16xf32>,
    %swap3A_15 = vector.shape_cast %swap3A_14 : vector<16xf32> to vector<16xf32>
    %swap3A_16 = vector.shape_cast %broadcast_in_dim3A_12 : vector<16xf32> to vector<16xf32>
    tpu.vector_store %arg10[%swap3A_13], %swap3A_16 {strides = array<i32>} : memref<128xf32, #tpu.memory_space<vmem>>, vector<16xf32>,
    %broadcast_in_dim3A_17 = arith.constant 1.000000e+00 : f32
    %broadcast_in_dim3A_18 = vector.broadcast %broadcast_in_dim3A_17 : f32 to vector<16xf32>
    %swap3A_19 = arith.constant 32 : index
    %swap3A_20 = tpu.vector_load %arg10[%swap3A_19] {strides = array<i32>} : memref<128xf32, #tpu.memory_space<vmem>>, vector<16xf32>,
    %swap3A_21 = vector.shape_cast %swap3A_20 : vector<16xf32> to vector<16xf32>
    %swap3A_22 = vector.shape_cast %broadcast_in_dim3A_18 : vector<16xf32> to vector<16xf32>
    tpu.vector_store %arg10[%swap3A_19], %swap3A_22 {strides = array<i32>} : memref<128xf32, #tpu.memory_space<vmem>>, vector<16xf32>,
    %broadcast_in_dim3A_23 = arith.constant 1.000000e+00 : f32
    %broadcast_in_dim3A_24 = vector.broadcast %broadcast_in_dim3A_23 : f32 to vector<16xf32>
    %swap3A_25 = arith.constant 48 : index
    %swap3A_26 = tpu.vector_load %arg10[%swap3A_25] {strides = array<i32>} : memref<128xf32, #tpu.memory_space<vmem>>, vector<16xf32>,
    %swap3A_27 = vector.shape_cast %swap3A_26 : vector<16xf32> to vector<16xf32>
    %swap3A_28 = vector.shape_cast %broadcast_in_dim3A_24 : vector<16xf32> to vector<16xf32>
    tpu.vector_store %arg10[%swap3A_25], %swap3A_28 {strides = array<i32>} : memref<128xf32, #tpu.memory_space<vmem>>, vector<16xf32>,
    %broadcast_in_dim3A_29 = arith.constant 1.000000e+00 : f32
    %broadcast_in_dim3A_30 = vector.broadcast %broadcast_in_dim3A_29 : f32 to vector<16xf32>
    %swap3A_31 = arith.constant 64 : index
    %swap3A_32 = tpu.vector_load %arg10[%swap3A_31] {strides = array<i32>} : memref<128xf32, #tpu.memory_space<vmem>>, vector<16xf32>,
    %swap3A_33 = vector.shape_cast %swap3A_32 : vector<16xf32> to vector<16xf32>
    %swap3A_34 = vector.shape_cast %broadcast_in_dim3A_30 : vector<16xf32> to vector<16xf32>
    tpu.vector_store %arg10[%swap3A_31], %swap3A_34 {strides = array<i32>} : memref<128xf32, #tpu.memory_space<vmem>>, vector<16xf32>,
    %broadcast_in_dim3A_35 = arith.constant 1.000000e+00 : f32
    %broadcast_in_dim3A_36 = vector.broadcast %broadcast_in_dim3A_35 : f32 to vector<16xf32>
    %swap3A_37 = arith.constant 80 : index
    %swap3A_38 = tpu.vector_load %arg10[%swap3A_37] {strides = array<i32>} : memref<128xf32, #tpu.memory_space<vmem>>, vector<16xf32>,
    %swap3A_39 = vector.shape_cast %swap3A_38 : vector<16xf32> to vector<16xf32>
    %swap3A_40 = vector.shape_cast %broadcast_in_dim3A_36 : vector<16xf32> to vector<16xf32>
    tpu.vector_store %arg10[%swap3A_37], %swap3A_40 {strides = array<i32>} : memref<128xf32, #tpu.memory_space<vmem>>, vector<16xf32>,
    %broadcast_in_dim3A_41 = arith.constant 1.000000e+00 : f32
    %broadcast_in_dim3A_42 = vector.broadcast %broadcast_in_dim3A_41 : f32 to vector<16xf32>
    %swap3A_43 = arith.constant 96 : index
    %swap3A_44 = tpu.vector_load %arg10[%swap3A_43] {strides = array<i32>} : memref<128xf32, #tpu.memory_space<vmem>>, vector<16xf32>,
    %swap3A_45 = vector.shape_cast %swap3A_44 : vector<16xf32> to vector<16xf32>
    %swap3A_46 = vector.shape_cast %broadcast_in_dim3A_42 : vector<16xf32> to vector<16xf32>
    tpu.vector_store %arg10[%swap3A_43], %swap3A_46 {strides = array<i32>} : memref<128xf32, #tpu.memory_space<vmem>>, vector<16xf32>,
    %broadcast_in_dim3A_47 = arith.constant 1.000000e+00 : f32
    %broadcast_in_dim3A_48 = vector.broadcast %broadcast_in_dim3A_47 : f32 to vector<16xf32>
    %swap3A_49 = arith.constant 112 : index
    %swap3A_50 = tpu.vector_load %arg10[%swap3A_49] {strides = array<i32>} : memref<128xf32, #tpu.memory_space<vmem>>, vector<16xf32>,
    %swap3A_51 = vector.shape_cast %swap3A_50 : vector<16xf32> to vector<16xf32>
    %swap3A_52 = vector.shape_cast %broadcast_in_dim3A_48 : vector<16xf32> to vector<16xf32>
    tpu.vector_store %arg10[%swap3A_49], %swap3A_52 {strides = array<i32>} : memref<128xf32, #tpu.memory_space<vmem>>, vector<16xf32>,
    %barrier3A = arith.constant 0 : index
    tpu.barrier barrier_id(%barrier3A)
    "tpu.region"() ({
      %run_scoped3A = tpu.sem_alloc : memref<!tpu.dma_semaphore, #tpu.memory_space<semaphore_mem>>
      %dma_start3A_162 = arith.constant 0 : i32
      %dma_start3A_163 = arith.constant 0 : i32
      %dma_start3A_164 = tpu.memref_slice %arg3[%add3A, %dma_start3A_162, %dma_start3A_163] : memref<32x4x80xi32, #tpu.memory_space<hbm>> -> memref<1x4x80xi32, #tpu.memory_space<hbm>>
      %dma_start3A_165 = tpu.memref_squeeze %dma_start3A_164 : memref<1x4x80xi32, #tpu.memory_space<hbm>> -> memref<4x80xi32, #tpu.memory_space<hbm>>
      %dma_start3A_166 = arith.constant 0 : i32
      %dma_start3A_167 = arith.constant 0 : i32
      %dma_start3A_168 = tpu.memref_slice %arg3[%add3A, %dma_start3A_166, %dma_start3A_167] : memref<32x4x80xi32, #tpu.memory_space<hbm>> -> memref<1x4x80xi32, #tpu.memory_space<hbm>>
      %dma_start3A_169 = tpu.memref_squeeze %dma_start3A_168 : memref<1x4x80xi32, #tpu.memory_space<hbm>> -> memref<4x80xi32, #tpu.memory_space<hbm>>
      tpu.enqueue_dma source(%dma_start3A_169 : memref<4x80xi32, #tpu.memory_space<hbm>>) target(%arg7 : memref<4x80xi32, #tpu.memory_space<vmem>>) target_semaphore(%run_scoped3A : memref<!tpu.dma_semaphore, #tpu.memory_space<semaphore_mem>>)
      %dma_wait3A_170 = arith.constant 0 : i32
      %dma_wait3A_171 = arith.constant 0 : i32
      %dma_wait3A_172 = tpu.memref_slice %arg3[%add3A, %dma_wait3A_170, %dma_wait3A_171] : memref<32x4x80xi32, #tpu.memory_space<hbm>> -> memref<1x4x80xi32, #tpu.memory_space<hbm>>
      %dma_wait3A_173 = tpu.memref_squeeze %dma_wait3A_172 : memref<1x4x80xi32, #tpu.memory_space<hbm>> -> memref<4x80xi32, #tpu.memory_space<hbm>>
      %dma_wait3A_174 = arith.constant 0 : i32
      %dma_wait3A_175 = arith.constant 0 : i32
      %dma_wait3A_176 = tpu.memref_slice %arg3[%add3A, %dma_wait3A_174, %dma_wait3A_175] : memref<32x4x80xi32, #tpu.memory_space<hbm>> -> memref<1x4x80xi32, #tpu.memory_space<hbm>>
      %dma_wait3A_177 = tpu.memref_squeeze %dma_wait3A_176 : memref<1x4x80xi32, #tpu.memory_space<hbm>> -> memref<4x80xi32, #tpu.memory_space<hbm>>
      tpu.wait_dma2 semaphore(%run_scoped3A : memref<!tpu.dma_semaphore, #tpu.memory_space<semaphore_mem>>) src(%dma_wait3A_177 : memref<4x80xi32, #tpu.memory_space<hbm>>) dst(%arg7 : memref<4x80xi32, #tpu.memory_space<vmem>>)
      tpu.yield
    }) : () -> ()
    %dma_start3A = arith.constant 0 : i32
    %dma_start3A_53 = arith.constant 0 : i32
    %dma_start3A_54 = arith.constant 0 : i32
    %dma_start3A_55 = tpu.memref_slice %arg9[%dma_start3A_53, %dma_start3A_54] : memref<320x128xf32, #tpu.memory_space<vmem>> -> memref<80x128xf32, #tpu.memory_space<vmem>>
    %dma_start3A_56 = arith.constant 0 : i32
    %dma_start3A_57 = tpu.memref_slice %arg7[%dma_start3A, %dma_start3A_56] : memref<4x80xi32, #tpu.memory_space<vmem>> -> memref<1x80xi32, #tpu.memory_space<vmem>>
    %dma_start3A_58 = tpu.memref_squeeze %dma_start3A_57 : memref<1x80xi32, #tpu.memory_space<vmem>> -> memref<80xi32, #tpu.memory_space<vmem>>
    %dma_start3A_59 = arith.constant 0 : i32
    %dma_start3A_60 = arith.constant 0 : i32
    %dma_start3A_61 = tpu.memref_slice %arg2[%dma_start3A_59, %dma_start3A_60] : memref<128x128xf32, #tpu.memory_space<hbm>> -> memref<128x128xf32, #tpu.memory_space<hbm>>
    tpu.enqueue_indirect_dma source(%dma_start3A_61 : memref<128x128xf32, #tpu.memory_space<hbm>>) target(%dma_start3A_55 : memref<80x128xf32, #tpu.memory_space<vmem>>) offsets(%dma_start3A_58 : memref<80xi32, #tpu.memory_space<vmem>>) semaphore(%arg13 : memref<!tpu.dma_semaphore, #tpu.memory_space<semaphore_mem>>)
    %dma_start3A_62 = arith.constant 1 : i32
    %dma_start3A_63 = arith.constant 80 : i32
    %dma_start3A_64 = arith.constant 0 : i32
    %dma_start3A_65 = tpu.memref_slice %arg9[%dma_start3A_63, %dma_start3A_64] : memref<320x128xf32, #tpu.memory_space<vmem>> -> memref<80x128xf32, #tpu.memory_space<vmem>>
    %dma_start3A_66 = arith.constant 0 : i32
    %dma_start3A_67 = tpu.memref_slice %arg7[%dma_start3A_62, %dma_start3A_66] : memref<4x80xi32, #tpu.memory_space<vmem>> -> memref<1x80xi32, #tpu.memory_space<vmem>>
    %dma_start3A_68 = tpu.memref_squeeze %dma_start3A_67 : memref<1x80xi32, #tpu.memory_space<vmem>> -> memref<80xi32, #tpu.memory_space<vmem>>
    %dma_start3A_69 = arith.constant 0 : i32
    %dma_start3A_70 = arith.constant 0 : i32
    %dma_start3A_71 = tpu.memref_slice %arg2[%dma_start3A_69, %dma_start3A_70] : memref<128x128xf32, #tpu.memory_space<hbm>> -> memref<128x128xf32, #tpu.memory_space<hbm>>
    tpu.enqueue_indirect_dma source(%dma_start3A_71 : memref<128x128xf32, #tpu.memory_space<hbm>>) target(%dma_start3A_65 : memref<80x128xf32, #tpu.memory_space<vmem>>) offsets(%dma_start3A_68 : memref<80xi32, #tpu.memory_space<vmem>>) semaphore(%arg14 : memref<!tpu.dma_semaphore, #tpu.memory_space<semaphore_mem>>)
    %dma_start3A_72 = arith.constant 2 : i32
    %dma_start3A_73 = arith.constant 160 : i32
    %dma_start3A_74 = arith.constant 0 : i32
    %dma_start3A_75 = tpu.memref_slice %arg9[%dma_start3A_73, %dma_start3A_74] : memref<320x128xf32, #tpu.memory_space<vmem>> -> memref<80x128xf32, #tpu.memory_space<vmem>>
    %dma_start3A_76 = arith.constant 0 : i32
    %dma_start3A_77 = tpu.memref_slice %arg7[%dma_start3A_72, %dma_start3A_76] : memref<4x80xi32, #tpu.memory_space<vmem>> -> memref<1x80xi32, #tpu.memory_space<vmem>>
    %dma_start3A_78 = tpu.memref_squeeze %dma_start3A_77 : memref<1x80xi32, #tpu.memory_space<vmem>> -> memref<80xi32, #tpu.memory_space<vmem>>
    %dma_start3A_79 = arith.constant 0 : i32
    %dma_start3A_80 = arith.constant 0 : i32
    %dma_start3A_81 = tpu.memref_slice %arg2[%dma_start3A_79, %dma_start3A_80] : memref<128x128xf32, #tpu.memory_space<hbm>> -> memref<128x128xf32, #tpu.memory_space<hbm>>
    tpu.enqueue_indirect_dma source(%dma_start3A_81 : memref<128x128xf32, #tpu.memory_space<hbm>>) target(%dma_start3A_75 : memref<80x128xf32, #tpu.memory_space<vmem>>) offsets(%dma_start3A_78 : memref<80xi32, #tpu.memory_space<vmem>>) semaphore(%arg15 : memref<!tpu.dma_semaphore, #tpu.memory_space<semaphore_mem>>)
    %dma_start3A_82 = arith.constant 3 : i32
    %dma_start3A_83 = arith.constant 240 : i32
    %dma_start3A_84 = arith.constant 0 : i32
    %dma_start3A_85 = tpu.memref_slice %arg9[%dma_start3A_83, %dma_start3A_84] : memref<320x128xf32, #tpu.memory_space<vmem>> -> memref<80x128xf32, #tpu.memory_space<vmem>>
    %dma_start3A_86 = arith.constant 0 : i32
    %dma_start3A_87 = tpu.memref_slice %arg7[%dma_start3A_82, %dma_start3A_86] : memref<4x80xi32, #tpu.memory_space<vmem>> -> memref<1x80xi32, #tpu.memory_space<vmem>>
    %dma_start3A_88 = tpu.memref_squeeze %dma_start3A_87 : memref<1x80xi32, #tpu.memory_space<vmem>> -> memref<80xi32, #tpu.memory_space<vmem>>
    %dma_start3A_89 = arith.constant 0 : i32
    %dma_start3A_90 = arith.constant 0 : i32
    %dma_start3A_91 = tpu.memref_slice %arg2[%dma_start3A_89, %dma_start3A_90] : memref<128x128xf32, #tpu.memory_space<hbm>> -> memref<128x128xf32, #tpu.memory_space<hbm>>
    tpu.enqueue_indirect_dma source(%dma_start3A_91 : memref<128x128xf32, #tpu.memory_space<hbm>>) target(%dma_start3A_85 : memref<80x128xf32, #tpu.memory_space<vmem>>) offsets(%dma_start3A_88 : memref<80xi32, #tpu.memory_space<vmem>>) semaphore(%arg16 : memref<!tpu.dma_semaphore, #tpu.memory_space<semaphore_mem>>)
    "tpu.region"() ({
      %run_scoped3A = tpu.sem_alloc : memref<!tpu.dma_semaphore, #tpu.memory_space<semaphore_mem>>
      %dma_start3A_162 = arith.constant 0 : i32
      %dma_start3A_163 = arith.constant 0 : i32
      %dma_start3A_164 = tpu.memref_slice %arg4[%add3A, %dma_start3A_162, %dma_start3A_163] : memref<32x80x128xi32, #tpu.memory_space<hbm>> -> memref<1x80x128xi32, #tpu.memory_space<hbm>>
      %dma_start3A_165 = tpu.memref_squeeze %dma_start3A_164 : memref<1x80x128xi32, #tpu.memory_space<hbm>> -> memref<80x128xi32, #tpu.memory_space<hbm>>
      %dma_start3A_166 = arith.constant 0 : i32
      %dma_start3A_167 = arith.constant 0 : i32
      %dma_start3A_168 = tpu.memref_slice %arg4[%add3A, %dma_start3A_166, %dma_start3A_167] : memref<32x80x128xi32, #tpu.memory_space<hbm>> -> memref<1x80x128xi32, #tpu.memory_space<hbm>>
      %dma_start3A_169 = tpu.memref_squeeze %dma_start3A_168 : memref<1x80x128xi32, #tpu.memory_space<hbm>> -> memref<80x128xi32, #tpu.memory_space<hbm>>
      tpu.enqueue_dma source(%dma_start3A_169 : memref<80x128xi32, #tpu.memory_space<hbm>>) target(%arg8 : memref<80x128xi32, #tpu.memory_space<vmem>>) target_semaphore(%run_scoped3A : memref<!tpu.dma_semaphore, #tpu.memory_space<semaphore_mem>>)
      %dma_wait3A_170 = arith.constant 0 : i32
      %dma_wait3A_171 = arith.constant 0 : i32
      %dma_wait3A_172 = tpu.memref_slice %arg4[%add3A, %dma_wait3A_170, %dma_wait3A_171] : memref<32x80x128xi32, #tpu.memory_space<hbm>> -> memref<1x80x128xi32, #tpu.memory_space<hbm>>
      %dma_wait3A_173 = tpu.memref_squeeze %dma_wait3A_172 : memref<1x80x128xi32, #tpu.memory_space<hbm>> -> memref<80x128xi32, #tpu.memory_space<hbm>>
      %dma_wait3A_174 = arith.constant 0 : i32
      %dma_wait3A_175 = arith.constant 0 : i32
      %dma_wait3A_176 = tpu.memref_slice %arg4[%add3A, %dma_wait3A_174, %dma_wait3A_175] : memref<32x80x128xi32, #tpu.memory_space<hbm>> -> memref<1x80x128xi32, #tpu.memory_space<hbm>>
      %dma_wait3A_177 = tpu.memref_squeeze %dma_wait3A_176 : memref<1x80x128xi32, #tpu.memory_space<hbm>> -> memref<80x128xi32, #tpu.memory_space<hbm>>
      tpu.wait_dma2 semaphore(%run_scoped3A : memref<!tpu.dma_semaphore, #tpu.memory_space<semaphore_mem>>) src(%dma_wait3A_177 : memref<80x128xi32, #tpu.memory_space<hbm>>) dst(%arg8 : memref<80x128xi32, #tpu.memory_space<vmem>>)
      tpu.yield
    }) : () -> ()
    %scan3A_92 = arith.constant 0 : i32
    %scan3A_93 = arith.constant 80 : i32
    %scan3A_94 = arith.addi %scan3A_92, %scan3A_93 : i32
    %scan3A_95 = arith.constant 1 : i32
    scf.for %scan3A_162 = %scan3A_92 to %scan3A_94 step %scan3A_95  : i32 {
      %mul3A_163 = arith.constant 1 : i32
      %mul3A_164 = arith.muli %scan3A_162, %mul3A_163 : i32
      %add3A_165 = arith.constant 0 : i32
      %add3A_166 = arith.addi %add3A_165, %mul3A_164 : i32
      %dma_start3A_167 = arith.constant 0 : i32
      %dma_start3A_168 = tpu.memref_slice %arg8[%add3A_166, %dma_start3A_167] : memref<80x128xi32, #tpu.memory_space<vmem>> -> memref<1x128xi32, #tpu.memory_space<vmem>>
      %dma_start3A_169 = tpu.memref_squeeze %dma_start3A_168 : memref<1x128xi32, #tpu.memory_space<vmem>> -> memref<128xi32, #tpu.memory_space<vmem>>
      %dma_start3A_170 = arith.constant 0 : i32
      %dma_start3A_171 = tpu.memref_slice %arg12[%dma_start3A_170] : memref<10240xf32, #tpu.memory_space<vmem_shared>> -> memref<10240xf32, #tpu.memory_space<vmem_shared>>
      tpu.enqueue_indirect_dma source(%arg10 : memref<128xf32, #tpu.memory_space<vmem>>) target(%dma_start3A_171 : memref<10240xf32, #tpu.memory_space<vmem_shared>>) offsets(%dma_start3A_169 : memref<128xi32, #tpu.memory_space<vmem>>) semaphore(%arg17 : memref<!tpu.dma_semaphore, #tpu.memory_space<semaphore_mem>>) {add = true}
    }
    %scan3A_96 = arith.constant 80 : i32
    %dma_wait3A = arith.constant 0 : i32
    %dma_wait3A_97 = arith.constant 0 : i32
    %dma_wait3A_98 = arith.constant 0 : i32
    %dma_wait3A_99 = tpu.memref_slice %arg9[%dma_wait3A_97, %dma_wait3A_98] : memref<320x128xf32, #tpu.memory_space<vmem>> -> memref<80x128xf32, #tpu.memory_space<vmem>>
    %dma_wait3A_100 = arith.constant 0 : i32
    %dma_wait3A_101 = tpu.memref_slice %arg7[%dma_wait3A, %dma_wait3A_100] : memref<4x80xi32, #tpu.memory_space<vmem>> -> memref<1x80xi32, #tpu.memory_space<vmem>>
    %dma_wait3A_102 = tpu.memref_squeeze %dma_wait3A_101 : memref<1x80xi32, #tpu.memory_space<vmem>> -> memref<80xi32, #tpu.memory_space<vmem>>
    %dma_wait3A_103 = arith.constant 0 : i32
    %dma_wait3A_104 = arith.constant 0 : i32
    %dma_wait3A_105 = tpu.memref_slice %arg2[%dma_wait3A_103, %dma_wait3A_104] : memref<128x128xf32, #tpu.memory_space<hbm>> -> memref<128x128xf32, #tpu.memory_space<hbm>>
    tpu.wait_indirect_dma semaphore(%arg13 : memref<!tpu.dma_semaphore, #tpu.memory_space<semaphore_mem>>) src(%dma_wait3A_105 : memref<128x128xf32, #tpu.memory_space<hbm>>) dst(%dma_wait3A_99 : memref<80x128xf32, #tpu.memory_space<vmem>>)
    %mul3A_106 = arith.constant 320 : i32
    %mul3A_107 = arith.muli %add3A, %mul3A_106 : i32
    %add3A_108 = arith.constant 0 : i32
    %add3A_109 = arith.addi %mul3A_107, %add3A_108 : i32
    "tpu.region"() ({
      %run_scoped3A = tpu.sem_alloc : memref<!tpu.dma_semaphore, #tpu.memory_space<semaphore_mem>>
      %dma_start3A_162 = arith.constant 0 : i32
      %dma_start3A_163 = arith.constant 0 : i32
      %dma_start3A_164 = tpu.memref_slice %arg9[%dma_start3A_162, %dma_start3A_163] : memref<320x128xf32, #tpu.memory_space<vmem>> -> memref<80x128xf32, #tpu.memory_space<vmem>>
      %dma_start3A_165 = arith.constant 0 : i32
      %dma_start3A_166 = tpu.memref_slice %arg5[%add3A_109, %dma_start3A_165] : memref<10240x128xf32, #tpu.memory_space<hbm>> -> memref<80x128xf32, #tpu.memory_space<hbm>>
      %dma_start3A_167 = arith.constant 0 : i32
      %dma_start3A_168 = tpu.memref_slice %arg5[%add3A_109, %dma_start3A_167] : memref<10240x128xf32, #tpu.memory_space<hbm>> -> memref<80x128xf32, #tpu.memory_space<hbm>>
      %dma_start3A_169 = arith.constant 0 : i32
      %dma_start3A_170 = arith.constant 0 : i32
      %dma_start3A_171 = tpu.memref_slice %arg9[%dma_start3A_169, %dma_start3A_170] : memref<320x128xf32, #tpu.memory_space<vmem>> -> memref<80x128xf32, #tpu.memory_space<vmem>>
      tpu.enqueue_dma source(%dma_start3A_171 : memref<80x128xf32, #tpu.memory_space<vmem>>) target(%dma_start3A_168 : memref<80x128xf32, #tpu.memory_space<hbm>>) target_semaphore(%run_scoped3A : memref<!tpu.dma_semaphore, #tpu.memory_space<semaphore_mem>>)
      %dma_wait3A_172 = arith.constant 0 : i32
      %dma_wait3A_173 = arith.constant 0 : i32
      %dma_wait3A_174 = tpu.memref_slice %arg9[%dma_wait3A_172, %dma_wait3A_173] : memref<320x128xf32, #tpu.memory_space<vmem>> -> memref<80x128xf32, #tpu.memory_space<vmem>>
      %dma_wait3A_175 = arith.constant 0 : i32
      %dma_wait3A_176 = tpu.memref_slice %arg5[%add3A_109, %dma_wait3A_175] : memref<10240x128xf32, #tpu.memory_space<hbm>> -> memref<80x128xf32, #tpu.memory_space<hbm>>
      %dma_wait3A_177 = arith.constant 0 : i32
      %dma_wait3A_178 = tpu.memref_slice %arg5[%add3A_109, %dma_wait3A_177] : memref<10240x128xf32, #tpu.memory_space<hbm>> -> memref<80x128xf32, #tpu.memory_space<hbm>>
      %dma_wait3A_179 = arith.constant 0 : i32
      %dma_wait3A_180 = arith.constant 0 : i32
      %dma_wait3A_181 = tpu.memref_slice %arg9[%dma_wait3A_179, %dma_wait3A_180] : memref<320x128xf32, #tpu.memory_space<vmem>> -> memref<80x128xf32, #tpu.memory_space<vmem>>
      tpu.wait_dma2 semaphore(%run_scoped3A : memref<!tpu.dma_semaphore, #tpu.memory_space<semaphore_mem>>) src(%dma_wait3A_181 : memref<80x128xf32, #tpu.memory_space<vmem>>) dst(%dma_wait3A_178 : memref<80x128xf32, #tpu.memory_space<hbm>>)
      tpu.yield
    }) : () -> ()
    %dma_wait3A_110 = arith.constant 1 : i32
    %dma_wait3A_111 = arith.constant 80 : i32
    %dma_wait3A_112 = arith.constant 0 : i32
    %dma_wait3A_113 = tpu.memref_slice %arg9[%dma_wait3A_111, %dma_wait3A_112] : memref<320x128xf32, #tpu.memory_space<vmem>> -> memref<80x128xf32, #tpu.memory_space<vmem>>
    %dma_wait3A_114 = arith.constant 0 : i32
    %dma_wait3A_115 = tpu.memref_slice %arg7[%dma_wait3A_110, %dma_wait3A_114] : memref<4x80xi32, #tpu.memory_space<vmem>> -> memref<1x80xi32, #tpu.memory_space<vmem>>
    %dma_wait3A_116 = tpu.memref_squeeze %dma_wait3A_115 : memref<1x80xi32, #tpu.memory_space<vmem>> -> memref<80xi32, #tpu.memory_space<vmem>>
    %dma_wait3A_117 = arith.constant 0 : i32
    %dma_wait3A_118 = arith.constant 0 : i32
    %dma_wait3A_119 = tpu.memref_slice %arg2[%dma_wait3A_117, %dma_wait3A_118] : memref<128x128xf32, #tpu.memory_space<hbm>> -> memref<128x128xf32, #tpu.memory_space<hbm>>
    tpu.wait_indirect_dma semaphore(%arg14 : memref<!tpu.dma_semaphore, #tpu.memory_space<semaphore_mem>>) src(%dma_wait3A_119 : memref<128x128xf32, #tpu.memory_space<hbm>>) dst(%dma_wait3A_113 : memref<80x128xf32, #tpu.memory_space<vmem>>)
    %mul3A_120 = arith.constant 320 : i32
    %mul3A_121 = arith.muli %add3A, %mul3A_120 : i32
    %add3A_122 = arith.constant 80 : i32
    %add3A_123 = arith.addi %mul3A_121, %add3A_122 : i32
    "tpu.region"() ({
      %run_scoped3A = tpu.sem_alloc : memref<!tpu.dma_semaphore, #tpu.memory_space<semaphore_mem>>
      %dma_start3A_162 = arith.constant 80 : i32
      %dma_start3A_163 = arith.constant 0 : i32
      %dma_start3A_164 = tpu.memref_slice %arg9[%dma_start3A_162, %dma_start3A_163] : memref<320x128xf32, #tpu.memory_space<vmem>> -> memref<80x128xf32, #tpu.memory_space<vmem>>
      %dma_start3A_165 = arith.constant 0 : i32
      %dma_start3A_166 = tpu.memref_slice %arg5[%add3A_123, %dma_start3A_165] : memref<10240x128xf32, #tpu.memory_space<hbm>> -> memref<80x128xf32, #tpu.memory_space<hbm>>
      %dma_start3A_167 = arith.constant 0 : i32
      %dma_start3A_168 = tpu.memref_slice %arg5[%add3A_123, %dma_start3A_167] : memref<10240x128xf32, #tpu.memory_space<hbm>> -> memref<80x128xf32, #tpu.memory_space<hbm>>
      %dma_start3A_169 = arith.constant 80 : i32
      %dma_start3A_170 = arith.constant 0 : i32
      %dma_start3A_171 = tpu.memref_slice %arg9[%dma_start3A_169, %dma_start3A_170] : memref<320x128xf32, #tpu.memory_space<vmem>> -> memref<80x128xf32, #tpu.memory_space<vmem>>
      tpu.enqueue_dma source(%dma_start3A_171 : memref<80x128xf32, #tpu.memory_space<vmem>>) target(%dma_start3A_168 : memref<80x128xf32, #tpu.memory_space<hbm>>) target_semaphore(%run_scoped3A : memref<!tpu.dma_semaphore, #tpu.memory_space<semaphore_mem>>)
      %dma_wait3A_172 = arith.constant 80 : i32
      %dma_wait3A_173 = arith.constant 0 : i32
      %dma_wait3A_174 = tpu.memref_slice %arg9[%dma_wait3A_172, %dma_wait3A_173] : memref<320x128xf32, #tpu.memory_space<vmem>> -> memref<80x128xf32, #tpu.memory_space<vmem>>
      %dma_wait3A_175 = arith.constant 0 : i32
      %dma_wait3A_176 = tpu.memref_slice %arg5[%add3A_123, %dma_wait3A_175] : memref<10240x128xf32, #tpu.memory_space<hbm>> -> memref<80x128xf32, #tpu.memory_space<hbm>>
      %dma_wait3A_177 = arith.constant 0 : i32
      %dma_wait3A_178 = tpu.memref_slice %arg5[%add3A_123, %dma_wait3A_177] : memref<10240x128xf32, #tpu.memory_space<hbm>> -> memref<80x128xf32, #tpu.memory_space<hbm>>
      %dma_wait3A_179 = arith.constant 80 : i32
      %dma_wait3A_180 = arith.constant 0 : i32
      %dma_wait3A_181 = tpu.memref_slice %arg9[%dma_wait3A_179, %dma_wait3A_180] : memref<320x128xf32, #tpu.memory_space<vmem>> -> memref<80x128xf32, #tpu.memory_space<vmem>>
      tpu.wait_dma2 semaphore(%run_scoped3A : memref<!tpu.dma_semaphore, #tpu.memory_space<semaphore_mem>>) src(%dma_wait3A_181 : memref<80x128xf32, #tpu.memory_space<vmem>>) dst(%dma_wait3A_178 : memref<80x128xf32, #tpu.memory_space<hbm>>)
      tpu.yield
    }) : () -> ()
    %dma_wait3A_124 = arith.constant 2 : i32
    %dma_wait3A_125 = arith.constant 160 : i32
    %dma_wait3A_126 = arith.constant 0 : i32
    %dma_wait3A_127 = tpu.memref_slice %arg9[%dma_wait3A_125, %dma_wait3A_126] : memref<320x128xf32, #tpu.memory_space<vmem>> -> memref<80x128xf32, #tpu.memory_space<vmem>>
    %dma_wait3A_128 = arith.constant 0 : i32
    %dma_wait3A_129 = tpu.memref_slice %arg7[%dma_wait3A_124, %dma_wait3A_128] : memref<4x80xi32, #tpu.memory_space<vmem>> -> memref<1x80xi32, #tpu.memory_space<vmem>>
    %dma_wait3A_130 = tpu.memref_squeeze %dma_wait3A_129 : memref<1x80xi32, #tpu.memory_space<vmem>> -> memref<80xi32, #tpu.memory_space<vmem>>
    %dma_wait3A_131 = arith.constant 0 : i32
    %dma_wait3A_132 = arith.constant 0 : i32
    %dma_wait3A_133 = tpu.memref_slice %arg2[%dma_wait3A_131, %dma_wait3A_132] : memref<128x128xf32, #tpu.memory_space<hbm>> -> memref<128x128xf32, #tpu.memory_space<hbm>>
    tpu.wait_indirect_dma semaphore(%arg15 : memref<!tpu.dma_semaphore, #tpu.memory_space<semaphore_mem>>) src(%dma_wait3A_133 : memref<128x128xf32, #tpu.memory_space<hbm>>) dst(%dma_wait3A_127 : memref<80x128xf32, #tpu.memory_space<vmem>>)
    %mul3A_134 = arith.constant 320 : i32
    %mul3A_135 = arith.muli %add3A, %mul3A_134 : i32
    %add3A_136 = arith.constant 160 : i32
    %add3A_137 = arith.addi %mul3A_135, %add3A_136 : i32
    "tpu.region"() ({
      %run_scoped3A = tpu.sem_alloc : memref<!tpu.dma_semaphore, #tpu.memory_space<semaphore_mem>>
      %dma_start3A_162 = arith.constant 160 : i32
      %dma_start3A_163 = arith.constant 0 : i32
      %dma_start3A_164 = tpu.memref_slice %arg9[%dma_start3A_162, %dma_start3A_163] : memref<320x128xf32, #tpu.memory_space<vmem>> -> memref<80x128xf32, #tpu.memory_space<vmem>>
      %dma_start3A_165 = arith.constant 0 : i32
      %dma_start3A_166 = tpu.memref_slice %arg5[%add3A_137, %dma_start3A_165] : memref<10240x128xf32, #tpu.memory_space<hbm>> -> memref<80x128xf32, #tpu.memory_space<hbm>>
      %dma_start3A_167 = arith.constant 0 : i32
      %dma_start3A_168 = tpu.memref_slice %arg5[%add3A_137, %dma_start3A_167] : memref<10240x128xf32, #tpu.memory_space<hbm>> -> memref<80x128xf32, #tpu.memory_space<hbm>>
      %dma_start3A_169 = arith.constant 160 : i32
      %dma_start3A_170 = arith.constant 0 : i32
      %dma_start3A_171 = tpu.memref_slice %arg9[%dma_start3A_169, %dma_start3A_170] : memref<320x128xf32, #tpu.memory_space<vmem>> -> memref<80x128xf32, #tpu.memory_space<vmem>>
      tpu.enqueue_dma source(%dma_start3A_171 : memref<80x128xf32, #tpu.memory_space<vmem>>) target(%dma_start3A_168 : memref<80x128xf32, #tpu.memory_space<hbm>>) target_semaphore(%run_scoped3A : memref<!tpu.dma_semaphore, #tpu.memory_space<semaphore_mem>>)
      %dma_wait3A_172 = arith.constant 160 : i32
      %dma_wait3A_173 = arith.constant 0 : i32
      %dma_wait3A_174 = tpu.memref_slice %arg9[%dma_wait3A_172, %dma_wait3A_173] : memref<320x128xf32, #tpu.memory_space<vmem>> -> memref<80x128xf32, #tpu.memory_space<vmem>>
      %dma_wait3A_175 = arith.constant 0 : i32
      %dma_wait3A_176 = tpu.memref_slice %arg5[%add3A_137, %dma_wait3A_175] : memref<10240x128xf32, #tpu.memory_space<hbm>> -> memref<80x128xf32, #tpu.memory_space<hbm>>
      %dma_wait3A_177 = arith.constant 0 : i32
      %dma_wait3A_178 = tpu.memref_slice %arg5[%add3A_137, %dma_wait3A_177] : memref<10240x128xf32, #tpu.memory_space<hbm>> -> memref<80x128xf32, #tpu.memory_space<hbm>>
      %dma_wait3A_179 = arith.constant 160 : i32
      %dma_wait3A_180 = arith.constant 0 : i32
      %dma_wait3A_181 = tpu.memref_slice %arg9[%dma_wait3A_179, %dma_wait3A_180] : memref<320x128xf32, #tpu.memory_space<vmem>> -> memref<80x128xf32, #tpu.memory_space<vmem>>
      tpu.wait_dma2 semaphore(%run_scoped3A : memref<!tpu.dma_semaphore, #tpu.memory_space<semaphore_mem>>) src(%dma_wait3A_181 : memref<80x128xf32, #tpu.memory_space<vmem>>) dst(%dma_wait3A_178 : memref<80x128xf32, #tpu.memory_space<hbm>>)
      tpu.yield
    }) : () -> ()
    %dma_wait3A_138 = arith.constant 3 : i32
    %dma_wait3A_139 = arith.constant 240 : i32
    %dma_wait3A_140 = arith.constant 0 : i32
    %dma_wait3A_141 = tpu.memref_slice %arg9[%dma_wait3A_139, %dma_wait3A_140] : memref<320x128xf32, #tpu.memory_space<vmem>> -> memref<80x128xf32, #tpu.memory_space<vmem>>
    %dma_wait3A_142 = arith.constant 0 : i32
    %dma_wait3A_143 = tpu.memref_slice %arg7[%dma_wait3A_138, %dma_wait3A_142] : memref<4x80xi32, #tpu.memory_space<vmem>> -> memref<1x80xi32, #tpu.memory_space<vmem>>
    %dma_wait3A_144 = tpu.memref_squeeze %dma_wait3A_143 : memref<1x80xi32, #tpu.memory_space<vmem>> -> memref<80xi32, #tpu.memory_space<vmem>>
    %dma_wait3A_145 = arith.constant 0 : i32
    %dma_wait3A_146 = arith.constant 0 : i32
    %dma_wait3A_147 = tpu.memref_slice %arg2[%dma_wait3A_145, %dma_wait3A_146] : memref<128x128xf32, #tpu.memory_space<hbm>> -> memref<128x128xf32, #tpu.memory_space<hbm>>
    tpu.wait_indirect_dma semaphore(%arg16 : memref<!tpu.dma_semaphore, #tpu.memory_space<semaphore_mem>>) src(%dma_wait3A_147 : memref<128x128xf32, #tpu.memory_space<hbm>>) dst(%dma_wait3A_141 : memref<80x128xf32, #tpu.memory_space<vmem>>)
    %mul3A_148 = arith.constant 320 : i32
    %mul3A_149 = arith.muli %add3A, %mul3A_148 : i32
    %add3A_150 = arith.constant 240 : i32
    %add3A_151 = arith.addi %mul3A_149, %add3A_150 : i32
    "tpu.region"() ({
      %run_scoped3A = tpu.sem_alloc : memref<!tpu.dma_semaphore, #tpu.memory_space<semaphore_mem>>
      %dma_start3A_162 = arith.constant 240 : i32
      %dma_start3A_163 = arith.constant 0 : i32
      %dma_start3A_164 = tpu.memref_slice %arg9[%dma_start3A_162, %dma_start3A_163] : memref<320x128xf32, #tpu.memory_space<vmem>> -> memref<80x128xf32, #tpu.memory_space<vmem>>
      %dma_start3A_165 = arith.constant 0 : i32
      %dma_start3A_166 = tpu.memref_slice %arg5[%add3A_151, %dma_start3A_165] : memref<10240x128xf32, #tpu.memory_space<hbm>> -> memref<80x128xf32, #tpu.memory_space<hbm>>
      %dma_start3A_167 = arith.constant 0 : i32
      %dma_start3A_168 = tpu.memref_slice %arg5[%add3A_151, %dma_start3A_167] : memref<10240x128xf32, #tpu.memory_space<hbm>> -> memref<80x128xf32, #tpu.memory_space<hbm>>
      %dma_start3A_169 = arith.constant 240 : i32
      %dma_start3A_170 = arith.constant 0 : i32
      %dma_start3A_171 = tpu.memref_slice %arg9[%dma_start3A_169, %dma_start3A_170] : memref<320x128xf32, #tpu.memory_space<vmem>> -> memref<80x128xf32, #tpu.memory_space<vmem>>
      tpu.enqueue_dma source(%dma_start3A_171 : memref<80x128xf32, #tpu.memory_space<vmem>>) target(%dma_start3A_168 : memref<80x128xf32, #tpu.memory_space<hbm>>) target_semaphore(%run_scoped3A : memref<!tpu.dma_semaphore, #tpu.memory_space<semaphore_mem>>)
      %dma_wait3A_172 = arith.constant 240 : i32
      %dma_wait3A_173 = arith.constant 0 : i32
      %dma_wait3A_174 = tpu.memref_slice %arg9[%dma_wait3A_172, %dma_wait3A_173] : memref<320x128xf32, #tpu.memory_space<vmem>> -> memref<80x128xf32, #tpu.memory_space<vmem>>
      %dma_wait3A_175 = arith.constant 0 : i32
      %dma_wait3A_176 = tpu.memref_slice %arg5[%add3A_151, %dma_wait3A_175] : memref<10240x128xf32, #tpu.memory_space<hbm>> -> memref<80x128xf32, #tpu.memory_space<hbm>>
      %dma_wait3A_177 = arith.constant 0 : i32
      %dma_wait3A_178 = tpu.memref_slice %arg5[%add3A_151, %dma_wait3A_177] : memref<10240x128xf32, #tpu.memory_space<hbm>> -> memref<80x128xf32, #tpu.memory_space<hbm>>
      %dma_wait3A_179 = arith.constant 240 : i32
      %dma_wait3A_180 = arith.constant 0 : i32
      %dma_wait3A_181 = tpu.memref_slice %arg9[%dma_wait3A_179, %dma_wait3A_180] : memref<320x128xf32, #tpu.memory_space<vmem>> -> memref<80x128xf32, #tpu.memory_space<vmem>>
      tpu.wait_dma2 semaphore(%run_scoped3A : memref<!tpu.dma_semaphore, #tpu.memory_space<semaphore_mem>>) src(%dma_wait3A_181 : memref<80x128xf32, #tpu.memory_space<vmem>>) dst(%dma_wait3A_178 : memref<80x128xf32, #tpu.memory_space<hbm>>)
      tpu.yield
    }) : () -> ()
    %scan3A_152 = arith.constant 0 : i32
    %scan3A_153 = arith.constant 80 : i32
    %scan3A_154 = arith.addi %scan3A_152, %scan3A_153 : i32
    %scan3A_155 = arith.constant 1 : i32
    scf.for %scan3A_162 = %scan3A_152 to %scan3A_154 step %scan3A_155  : i32 {
      %mul3A_163 = arith.constant 1 : i32
      %mul3A_164 = arith.muli %scan3A_162, %mul3A_163 : i32
      %add3A_165 = arith.constant 0 : i32
      %add3A_166 = arith.addi %add3A_165, %mul3A_164 : i32
      %dma_wait3A_167 = arith.constant 0 : i32
      %dma_wait3A_168 = arith.constant 0 : i32
      %dma_wait3A_169 = tpu.memref_slice %arg8[%dma_wait3A_167, %dma_wait3A_168] : memref<80x128xi32, #tpu.memory_space<vmem>> -> memref<1x128xi32, #tpu.memory_space<vmem>>
      %dma_wait3A_170 = tpu.memref_squeeze %dma_wait3A_169 : memref<1x128xi32, #tpu.memory_space<vmem>> -> memref<128xi32, #tpu.memory_space<vmem>>
      %dma_wait3A_171 = arith.constant 0 : i32
      %dma_wait3A_172 = tpu.memref_slice %arg12[%dma_wait3A_171] : memref<10240xf32, #tpu.memory_space<vmem_shared>> -> memref<10240xf32, #tpu.memory_space<vmem_shared>>
      tpu.wait_indirect_dma semaphore(%arg17 : memref<!tpu.dma_semaphore, #tpu.memory_space<semaphore_mem>>) src(%arg10 : memref<128xf32, #tpu.memory_space<vmem>>) dst(%dma_wait3A_172 : memref<10240xf32, #tpu.memory_space<vmem_shared>>)
    }
    %scan3A_156 = arith.constant 80 : i32
    %barrier3A_157 = arith.constant 0 : index
    tpu.barrier barrier_id(%barrier3A_157)
    %mul3A_158 = arith.constant 640 : i32
    %mul3A_159 = arith.muli %arg1, %mul3A_158 : i32
    "tpu.region"() ({
      %run_scoped3A = tpu.sem_alloc : memref<!tpu.dma_semaphore, #tpu.memory_space<semaphore_mem>>
      %dma_start3A_162 = tpu.memref_slice %arg12[%mul3A_159] : memref<10240xf32, #tpu.memory_space<vmem_shared>> -> memref<640xf32, #tpu.memory_space<vmem_shared>>
      %dma_start3A_163 = tpu.memref_slice %arg12[%mul3A_159] : memref<10240xf32, #tpu.memory_space<vmem_shared>> -> memref<640xf32, #tpu.memory_space<vmem_shared>>
      tpu.enqueue_dma source(%dma_start3A_163 : memref<640xf32, #tpu.memory_space<vmem_shared>>) target(%arg11 : memref<640xf32, #tpu.memory_space<vmem>>) target_semaphore(%run_scoped3A : memref<!tpu.dma_semaphore, #tpu.memory_space<semaphore_mem>>)
      %dma_wait3A_164 = tpu.memref_slice %arg12[%mul3A_159] : memref<10240xf32, #tpu.memory_space<vmem_shared>> -> memref<640xf32, #tpu.memory_space<vmem_shared>>
      %dma_wait3A_165 = tpu.memref_slice %arg12[%mul3A_159] : memref<10240xf32, #tpu.memory_space<vmem_shared>> -> memref<640xf32, #tpu.memory_space<vmem_shared>>
      tpu.wait_dma2 semaphore(%run_scoped3A : memref<!tpu.dma_semaphore, #tpu.memory_space<semaphore_mem>>) src(%dma_wait3A_165 : memref<640xf32, #tpu.memory_space<vmem_shared>>) dst(%arg11 : memref<640xf32, #tpu.memory_space<vmem>>)
      tpu.yield
    }) : () -> ()
    %mul3A_160 = arith.constant 640 : i32
    %mul3A_161 = arith.muli %arg1, %mul3A_160 : i32
    "tpu.region"() ({
      %run_scoped3A = tpu.sem_alloc : memref<!tpu.dma_semaphore, #tpu.memory_space<semaphore_mem>>
      %dma_start3A_162 = tpu.memref_slice %arg6[%arg0, %mul3A_161] : memref<2x10240xf32, #tpu.memory_space<hbm>> -> memref<1x640xf32, #tpu.memory_space<hbm>>
      %dma_start3A_163 = tpu.memref_squeeze %dma_start3A_162 : memref<1x640xf32, #tpu.memory_space<hbm>> -> memref<640xf32, #tpu.memory_space<hbm>>
      %dma_start3A_164 = tpu.memref_slice %arg6[%arg0, %mul3A_161] : memref<2x10240xf32, #tpu.memory_space<hbm>> -> memref<1x640xf32, #tpu.memory_space<hbm>>
      %dma_start3A_165 = tpu.memref_squeeze %dma_start3A_164 : memref<1x640xf32, #tpu.memory_space<hbm>> -> memref<640xf32, #tpu.memory_space<hbm>>
      tpu.enqueue_dma source(%arg11 : memref<640xf32, #tpu.memory_space<vmem>>) target(%dma_start3A_165 : memref<640xf32, #tpu.memory_space<hbm>>) target_semaphore(%run_scoped3A : memref<!tpu.dma_semaphore, #tpu.memory_space<semaphore_mem>>)
      %dma_wait3A_166 = tpu.memref_slice %arg6[%arg0, %mul3A_161] : memref<2x10240xf32, #tpu.memory_space<hbm>> -> memref<1x640xf32, #tpu.memory_space<hbm>>
      %dma_wait3A_167 = tpu.memref_squeeze %dma_wait3A_166 : memref<1x640xf32, #tpu.memory_space<hbm>> -> memref<640xf32, #tpu.memory_space<hbm>>
      %dma_wait3A_168 = tpu.memref_slice %arg6[%arg0, %mul3A_161] : memref<2x10240xf32, #tpu.memory_space<hbm>> -> memref<1x640xf32, #tpu.memory_space<hbm>>
      %dma_wait3A_169 = tpu.memref_squeeze %dma_wait3A_168 : memref<1x640xf32, #tpu.memory_space<hbm>> -> memref<640xf32, #tpu.memory_space<hbm>>
      tpu.wait_dma2 semaphore(%run_scoped3A : memref<!tpu.dma_semaphore, #tpu.memory_space<semaphore_mem>>) src(%arg11 : memref<640xf32, #tpu.memory_space<vmem>>) dst(%dma_wait3A_169 : memref<640xf32, #tpu.memory_space<hbm>>)
      tpu.yield
    }) : () -> ()
    return
  }
}

#map = affine_map<(d0, d1) -> (0, 0)>
#map1 = affine_map<(d0, d1) -> (0)>
#map2 = affine_map<(d0, d1) -> (0, 0, 0)>
module attributes {stable_mosaic.version = 14 : i64} {
  func.func @_sc_prop2_body(%arg0: i32, %arg1: i32, %arg2: memref<40960x32xf32, #tpu.memory_space<hbm>>, %arg3: memref<10240xf32, #tpu.memory_space<hbm>>, %arg4: memref<16x160x128xi32, #tpu.memory_space<hbm>>, %arg5: memref<16x160x128xi32, #tpu.memory_space<hbm>>, %arg6: memref<4x10240x32xf32, #tpu.memory_space<hbm>>, %arg7: memref<160x128xi32, #tpu.memory_space<vmem>>, %arg8: memref<160x128xi32, #tpu.memory_space<vmem>>, %arg9: memref<656xf32, #tpu.memory_space<vmem>>, %arg10: memref<128x32xf32, #tpu.memory_space<vmem>>, %arg11: memref<128x32xf32, #tpu.memory_space<vmem>>, %arg12: memref<128x32xf32, #tpu.memory_space<vmem>>, %arg13: memref<128x32xf32, #tpu.memory_space<vmem>>, %arg14: memref<128x32xf32, #tpu.memory_space<vmem>>, %arg15: memref<10240x32xf32, #tpu.memory_space<vmem_shared>>, %arg16: memref<10240x32xf32, #tpu.memory_space<vmem_shared>>, %arg17: memref<10240x32xf32, #tpu.memory_space<vmem_shared>>, %arg18: memref<!tpu.dma_semaphore, #tpu.memory_space<semaphore_mem>>, %arg19: memref<!tpu.dma_semaphore, #tpu.memory_space<semaphore_mem>>, %arg20: memref<!tpu.dma_semaphore, #tpu.memory_space<semaphore_mem>>, %arg21: memref<!tpu.dma_semaphore, #tpu.memory_space<semaphore_mem>>, %arg22: memref<!tpu.dma_semaphore, #tpu.memory_space<semaphore_mem>>, %arg23: memref<!tpu.dma_semaphore, #tpu.memory_space<semaphore_mem>>) attributes {dimension_semantics = [#tpu.dimension_semantics<core_parallel>, #tpu.dimension_semantics<subcore_parallel>], iteration_bounds = array<i64: 2, 16>, scalar_prefetch = 0 : i64, scratch_operands = 17 : i64, tpu.core_type = #tpu.core_type<sc_vector_subcore>, window_params = [{transform_indices = #map}, {transform_indices = #map1}, {transform_indices = #map2}, {transform_indices = #map2}, {transform_indices = #map2}]} {
    %mul3A = arith.constant 640 : i32
    %mul3A_0 = arith.muli %arg1, %mul3A : i32
    %mul3A_1 = arith.constant 2 : i32
    %mul3A_2 = arith.muli %arg0, %mul3A_1 : i32
    %mul3A_3 = arith.constant 2 : i32
    %mul3A_4 = arith.muli %arg0, %mul3A_3 : i32
    %add3A = arith.constant 1 : i32
    %add3A_5 = arith.addi %mul3A_4, %add3A : i32
    "tpu.region"() ({
      %run_scoped3A = tpu.sem_alloc : memref<!tpu.dma_semaphore, #tpu.memory_space<semaphore_mem>>
      %dma_start3A = arith.constant 0 : i32
      %dma_start3A_322 = arith.constant 0 : i32
      %dma_start3A_323 = tpu.memref_slice %arg4[%arg1, %dma_start3A, %dma_start3A_322] : memref<16x160x128xi32, #tpu.memory_space<hbm>> -> memref<1x160x128xi32, #tpu.memory_space<hbm>>
      %dma_start3A_324 = tpu.memref_squeeze %dma_start3A_323 : memref<1x160x128xi32, #tpu.memory_space<hbm>> -> memref<160x128xi32, #tpu.memory_space<hbm>>
      %dma_start3A_325 = arith.constant 0 : i32
      %dma_start3A_326 = arith.constant 0 : i32
      %dma_start3A_327 = tpu.memref_slice %arg4[%arg1, %dma_start3A_325, %dma_start3A_326] : memref<16x160x128xi32, #tpu.memory_space<hbm>> -> memref<1x160x128xi32, #tpu.memory_space<hbm>>
      %dma_start3A_328 = tpu.memref_squeeze %dma_start3A_327 : memref<1x160x128xi32, #tpu.memory_space<hbm>> -> memref<160x128xi32, #tpu.memory_space<hbm>>
      tpu.enqueue_dma source(%dma_start3A_328 : memref<160x128xi32, #tpu.memory_space<hbm>>) target(%arg7 : memref<160x128xi32, #tpu.memory_space<vmem>>) target_semaphore(%run_scoped3A : memref<!tpu.dma_semaphore, #tpu.memory_space<semaphore_mem>>)
      %dma_wait3A_329 = arith.constant 0 : i32
      %dma_wait3A_330 = arith.constant 0 : i32
      %dma_wait3A_331 = tpu.memref_slice %arg4[%arg1, %dma_wait3A_329, %dma_wait3A_330] : memref<16x160x128xi32, #tpu.memory_space<hbm>> -> memref<1x160x128xi32, #tpu.memory_space<hbm>>
      %dma_wait3A_332 = tpu.memref_squeeze %dma_wait3A_331 : memref<1x160x128xi32, #tpu.memory_space<hbm>> -> memref<160x128xi32, #tpu.memory_space<hbm>>
      %dma_wait3A_333 = arith.constant 0 : i32
      %dma_wait3A_334 = arith.constant 0 : i32
      %dma_wait3A_335 = tpu.memref_slice %arg4[%arg1, %dma_wait3A_333, %dma_wait3A_334] : memref<16x160x128xi32, #tpu.memory_space<hbm>> -> memref<1x160x128xi32, #tpu.memory_space<hbm>>
      %dma_wait3A_336 = tpu.memref_squeeze %dma_wait3A_335 : memref<1x160x128xi32, #tpu.memory_space<hbm>> -> memref<160x128xi32, #tpu.memory_space<hbm>>
      tpu.wait_dma2 semaphore(%run_scoped3A : memref<!tpu.dma_semaphore, #tpu.memory_space<semaphore_mem>>) src(%dma_wait3A_336 : memref<160x128xi32, #tpu.memory_space<hbm>>) dst(%arg7 : memref<160x128xi32, #tpu.memory_space<vmem>>)
      tpu.yield
    }) : () -> ()
    "tpu.region"() ({
      %run_scoped3A = tpu.sem_alloc : memref<!tpu.dma_semaphore, #tpu.memory_space<semaphore_mem>>
      %dma_start3A = arith.constant 0 : i32
      %dma_start3A_322 = arith.constant 0 : i32
      %dma_start3A_323 = tpu.memref_slice %arg5[%arg1, %dma_start3A, %dma_start3A_322] : memref<16x160x128xi32, #tpu.memory_space<hbm>> -> memref<1x160x128xi32, #tpu.memory_space<hbm>>
      %dma_start3A_324 = tpu.memref_squeeze %dma_start3A_323 : memref<1x160x128xi32, #tpu.memory_space<hbm>> -> memref<160x128xi32, #tpu.memory_space<hbm>>
      %dma_start3A_325 = arith.constant 0 : i32
      %dma_start3A_326 = arith.constant 0 : i32
      %dma_start3A_327 = tpu.memref_slice %arg5[%arg1, %dma_start3A_325, %dma_start3A_326] : memref<16x160x128xi32, #tpu.memory_space<hbm>> -> memref<1x160x128xi32, #tpu.memory_space<hbm>>
      %dma_start3A_328 = tpu.memref_squeeze %dma_start3A_327 : memref<1x160x128xi32, #tpu.memory_space<hbm>> -> memref<160x128xi32, #tpu.memory_space<hbm>>
      tpu.enqueue_dma source(%dma_start3A_328 : memref<160x128xi32, #tpu.memory_space<hbm>>) target(%arg8 : memref<160x128xi32, #tpu.memory_space<vmem>>) target_semaphore(%run_scoped3A : memref<!tpu.dma_semaphore, #tpu.memory_space<semaphore_mem>>)
      %dma_wait3A_329 = arith.constant 0 : i32
      %dma_wait3A_330 = arith.constant 0 : i32
      %dma_wait3A_331 = tpu.memref_slice %arg5[%arg1, %dma_wait3A_329, %dma_wait3A_330] : memref<16x160x128xi32, #tpu.memory_space<hbm>> -> memref<1x160x128xi32, #tpu.memory_space<hbm>>
      %dma_wait3A_332 = tpu.memref_squeeze %dma_wait3A_331 : memref<1x160x128xi32, #tpu.memory_space<hbm>> -> memref<160x128xi32, #tpu.memory_space<hbm>>
      %dma_wait3A_333 = arith.constant 0 : i32
      %dma_wait3A_334 = arith.constant 0 : i32
      %dma_wait3A_335 = tpu.memref_slice %arg5[%arg1, %dma_wait3A_333, %dma_wait3A_334] : memref<16x160x128xi32, #tpu.memory_space<hbm>> -> memref<1x160x128xi32, #tpu.memory_space<hbm>>
      %dma_wait3A_336 = tpu.memref_squeeze %dma_wait3A_335 : memref<1x160x128xi32, #tpu.memory_space<hbm>> -> memref<160x128xi32, #tpu.memory_space<hbm>>
      tpu.wait_dma2 semaphore(%run_scoped3A : memref<!tpu.dma_semaphore, #tpu.memory_space<semaphore_mem>>) src(%dma_wait3A_336 : memref<160x128xi32, #tpu.memory_space<hbm>>) dst(%arg8 : memref<160x128xi32, #tpu.memory_space<vmem>>)
      tpu.yield
    }) : () -> ()
    "tpu.region"() ({
      %run_scoped3A = tpu.sem_alloc : memref<!tpu.dma_semaphore, #tpu.memory_space<semaphore_mem>>
      %dma_start3A = arith.constant 0 : i32
      %dma_start3A_322 = tpu.memref_slice %arg9[%dma_start3A] : memref<656xf32, #tpu.memory_space<vmem>> -> memref<640xf32, #tpu.memory_space<vmem>>
      %dma_start3A_323 = tpu.memref_slice %arg3[%mul3A_0] : memref<10240xf32, #tpu.memory_space<hbm>> -> memref<640xf32, #tpu.memory_space<hbm>>
      %dma_start3A_324 = arith.constant 0 : i32
      %dma_start3A_325 = tpu.memref_slice %arg9[%dma_start3A_324] : memref<656xf32, #tpu.memory_space<vmem>> -> memref<640xf32, #tpu.memory_space<vmem>>
      %dma_start3A_326 = tpu.memref_slice %arg3[%mul3A_0] : memref<10240xf32, #tpu.memory_space<hbm>> -> memref<640xf32, #tpu.memory_space<hbm>>
      tpu.enqueue_dma source(%dma_start3A_326 : memref<640xf32, #tpu.memory_space<hbm>>) target(%dma_start3A_325 : memref<640xf32, #tpu.memory_space<vmem>>) target_semaphore(%run_scoped3A : memref<!tpu.dma_semaphore, #tpu.memory_space<semaphore_mem>>)
      %dma_wait3A_327 = arith.constant 0 : i32
      %dma_wait3A_328 = tpu.memref_slice %arg9[%dma_wait3A_327] : memref<656xf32, #tpu.memory_space<vmem>> -> memref<640xf32, #tpu.memory_space<vmem>>
      %dma_wait3A_329 = tpu.memref_slice %arg3[%mul3A_0] : memref<10240xf32, #tpu.memory_space<hbm>> -> memref<640xf32, #tpu.memory_space<hbm>>
      %dma_wait3A_330 = arith.constant 0 : i32
      %dma_wait3A_331 = tpu.memref_slice %arg9[%dma_wait3A_330] : memref<656xf32, #tpu.memory_space<vmem>> -> memref<640xf32, #tpu.memory_space<vmem>>
      %dma_wait3A_332 = tpu.memref_slice %arg3[%mul3A_0] : memref<10240xf32, #tpu.memory_space<hbm>> -> memref<640xf32, #tpu.memory_space<hbm>>
      tpu.wait_dma2 semaphore(%run_scoped3A : memref<!tpu.dma_semaphore, #tpu.memory_space<semaphore_mem>>) src(%dma_wait3A_332 : memref<640xf32, #tpu.memory_space<hbm>>) dst(%dma_wait3A_331 : memref<640xf32, #tpu.memory_space<vmem>>)
      tpu.yield
    }) : () -> ()
    %mul3A_6 = arith.constant 10240 : i32
    %mul3A_7 = arith.muli %mul3A_2, %mul3A_6 : i32
    %add3A_8 = arith.addi %mul3A_7, %mul3A_0 : i32
    "tpu.region"() ({
      %run_scoped3A = tpu.sem_alloc : memref<!tpu.dma_semaphore, #tpu.memory_space<semaphore_mem>>
      %dma_start3A = arith.constant 0 : i32
      %dma_start3A_322 = tpu.memref_slice %arg15[%mul3A_0, %dma_start3A] : memref<10240x32xf32, #tpu.memory_space<vmem_shared>> -> memref<640x32xf32, #tpu.memory_space<vmem_shared>>
      %dma_start3A_323 = arith.constant 0 : i32
      %dma_start3A_324 = tpu.memref_slice %arg2[%add3A_8, %dma_start3A_323] : memref<40960x32xf32, #tpu.memory_space<hbm>> -> memref<640x32xf32, #tpu.memory_space<hbm>>
      tpu.enqueue_dma source(%dma_start3A_324 : memref<640x32xf32, #tpu.memory_space<hbm>>) target(%dma_start3A_322 : memref<640x32xf32, #tpu.memory_space<vmem_shared>>) target_semaphore(%run_scoped3A : memref<!tpu.dma_semaphore, #tpu.memory_space<semaphore_mem>>)
      %dma_wait3A_325 = arith.constant 0 : i32
      %dma_wait3A_326 = tpu.memref_slice %arg15[%mul3A_0, %dma_wait3A_325] : memref<10240x32xf32, #tpu.memory_space<vmem_shared>> -> memref<640x32xf32, #tpu.memory_space<vmem_shared>>
      %dma_wait3A_327 = arith.constant 0 : i32
      %dma_wait3A_328 = tpu.memref_slice %arg2[%add3A_8, %dma_wait3A_327] : memref<40960x32xf32, #tpu.memory_space<hbm>> -> memref<640x32xf32, #tpu.memory_space<hbm>>
      tpu.wait_dma2 semaphore(%run_scoped3A : memref<!tpu.dma_semaphore, #tpu.memory_space<semaphore_mem>>) src(%dma_wait3A_328 : memref<640x32xf32, #tpu.memory_space<hbm>>) dst(%dma_wait3A_326 : memref<640x32xf32, #tpu.memory_space<vmem_shared>>)
      tpu.yield
    }) : () -> ()
    %scan3A = arith.constant 0 : i32
    %scan3A_9 = arith.constant 128 : i32
    %scan3A_10 = arith.addi %scan3A, %scan3A_9 : i32
    %scan3A_11 = arith.constant 1 : i32
    scf.for %scan3A_322 = %scan3A to %scan3A_10 step %scan3A_11  : i32 {
      %mul3A_323 = arith.constant 1 : i32
      %mul3A_324 = arith.muli %scan3A_322, %mul3A_323 : i32
      %add3A_325 = arith.constant 0 : i32
      %add3A_326 = arith.addi %add3A_325, %mul3A_324 : i32
      %broadcast_in_dim3A = arith.constant 0.000000e+00 : f32
      %broadcast_in_dim3A_327 = vector.broadcast %broadcast_in_dim3A : f32 to vector<16xf32>
      %swap3A = arith.index_cast %add3A_326 : i32 to index
      %swap3A_328 = arith.constant 0 : index
      %swap3A_329 = tpu.vector_load %arg10[%swap3A, %swap3A_328] {strides = array<i32>} : memref<128x32xf32, #tpu.memory_space<vmem>>, vector<1x16xf32>,
      %swap3A_330 = vector.shape_cast %swap3A_329 : vector<1x16xf32> to vector<16xf32>
      %swap3A_331 = vector.shape_cast %broadcast_in_dim3A_327 : vector<16xf32> to vector<1x16xf32>
      tpu.vector_store %arg10[%swap3A, %swap3A_328], %swap3A_331 {strides = array<i32>} : memref<128x32xf32, #tpu.memory_space<vmem>>, vector<1x16xf32>,
      %broadcast_in_dim3A_332 = arith.constant 0.000000e+00 : f32
      %broadcast_in_dim3A_333 = vector.broadcast %broadcast_in_dim3A_332 : f32 to vector<16xf32>
      %swap3A_334 = arith.index_cast %add3A_326 : i32 to index
      %swap3A_335 = arith.constant 16 : index
      %swap3A_336 = tpu.vector_load %arg10[%swap3A_334, %swap3A_335] {strides = array<i32>} : memref<128x32xf32, #tpu.memory_space<vmem>>, vector<1x16xf32>,
      %swap3A_337 = vector.shape_cast %swap3A_336 : vector<1x16xf32> to vector<16xf32>
      %swap3A_338 = vector.shape_cast %broadcast_in_dim3A_333 : vector<16xf32> to vector<1x16xf32>
      tpu.vector_store %arg10[%swap3A_334, %swap3A_335], %swap3A_338 {strides = array<i32>} : memref<128x32xf32, #tpu.memory_space<vmem>>, vector<1x16xf32>,
    }
    %scan3A_12 = arith.constant 128 : i32
    %add3A_13 = arith.constant 0 : i32
    %add3A_14 = arith.addi %mul3A_0, %add3A_13 : i32
    "tpu.region"() ({
      %run_scoped3A = tpu.sem_alloc : memref<!tpu.dma_semaphore, #tpu.memory_space<semaphore_mem>>
      %dma_start3A = arith.constant 0 : i32
      %dma_start3A_322 = tpu.memref_slice %arg16[%add3A_14, %dma_start3A] : memref<10240x32xf32, #tpu.memory_space<vmem_shared>> -> memref<128x32xf32, #tpu.memory_space<vmem_shared>>
      %dma_start3A_323 = arith.constant 0 : i32
      %dma_start3A_324 = tpu.memref_slice %arg16[%add3A_14, %dma_start3A_323] : memref<10240x32xf32, #tpu.memory_space<vmem_shared>> -> memref<128x32xf32, #tpu.memory_space<vmem_shared>>
      tpu.enqueue_dma source(%arg10 : memref<128x32xf32, #tpu.memory_space<vmem>>) target(%dma_start3A_324 : memref<128x32xf32, #tpu.memory_space<vmem_shared>>) target_semaphore(%run_scoped3A : memref<!tpu.dma_semaphore, #tpu.memory_space<semaphore_mem>>)
      %dma_wait3A_325 = arith.constant 0 : i32
      %dma_wait3A_326 = tpu.memref_slice %arg16[%add3A_14, %dma_wait3A_325] : memref<10240x32xf32, #tpu.memory_space<vmem_shared>> -> memref<128x32xf32, #tpu.memory_space<vmem_shared>>
      %dma_wait3A_327 = arith.constant 0 : i32
      %dma_wait3A_328 = tpu.memref_slice %arg16[%add3A_14, %dma_wait3A_327] : memref<10240x32xf32, #tpu.memory_space<vmem_shared>> -> memref<128x32xf32, #tpu.memory_space<vmem_shared>>
      tpu.wait_dma2 semaphore(%run_scoped3A : memref<!tpu.dma_semaphore, #tpu.memory_space<semaphore_mem>>) src(%arg10 : memref<128x32xf32, #tpu.memory_space<vmem>>) dst(%dma_wait3A_328 : memref<128x32xf32, #tpu.memory_space<vmem_shared>>)
      tpu.yield
    }) : () -> ()
    %add3A_15 = arith.constant 128 : i32
    %add3A_16 = arith.addi %mul3A_0, %add3A_15 : i32
    "tpu.region"() ({
      %run_scoped3A = tpu.sem_alloc : memref<!tpu.dma_semaphore, #tpu.memory_space<semaphore_mem>>
      %dma_start3A = arith.constant 0 : i32
      %dma_start3A_322 = tpu.memref_slice %arg16[%add3A_16, %dma_start3A] : memref<10240x32xf32, #tpu.memory_space<vmem_shared>> -> memref<128x32xf32, #tpu.memory_space<vmem_shared>>
      %dma_start3A_323 = arith.constant 0 : i32
      %dma_start3A_324 = tpu.memref_slice %arg16[%add3A_16, %dma_start3A_323] : memref<10240x32xf32, #tpu.memory_space<vmem_shared>> -> memref<128x32xf32, #tpu.memory_space<vmem_shared>>
      tpu.enqueue_dma source(%arg10 : memref<128x32xf32, #tpu.memory_space<vmem>>) target(%dma_start3A_324 : memref<128x32xf32, #tpu.memory_space<vmem_shared>>) target_semaphore(%run_scoped3A : memref<!tpu.dma_semaphore, #tpu.memory_space<semaphore_mem>>)
      %dma_wait3A_325 = arith.constant 0 : i32
      %dma_wait3A_326 = tpu.memref_slice %arg16[%add3A_16, %dma_wait3A_325] : memref<10240x32xf32, #tpu.memory_space<vmem_shared>> -> memref<128x32xf32, #tpu.memory_space<vmem_shared>>
      %dma_wait3A_327 = arith.constant 0 : i32
      %dma_wait3A_328 = tpu.memref_slice %arg16[%add3A_16, %dma_wait3A_327] : memref<10240x32xf32, #tpu.memory_space<vmem_shared>> -> memref<128x32xf32, #tpu.memory_space<vmem_shared>>
      tpu.wait_dma2 semaphore(%run_scoped3A : memref<!tpu.dma_semaphore, #tpu.memory_space<semaphore_mem>>) src(%arg10 : memref<128x32xf32, #tpu.memory_space<vmem>>) dst(%dma_wait3A_328 : memref<128x32xf32, #tpu.memory_space<vmem_shared>>)
      tpu.yield
    }) : () -> ()
    %add3A_17 = arith.constant 256 : i32
    %add3A_18 = arith.addi %mul3A_0, %add3A_17 : i32
    "tpu.region"() ({
      %run_scoped3A = tpu.sem_alloc : memref<!tpu.dma_semaphore, #tpu.memory_space<semaphore_mem>>
      %dma_start3A = arith.constant 0 : i32
      %dma_start3A_322 = tpu.memref_slice %arg16[%add3A_18, %dma_start3A] : memref<10240x32xf32, #tpu.memory_space<vmem_shared>> -> memref<128x32xf32, #tpu.memory_space<vmem_shared>>
      %dma_start3A_323 = arith.constant 0 : i32
      %dma_start3A_324 = tpu.memref_slice %arg16[%add3A_18, %dma_start3A_323] : memref<10240x32xf32, #tpu.memory_space<vmem_shared>> -> memref<128x32xf32, #tpu.memory_space<vmem_shared>>
      tpu.enqueue_dma source(%arg10 : memref<128x32xf32, #tpu.memory_space<vmem>>) target(%dma_start3A_324 : memref<128x32xf32, #tpu.memory_space<vmem_shared>>) target_semaphore(%run_scoped3A : memref<!tpu.dma_semaphore, #tpu.memory_space<semaphore_mem>>)
      %dma_wait3A_325 = arith.constant 0 : i32
      %dma_wait3A_326 = tpu.memref_slice %arg16[%add3A_18, %dma_wait3A_325] : memref<10240x32xf32, #tpu.memory_space<vmem_shared>> -> memref<128x32xf32, #tpu.memory_space<vmem_shared>>
      %dma_wait3A_327 = arith.constant 0 : i32
      %dma_wait3A_328 = tpu.memref_slice %arg16[%add3A_18, %dma_wait3A_327] : memref<10240x32xf32, #tpu.memory_space<vmem_shared>> -> memref<128x32xf32, #tpu.memory_space<vmem_shared>>
      tpu.wait_dma2 semaphore(%run_scoped3A : memref<!tpu.dma_semaphore, #tpu.memory_space<semaphore_mem>>) src(%arg10 : memref<128x32xf32, #tpu.memory_space<vmem>>) dst(%dma_wait3A_328 : memref<128x32xf32, #tpu.memory_space<vmem_shared>>)
      tpu.yield
    }) : () -> ()
    %add3A_19 = arith.constant 384 : i32
    %add3A_20 = arith.addi %mul3A_0, %add3A_19 : i32
    "tpu.region"() ({
      %run_scoped3A = tpu.sem_alloc : memref<!tpu.dma_semaphore, #tpu.memory_space<semaphore_mem>>
      %dma_start3A = arith.constant 0 : i32
      %dma_start3A_322 = tpu.memref_slice %arg16[%add3A_20, %dma_start3A] : memref<10240x32xf32, #tpu.memory_space<vmem_shared>> -> memref<128x32xf32, #tpu.memory_space<vmem_shared>>
      %dma_start3A_323 = arith.constant 0 : i32
      %dma_start3A_324 = tpu.memref_slice %arg16[%add3A_20, %dma_start3A_323] : memref<10240x32xf32, #tpu.memory_space<vmem_shared>> -> memref<128x32xf32, #tpu.memory_space<vmem_shared>>
      tpu.enqueue_dma source(%arg10 : memref<128x32xf32, #tpu.memory_space<vmem>>) target(%dma_start3A_324 : memref<128x32xf32, #tpu.memory_space<vmem_shared>>) target_semaphore(%run_scoped3A : memref<!tpu.dma_semaphore, #tpu.memory_space<semaphore_mem>>)
      %dma_wait3A_325 = arith.constant 0 : i32
      %dma_wait3A_326 = tpu.memref_slice %arg16[%add3A_20, %dma_wait3A_325] : memref<10240x32xf32, #tpu.memory_space<vmem_shared>> -> memref<128x32xf32, #tpu.memory_space<vmem_shared>>
      %dma_wait3A_327 = arith.constant 0 : i32
      %dma_wait3A_328 = tpu.memref_slice %arg16[%add3A_20, %dma_wait3A_327] : memref<10240x32xf32, #tpu.memory_space<vmem_shared>> -> memref<128x32xf32, #tpu.memory_space<vmem_shared>>
      tpu.wait_dma2 semaphore(%run_scoped3A : memref<!tpu.dma_semaphore, #tpu.memory_space<semaphore_mem>>) src(%arg10 : memref<128x32xf32, #tpu.memory_space<vmem>>) dst(%dma_wait3A_328 : memref<128x32xf32, #tpu.memory_space<vmem_shared>>)
      tpu.yield
    }) : () -> ()
    %add3A_21 = arith.constant 512 : i32
    %add3A_22 = arith.addi %mul3A_0, %add3A_21 : i32
    "tpu.region"() ({
      %run_scoped3A = tpu.sem_alloc : memref<!tpu.dma_semaphore, #tpu.memory_space<semaphore_mem>>
      %dma_start3A = arith.constant 0 : i32
      %dma_start3A_322 = tpu.memref_slice %arg16[%add3A_22, %dma_start3A] : memref<10240x32xf32, #tpu.memory_space<vmem_shared>> -> memref<128x32xf32, #tpu.memory_space<vmem_shared>>
      %dma_start3A_323 = arith.constant 0 : i32
      %dma_start3A_324 = tpu.memref_slice %arg16[%add3A_22, %dma_start3A_323] : memref<10240x32xf32, #tpu.memory_space<vmem_shared>> -> memref<128x32xf32, #tpu.memory_space<vmem_shared>>
      tpu.enqueue_dma source(%arg10 : memref<128x32xf32, #tpu.memory_space<vmem>>) target(%dma_start3A_324 : memref<128x32xf32, #tpu.memory_space<vmem_shared>>) target_semaphore(%run_scoped3A : memref<!tpu.dma_semaphore, #tpu.memory_space<semaphore_mem>>)
      %dma_wait3A_325 = arith.constant 0 : i32
      %dma_wait3A_326 = tpu.memref_slice %arg16[%add3A_22, %dma_wait3A_325] : memref<10240x32xf32, #tpu.memory_space<vmem_shared>> -> memref<128x32xf32, #tpu.memory_space<vmem_shared>>
      %dma_wait3A_327 = arith.constant 0 : i32
      %dma_wait3A_328 = tpu.memref_slice %arg16[%add3A_22, %dma_wait3A_327] : memref<10240x32xf32, #tpu.memory_space<vmem_shared>> -> memref<128x32xf32, #tpu.memory_space<vmem_shared>>
      tpu.wait_dma2 semaphore(%run_scoped3A : memref<!tpu.dma_semaphore, #tpu.memory_space<semaphore_mem>>) src(%arg10 : memref<128x32xf32, #tpu.memory_space<vmem>>) dst(%dma_wait3A_328 : memref<128x32xf32, #tpu.memory_space<vmem_shared>>)
      tpu.yield
    }) : () -> ()
    %barrier3A = arith.constant 0 : index
    tpu.barrier barrier_id(%barrier3A)
    %scan3A_23 = arith.constant 0 : i32
    %scan3A_24 = arith.constant 32 : i32
    %scan3A_25 = arith.addi %scan3A_23, %scan3A_24 : i32
    %scan3A_26 = arith.constant 1 : i32
    scf.for %scan3A_322 = %scan3A_23 to %scan3A_25 step %scan3A_26  : i32 {
      %mul3A_323 = arith.constant 5 : i32
      %mul3A_324 = arith.muli %scan3A_322, %mul3A_323 : i32
      %add3A_325 = arith.constant 0 : i32
      %add3A_326 = arith.addi %add3A_325, %mul3A_324 : i32
      %gt3A = arith.constant 0 : i32
      %gt3A_327 = arith.cmpi sgt, %add3A_326, %gt3A : i32
      %convert_element_type3A = arith.extui %gt3A_327 : i1 to i32
      %cond3A = arith.constant 0 : i32
      %cond3A_328 = arith.cmpi ne, %convert_element_type3A, %cond3A : i32
      scf.if %cond3A_328 {
        %dma_wait3A_438 = arith.constant 0 : i32
        %dma_wait3A_439 = arith.constant 0 : i32
        %dma_wait3A_440 = tpu.memref_slice %arg2[%dma_wait3A_438, %dma_wait3A_439] : memref<40960x32xf32, #tpu.memory_space<hbm>> -> memref<128x32xf32, #tpu.memory_space<hbm>>
        %dma_wait3A_441 = arith.constant 0 : i32
        %dma_wait3A_442 = arith.constant 0 : i32
        %dma_wait3A_443 = tpu.memref_slice %arg2[%dma_wait3A_441, %dma_wait3A_442] : memref<40960x32xf32, #tpu.memory_space<hbm>> -> memref<128x32xf32, #tpu.memory_space<hbm>>
        tpu.wait_dma2 semaphore(%arg23 : memref<!tpu.dma_semaphore, #tpu.memory_space<semaphore_mem>>) src(%dma_wait3A_443 : memref<128x32xf32, #tpu.memory_space<hbm>>) dst(%arg10 : memref<128x32xf32, #tpu.memory_space<vmem>>)
        %dma_wait3A_444 = arith.constant 0 : i32
        %dma_wait3A_445 = arith.constant 0 : i32
        %dma_wait3A_446 = tpu.memref_slice %arg2[%dma_wait3A_444, %dma_wait3A_445] : memref<40960x32xf32, #tpu.memory_space<hbm>> -> memref<128x32xf32, #tpu.memory_space<hbm>>
        %dma_wait3A_447 = arith.constant 0 : i32
        %dma_wait3A_448 = arith.constant 0 : i32
        %dma_wait3A_449 = tpu.memref_slice %arg2[%dma_wait3A_447, %dma_wait3A_448] : memref<40960x32xf32, #tpu.memory_space<hbm>> -> memref<128x32xf32, #tpu.memory_space<hbm>>
        tpu.wait_dma2 semaphore(%arg23 : memref<!tpu.dma_semaphore, #tpu.memory_space<semaphore_mem>>) src(%dma_wait3A_449 : memref<128x32xf32, #tpu.memory_space<hbm>>) dst(%arg11 : memref<128x32xf32, #tpu.memory_space<vmem>>)
        %dma_wait3A_450 = arith.constant 0 : i32
        %dma_wait3A_451 = arith.constant 0 : i32
        %dma_wait3A_452 = tpu.memref_slice %arg2[%dma_wait3A_450, %dma_wait3A_451] : memref<40960x32xf32, #tpu.memory_space<hbm>> -> memref<128x32xf32, #tpu.memory_space<hbm>>
        %dma_wait3A_453 = arith.constant 0 : i32
        %dma_wait3A_454 = arith.constant 0 : i32
        %dma_wait3A_455 = tpu.memref_slice %arg2[%dma_wait3A_453, %dma_wait3A_454] : memref<40960x32xf32, #tpu.memory_space<hbm>> -> memref<128x32xf32, #tpu.memory_space<hbm>>
        tpu.wait_dma2 semaphore(%arg23 : memref<!tpu.dma_semaphore, #tpu.memory_space<semaphore_mem>>) src(%dma_wait3A_455 : memref<128x32xf32, #tpu.memory_space<hbm>>) dst(%arg12 : memref<128x32xf32, #tpu.memory_space<vmem>>)
        %dma_wait3A_456 = arith.constant 0 : i32
        %dma_wait3A_457 = arith.constant 0 : i32
        %dma_wait3A_458 = tpu.memref_slice %arg2[%dma_wait3A_456, %dma_wait3A_457] : memref<40960x32xf32, #tpu.memory_space<hbm>> -> memref<128x32xf32, #tpu.memory_space<hbm>>
        %dma_wait3A_459 = arith.constant 0 : i32
        %dma_wait3A_460 = arith.constant 0 : i32
        %dma_wait3A_461 = tpu.memref_slice %arg2[%dma_wait3A_459, %dma_wait3A_460] : memref<40960x32xf32, #tpu.memory_space<hbm>> -> memref<128x32xf32, #tpu.memory_space<hbm>>
        tpu.wait_dma2 semaphore(%arg23 : memref<!tpu.dma_semaphore, #tpu.memory_space<semaphore_mem>>) src(%dma_wait3A_461 : memref<128x32xf32, #tpu.memory_space<hbm>>) dst(%arg13 : memref<128x32xf32, #tpu.memory_space<vmem>>)
        %dma_wait3A_462 = arith.constant 0 : i32
        %dma_wait3A_463 = arith.constant 0 : i32
        %dma_wait3A_464 = tpu.memref_slice %arg2[%dma_wait3A_462, %dma_wait3A_463] : memref<40960x32xf32, #tpu.memory_space<hbm>> -> memref<128x32xf32, #tpu.memory_space<hbm>>
        %dma_wait3A_465 = arith.constant 0 : i32
        %dma_wait3A_466 = arith.constant 0 : i32
        %dma_wait3A_467 = tpu.memref_slice %arg2[%dma_wait3A_465, %dma_wait3A_466] : memref<40960x32xf32, #tpu.memory_space<hbm>> -> memref<128x32xf32, #tpu.memory_space<hbm>>
        tpu.wait_dma2 semaphore(%arg23 : memref<!tpu.dma_semaphore, #tpu.memory_space<semaphore_mem>>) src(%dma_wait3A_467 : memref<128x32xf32, #tpu.memory_space<hbm>>) dst(%arg14 : memref<128x32xf32, #tpu.memory_space<vmem>>)
      } else {
      }
      %add3A_329 = arith.constant 0 : i32
      %add3A_330 = arith.addi %add3A_326, %add3A_329 : i32
      %dma_start3A = arith.constant 0 : i32
      %dma_start3A_331 = tpu.memref_slice %arg7[%add3A_330, %dma_start3A] : memref<160x128xi32, #tpu.memory_space<vmem>> -> memref<1x128xi32, #tpu.memory_space<vmem>>
      %dma_start3A_332 = tpu.memref_squeeze %dma_start3A_331 : memref<1x128xi32, #tpu.memory_space<vmem>> -> memref<128xi32, #tpu.memory_space<vmem>>
      %dma_start3A_333 = arith.constant 0 : i32
      %dma_start3A_334 = arith.constant 0 : i32
      %dma_start3A_335 = tpu.memref_slice %arg15[%dma_start3A_333, %dma_start3A_334] : memref<10240x32xf32, #tpu.memory_space<vmem_shared>> -> memref<10240x32xf32, #tpu.memory_space<vmem_shared>>
      tpu.enqueue_indirect_dma source(%dma_start3A_335 : memref<10240x32xf32, #tpu.memory_space<vmem_shared>>) target(%arg10 : memref<128x32xf32, #tpu.memory_space<vmem>>) offsets(%dma_start3A_332 : memref<128xi32, #tpu.memory_space<vmem>>) semaphore(%arg18 : memref<!tpu.dma_semaphore, #tpu.memory_space<semaphore_mem>>)
      %add3A_336 = arith.constant 1 : i32
      %add3A_337 = arith.addi %add3A_326, %add3A_336 : i32
      %dma_start3A_338 = arith.constant 0 : i32
      %dma_start3A_339 = tpu.memref_slice %arg7[%add3A_337, %dma_start3A_338] : memref<160x128xi32, #tpu.memory_space<vmem>> -> memref<1x128xi32, #tpu.memory_space<vmem>>
      %dma_start3A_340 = tpu.memref_squeeze %dma_start3A_339 : memref<1x128xi32, #tpu.memory_space<vmem>> -> memref<128xi32, #tpu.memory_space<vmem>>
      %dma_start3A_341 = arith.constant 0 : i32
      %dma_start3A_342 = arith.constant 0 : i32
      %dma_start3A_343 = tpu.memref_slice %arg15[%dma_start3A_341, %dma_start3A_342] : memref<10240x32xf32, #tpu.memory_space<vmem_shared>> -> memref<10240x32xf32, #tpu.memory_space<vmem_shared>>
      tpu.enqueue_indirect_dma source(%dma_start3A_343 : memref<10240x32xf32, #tpu.memory_space<vmem_shared>>) target(%arg11 : memref<128x32xf32, #tpu.memory_space<vmem>>) offsets(%dma_start3A_340 : memref<128xi32, #tpu.memory_space<vmem>>) semaphore(%arg19 : memref<!tpu.dma_semaphore, #tpu.memory_space<semaphore_mem>>)
      %add3A_344 = arith.constant 2 : i32
      %add3A_345 = arith.addi %add3A_326, %add3A_344 : i32
      %dma_start3A_346 = arith.constant 0 : i32
      %dma_start3A_347 = tpu.memref_slice %arg7[%add3A_345, %dma_start3A_346] : memref<160x128xi32, #tpu.memory_space<vmem>> -> memref<1x128xi32, #tpu.memory_space<vmem>>
      %dma_start3A_348 = tpu.memref_squeeze %dma_start3A_347 : memref<1x128xi32, #tpu.memory_space<vmem>> -> memref<128xi32, #tpu.memory_space<vmem>>
      %dma_start3A_349 = arith.constant 0 : i32
      %dma_start3A_350 = arith.constant 0 : i32
      %dma_start3A_351 = tpu.memref_slice %arg15[%dma_start3A_349, %dma_start3A_350] : memref<10240x32xf32, #tpu.memory_space<vmem_shared>> -> memref<10240x32xf32, #tpu.memory_space<vmem_shared>>
      tpu.enqueue_indirect_dma source(%dma_start3A_351 : memref<10240x32xf32, #tpu.memory_space<vmem_shared>>) target(%arg12 : memref<128x32xf32, #tpu.memory_space<vmem>>) offsets(%dma_start3A_348 : memref<128xi32, #tpu.memory_space<vmem>>) semaphore(%arg20 : memref<!tpu.dma_semaphore, #tpu.memory_space<semaphore_mem>>)
      %add3A_352 = arith.constant 3 : i32
      %add3A_353 = arith.addi %add3A_326, %add3A_352 : i32
      %dma_start3A_354 = arith.constant 0 : i32
      %dma_start3A_355 = tpu.memref_slice %arg7[%add3A_353, %dma_start3A_354] : memref<160x128xi32, #tpu.memory_space<vmem>> -> memref<1x128xi32, #tpu.memory_space<vmem>>
      %dma_start3A_356 = tpu.memref_squeeze %dma_start3A_355 : memref<1x128xi32, #tpu.memory_space<vmem>> -> memref<128xi32, #tpu.memory_space<vmem>>
      %dma_start3A_357 = arith.constant 0 : i32
      %dma_start3A_358 = arith.constant 0 : i32
      %dma_start3A_359 = tpu.memref_slice %arg15[%dma_start3A_357, %dma_start3A_358] : memref<10240x32xf32, #tpu.memory_space<vmem_shared>> -> memref<10240x32xf32, #tpu.memory_space<vmem_shared>>
      tpu.enqueue_indirect_dma source(%dma_start3A_359 : memref<10240x32xf32, #tpu.memory_space<vmem_shared>>) target(%arg13 : memref<128x32xf32, #tpu.memory_space<vmem>>) offsets(%dma_start3A_356 : memref<128xi32, #tpu.memory_space<vmem>>) semaphore(%arg21 : memref<!tpu.dma_semaphore, #tpu.memory_space<semaphore_mem>>)
      %add3A_360 = arith.constant 4 : i32
      %add3A_361 = arith.addi %add3A_326, %add3A_360 : i32
      %dma_start3A_362 = arith.constant 0 : i32
      %dma_start3A_363 = tpu.memref_slice %arg7[%add3A_361, %dma_start3A_362] : memref<160x128xi32, #tpu.memory_space<vmem>> -> memref<1x128xi32, #tpu.memory_space<vmem>>
      %dma_start3A_364 = tpu.memref_squeeze %dma_start3A_363 : memref<1x128xi32, #tpu.memory_space<vmem>> -> memref<128xi32, #tpu.memory_space<vmem>>
      %dma_start3A_365 = arith.constant 0 : i32
      %dma_start3A_366 = arith.constant 0 : i32
      %dma_start3A_367 = tpu.memref_slice %arg15[%dma_start3A_365, %dma_start3A_366] : memref<10240x32xf32, #tpu.memory_space<vmem_shared>> -> memref<10240x32xf32, #tpu.memory_space<vmem_shared>>
      tpu.enqueue_indirect_dma source(%dma_start3A_367 : memref<10240x32xf32, #tpu.memory_space<vmem_shared>>) target(%arg14 : memref<128x32xf32, #tpu.memory_space<vmem>>) offsets(%dma_start3A_364 : memref<128xi32, #tpu.memory_space<vmem>>) semaphore(%arg22 : memref<!tpu.dma_semaphore, #tpu.memory_space<semaphore_mem>>)
      %dma_wait3A_368 = arith.constant 0 : i32
      %dma_wait3A_369 = tpu.memref_slice %arg7[%add3A_330, %dma_wait3A_368] : memref<160x128xi32, #tpu.memory_space<vmem>> -> memref<1x128xi32, #tpu.memory_space<vmem>>
      %dma_wait3A_370 = tpu.memref_squeeze %dma_wait3A_369 : memref<1x128xi32, #tpu.memory_space<vmem>> -> memref<128xi32, #tpu.memory_space<vmem>>
      %dma_wait3A_371 = arith.constant 0 : i32
      %dma_wait3A_372 = arith.constant 0 : i32
      %dma_wait3A_373 = tpu.memref_slice %arg15[%dma_wait3A_371, %dma_wait3A_372] : memref<10240x32xf32, #tpu.memory_space<vmem_shared>> -> memref<10240x32xf32, #tpu.memory_space<vmem_shared>>
      tpu.wait_indirect_dma semaphore(%arg18 : memref<!tpu.dma_semaphore, #tpu.memory_space<semaphore_mem>>) src(%dma_wait3A_373 : memref<10240x32xf32, #tpu.memory_space<vmem_shared>>) dst(%arg10 : memref<128x32xf32, #tpu.memory_space<vmem>>)
      %add3A_374 = arith.constant 0 : i32
      %add3A_375 = arith.addi %add3A_326, %add3A_374 : i32
      %dma_start3A_376 = arith.constant 0 : i32
      %dma_start3A_377 = tpu.memref_slice %arg8[%add3A_375, %dma_start3A_376] : memref<160x128xi32, #tpu.memory_space<vmem>> -> memref<1x128xi32, #tpu.memory_space<vmem>>
      %dma_start3A_378 = tpu.memref_squeeze %dma_start3A_377 : memref<1x128xi32, #tpu.memory_space<vmem>> -> memref<128xi32, #tpu.memory_space<vmem>>
      %dma_start3A_379 = arith.constant 0 : i32
      %dma_start3A_380 = arith.constant 0 : i32
      %dma_start3A_381 = tpu.memref_slice %arg16[%dma_start3A_379, %dma_start3A_380] : memref<10240x32xf32, #tpu.memory_space<vmem_shared>> -> memref<10240x32xf32, #tpu.memory_space<vmem_shared>>
      tpu.enqueue_indirect_dma source(%arg10 : memref<128x32xf32, #tpu.memory_space<vmem>>) target(%dma_start3A_381 : memref<10240x32xf32, #tpu.memory_space<vmem_shared>>) offsets(%dma_start3A_378 : memref<128xi32, #tpu.memory_space<vmem>>) semaphore(%arg23 : memref<!tpu.dma_semaphore, #tpu.memory_space<semaphore_mem>>) {add = true}
      %dma_wait3A_382 = arith.constant 0 : i32
      %dma_wait3A_383 = tpu.memref_slice %arg7[%add3A_337, %dma_wait3A_382] : memref<160x128xi32, #tpu.memory_space<vmem>> -> memref<1x128xi32, #tpu.memory_space<vmem>>
      %dma_wait3A_384 = tpu.memref_squeeze %dma_wait3A_383 : memref<1x128xi32, #tpu.memory_space<vmem>> -> memref<128xi32, #tpu.memory_space<vmem>>
      %dma_wait3A_385 = arith.constant 0 : i32
      %dma_wait3A_386 = arith.constant 0 : i32
      %dma_wait3A_387 = tpu.memref_slice %arg15[%dma_wait3A_385, %dma_wait3A_386] : memref<10240x32xf32, #tpu.memory_space<vmem_shared>> -> memref<10240x32xf32, #tpu.memory_space<vmem_shared>>
      tpu.wait_indirect_dma semaphore(%arg19 : memref<!tpu.dma_semaphore, #tpu.memory_space<semaphore_mem>>) src(%dma_wait3A_387 : memref<10240x32xf32, #tpu.memory_space<vmem_shared>>) dst(%arg11 : memref<128x32xf32, #tpu.memory_space<vmem>>)
      %add3A_388 = arith.constant 1 : i32
      %add3A_389 = arith.addi %add3A_326, %add3A_388 : i32
      %dma_start3A_390 = arith.constant 0 : i32
      %dma_start3A_391 = tpu.memref_slice %arg8[%add3A_389, %dma_start3A_390] : memref<160x128xi32, #tpu.memory_space<vmem>> -> memref<1x128xi32, #tpu.memory_space<vmem>>
      %dma_start3A_392 = tpu.memref_squeeze %dma_start3A_391 : memref<1x128xi32, #tpu.memory_space<vmem>> -> memref<128xi32, #tpu.memory_space<vmem>>
      %dma_start3A_393 = arith.constant 0 : i32
      %dma_start3A_394 = arith.constant 0 : i32
      %dma_start3A_395 = tpu.memref_slice %arg16[%dma_start3A_393, %dma_start3A_394] : memref<10240x32xf32, #tpu.memory_space<vmem_shared>> -> memref<10240x32xf32, #tpu.memory_space<vmem_shared>>
      tpu.enqueue_indirect_dma source(%arg11 : memref<128x32xf32, #tpu.memory_space<vmem>>) target(%dma_start3A_395 : memref<10240x32xf32, #tpu.memory_space<vmem_shared>>) offsets(%dma_start3A_392 : memref<128xi32, #tpu.memory_space<vmem>>) semaphore(%arg23 : memref<!tpu.dma_semaphore, #tpu.memory_space<semaphore_mem>>) {add = true}
      %dma_wait3A_396 = arith.constant 0 : i32
      %dma_wait3A_397 = tpu.memref_slice %arg7[%add3A_345, %dma_wait3A_396] : memref<160x128xi32, #tpu.memory_space<vmem>> -> memref<1x128xi32, #tpu.memory_space<vmem>>
      %dma_wait3A_398 = tpu.memref_squeeze %dma_wait3A_397 : memref<1x128xi32, #tpu.memory_space<vmem>> -> memref<128xi32, #tpu.memory_space<vmem>>
      %dma_wait3A_399 = arith.constant 0 : i32
      %dma_wait3A_400 = arith.constant 0 : i32
      %dma_wait3A_401 = tpu.memref_slice %arg15[%dma_wait3A_399, %dma_wait3A_400] : memref<10240x32xf32, #tpu.memory_space<vmem_shared>> -> memref<10240x32xf32, #tpu.memory_space<vmem_shared>>
      tpu.wait_indirect_dma semaphore(%arg20 : memref<!tpu.dma_semaphore, #tpu.memory_space<semaphore_mem>>) src(%dma_wait3A_401 : memref<10240x32xf32, #tpu.memory_space<vmem_shared>>) dst(%arg12 : memref<128x32xf32, #tpu.memory_space<vmem>>)
      %add3A_402 = arith.constant 2 : i32
      %add3A_403 = arith.addi %add3A_326, %add3A_402 : i32
      %dma_start3A_404 = arith.constant 0 : i32
      %dma_start3A_405 = tpu.memref_slice %arg8[%add3A_403, %dma_start3A_404] : memref<160x128xi32, #tpu.memory_space<vmem>> -> memref<1x128xi32, #tpu.memory_space<vmem>>
      %dma_start3A_406 = tpu.memref_squeeze %dma_start3A_405 : memref<1x128xi32, #tpu.memory_space<vmem>> -> memref<128xi32, #tpu.memory_space<vmem>>
      %dma_start3A_407 = arith.constant 0 : i32
      %dma_start3A_408 = arith.constant 0 : i32
      %dma_start3A_409 = tpu.memref_slice %arg16[%dma_start3A_407, %dma_start3A_408] : memref<10240x32xf32, #tpu.memory_space<vmem_shared>> -> memref<10240x32xf32, #tpu.memory_space<vmem_shared>>
      tpu.enqueue_indirect_dma source(%arg12 : memref<128x32xf32, #tpu.memory_space<vmem>>) target(%dma_start3A_409 : memref<10240x32xf32, #tpu.memory_space<vmem_shared>>) offsets(%dma_start3A_406 : memref<128xi32, #tpu.memory_space<vmem>>) semaphore(%arg23 : memref<!tpu.dma_semaphore, #tpu.memory_space<semaphore_mem>>) {add = true}
      %dma_wait3A_410 = arith.constant 0 : i32
      %dma_wait3A_411 = tpu.memref_slice %arg7[%add3A_353, %dma_wait3A_410] : memref<160x128xi32, #tpu.memory_space<vmem>> -> memref<1x128xi32, #tpu.memory_space<vmem>>
      %dma_wait3A_412 = tpu.memref_squeeze %dma_wait3A_411 : memref<1x128xi32, #tpu.memory_space<vmem>> -> memref<128xi32, #tpu.memory_space<vmem>>
      %dma_wait3A_413 = arith.constant 0 : i32
      %dma_wait3A_414 = arith.constant 0 : i32
      %dma_wait3A_415 = tpu.memref_slice %arg15[%dma_wait3A_413, %dma_wait3A_414] : memref<10240x32xf32, #tpu.memory_space<vmem_shared>> -> memref<10240x32xf32, #tpu.memory_space<vmem_shared>>
      tpu.wait_indirect_dma semaphore(%arg21 : memref<!tpu.dma_semaphore, #tpu.memory_space<semaphore_mem>>) src(%dma_wait3A_415 : memref<10240x32xf32, #tpu.memory_space<vmem_shared>>) dst(%arg13 : memref<128x32xf32, #tpu.memory_space<vmem>>)
      %add3A_416 = arith.constant 3 : i32
      %add3A_417 = arith.addi %add3A_326, %add3A_416 : i32
      %dma_start3A_418 = arith.constant 0 : i32
      %dma_start3A_419 = tpu.memref_slice %arg8[%add3A_417, %dma_start3A_418] : memref<160x128xi32, #tpu.memory_space<vmem>> -> memref<1x128xi32, #tpu.memory_space<vmem>>
      %dma_start3A_420 = tpu.memref_squeeze %dma_start3A_419 : memref<1x128xi32, #tpu.memory_space<vmem>> -> memref<128xi32, #tpu.memory_space<vmem>>
      %dma_start3A_421 = arith.constant 0 : i32
      %dma_start3A_422 = arith.constant 0 : i32
      %dma_start3A_423 = tpu.memref_slice %arg16[%dma_start3A_421, %dma_start3A_422] : memref<10240x32xf32, #tpu.memory_space<vmem_shared>> -> memref<10240x32xf32, #tpu.memory_space<vmem_shared>>
      tpu.enqueue_indirect_dma source(%arg13 : memref<128x32xf32, #tpu.memory_space<vmem>>) target(%dma_start3A_423 : memref<10240x32xf32, #tpu.memory_space<vmem_shared>>) offsets(%dma_start3A_420 : memref<128xi32, #tpu.memory_space<vmem>>) semaphore(%arg23 : memref<!tpu.dma_semaphore, #tpu.memory_space<semaphore_mem>>) {add = true}
      %dma_wait3A_424 = arith.constant 0 : i32
      %dma_wait3A_425 = tpu.memref_slice %arg7[%add3A_361, %dma_wait3A_424] : memref<160x128xi32, #tpu.memory_space<vmem>> -> memref<1x128xi32, #tpu.memory_space<vmem>>
      %dma_wait3A_426 = tpu.memref_squeeze %dma_wait3A_425 : memref<1x128xi32, #tpu.memory_space<vmem>> -> memref<128xi32, #tpu.memory_space<vmem>>
      %dma_wait3A_427 = arith.constant 0 : i32
      %dma_wait3A_428 = arith.constant 0 : i32
      %dma_wait3A_429 = tpu.memref_slice %arg15[%dma_wait3A_427, %dma_wait3A_428] : memref<10240x32xf32, #tpu.memory_space<vmem_shared>> -> memref<10240x32xf32, #tpu.memory_space<vmem_shared>>
      tpu.wait_indirect_dma semaphore(%arg22 : memref<!tpu.dma_semaphore, #tpu.memory_space<semaphore_mem>>) src(%dma_wait3A_429 : memref<10240x32xf32, #tpu.memory_space<vmem_shared>>) dst(%arg14 : memref<128x32xf32, #tpu.memory_space<vmem>>)
      %add3A_430 = arith.constant 4 : i32
      %add3A_431 = arith.addi %add3A_326, %add3A_430 : i32
      %dma_start3A_432 = arith.constant 0 : i32
      %dma_start3A_433 = tpu.memref_slice %arg8[%add3A_431, %dma_start3A_432] : memref<160x128xi32, #tpu.memory_space<vmem>> -> memref<1x128xi32, #tpu.memory_space<vmem>>
      %dma_start3A_434 = tpu.memref_squeeze %dma_start3A_433 : memref<1x128xi32, #tpu.memory_space<vmem>> -> memref<128xi32, #tpu.memory_space<vmem>>
      %dma_start3A_435 = arith.constant 0 : i32
      %dma_start3A_436 = arith.constant 0 : i32
      %dma_start3A_437 = tpu.memref_slice %arg16[%dma_start3A_435, %dma_start3A_436] : memref<10240x32xf32, #tpu.memory_space<vmem_shared>> -> memref<10240x32xf32, #tpu.memory_space<vmem_shared>>
      tpu.enqueue_indirect_dma source(%arg14 : memref<128x32xf32, #tpu.memory_space<vmem>>) target(%dma_start3A_437 : memref<10240x32xf32, #tpu.memory_space<vmem_shared>>) offsets(%dma_start3A_434 : memref<128xi32, #tpu.memory_space<vmem>>) semaphore(%arg23 : memref<!tpu.dma_semaphore, #tpu.memory_space<semaphore_mem>>) {add = true}
    }
    %scan3A_27 = arith.constant 32 : i32
    %dma_wait3A = arith.constant 0 : i32
    %dma_wait3A_28 = arith.constant 0 : i32
    %dma_wait3A_29 = tpu.memref_slice %arg2[%dma_wait3A, %dma_wait3A_28] : memref<40960x32xf32, #tpu.memory_space<hbm>> -> memref<128x32xf32, #tpu.memory_space<hbm>>
    %dma_wait3A_30 = arith.constant 0 : i32
    %dma_wait3A_31 = arith.constant 0 : i32
    %dma_wait3A_32 = tpu.memref_slice %arg2[%dma_wait3A_30, %dma_wait3A_31] : memref<40960x32xf32, #tpu.memory_space<hbm>> -> memref<128x32xf32, #tpu.memory_space<hbm>>
    tpu.wait_dma2 semaphore(%arg23 : memref<!tpu.dma_semaphore, #tpu.memory_space<semaphore_mem>>) src(%dma_wait3A_32 : memref<128x32xf32, #tpu.memory_space<hbm>>) dst(%arg10 : memref<128x32xf32, #tpu.memory_space<vmem>>)
    %dma_wait3A_33 = arith.constant 0 : i32
    %dma_wait3A_34 = arith.constant 0 : i32
    %dma_wait3A_35 = tpu.memref_slice %arg2[%dma_wait3A_33, %dma_wait3A_34] : memref<40960x32xf32, #tpu.memory_space<hbm>> -> memref<128x32xf32, #tpu.memory_space<hbm>>
    %dma_wait3A_36 = arith.constant 0 : i32
    %dma_wait3A_37 = arith.constant 0 : i32
    %dma_wait3A_38 = tpu.memref_slice %arg2[%dma_wait3A_36, %dma_wait3A_37] : memref<40960x32xf32, #tpu.memory_space<hbm>> -> memref<128x32xf32, #tpu.memory_space<hbm>>
    tpu.wait_dma2 semaphore(%arg23 : memref<!tpu.dma_semaphore, #tpu.memory_space<semaphore_mem>>) src(%dma_wait3A_38 : memref<128x32xf32, #tpu.memory_space<hbm>>) dst(%arg11 : memref<128x32xf32, #tpu.memory_space<vmem>>)
    %dma_wait3A_39 = arith.constant 0 : i32
    %dma_wait3A_40 = arith.constant 0 : i32
    %dma_wait3A_41 = tpu.memref_slice %arg2[%dma_wait3A_39, %dma_wait3A_40] : memref<40960x32xf32, #tpu.memory_space<hbm>> -> memref<128x32xf32, #tpu.memory_space<hbm>>
    %dma_wait3A_42 = arith.constant 0 : i32
    %dma_wait3A_43 = arith.constant 0 : i32
    %dma_wait3A_44 = tpu.memref_slice %arg2[%dma_wait3A_42, %dma_wait3A_43] : memref<40960x32xf32, #tpu.memory_space<hbm>> -> memref<128x32xf32, #tpu.memory_space<hbm>>
    tpu.wait_dma2 semaphore(%arg23 : memref<!tpu.dma_semaphore, #tpu.memory_space<semaphore_mem>>) src(%dma_wait3A_44 : memref<128x32xf32, #tpu.memory_space<hbm>>) dst(%arg12 : memref<128x32xf32, #tpu.memory_space<vmem>>)
    %dma_wait3A_45 = arith.constant 0 : i32
    %dma_wait3A_46 = arith.constant 0 : i32
    %dma_wait3A_47 = tpu.memref_slice %arg2[%dma_wait3A_45, %dma_wait3A_46] : memref<40960x32xf32, #tpu.memory_space<hbm>> -> memref<128x32xf32, #tpu.memory_space<hbm>>
    %dma_wait3A_48 = arith.constant 0 : i32
    %dma_wait3A_49 = arith.constant 0 : i32
    %dma_wait3A_50 = tpu.memref_slice %arg2[%dma_wait3A_48, %dma_wait3A_49] : memref<40960x32xf32, #tpu.memory_space<hbm>> -> memref<128x32xf32, #tpu.memory_space<hbm>>
    tpu.wait_dma2 semaphore(%arg23 : memref<!tpu.dma_semaphore, #tpu.memory_space<semaphore_mem>>) src(%dma_wait3A_50 : memref<128x32xf32, #tpu.memory_space<hbm>>) dst(%arg13 : memref<128x32xf32, #tpu.memory_space<vmem>>)
    %dma_wait3A_51 = arith.constant 0 : i32
    %dma_wait3A_52 = arith.constant 0 : i32
    %dma_wait3A_53 = tpu.memref_slice %arg2[%dma_wait3A_51, %dma_wait3A_52] : memref<40960x32xf32, #tpu.memory_space<hbm>> -> memref<128x32xf32, #tpu.memory_space<hbm>>
    %dma_wait3A_54 = arith.constant 0 : i32
    %dma_wait3A_55 = arith.constant 0 : i32
    %dma_wait3A_56 = tpu.memref_slice %arg2[%dma_wait3A_54, %dma_wait3A_55] : memref<40960x32xf32, #tpu.memory_space<hbm>> -> memref<128x32xf32, #tpu.memory_space<hbm>>
    tpu.wait_dma2 semaphore(%arg23 : memref<!tpu.dma_semaphore, #tpu.memory_space<semaphore_mem>>) src(%dma_wait3A_56 : memref<128x32xf32, #tpu.memory_space<hbm>>) dst(%arg14 : memref<128x32xf32, #tpu.memory_space<vmem>>)
    %barrier3A_57 = arith.constant 0 : index
    tpu.barrier barrier_id(%barrier3A_57)
    %mul3A_58 = arith.constant 10240 : i32
    %mul3A_59 = arith.muli %add3A_5, %mul3A_58 : i32
    %add3A_60 = arith.addi %mul3A_59, %mul3A_0 : i32
    "tpu.region"() ({
      %run_scoped3A = tpu.sem_alloc : memref<!tpu.dma_semaphore, #tpu.memory_space<semaphore_mem>>
      %dma_start3A = arith.constant 0 : i32
      %dma_start3A_322 = tpu.memref_slice %arg15[%mul3A_0, %dma_start3A] : memref<10240x32xf32, #tpu.memory_space<vmem_shared>> -> memref<640x32xf32, #tpu.memory_space<vmem_shared>>
      %dma_start3A_323 = arith.constant 0 : i32
      %dma_start3A_324 = tpu.memref_slice %arg2[%add3A_60, %dma_start3A_323] : memref<40960x32xf32, #tpu.memory_space<hbm>> -> memref<640x32xf32, #tpu.memory_space<hbm>>
      tpu.enqueue_dma source(%dma_start3A_324 : memref<640x32xf32, #tpu.memory_space<hbm>>) target(%dma_start3A_322 : memref<640x32xf32, #tpu.memory_space<vmem_shared>>) target_semaphore(%run_scoped3A : memref<!tpu.dma_semaphore, #tpu.memory_space<semaphore_mem>>)
      %dma_wait3A_325 = arith.constant 0 : i32
      %dma_wait3A_326 = tpu.memref_slice %arg15[%mul3A_0, %dma_wait3A_325] : memref<10240x32xf32, #tpu.memory_space<vmem_shared>> -> memref<640x32xf32, #tpu.memory_space<vmem_shared>>
      %dma_wait3A_327 = arith.constant 0 : i32
      %dma_wait3A_328 = tpu.memref_slice %arg2[%add3A_60, %dma_wait3A_327] : memref<40960x32xf32, #tpu.memory_space<hbm>> -> memref<640x32xf32, #tpu.memory_space<hbm>>
      tpu.wait_dma2 semaphore(%run_scoped3A : memref<!tpu.dma_semaphore, #tpu.memory_space<semaphore_mem>>) src(%dma_wait3A_328 : memref<640x32xf32, #tpu.memory_space<hbm>>) dst(%dma_wait3A_326 : memref<640x32xf32, #tpu.memory_space<vmem_shared>>)
      tpu.yield
    }) : () -> ()
    %scan3A_61 = arith.constant 0 : i32
    %scan3A_62 = arith.constant 128 : i32
    %scan3A_63 = arith.addi %scan3A_61, %scan3A_62 : i32
    %scan3A_64 = arith.constant 1 : i32
    scf.for %scan3A_322 = %scan3A_61 to %scan3A_63 step %scan3A_64  : i32 {
      %mul3A_323 = arith.constant 1 : i32
      %mul3A_324 = arith.muli %scan3A_322, %mul3A_323 : i32
      %add3A_325 = arith.constant 0 : i32
      %add3A_326 = arith.addi %add3A_325, %mul3A_324 : i32
      %broadcast_in_dim3A = arith.constant 0.000000e+00 : f32
      %broadcast_in_dim3A_327 = vector.broadcast %broadcast_in_dim3A : f32 to vector<16xf32>
      %swap3A = arith.index_cast %add3A_326 : i32 to index
      %swap3A_328 = arith.constant 0 : index
      %swap3A_329 = tpu.vector_load %arg10[%swap3A, %swap3A_328] {strides = array<i32>} : memref<128x32xf32, #tpu.memory_space<vmem>>, vector<1x16xf32>,
      %swap3A_330 = vector.shape_cast %swap3A_329 : vector<1x16xf32> to vector<16xf32>
      %swap3A_331 = vector.shape_cast %broadcast_in_dim3A_327 : vector<16xf32> to vector<1x16xf32>
      tpu.vector_store %arg10[%swap3A, %swap3A_328], %swap3A_331 {strides = array<i32>} : memref<128x32xf32, #tpu.memory_space<vmem>>, vector<1x16xf32>,
      %broadcast_in_dim3A_332 = arith.constant 0.000000e+00 : f32
      %broadcast_in_dim3A_333 = vector.broadcast %broadcast_in_dim3A_332 : f32 to vector<16xf32>
      %swap3A_334 = arith.index_cast %add3A_326 : i32 to index
      %swap3A_335 = arith.constant 16 : index
      %swap3A_336 = tpu.vector_load %arg10[%swap3A_334, %swap3A_335] {strides = array<i32>} : memref<128x32xf32, #tpu.memory_space<vmem>>, vector<1x16xf32>,
      %swap3A_337 = vector.shape_cast %swap3A_336 : vector<1x16xf32> to vector<16xf32>
      %swap3A_338 = vector.shape_cast %broadcast_in_dim3A_333 : vector<16xf32> to vector<1x16xf32>
      tpu.vector_store %arg10[%swap3A_334, %swap3A_335], %swap3A_338 {strides = array<i32>} : memref<128x32xf32, #tpu.memory_space<vmem>>, vector<1x16xf32>,
    }
    %scan3A_65 = arith.constant 128 : i32
    %add3A_66 = arith.constant 0 : i32
    %add3A_67 = arith.addi %mul3A_0, %add3A_66 : i32
    "tpu.region"() ({
      %run_scoped3A = tpu.sem_alloc : memref<!tpu.dma_semaphore, #tpu.memory_space<semaphore_mem>>
      %dma_start3A = arith.constant 0 : i32
      %dma_start3A_322 = tpu.memref_slice %arg17[%add3A_67, %dma_start3A] : memref<10240x32xf32, #tpu.memory_space<vmem_shared>> -> memref<128x32xf32, #tpu.memory_space<vmem_shared>>
      %dma_start3A_323 = arith.constant 0 : i32
      %dma_start3A_324 = tpu.memref_slice %arg17[%add3A_67, %dma_start3A_323] : memref<10240x32xf32, #tpu.memory_space<vmem_shared>> -> memref<128x32xf32, #tpu.memory_space<vmem_shared>>
      tpu.enqueue_dma source(%arg10 : memref<128x32xf32, #tpu.memory_space<vmem>>) target(%dma_start3A_324 : memref<128x32xf32, #tpu.memory_space<vmem_shared>>) target_semaphore(%run_scoped3A : memref<!tpu.dma_semaphore, #tpu.memory_space<semaphore_mem>>)
      %dma_wait3A_325 = arith.constant 0 : i32
      %dma_wait3A_326 = tpu.memref_slice %arg17[%add3A_67, %dma_wait3A_325] : memref<10240x32xf32, #tpu.memory_space<vmem_shared>> -> memref<128x32xf32, #tpu.memory_space<vmem_shared>>
      %dma_wait3A_327 = arith.constant 0 : i32
      %dma_wait3A_328 = tpu.memref_slice %arg17[%add3A_67, %dma_wait3A_327] : memref<10240x32xf32, #tpu.memory_space<vmem_shared>> -> memref<128x32xf32, #tpu.memory_space<vmem_shared>>
      tpu.wait_dma2 semaphore(%run_scoped3A : memref<!tpu.dma_semaphore, #tpu.memory_space<semaphore_mem>>) src(%arg10 : memref<128x32xf32, #tpu.memory_space<vmem>>) dst(%dma_wait3A_328 : memref<128x32xf32, #tpu.memory_space<vmem_shared>>)
      tpu.yield
    }) : () -> ()
    %add3A_68 = arith.constant 128 : i32
    %add3A_69 = arith.addi %mul3A_0, %add3A_68 : i32
    "tpu.region"() ({
      %run_scoped3A = tpu.sem_alloc : memref<!tpu.dma_semaphore, #tpu.memory_space<semaphore_mem>>
      %dma_start3A = arith.constant 0 : i32
      %dma_start3A_322 = tpu.memref_slice %arg17[%add3A_69, %dma_start3A] : memref<10240x32xf32, #tpu.memory_space<vmem_shared>> -> memref<128x32xf32, #tpu.memory_space<vmem_shared>>
      %dma_start3A_323 = arith.constant 0 : i32
      %dma_start3A_324 = tpu.memref_slice %arg17[%add3A_69, %dma_start3A_323] : memref<10240x32xf32, #tpu.memory_space<vmem_shared>> -> memref<128x32xf32, #tpu.memory_space<vmem_shared>>
      tpu.enqueue_dma source(%arg10 : memref<128x32xf32, #tpu.memory_space<vmem>>) target(%dma_start3A_324 : memref<128x32xf32, #tpu.memory_space<vmem_shared>>) target_semaphore(%run_scoped3A : memref<!tpu.dma_semaphore, #tpu.memory_space<semaphore_mem>>)
      %dma_wait3A_325 = arith.constant 0 : i32
      %dma_wait3A_326 = tpu.memref_slice %arg17[%add3A_69, %dma_wait3A_325] : memref<10240x32xf32, #tpu.memory_space<vmem_shared>> -> memref<128x32xf32, #tpu.memory_space<vmem_shared>>
      %dma_wait3A_327 = arith.constant 0 : i32
      %dma_wait3A_328 = tpu.memref_slice %arg17[%add3A_69, %dma_wait3A_327] : memref<10240x32xf32, #tpu.memory_space<vmem_shared>> -> memref<128x32xf32, #tpu.memory_space<vmem_shared>>
      tpu.wait_dma2 semaphore(%run_scoped3A : memref<!tpu.dma_semaphore, #tpu.memory_space<semaphore_mem>>) src(%arg10 : memref<128x32xf32, #tpu.memory_space<vmem>>) dst(%dma_wait3A_328 : memref<128x32xf32, #tpu.memory_space<vmem_shared>>)
      tpu.yield
    }) : () -> ()
    %add3A_70 = arith.constant 256 : i32
    %add3A_71 = arith.addi %mul3A_0, %add3A_70 : i32
    "tpu.region"() ({
      %run_scoped3A = tpu.sem_alloc : memref<!tpu.dma_semaphore, #tpu.memory_space<semaphore_mem>>
      %dma_start3A = arith.constant 0 : i32
      %dma_start3A_322 = tpu.memref_slice %arg17[%add3A_71, %dma_start3A] : memref<10240x32xf32, #tpu.memory_space<vmem_shared>> -> memref<128x32xf32, #tpu.memory_space<vmem_shared>>
      %dma_start3A_323 = arith.constant 0 : i32
      %dma_start3A_324 = tpu.memref_slice %arg17[%add3A_71, %dma_start3A_323] : memref<10240x32xf32, #tpu.memory_space<vmem_shared>> -> memref<128x32xf32, #tpu.memory_space<vmem_shared>>
      tpu.enqueue_dma source(%arg10 : memref<128x32xf32, #tpu.memory_space<vmem>>) target(%dma_start3A_324 : memref<128x32xf32, #tpu.memory_space<vmem_shared>>) target_semaphore(%run_scoped3A : memref<!tpu.dma_semaphore, #tpu.memory_space<semaphore_mem>>)
      %dma_wait3A_325 = arith.constant 0 : i32
      %dma_wait3A_326 = tpu.memref_slice %arg17[%add3A_71, %dma_wait3A_325] : memref<10240x32xf32, #tpu.memory_space<vmem_shared>> -> memref<128x32xf32, #tpu.memory_space<vmem_shared>>
      %dma_wait3A_327 = arith.constant 0 : i32
      %dma_wait3A_328 = tpu.memref_slice %arg17[%add3A_71, %dma_wait3A_327] : memref<10240x32xf32, #tpu.memory_space<vmem_shared>> -> memref<128x32xf32, #tpu.memory_space<vmem_shared>>
      tpu.wait_dma2 semaphore(%run_scoped3A : memref<!tpu.dma_semaphore, #tpu.memory_space<semaphore_mem>>) src(%arg10 : memref<128x32xf32, #tpu.memory_space<vmem>>) dst(%dma_wait3A_328 : memref<128x32xf32, #tpu.memory_space<vmem_shared>>)
      tpu.yield
    }) : () -> ()
    %add3A_72 = arith.constant 384 : i32
    %add3A_73 = arith.addi %mul3A_0, %add3A_72 : i32
    "tpu.region"() ({
      %run_scoped3A = tpu.sem_alloc : memref<!tpu.dma_semaphore, #tpu.memory_space<semaphore_mem>>
      %dma_start3A = arith.constant 0 : i32
      %dma_start3A_322 = tpu.memref_slice %arg17[%add3A_73, %dma_start3A] : memref<10240x32xf32, #tpu.memory_space<vmem_shared>> -> memref<128x32xf32, #tpu.memory_space<vmem_shared>>
      %dma_start3A_323 = arith.constant 0 : i32
      %dma_start3A_324 = tpu.memref_slice %arg17[%add3A_73, %dma_start3A_323] : memref<10240x32xf32, #tpu.memory_space<vmem_shared>> -> memref<128x32xf32, #tpu.memory_space<vmem_shared>>
      tpu.enqueue_dma source(%arg10 : memref<128x32xf32, #tpu.memory_space<vmem>>) target(%dma_start3A_324 : memref<128x32xf32, #tpu.memory_space<vmem_shared>>) target_semaphore(%run_scoped3A : memref<!tpu.dma_semaphore, #tpu.memory_space<semaphore_mem>>)
      %dma_wait3A_325 = arith.constant 0 : i32
      %dma_wait3A_326 = tpu.memref_slice %arg17[%add3A_73, %dma_wait3A_325] : memref<10240x32xf32, #tpu.memory_space<vmem_shared>> -> memref<128x32xf32, #tpu.memory_space<vmem_shared>>
      %dma_wait3A_327 = arith.constant 0 : i32
      %dma_wait3A_328 = tpu.memref_slice %arg17[%add3A_73, %dma_wait3A_327] : memref<10240x32xf32, #tpu.memory_space<vmem_shared>> -> memref<128x32xf32, #tpu.memory_space<vmem_shared>>
      tpu.wait_dma2 semaphore(%run_scoped3A : memref<!tpu.dma_semaphore, #tpu.memory_space<semaphore_mem>>) src(%arg10 : memref<128x32xf32, #tpu.memory_space<vmem>>) dst(%dma_wait3A_328 : memref<128x32xf32, #tpu.memory_space<vmem_shared>>)
      tpu.yield
    }) : () -> ()
    %add3A_74 = arith.constant 512 : i32
    %add3A_75 = arith.addi %mul3A_0, %add3A_74 : i32
    "tpu.region"() ({
      %run_scoped3A = tpu.sem_alloc : memref<!tpu.dma_semaphore, #tpu.memory_space<semaphore_mem>>
      %dma_start3A = arith.constant 0 : i32
      %dma_start3A_322 = tpu.memref_slice %arg17[%add3A_75, %dma_start3A] : memref<10240x32xf32, #tpu.memory_space<vmem_shared>> -> memref<128x32xf32, #tpu.memory_space<vmem_shared>>
      %dma_start3A_323 = arith.constant 0 : i32
      %dma_start3A_324 = tpu.memref_slice %arg17[%add3A_75, %dma_start3A_323] : memref<10240x32xf32, #tpu.memory_space<vmem_shared>> -> memref<128x32xf32, #tpu.memory_space<vmem_shared>>
      tpu.enqueue_dma source(%arg10 : memref<128x32xf32, #tpu.memory_space<vmem>>) target(%dma_start3A_324 : memref<128x32xf32, #tpu.memory_space<vmem_shared>>) target_semaphore(%run_scoped3A : memref<!tpu.dma_semaphore, #tpu.memory_space<semaphore_mem>>)
      %dma_wait3A_325 = arith.constant 0 : i32
      %dma_wait3A_326 = tpu.memref_slice %arg17[%add3A_75, %dma_wait3A_325] : memref<10240x32xf32, #tpu.memory_space<vmem_shared>> -> memref<128x32xf32, #tpu.memory_space<vmem_shared>>
      %dma_wait3A_327 = arith.constant 0 : i32
      %dma_wait3A_328 = tpu.memref_slice %arg17[%add3A_75, %dma_wait3A_327] : memref<10240x32xf32, #tpu.memory_space<vmem_shared>> -> memref<128x32xf32, #tpu.memory_space<vmem_shared>>
      tpu.wait_dma2 semaphore(%run_scoped3A : memref<!tpu.dma_semaphore, #tpu.memory_space<semaphore_mem>>) src(%arg10 : memref<128x32xf32, #tpu.memory_space<vmem>>) dst(%dma_wait3A_328 : memref<128x32xf32, #tpu.memory_space<vmem_shared>>)
      tpu.yield
    }) : () -> ()
    %barrier3A_76 = arith.constant 0 : index
    tpu.barrier barrier_id(%barrier3A_76)
    %scan3A_77 = arith.constant 0 : i32
    %scan3A_78 = arith.constant 32 : i32
    %scan3A_79 = arith.addi %scan3A_77, %scan3A_78 : i32
    %scan3A_80 = arith.constant 1 : i32
    scf.for %scan3A_322 = %scan3A_77 to %scan3A_79 step %scan3A_80  : i32 {
      %mul3A_323 = arith.constant 5 : i32
      %mul3A_324 = arith.muli %scan3A_322, %mul3A_323 : i32
      %add3A_325 = arith.constant 0 : i32
      %add3A_326 = arith.addi %add3A_325, %mul3A_324 : i32
      %gt3A = arith.constant 0 : i32
      %gt3A_327 = arith.cmpi sgt, %add3A_326, %gt3A : i32
      %convert_element_type3A = arith.extui %gt3A_327 : i1 to i32
      %cond3A = arith.constant 0 : i32
      %cond3A_328 = arith.cmpi ne, %convert_element_type3A, %cond3A : i32
      scf.if %cond3A_328 {
        %dma_wait3A_438 = arith.constant 0 : i32
        %dma_wait3A_439 = arith.constant 0 : i32
        %dma_wait3A_440 = tpu.memref_slice %arg2[%dma_wait3A_438, %dma_wait3A_439] : memref<40960x32xf32, #tpu.memory_space<hbm>> -> memref<128x32xf32, #tpu.memory_space<hbm>>
        %dma_wait3A_441 = arith.constant 0 : i32
        %dma_wait3A_442 = arith.constant 0 : i32
        %dma_wait3A_443 = tpu.memref_slice %arg2[%dma_wait3A_441, %dma_wait3A_442] : memref<40960x32xf32, #tpu.memory_space<hbm>> -> memref<128x32xf32, #tpu.memory_space<hbm>>
        tpu.wait_dma2 semaphore(%arg23 : memref<!tpu.dma_semaphore, #tpu.memory_space<semaphore_mem>>) src(%dma_wait3A_443 : memref<128x32xf32, #tpu.memory_space<hbm>>) dst(%arg10 : memref<128x32xf32, #tpu.memory_space<vmem>>)
        %dma_wait3A_444 = arith.constant 0 : i32
        %dma_wait3A_445 = arith.constant 0 : i32
        %dma_wait3A_446 = tpu.memref_slice %arg2[%dma_wait3A_444, %dma_wait3A_445] : memref<40960x32xf32, #tpu.memory_space<hbm>> -> memref<128x32xf32, #tpu.memory_space<hbm>>
        %dma_wait3A_447 = arith.constant 0 : i32
        %dma_wait3A_448 = arith.constant 0 : i32
        %dma_wait3A_449 = tpu.memref_slice %arg2[%dma_wait3A_447, %dma_wait3A_448] : memref<40960x32xf32, #tpu.memory_space<hbm>> -> memref<128x32xf32, #tpu.memory_space<hbm>>
        tpu.wait_dma2 semaphore(%arg23 : memref<!tpu.dma_semaphore, #tpu.memory_space<semaphore_mem>>) src(%dma_wait3A_449 : memref<128x32xf32, #tpu.memory_space<hbm>>) dst(%arg11 : memref<128x32xf32, #tpu.memory_space<vmem>>)
        %dma_wait3A_450 = arith.constant 0 : i32
        %dma_wait3A_451 = arith.constant 0 : i32
        %dma_wait3A_452 = tpu.memref_slice %arg2[%dma_wait3A_450, %dma_wait3A_451] : memref<40960x32xf32, #tpu.memory_space<hbm>> -> memref<128x32xf32, #tpu.memory_space<hbm>>
        %dma_wait3A_453 = arith.constant 0 : i32
        %dma_wait3A_454 = arith.constant 0 : i32
        %dma_wait3A_455 = tpu.memref_slice %arg2[%dma_wait3A_453, %dma_wait3A_454] : memref<40960x32xf32, #tpu.memory_space<hbm>> -> memref<128x32xf32, #tpu.memory_space<hbm>>
        tpu.wait_dma2 semaphore(%arg23 : memref<!tpu.dma_semaphore, #tpu.memory_space<semaphore_mem>>) src(%dma_wait3A_455 : memref<128x32xf32, #tpu.memory_space<hbm>>) dst(%arg12 : memref<128x32xf32, #tpu.memory_space<vmem>>)
        %dma_wait3A_456 = arith.constant 0 : i32
        %dma_wait3A_457 = arith.constant 0 : i32
        %dma_wait3A_458 = tpu.memref_slice %arg2[%dma_wait3A_456, %dma_wait3A_457] : memref<40960x32xf32, #tpu.memory_space<hbm>> -> memref<128x32xf32, #tpu.memory_space<hbm>>
        %dma_wait3A_459 = arith.constant 0 : i32
        %dma_wait3A_460 = arith.constant 0 : i32
        %dma_wait3A_461 = tpu.memref_slice %arg2[%dma_wait3A_459, %dma_wait3A_460] : memref<40960x32xf32, #tpu.memory_space<hbm>> -> memref<128x32xf32, #tpu.memory_space<hbm>>
        tpu.wait_dma2 semaphore(%arg23 : memref<!tpu.dma_semaphore, #tpu.memory_space<semaphore_mem>>) src(%dma_wait3A_461 : memref<128x32xf32, #tpu.memory_space<hbm>>) dst(%arg13 : memref<128x32xf32, #tpu.memory_space<vmem>>)
        %dma_wait3A_462 = arith.constant 0 : i32
        %dma_wait3A_463 = arith.constant 0 : i32
        %dma_wait3A_464 = tpu.memref_slice %arg2[%dma_wait3A_462, %dma_wait3A_463] : memref<40960x32xf32, #tpu.memory_space<hbm>> -> memref<128x32xf32, #tpu.memory_space<hbm>>
        %dma_wait3A_465 = arith.constant 0 : i32
        %dma_wait3A_466 = arith.constant 0 : i32
        %dma_wait3A_467 = tpu.memref_slice %arg2[%dma_wait3A_465, %dma_wait3A_466] : memref<40960x32xf32, #tpu.memory_space<hbm>> -> memref<128x32xf32, #tpu.memory_space<hbm>>
        tpu.wait_dma2 semaphore(%arg23 : memref<!tpu.dma_semaphore, #tpu.memory_space<semaphore_mem>>) src(%dma_wait3A_467 : memref<128x32xf32, #tpu.memory_space<hbm>>) dst(%arg14 : memref<128x32xf32, #tpu.memory_space<vmem>>)
      } else {
      }
      %add3A_329 = arith.constant 0 : i32
      %add3A_330 = arith.addi %add3A_326, %add3A_329 : i32
      %dma_start3A = arith.constant 0 : i32
      %dma_start3A_331 = tpu.memref_slice %arg7[%add3A_330, %dma_start3A] : memref<160x128xi32, #tpu.memory_space<vmem>> -> memref<1x128xi32, #tpu.memory_space<vmem>>
      %dma_start3A_332 = tpu.memref_squeeze %dma_start3A_331 : memref<1x128xi32, #tpu.memory_space<vmem>> -> memref<128xi32, #tpu.memory_space<vmem>>
      %dma_start3A_333 = arith.constant 0 : i32
      %dma_start3A_334 = arith.constant 0 : i32
      %dma_start3A_335 = tpu.memref_slice %arg15[%dma_start3A_333, %dma_start3A_334] : memref<10240x32xf32, #tpu.memory_space<vmem_shared>> -> memref<10240x32xf32, #tpu.memory_space<vmem_shared>>
      tpu.enqueue_indirect_dma source(%dma_start3A_335 : memref<10240x32xf32, #tpu.memory_space<vmem_shared>>) target(%arg10 : memref<128x32xf32, #tpu.memory_space<vmem>>) offsets(%dma_start3A_332 : memref<128xi32, #tpu.memory_space<vmem>>) semaphore(%arg18 : memref<!tpu.dma_semaphore, #tpu.memory_space<semaphore_mem>>)
      %add3A_336 = arith.constant 1 : i32
      %add3A_337 = arith.addi %add3A_326, %add3A_336 : i32
      %dma_start3A_338 = arith.constant 0 : i32
      %dma_start3A_339 = tpu.memref_slice %arg7[%add3A_337, %dma_start3A_338] : memref<160x128xi32, #tpu.memory_space<vmem>> -> memref<1x128xi32, #tpu.memory_space<vmem>>
      %dma_start3A_340 = tpu.memref_squeeze %dma_start3A_339 : memref<1x128xi32, #tpu.memory_space<vmem>> -> memref<128xi32, #tpu.memory_space<vmem>>
      %dma_start3A_341 = arith.constant 0 : i32
      %dma_start3A_342 = arith.constant 0 : i32
      %dma_start3A_343 = tpu.memref_slice %arg15[%dma_start3A_341, %dma_start3A_342] : memref<10240x32xf32, #tpu.memory_space<vmem_shared>> -> memref<10240x32xf32, #tpu.memory_space<vmem_shared>>
      tpu.enqueue_indirect_dma source(%dma_start3A_343 : memref<10240x32xf32, #tpu.memory_space<vmem_shared>>) target(%arg11 : memref<128x32xf32, #tpu.memory_space<vmem>>) offsets(%dma_start3A_340 : memref<128xi32, #tpu.memory_space<vmem>>) semaphore(%arg19 : memref<!tpu.dma_semaphore, #tpu.memory_space<semaphore_mem>>)
      %add3A_344 = arith.constant 2 : i32
      %add3A_345 = arith.addi %add3A_326, %add3A_344 : i32
      %dma_start3A_346 = arith.constant 0 : i32
      %dma_start3A_347 = tpu.memref_slice %arg7[%add3A_345, %dma_start3A_346] : memref<160x128xi32, #tpu.memory_space<vmem>> -> memref<1x128xi32, #tpu.memory_space<vmem>>
      %dma_start3A_348 = tpu.memref_squeeze %dma_start3A_347 : memref<1x128xi32, #tpu.memory_space<vmem>> -> memref<128xi32, #tpu.memory_space<vmem>>
      %dma_start3A_349 = arith.constant 0 : i32
      %dma_start3A_350 = arith.constant 0 : i32
      %dma_start3A_351 = tpu.memref_slice %arg15[%dma_start3A_349, %dma_start3A_350] : memref<10240x32xf32, #tpu.memory_space<vmem_shared>> -> memref<10240x32xf32, #tpu.memory_space<vmem_shared>>
      tpu.enqueue_indirect_dma source(%dma_start3A_351 : memref<10240x32xf32, #tpu.memory_space<vmem_shared>>) target(%arg12 : memref<128x32xf32, #tpu.memory_space<vmem>>) offsets(%dma_start3A_348 : memref<128xi32, #tpu.memory_space<vmem>>) semaphore(%arg20 : memref<!tpu.dma_semaphore, #tpu.memory_space<semaphore_mem>>)
      %add3A_352 = arith.constant 3 : i32
      %add3A_353 = arith.addi %add3A_326, %add3A_352 : i32
      %dma_start3A_354 = arith.constant 0 : i32
      %dma_start3A_355 = tpu.memref_slice %arg7[%add3A_353, %dma_start3A_354] : memref<160x128xi32, #tpu.memory_space<vmem>> -> memref<1x128xi32, #tpu.memory_space<vmem>>
      %dma_start3A_356 = tpu.memref_squeeze %dma_start3A_355 : memref<1x128xi32, #tpu.memory_space<vmem>> -> memref<128xi32, #tpu.memory_space<vmem>>
      %dma_start3A_357 = arith.constant 0 : i32
      %dma_start3A_358 = arith.constant 0 : i32
      %dma_start3A_359 = tpu.memref_slice %arg15[%dma_start3A_357, %dma_start3A_358] : memref<10240x32xf32, #tpu.memory_space<vmem_shared>> -> memref<10240x32xf32, #tpu.memory_space<vmem_shared>>
      tpu.enqueue_indirect_dma source(%dma_start3A_359 : memref<10240x32xf32, #tpu.memory_space<vmem_shared>>) target(%arg13 : memref<128x32xf32, #tpu.memory_space<vmem>>) offsets(%dma_start3A_356 : memref<128xi32, #tpu.memory_space<vmem>>) semaphore(%arg21 : memref<!tpu.dma_semaphore, #tpu.memory_space<semaphore_mem>>)
      %add3A_360 = arith.constant 4 : i32
      %add3A_361 = arith.addi %add3A_326, %add3A_360 : i32
      %dma_start3A_362 = arith.constant 0 : i32
      %dma_start3A_363 = tpu.memref_slice %arg7[%add3A_361, %dma_start3A_362] : memref<160x128xi32, #tpu.memory_space<vmem>> -> memref<1x128xi32, #tpu.memory_space<vmem>>
      %dma_start3A_364 = tpu.memref_squeeze %dma_start3A_363 : memref<1x128xi32, #tpu.memory_space<vmem>> -> memref<128xi32, #tpu.memory_space<vmem>>
      %dma_start3A_365 = arith.constant 0 : i32
      %dma_start3A_366 = arith.constant 0 : i32
      %dma_start3A_367 = tpu.memref_slice %arg15[%dma_start3A_365, %dma_start3A_366] : memref<10240x32xf32, #tpu.memory_space<vmem_shared>> -> memref<10240x32xf32, #tpu.memory_space<vmem_shared>>
      tpu.enqueue_indirect_dma source(%dma_start3A_367 : memref<10240x32xf32, #tpu.memory_space<vmem_shared>>) target(%arg14 : memref<128x32xf32, #tpu.memory_space<vmem>>) offsets(%dma_start3A_364 : memref<128xi32, #tpu.memory_space<vmem>>) semaphore(%arg22 : memref<!tpu.dma_semaphore, #tpu.memory_space<semaphore_mem>>)
      %dma_wait3A_368 = arith.constant 0 : i32
      %dma_wait3A_369 = tpu.memref_slice %arg7[%add3A_330, %dma_wait3A_368] : memref<160x128xi32, #tpu.memory_space<vmem>> -> memref<1x128xi32, #tpu.memory_space<vmem>>
      %dma_wait3A_370 = tpu.memref_squeeze %dma_wait3A_369 : memref<1x128xi32, #tpu.memory_space<vmem>> -> memref<128xi32, #tpu.memory_space<vmem>>
      %dma_wait3A_371 = arith.constant 0 : i32
      %dma_wait3A_372 = arith.constant 0 : i32
      %dma_wait3A_373 = tpu.memref_slice %arg15[%dma_wait3A_371, %dma_wait3A_372] : memref<10240x32xf32, #tpu.memory_space<vmem_shared>> -> memref<10240x32xf32, #tpu.memory_space<vmem_shared>>
      tpu.wait_indirect_dma semaphore(%arg18 : memref<!tpu.dma_semaphore, #tpu.memory_space<semaphore_mem>>) src(%dma_wait3A_373 : memref<10240x32xf32, #tpu.memory_space<vmem_shared>>) dst(%arg10 : memref<128x32xf32, #tpu.memory_space<vmem>>)
      %add3A_374 = arith.constant 0 : i32
      %add3A_375 = arith.addi %add3A_326, %add3A_374 : i32
      %dma_start3A_376 = arith.constant 0 : i32
      %dma_start3A_377 = tpu.memref_slice %arg8[%add3A_375, %dma_start3A_376] : memref<160x128xi32, #tpu.memory_space<vmem>> -> memref<1x128xi32, #tpu.memory_space<vmem>>
      %dma_start3A_378 = tpu.memref_squeeze %dma_start3A_377 : memref<1x128xi32, #tpu.memory_space<vmem>> -> memref<128xi32, #tpu.memory_space<vmem>>
      %dma_start3A_379 = arith.constant 0 : i32
      %dma_start3A_380 = arith.constant 0 : i32
      %dma_start3A_381 = tpu.memref_slice %arg17[%dma_start3A_379, %dma_start3A_380] : memref<10240x32xf32, #tpu.memory_space<vmem_shared>> -> memref<10240x32xf32, #tpu.memory_space<vmem_shared>>
      tpu.enqueue_indirect_dma source(%arg10 : memref<128x32xf32, #tpu.memory_space<vmem>>) target(%dma_start3A_381 : memref<10240x32xf32, #tpu.memory_space<vmem_shared>>) offsets(%dma_start3A_378 : memref<128xi32, #tpu.memory_space<vmem>>) semaphore(%arg23 : memref<!tpu.dma_semaphore, #tpu.memory_space<semaphore_mem>>) {add = true}
      %dma_wait3A_382 = arith.constant 0 : i32
      %dma_wait3A_383 = tpu.memref_slice %arg7[%add3A_337, %dma_wait3A_382] : memref<160x128xi32, #tpu.memory_space<vmem>> -> memref<1x128xi32, #tpu.memory_space<vmem>>
      %dma_wait3A_384 = tpu.memref_squeeze %dma_wait3A_383 : memref<1x128xi32, #tpu.memory_space<vmem>> -> memref<128xi32, #tpu.memory_space<vmem>>
      %dma_wait3A_385 = arith.constant 0 : i32
      %dma_wait3A_386 = arith.constant 0 : i32
      %dma_wait3A_387 = tpu.memref_slice %arg15[%dma_wait3A_385, %dma_wait3A_386] : memref<10240x32xf32, #tpu.memory_space<vmem_shared>> -> memref<10240x32xf32, #tpu.memory_space<vmem_shared>>
      tpu.wait_indirect_dma semaphore(%arg19 : memref<!tpu.dma_semaphore, #tpu.memory_space<semaphore_mem>>) src(%dma_wait3A_387 : memref<10240x32xf32, #tpu.memory_space<vmem_shared>>) dst(%arg11 : memref<128x32xf32, #tpu.memory_space<vmem>>)
      %add3A_388 = arith.constant 1 : i32
      %add3A_389 = arith.addi %add3A_326, %add3A_388 : i32
      %dma_start3A_390 = arith.constant 0 : i32
      %dma_start3A_391 = tpu.memref_slice %arg8[%add3A_389, %dma_start3A_390] : memref<160x128xi32, #tpu.memory_space<vmem>> -> memref<1x128xi32, #tpu.memory_space<vmem>>
      %dma_start3A_392 = tpu.memref_squeeze %dma_start3A_391 : memref<1x128xi32, #tpu.memory_space<vmem>> -> memref<128xi32, #tpu.memory_space<vmem>>
      %dma_start3A_393 = arith.constant 0 : i32
      %dma_start3A_394 = arith.constant 0 : i32
      %dma_start3A_395 = tpu.memref_slice %arg17[%dma_start3A_393, %dma_start3A_394] : memref<10240x32xf32, #tpu.memory_space<vmem_shared>> -> memref<10240x32xf32, #tpu.memory_space<vmem_shared>>
      tpu.enqueue_indirect_dma source(%arg11 : memref<128x32xf32, #tpu.memory_space<vmem>>) target(%dma_start3A_395 : memref<10240x32xf32, #tpu.memory_space<vmem_shared>>) offsets(%dma_start3A_392 : memref<128xi32, #tpu.memory_space<vmem>>) semaphore(%arg23 : memref<!tpu.dma_semaphore, #tpu.memory_space<semaphore_mem>>) {add = true}
      %dma_wait3A_396 = arith.constant 0 : i32
      %dma_wait3A_397 = tpu.memref_slice %arg7[%add3A_345, %dma_wait3A_396] : memref<160x128xi32, #tpu.memory_space<vmem>> -> memref<1x128xi32, #tpu.memory_space<vmem>>
      %dma_wait3A_398 = tpu.memref_squeeze %dma_wait3A_397 : memref<1x128xi32, #tpu.memory_space<vmem>> -> memref<128xi32, #tpu.memory_space<vmem>>
      %dma_wait3A_399 = arith.constant 0 : i32
      %dma_wait3A_400 = arith.constant 0 : i32
      %dma_wait3A_401 = tpu.memref_slice %arg15[%dma_wait3A_399, %dma_wait3A_400] : memref<10240x32xf32, #tpu.memory_space<vmem_shared>> -> memref<10240x32xf32, #tpu.memory_space<vmem_shared>>
      tpu.wait_indirect_dma semaphore(%arg20 : memref<!tpu.dma_semaphore, #tpu.memory_space<semaphore_mem>>) src(%dma_wait3A_401 : memref<10240x32xf32, #tpu.memory_space<vmem_shared>>) dst(%arg12 : memref<128x32xf32, #tpu.memory_space<vmem>>)
      %add3A_402 = arith.constant 2 : i32
      %add3A_403 = arith.addi %add3A_326, %add3A_402 : i32
      %dma_start3A_404 = arith.constant 0 : i32
      %dma_start3A_405 = tpu.memref_slice %arg8[%add3A_403, %dma_start3A_404] : memref<160x128xi32, #tpu.memory_space<vmem>> -> memref<1x128xi32, #tpu.memory_space<vmem>>
      %dma_start3A_406 = tpu.memref_squeeze %dma_start3A_405 : memref<1x128xi32, #tpu.memory_space<vmem>> -> memref<128xi32, #tpu.memory_space<vmem>>
      %dma_start3A_407 = arith.constant 0 : i32
      %dma_start3A_408 = arith.constant 0 : i32
      %dma_start3A_409 = tpu.memref_slice %arg17[%dma_start3A_407, %dma_start3A_408] : memref<10240x32xf32, #tpu.memory_space<vmem_shared>> -> memref<10240x32xf32, #tpu.memory_space<vmem_shared>>
      tpu.enqueue_indirect_dma source(%arg12 : memref<128x32xf32, #tpu.memory_space<vmem>>) target(%dma_start3A_409 : memref<10240x32xf32, #tpu.memory_space<vmem_shared>>) offsets(%dma_start3A_406 : memref<128xi32, #tpu.memory_space<vmem>>) semaphore(%arg23 : memref<!tpu.dma_semaphore, #tpu.memory_space<semaphore_mem>>) {add = true}
      %dma_wait3A_410 = arith.constant 0 : i32
      %dma_wait3A_411 = tpu.memref_slice %arg7[%add3A_353, %dma_wait3A_410] : memref<160x128xi32, #tpu.memory_space<vmem>> -> memref<1x128xi32, #tpu.memory_space<vmem>>
      %dma_wait3A_412 = tpu.memref_squeeze %dma_wait3A_411 : memref<1x128xi32, #tpu.memory_space<vmem>> -> memref<128xi32, #tpu.memory_space<vmem>>
      %dma_wait3A_413 = arith.constant 0 : i32
      %dma_wait3A_414 = arith.constant 0 : i32
      %dma_wait3A_415 = tpu.memref_slice %arg15[%dma_wait3A_413, %dma_wait3A_414] : memref<10240x32xf32, #tpu.memory_space<vmem_shared>> -> memref<10240x32xf32, #tpu.memory_space<vmem_shared>>
      tpu.wait_indirect_dma semaphore(%arg21 : memref<!tpu.dma_semaphore, #tpu.memory_space<semaphore_mem>>) src(%dma_wait3A_415 : memref<10240x32xf32, #tpu.memory_space<vmem_shared>>) dst(%arg13 : memref<128x32xf32, #tpu.memory_space<vmem>>)
      %add3A_416 = arith.constant 3 : i32
      %add3A_417 = arith.addi %add3A_326, %add3A_416 : i32
      %dma_start3A_418 = arith.constant 0 : i32
      %dma_start3A_419 = tpu.memref_slice %arg8[%add3A_417, %dma_start3A_418] : memref<160x128xi32, #tpu.memory_space<vmem>> -> memref<1x128xi32, #tpu.memory_space<vmem>>
      %dma_start3A_420 = tpu.memref_squeeze %dma_start3A_419 : memref<1x128xi32, #tpu.memory_space<vmem>> -> memref<128xi32, #tpu.memory_space<vmem>>
      %dma_start3A_421 = arith.constant 0 : i32
      %dma_start3A_422 = arith.constant 0 : i32
      %dma_start3A_423 = tpu.memref_slice %arg17[%dma_start3A_421, %dma_start3A_422] : memref<10240x32xf32, #tpu.memory_space<vmem_shared>> -> memref<10240x32xf32, #tpu.memory_space<vmem_shared>>
      tpu.enqueue_indirect_dma source(%arg13 : memref<128x32xf32, #tpu.memory_space<vmem>>) target(%dma_start3A_423 : memref<10240x32xf32, #tpu.memory_space<vmem_shared>>) offsets(%dma_start3A_420 : memref<128xi32, #tpu.memory_space<vmem>>) semaphore(%arg23 : memref<!tpu.dma_semaphore, #tpu.memory_space<semaphore_mem>>) {add = true}
      %dma_wait3A_424 = arith.constant 0 : i32
      %dma_wait3A_425 = tpu.memref_slice %arg7[%add3A_361, %dma_wait3A_424] : memref<160x128xi32, #tpu.memory_space<vmem>> -> memref<1x128xi32, #tpu.memory_space<vmem>>
      %dma_wait3A_426 = tpu.memref_squeeze %dma_wait3A_425 : memref<1x128xi32, #tpu.memory_space<vmem>> -> memref<128xi32, #tpu.memory_space<vmem>>
      %dma_wait3A_427 = arith.constant 0 : i32
      %dma_wait3A_428 = arith.constant 0 : i32
      %dma_wait3A_429 = tpu.memref_slice %arg15[%dma_wait3A_427, %dma_wait3A_428] : memref<10240x32xf32, #tpu.memory_space<vmem_shared>> -> memref<10240x32xf32, #tpu.memory_space<vmem_shared>>
      tpu.wait_indirect_dma semaphore(%arg22 : memref<!tpu.dma_semaphore, #tpu.memory_space<semaphore_mem>>) src(%dma_wait3A_429 : memref<10240x32xf32, #tpu.memory_space<vmem_shared>>) dst(%arg14 : memref<128x32xf32, #tpu.memory_space<vmem>>)
      %add3A_430 = arith.constant 4 : i32
      %add3A_431 = arith.addi %add3A_326, %add3A_430 : i32
      %dma_start3A_432 = arith.constant 0 : i32
      %dma_start3A_433 = tpu.memref_slice %arg8[%add3A_431, %dma_start3A_432] : memref<160x128xi32, #tpu.memory_space<vmem>> -> memref<1x128xi32, #tpu.memory_space<vmem>>
      %dma_start3A_434 = tpu.memref_squeeze %dma_start3A_433 : memref<1x128xi32, #tpu.memory_space<vmem>> -> memref<128xi32, #tpu.memory_space<vmem>>
      %dma_start3A_435 = arith.constant 0 : i32
      %dma_start3A_436 = arith.constant 0 : i32
      %dma_start3A_437 = tpu.memref_slice %arg17[%dma_start3A_435, %dma_start3A_436] : memref<10240x32xf32, #tpu.memory_space<vmem_shared>> -> memref<10240x32xf32, #tpu.memory_space<vmem_shared>>
      tpu.enqueue_indirect_dma source(%arg14 : memref<128x32xf32, #tpu.memory_space<vmem>>) target(%dma_start3A_437 : memref<10240x32xf32, #tpu.memory_space<vmem_shared>>) offsets(%dma_start3A_434 : memref<128xi32, #tpu.memory_space<vmem>>) semaphore(%arg23 : memref<!tpu.dma_semaphore, #tpu.memory_space<semaphore_mem>>) {add = true}
    }
    %scan3A_81 = arith.constant 32 : i32
    %dma_wait3A_82 = arith.constant 0 : i32
    %dma_wait3A_83 = arith.constant 0 : i32
    %dma_wait3A_84 = tpu.memref_slice %arg2[%dma_wait3A_82, %dma_wait3A_83] : memref<40960x32xf32, #tpu.memory_space<hbm>> -> memref<128x32xf32, #tpu.memory_space<hbm>>
    %dma_wait3A_85 = arith.constant 0 : i32
    %dma_wait3A_86 = arith.constant 0 : i32
    %dma_wait3A_87 = tpu.memref_slice %arg2[%dma_wait3A_85, %dma_wait3A_86] : memref<40960x32xf32, #tpu.memory_space<hbm>> -> memref<128x32xf32, #tpu.memory_space<hbm>>
    tpu.wait_dma2 semaphore(%arg23 : memref<!tpu.dma_semaphore, #tpu.memory_space<semaphore_mem>>) src(%dma_wait3A_87 : memref<128x32xf32, #tpu.memory_space<hbm>>) dst(%arg10 : memref<128x32xf32, #tpu.memory_space<vmem>>)
    %dma_wait3A_88 = arith.constant 0 : i32
    %dma_wait3A_89 = arith.constant 0 : i32
    %dma_wait3A_90 = tpu.memref_slice %arg2[%dma_wait3A_88, %dma_wait3A_89] : memref<40960x32xf32, #tpu.memory_space<hbm>> -> memref<128x32xf32, #tpu.memory_space<hbm>>
    %dma_wait3A_91 = arith.constant 0 : i32
    %dma_wait3A_92 = arith.constant 0 : i32
    %dma_wait3A_93 = tpu.memref_slice %arg2[%dma_wait3A_91, %dma_wait3A_92] : memref<40960x32xf32, #tpu.memory_space<hbm>> -> memref<128x32xf32, #tpu.memory_space<hbm>>
    tpu.wait_dma2 semaphore(%arg23 : memref<!tpu.dma_semaphore, #tpu.memory_space<semaphore_mem>>) src(%dma_wait3A_93 : memref<128x32xf32, #tpu.memory_space<hbm>>) dst(%arg11 : memref<128x32xf32, #tpu.memory_space<vmem>>)
    %dma_wait3A_94 = arith.constant 0 : i32
    %dma_wait3A_95 = arith.constant 0 : i32
    %dma_wait3A_96 = tpu.memref_slice %arg2[%dma_wait3A_94, %dma_wait3A_95] : memref<40960x32xf32, #tpu.memory_space<hbm>> -> memref<128x32xf32, #tpu.memory_space<hbm>>
    %dma_wait3A_97 = arith.constant 0 : i32
    %dma_wait3A_98 = arith.constant 0 : i32
    %dma_wait3A_99 = tpu.memref_slice %arg2[%dma_wait3A_97, %dma_wait3A_98] : memref<40960x32xf32, #tpu.memory_space<hbm>> -> memref<128x32xf32, #tpu.memory_space<hbm>>
    tpu.wait_dma2 semaphore(%arg23 : memref<!tpu.dma_semaphore, #tpu.memory_space<semaphore_mem>>) src(%dma_wait3A_99 : memref<128x32xf32, #tpu.memory_space<hbm>>) dst(%arg12 : memref<128x32xf32, #tpu.memory_space<vmem>>)
    %dma_wait3A_100 = arith.constant 0 : i32
    %dma_wait3A_101 = arith.constant 0 : i32
    %dma_wait3A_102 = tpu.memref_slice %arg2[%dma_wait3A_100, %dma_wait3A_101] : memref<40960x32xf32, #tpu.memory_space<hbm>> -> memref<128x32xf32, #tpu.memory_space<hbm>>
    %dma_wait3A_103 = arith.constant 0 : i32
    %dma_wait3A_104 = arith.constant 0 : i32
    %dma_wait3A_105 = tpu.memref_slice %arg2[%dma_wait3A_103, %dma_wait3A_104] : memref<40960x32xf32, #tpu.memory_space<hbm>> -> memref<128x32xf32, #tpu.memory_space<hbm>>
    tpu.wait_dma2 semaphore(%arg23 : memref<!tpu.dma_semaphore, #tpu.memory_space<semaphore_mem>>) src(%dma_wait3A_105 : memref<128x32xf32, #tpu.memory_space<hbm>>) dst(%arg13 : memref<128x32xf32, #tpu.memory_space<vmem>>)
    %dma_wait3A_106 = arith.constant 0 : i32
    %dma_wait3A_107 = arith.constant 0 : i32
    %dma_wait3A_108 = tpu.memref_slice %arg2[%dma_wait3A_106, %dma_wait3A_107] : memref<40960x32xf32, #tpu.memory_space<hbm>> -> memref<128x32xf32, #tpu.memory_space<hbm>>
    %dma_wait3A_109 = arith.constant 0 : i32
    %dma_wait3A_110 = arith.constant 0 : i32
    %dma_wait3A_111 = tpu.memref_slice %arg2[%dma_wait3A_109, %dma_wait3A_110] : memref<40960x32xf32, #tpu.memory_space<hbm>> -> memref<128x32xf32, #tpu.memory_space<hbm>>
    tpu.wait_dma2 semaphore(%arg23 : memref<!tpu.dma_semaphore, #tpu.memory_space<semaphore_mem>>) src(%dma_wait3A_111 : memref<128x32xf32, #tpu.memory_space<hbm>>) dst(%arg14 : memref<128x32xf32, #tpu.memory_space<vmem>>)
    %barrier3A_112 = arith.constant 0 : index
    tpu.barrier barrier_id(%barrier3A_112)
    %add3A_113 = arith.constant 0 : i32
    %add3A_114 = arith.addi %mul3A_0, %add3A_113 : i32
    "tpu.region"() ({
      %run_scoped3A = tpu.sem_alloc : memref<!tpu.dma_semaphore, #tpu.memory_space<semaphore_mem>>
      %dma_start3A = arith.constant 0 : i32
      %dma_start3A_322 = tpu.memref_slice %arg16[%add3A_114, %dma_start3A] : memref<10240x32xf32, #tpu.memory_space<vmem_shared>> -> memref<128x32xf32, #tpu.memory_space<vmem_shared>>
      %dma_start3A_323 = arith.constant 0 : i32
      %dma_start3A_324 = tpu.memref_slice %arg16[%add3A_114, %dma_start3A_323] : memref<10240x32xf32, #tpu.memory_space<vmem_shared>> -> memref<128x32xf32, #tpu.memory_space<vmem_shared>>
      tpu.enqueue_dma source(%dma_start3A_324 : memref<128x32xf32, #tpu.memory_space<vmem_shared>>) target(%arg11 : memref<128x32xf32, #tpu.memory_space<vmem>>) target_semaphore(%run_scoped3A : memref<!tpu.dma_semaphore, #tpu.memory_space<semaphore_mem>>)
      %dma_wait3A_325 = arith.constant 0 : i32
      %dma_wait3A_326 = tpu.memref_slice %arg16[%add3A_114, %dma_wait3A_325] : memref<10240x32xf32, #tpu.memory_space<vmem_shared>> -> memref<128x32xf32, #tpu.memory_space<vmem_shared>>
      %dma_wait3A_327 = arith.constant 0 : i32
      %dma_wait3A_328 = tpu.memref_slice %arg16[%add3A_114, %dma_wait3A_327] : memref<10240x32xf32, #tpu.memory_space<vmem_shared>> -> memref<128x32xf32, #tpu.memory_space<vmem_shared>>
      tpu.wait_dma2 semaphore(%run_scoped3A : memref<!tpu.dma_semaphore, #tpu.memory_space<semaphore_mem>>) src(%dma_wait3A_328 : memref<128x32xf32, #tpu.memory_space<vmem_shared>>) dst(%arg11 : memref<128x32xf32, #tpu.memory_space<vmem>>)
      tpu.yield
    }) : () -> ()
    %add3A_115 = arith.constant 0 : i32
    %add3A_116 = arith.addi %mul3A_0, %add3A_115 : i32
    "tpu.region"() ({
      %run_scoped3A = tpu.sem_alloc : memref<!tpu.dma_semaphore, #tpu.memory_space<semaphore_mem>>
      %dma_start3A = arith.constant 0 : i32
      %dma_start3A_322 = tpu.memref_slice %arg17[%add3A_116, %dma_start3A] : memref<10240x32xf32, #tpu.memory_space<vmem_shared>> -> memref<128x32xf32, #tpu.memory_space<vmem_shared>>
      %dma_start3A_323 = arith.constant 0 : i32
      %dma_start3A_324 = tpu.memref_slice %arg17[%add3A_116, %dma_start3A_323] : memref<10240x32xf32, #tpu.memory_space<vmem_shared>> -> memref<128x32xf32, #tpu.memory_space<vmem_shared>>
      tpu.enqueue_dma source(%dma_start3A_324 : memref<128x32xf32, #tpu.memory_space<vmem_shared>>) target(%arg12 : memref<128x32xf32, #tpu.memory_space<vmem>>) target_semaphore(%run_scoped3A : memref<!tpu.dma_semaphore, #tpu.memory_space<semaphore_mem>>)
      %dma_wait3A_325 = arith.constant 0 : i32
      %dma_wait3A_326 = tpu.memref_slice %arg17[%add3A_116, %dma_wait3A_325] : memref<10240x32xf32, #tpu.memory_space<vmem_shared>> -> memref<128x32xf32, #tpu.memory_space<vmem_shared>>
      %dma_wait3A_327 = arith.constant 0 : i32
      %dma_wait3A_328 = tpu.memref_slice %arg17[%add3A_116, %dma_wait3A_327] : memref<10240x32xf32, #tpu.memory_space<vmem_shared>> -> memref<128x32xf32, #tpu.memory_space<vmem_shared>>
      tpu.wait_dma2 semaphore(%run_scoped3A : memref<!tpu.dma_semaphore, #tpu.memory_space<semaphore_mem>>) src(%dma_wait3A_328 : memref<128x32xf32, #tpu.memory_space<vmem_shared>>) dst(%arg12 : memref<128x32xf32, #tpu.memory_space<vmem>>)
      tpu.yield
    }) : () -> ()
    %scan3A_117 = arith.constant 0 : i32
    %scan3A_118 = arith.constant 128 : i32
    %scan3A_119 = arith.addi %scan3A_117, %scan3A_118 : i32
    %scan3A_120 = arith.constant 1 : i32
    scf.for %scan3A_322 = %scan3A_117 to %scan3A_119 step %scan3A_120  : i32 {
      %mul3A_323 = arith.constant 1 : i32
      %mul3A_324 = arith.muli %scan3A_322, %mul3A_323 : i32
      %add3A_325 = arith.constant 0 : i32
      %add3A_326 = arith.addi %add3A_325, %mul3A_324 : i32
      %add3A_327 = arith.constant 0 : i32
      %add3A_328 = arith.addi %add3A_327, %add3A_326 : i32
      %get3A = arith.index_cast %add3A_328 : i32 to index
      %get3A_329 = tpu.vector_load %arg9[%get3A] {strides = array<i32>} : memref<656xf32, #tpu.memory_space<vmem>>, vector<16xf32>,
      %get3A_330 = vector.shape_cast %get3A_329 : vector<16xf32> to vector<16xf32>
      %slice3A = vector.extract_strided_slice %get3A_330 {offsets = [0], sizes = [1], strides = [1]} : vector<16xf32> to vector<1xf32>
      %squeeze3A = vector.extract %slice3A[0] : f32 from vector<1xf32>
      %get3A_331 = arith.index_cast %add3A_326 : i32 to index
      %get3A_332 = arith.constant 0 : index
      %get3A_333 = tpu.vector_load %arg11[%get3A_331, %get3A_332] {strides = array<i32>} : memref<128x32xf32, #tpu.memory_space<vmem>>, vector<1x16xf32>,
      %get3A_334 = vector.shape_cast %get3A_333 : vector<1x16xf32> to vector<16xf32>
      %mul3A_335 = vector.broadcast %squeeze3A : f32 to vector<16xf32>
      %mul3A_336 = arith.mulf %get3A_334, %mul3A_335 : vector<16xf32>
      %swap3A = arith.index_cast %add3A_326 : i32 to index
      %swap3A_337 = arith.constant 0 : index
      %swap3A_338 = tpu.vector_load %arg11[%swap3A, %swap3A_337] {strides = array<i32>} : memref<128x32xf32, #tpu.memory_space<vmem>>, vector<1x16xf32>,
      %swap3A_339 = vector.shape_cast %swap3A_338 : vector<1x16xf32> to vector<16xf32>
      %swap3A_340 = vector.shape_cast %mul3A_336 : vector<16xf32> to vector<1x16xf32>
      tpu.vector_store %arg11[%swap3A, %swap3A_337], %swap3A_340 {strides = array<i32>} : memref<128x32xf32, #tpu.memory_space<vmem>>, vector<1x16xf32>,
      %get3A_341 = arith.index_cast %add3A_326 : i32 to index
      %get3A_342 = arith.constant 0 : index
      %get3A_343 = tpu.vector_load %arg12[%get3A_341, %get3A_342] {strides = array<i32>} : memref<128x32xf32, #tpu.memory_space<vmem>>, vector<1x16xf32>,
      %get3A_344 = vector.shape_cast %get3A_343 : vector<1x16xf32> to vector<16xf32>
      %mul3A_345 = vector.broadcast %squeeze3A : f32 to vector<16xf32>
      %mul3A_346 = arith.mulf %get3A_344, %mul3A_345 : vector<16xf32>
      %swap3A_347 = arith.index_cast %add3A_326 : i32 to index
      %swap3A_348 = arith.constant 0 : index
      %swap3A_349 = tpu.vector_load %arg12[%swap3A_347, %swap3A_348] {strides = array<i32>} : memref<128x32xf32, #tpu.memory_space<vmem>>, vector<1x16xf32>,
      %swap3A_350 = vector.shape_cast %swap3A_349 : vector<1x16xf32> to vector<16xf32>
      %swap3A_351 = vector.shape_cast %mul3A_346 : vector<16xf32> to vector<1x16xf32>
      tpu.vector_store %arg12[%swap3A_347, %swap3A_348], %swap3A_351 {strides = array<i32>} : memref<128x32xf32, #tpu.memory_space<vmem>>, vector<1x16xf32>,
      %get3A_352 = arith.index_cast %add3A_326 : i32 to index
      %get3A_353 = arith.constant 16 : index
      %get3A_354 = tpu.vector_load %arg11[%get3A_352, %get3A_353] {strides = array<i32>} : memref<128x32xf32, #tpu.memory_space<vmem>>, vector<1x16xf32>,
      %get3A_355 = vector.shape_cast %get3A_354 : vector<1x16xf32> to vector<16xf32>
      %mul3A_356 = vector.broadcast %squeeze3A : f32 to vector<16xf32>
      %mul3A_357 = arith.mulf %get3A_355, %mul3A_356 : vector<16xf32>
      %swap3A_358 = arith.index_cast %add3A_326 : i32 to index
      %swap3A_359 = arith.constant 16 : index
      %swap3A_360 = tpu.vector_load %arg11[%swap3A_358, %swap3A_359] {strides = array<i32>} : memref<128x32xf32, #tpu.memory_space<vmem>>, vector<1x16xf32>,
      %swap3A_361 = vector.shape_cast %swap3A_360 : vector<1x16xf32> to vector<16xf32>
      %swap3A_362 = vector.shape_cast %mul3A_357 : vector<16xf32> to vector<1x16xf32>
      tpu.vector_store %arg11[%swap3A_358, %swap3A_359], %swap3A_362 {strides = array<i32>} : memref<128x32xf32, #tpu.memory_space<vmem>>, vector<1x16xf32>,
      %get3A_363 = arith.index_cast %add3A_326 : i32 to index
      %get3A_364 = arith.constant 16 : index
      %get3A_365 = tpu.vector_load %arg12[%get3A_363, %get3A_364] {strides = array<i32>} : memref<128x32xf32, #tpu.memory_space<vmem>>, vector<1x16xf32>,
      %get3A_366 = vector.shape_cast %get3A_365 : vector<1x16xf32> to vector<16xf32>
      %mul3A_367 = vector.broadcast %squeeze3A : f32 to vector<16xf32>
      %mul3A_368 = arith.mulf %get3A_366, %mul3A_367 : vector<16xf32>
      %swap3A_369 = arith.index_cast %add3A_326 : i32 to index
      %swap3A_370 = arith.constant 16 : index
      %swap3A_371 = tpu.vector_load %arg12[%swap3A_369, %swap3A_370] {strides = array<i32>} : memref<128x32xf32, #tpu.memory_space<vmem>>, vector<1x16xf32>,
      %swap3A_372 = vector.shape_cast %swap3A_371 : vector<1x16xf32> to vector<16xf32>
      %swap3A_373 = vector.shape_cast %mul3A_368 : vector<16xf32> to vector<1x16xf32>
      tpu.vector_store %arg12[%swap3A_369, %swap3A_370], %swap3A_373 {strides = array<i32>} : memref<128x32xf32, #tpu.memory_space<vmem>>, vector<1x16xf32>,
    }
    %scan3A_121 = arith.constant 128 : i32
    %add3A_122 = arith.constant 0 : i32
    %add3A_123 = arith.addi %mul3A_0, %add3A_122 : i32
    "tpu.region"() ({
      %run_scoped3A = tpu.sem_alloc : memref<!tpu.dma_semaphore, #tpu.memory_space<semaphore_mem>>
      %dma_start3A = arith.constant 0 : i32
      %dma_start3A_322 = tpu.memref_slice %arg16[%add3A_123, %dma_start3A] : memref<10240x32xf32, #tpu.memory_space<vmem_shared>> -> memref<128x32xf32, #tpu.memory_space<vmem_shared>>
      %dma_start3A_323 = arith.constant 0 : i32
      %dma_start3A_324 = tpu.memref_slice %arg16[%add3A_123, %dma_start3A_323] : memref<10240x32xf32, #tpu.memory_space<vmem_shared>> -> memref<128x32xf32, #tpu.memory_space<vmem_shared>>
      tpu.enqueue_dma source(%arg11 : memref<128x32xf32, #tpu.memory_space<vmem>>) target(%dma_start3A_324 : memref<128x32xf32, #tpu.memory_space<vmem_shared>>) target_semaphore(%run_scoped3A : memref<!tpu.dma_semaphore, #tpu.memory_space<semaphore_mem>>)
      %dma_wait3A_325 = arith.constant 0 : i32
      %dma_wait3A_326 = tpu.memref_slice %arg16[%add3A_123, %dma_wait3A_325] : memref<10240x32xf32, #tpu.memory_space<vmem_shared>> -> memref<128x32xf32, #tpu.memory_space<vmem_shared>>
      %dma_wait3A_327 = arith.constant 0 : i32
      %dma_wait3A_328 = tpu.memref_slice %arg16[%add3A_123, %dma_wait3A_327] : memref<10240x32xf32, #tpu.memory_space<vmem_shared>> -> memref<128x32xf32, #tpu.memory_space<vmem_shared>>
      tpu.wait_dma2 semaphore(%run_scoped3A : memref<!tpu.dma_semaphore, #tpu.memory_space<semaphore_mem>>) src(%arg11 : memref<128x32xf32, #tpu.memory_space<vmem>>) dst(%dma_wait3A_328 : memref<128x32xf32, #tpu.memory_space<vmem_shared>>)
      tpu.yield
    }) : () -> ()
    %add3A_124 = arith.constant 0 : i32
    %add3A_125 = arith.addi %mul3A_0, %add3A_124 : i32
    "tpu.region"() ({
      %run_scoped3A = tpu.sem_alloc : memref<!tpu.dma_semaphore, #tpu.memory_space<semaphore_mem>>
      %dma_start3A = arith.constant 0 : i32
      %dma_start3A_322 = tpu.memref_slice %arg17[%add3A_125, %dma_start3A] : memref<10240x32xf32, #tpu.memory_space<vmem_shared>> -> memref<128x32xf32, #tpu.memory_space<vmem_shared>>
      %dma_start3A_323 = arith.constant 0 : i32
      %dma_start3A_324 = tpu.memref_slice %arg17[%add3A_125, %dma_start3A_323] : memref<10240x32xf32, #tpu.memory_space<vmem_shared>> -> memref<128x32xf32, #tpu.memory_space<vmem_shared>>
      tpu.enqueue_dma source(%arg12 : memref<128x32xf32, #tpu.memory_space<vmem>>) target(%dma_start3A_324 : memref<128x32xf32, #tpu.memory_space<vmem_shared>>) target_semaphore(%run_scoped3A : memref<!tpu.dma_semaphore, #tpu.memory_space<semaphore_mem>>)
      %dma_wait3A_325 = arith.constant 0 : i32
      %dma_wait3A_326 = tpu.memref_slice %arg17[%add3A_125, %dma_wait3A_325] : memref<10240x32xf32, #tpu.memory_space<vmem_shared>> -> memref<128x32xf32, #tpu.memory_space<vmem_shared>>
      %dma_wait3A_327 = arith.constant 0 : i32
      %dma_wait3A_328 = tpu.memref_slice %arg17[%add3A_125, %dma_wait3A_327] : memref<10240x32xf32, #tpu.memory_space<vmem_shared>> -> memref<128x32xf32, #tpu.memory_space<vmem_shared>>
      tpu.wait_dma2 semaphore(%run_scoped3A : memref<!tpu.dma_semaphore, #tpu.memory_space<semaphore_mem>>) src(%arg12 : memref<128x32xf32, #tpu.memory_space<vmem>>) dst(%dma_wait3A_328 : memref<128x32xf32, #tpu.memory_space<vmem_shared>>)
      tpu.yield
    }) : () -> ()
    %add3A_126 = arith.constant 128 : i32
    %add3A_127 = arith.addi %mul3A_0, %add3A_126 : i32
    "tpu.region"() ({
      %run_scoped3A = tpu.sem_alloc : memref<!tpu.dma_semaphore, #tpu.memory_space<semaphore_mem>>
      %dma_start3A = arith.constant 0 : i32
      %dma_start3A_322 = tpu.memref_slice %arg16[%add3A_127, %dma_start3A] : memref<10240x32xf32, #tpu.memory_space<vmem_shared>> -> memref<128x32xf32, #tpu.memory_space<vmem_shared>>
      %dma_start3A_323 = arith.constant 0 : i32
      %dma_start3A_324 = tpu.memref_slice %arg16[%add3A_127, %dma_start3A_323] : memref<10240x32xf32, #tpu.memory_space<vmem_shared>> -> memref<128x32xf32, #tpu.memory_space<vmem_shared>>
      tpu.enqueue_dma source(%dma_start3A_324 : memref<128x32xf32, #tpu.memory_space<vmem_shared>>) target(%arg11 : memref<128x32xf32, #tpu.memory_space<vmem>>) target_semaphore(%run_scoped3A : memref<!tpu.dma_semaphore, #tpu.memory_space<semaphore_mem>>)
      %dma_wait3A_325 = arith.constant 0 : i32
      %dma_wait3A_326 = tpu.memref_slice %arg16[%add3A_127, %dma_wait3A_325] : memref<10240x32xf32, #tpu.memory_space<vmem_shared>> -> memref<128x32xf32, #tpu.memory_space<vmem_shared>>
      %dma_wait3A_327 = arith.constant 0 : i32
      %dma_wait3A_328 = tpu.memref_slice %arg16[%add3A_127, %dma_wait3A_327] : memref<10240x32xf32, #tpu.memory_space<vmem_shared>> -> memref<128x32xf32, #tpu.memory_space<vmem_shared>>
      tpu.wait_dma2 semaphore(%run_scoped3A : memref<!tpu.dma_semaphore, #tpu.memory_space<semaphore_mem>>) src(%dma_wait3A_328 : memref<128x32xf32, #tpu.memory_space<vmem_shared>>) dst(%arg11 : memref<128x32xf32, #tpu.memory_space<vmem>>)
      tpu.yield
    }) : () -> ()
    %add3A_128 = arith.constant 128 : i32
    %add3A_129 = arith.addi %mul3A_0, %add3A_128 : i32
    "tpu.region"() ({
      %run_scoped3A = tpu.sem_alloc : memref<!tpu.dma_semaphore, #tpu.memory_space<semaphore_mem>>
      %dma_start3A = arith.constant 0 : i32
      %dma_start3A_322 = tpu.memref_slice %arg17[%add3A_129, %dma_start3A] : memref<10240x32xf32, #tpu.memory_space<vmem_shared>> -> memref<128x32xf32, #tpu.memory_space<vmem_shared>>
      %dma_start3A_323 = arith.constant 0 : i32
      %dma_start3A_324 = tpu.memref_slice %arg17[%add3A_129, %dma_start3A_323] : memref<10240x32xf32, #tpu.memory_space<vmem_shared>> -> memref<128x32xf32, #tpu.memory_space<vmem_shared>>
      tpu.enqueue_dma source(%dma_start3A_324 : memref<128x32xf32, #tpu.memory_space<vmem_shared>>) target(%arg12 : memref<128x32xf32, #tpu.memory_space<vmem>>) target_semaphore(%run_scoped3A : memref<!tpu.dma_semaphore, #tpu.memory_space<semaphore_mem>>)
      %dma_wait3A_325 = arith.constant 0 : i32
      %dma_wait3A_326 = tpu.memref_slice %arg17[%add3A_129, %dma_wait3A_325] : memref<10240x32xf32, #tpu.memory_space<vmem_shared>> -> memref<128x32xf32, #tpu.memory_space<vmem_shared>>
      %dma_wait3A_327 = arith.constant 0 : i32
      %dma_wait3A_328 = tpu.memref_slice %arg17[%add3A_129, %dma_wait3A_327] : memref<10240x32xf32, #tpu.memory_space<vmem_shared>> -> memref<128x32xf32, #tpu.memory_space<vmem_shared>>
      tpu.wait_dma2 semaphore(%run_scoped3A : memref<!tpu.dma_semaphore, #tpu.memory_space<semaphore_mem>>) src(%dma_wait3A_328 : memref<128x32xf32, #tpu.memory_space<vmem_shared>>) dst(%arg12 : memref<128x32xf32, #tpu.memory_space<vmem>>)
      tpu.yield
    }) : () -> ()
    %scan3A_130 = arith.constant 0 : i32
    %scan3A_131 = arith.constant 128 : i32
    %scan3A_132 = arith.addi %scan3A_130, %scan3A_131 : i32
    %scan3A_133 = arith.constant 1 : i32
    scf.for %scan3A_322 = %scan3A_130 to %scan3A_132 step %scan3A_133  : i32 {
      %mul3A_323 = arith.constant 1 : i32
      %mul3A_324 = arith.muli %scan3A_322, %mul3A_323 : i32
      %add3A_325 = arith.constant 0 : i32
      %add3A_326 = arith.addi %add3A_325, %mul3A_324 : i32
      %add3A_327 = arith.constant 128 : i32
      %add3A_328 = arith.addi %add3A_327, %add3A_326 : i32
      %get3A = arith.index_cast %add3A_328 : i32 to index
      %get3A_329 = tpu.vector_load %arg9[%get3A] {strides = array<i32>} : memref<656xf32, #tpu.memory_space<vmem>>, vector<16xf32>,
      %get3A_330 = vector.shape_cast %get3A_329 : vector<16xf32> to vector<16xf32>
      %slice3A = vector.extract_strided_slice %get3A_330 {offsets = [0], sizes = [1], strides = [1]} : vector<16xf32> to vector<1xf32>
      %squeeze3A = vector.extract %slice3A[0] : f32 from vector<1xf32>
      %get3A_331 = arith.index_cast %add3A_326 : i32 to index
      %get3A_332 = arith.constant 0 : index
      %get3A_333 = tpu.vector_load %arg11[%get3A_331, %get3A_332] {strides = array<i32>} : memref<128x32xf32, #tpu.memory_space<vmem>>, vector<1x16xf32>,
      %get3A_334 = vector.shape_cast %get3A_333 : vector<1x16xf32> to vector<16xf32>
      %mul3A_335 = vector.broadcast %squeeze3A : f32 to vector<16xf32>
      %mul3A_336 = arith.mulf %get3A_334, %mul3A_335 : vector<16xf32>
      %swap3A = arith.index_cast %add3A_326 : i32 to index
      %swap3A_337 = arith.constant 0 : index
      %swap3A_338 = tpu.vector_load %arg11[%swap3A, %swap3A_337] {strides = array<i32>} : memref<128x32xf32, #tpu.memory_space<vmem>>, vector<1x16xf32>,
      %swap3A_339 = vector.shape_cast %swap3A_338 : vector<1x16xf32> to vector<16xf32>
      %swap3A_340 = vector.shape_cast %mul3A_336 : vector<16xf32> to vector<1x16xf32>
      tpu.vector_store %arg11[%swap3A, %swap3A_337], %swap3A_340 {strides = array<i32>} : memref<128x32xf32, #tpu.memory_space<vmem>>, vector<1x16xf32>,
      %get3A_341 = arith.index_cast %add3A_326 : i32 to index
      %get3A_342 = arith.constant 0 : index
      %get3A_343 = tpu.vector_load %arg12[%get3A_341, %get3A_342] {strides = array<i32>} : memref<128x32xf32, #tpu.memory_space<vmem>>, vector<1x16xf32>,
      %get3A_344 = vector.shape_cast %get3A_343 : vector<1x16xf32> to vector<16xf32>
      %mul3A_345 = vector.broadcast %squeeze3A : f32 to vector<16xf32>
      %mul3A_346 = arith.mulf %get3A_344, %mul3A_345 : vector<16xf32>
      %swap3A_347 = arith.index_cast %add3A_326 : i32 to index
      %swap3A_348 = arith.constant 0 : index
      %swap3A_349 = tpu.vector_load %arg12[%swap3A_347, %swap3A_348] {strides = array<i32>} : memref<128x32xf32, #tpu.memory_space<vmem>>, vector<1x16xf32>,
      %swap3A_350 = vector.shape_cast %swap3A_349 : vector<1x16xf32> to vector<16xf32>
      %swap3A_351 = vector.shape_cast %mul3A_346 : vector<16xf32> to vector<1x16xf32>
      tpu.vector_store %arg12[%swap3A_347, %swap3A_348], %swap3A_351 {strides = array<i32>} : memref<128x32xf32, #tpu.memory_space<vmem>>, vector<1x16xf32>,
      %get3A_352 = arith.index_cast %add3A_326 : i32 to index
      %get3A_353 = arith.constant 16 : index
      %get3A_354 = tpu.vector_load %arg11[%get3A_352, %get3A_353] {strides = array<i32>} : memref<128x32xf32, #tpu.memory_space<vmem>>, vector<1x16xf32>,
      %get3A_355 = vector.shape_cast %get3A_354 : vector<1x16xf32> to vector<16xf32>
      %mul3A_356 = vector.broadcast %squeeze3A : f32 to vector<16xf32>
      %mul3A_357 = arith.mulf %get3A_355, %mul3A_356 : vector<16xf32>
      %swap3A_358 = arith.index_cast %add3A_326 : i32 to index
      %swap3A_359 = arith.constant 16 : index
      %swap3A_360 = tpu.vector_load %arg11[%swap3A_358, %swap3A_359] {strides = array<i32>} : memref<128x32xf32, #tpu.memory_space<vmem>>, vector<1x16xf32>,
      %swap3A_361 = vector.shape_cast %swap3A_360 : vector<1x16xf32> to vector<16xf32>
      %swap3A_362 = vector.shape_cast %mul3A_357 : vector<16xf32> to vector<1x16xf32>
      tpu.vector_store %arg11[%swap3A_358, %swap3A_359], %swap3A_362 {strides = array<i32>} : memref<128x32xf32, #tpu.memory_space<vmem>>, vector<1x16xf32>,
      %get3A_363 = arith.index_cast %add3A_326 : i32 to index
      %get3A_364 = arith.constant 16 : index
      %get3A_365 = tpu.vector_load %arg12[%get3A_363, %get3A_364] {strides = array<i32>} : memref<128x32xf32, #tpu.memory_space<vmem>>, vector<1x16xf32>,
      %get3A_366 = vector.shape_cast %get3A_365 : vector<1x16xf32> to vector<16xf32>
      %mul3A_367 = vector.broadcast %squeeze3A : f32 to vector<16xf32>
      %mul3A_368 = arith.mulf %get3A_366, %mul3A_367 : vector<16xf32>
      %swap3A_369 = arith.index_cast %add3A_326 : i32 to index
      %swap3A_370 = arith.constant 16 : index
      %swap3A_371 = tpu.vector_load %arg12[%swap3A_369, %swap3A_370] {strides = array<i32>} : memref<128x32xf32, #tpu.memory_space<vmem>>, vector<1x16xf32>,
      %swap3A_372 = vector.shape_cast %swap3A_371 : vector<1x16xf32> to vector<16xf32>
      %swap3A_373 = vector.shape_cast %mul3A_368 : vector<16xf32> to vector<1x16xf32>
      tpu.vector_store %arg12[%swap3A_369, %swap3A_370], %swap3A_373 {strides = array<i32>} : memref<128x32xf32, #tpu.memory_space<vmem>>, vector<1x16xf32>,
    }
    %scan3A_134 = arith.constant 128 : i32
    %add3A_135 = arith.constant 128 : i32
    %add3A_136 = arith.addi %mul3A_0, %add3A_135 : i32
    "tpu.region"() ({
      %run_scoped3A = tpu.sem_alloc : memref<!tpu.dma_semaphore, #tpu.memory_space<semaphore_mem>>
      %dma_start3A = arith.constant 0 : i32
      %dma_start3A_322 = tpu.memref_slice %arg16[%add3A_136, %dma_start3A] : memref<10240x32xf32, #tpu.memory_space<vmem_shared>> -> memref<128x32xf32, #tpu.memory_space<vmem_shared>>
      %dma_start3A_323 = arith.constant 0 : i32
      %dma_start3A_324 = tpu.memref_slice %arg16[%add3A_136, %dma_start3A_323] : memref<10240x32xf32, #tpu.memory_space<vmem_shared>> -> memref<128x32xf32, #tpu.memory_space<vmem_shared>>
      tpu.enqueue_dma source(%arg11 : memref<128x32xf32, #tpu.memory_space<vmem>>) target(%dma_start3A_324 : memref<128x32xf32, #tpu.memory_space<vmem_shared>>) target_semaphore(%run_scoped3A : memref<!tpu.dma_semaphore, #tpu.memory_space<semaphore_mem>>)
      %dma_wait3A_325 = arith.constant 0 : i32
      %dma_wait3A_326 = tpu.memref_slice %arg16[%add3A_136, %dma_wait3A_325] : memref<10240x32xf32, #tpu.memory_space<vmem_shared>> -> memref<128x32xf32, #tpu.memory_space<vmem_shared>>
      %dma_wait3A_327 = arith.constant 0 : i32
      %dma_wait3A_328 = tpu.memref_slice %arg16[%add3A_136, %dma_wait3A_327] : memref<10240x32xf32, #tpu.memory_space<vmem_shared>> -> memref<128x32xf32, #tpu.memory_space<vmem_shared>>
      tpu.wait_dma2 semaphore(%run_scoped3A : memref<!tpu.dma_semaphore, #tpu.memory_space<semaphore_mem>>) src(%arg11 : memref<128x32xf32, #tpu.memory_space<vmem>>) dst(%dma_wait3A_328 : memref<128x32xf32, #tpu.memory_space<vmem_shared>>)
      tpu.yield
    }) : () -> ()
    %add3A_137 = arith.constant 128 : i32
    %add3A_138 = arith.addi %mul3A_0, %add3A_137 : i32
    "tpu.region"() ({
      %run_scoped3A = tpu.sem_alloc : memref<!tpu.dma_semaphore, #tpu.memory_space<semaphore_mem>>
      %dma_start3A = arith.constant 0 : i32
      %dma_start3A_322 = tpu.memref_slice %arg17[%add3A_138, %dma_start3A] : memref<10240x32xf32, #tpu.memory_space<vmem_shared>> -> memref<128x32xf32, #tpu.memory_space<vmem_shared>>
      %dma_start3A_323 = arith.constant 0 : i32
      %dma_start3A_324 = tpu.memref_slice %arg17[%add3A_138, %dma_start3A_323] : memref<10240x32xf32, #tpu.memory_space<vmem_shared>> -> memref<128x32xf32, #tpu.memory_space<vmem_shared>>
      tpu.enqueue_dma source(%arg12 : memref<128x32xf32, #tpu.memory_space<vmem>>) target(%dma_start3A_324 : memref<128x32xf32, #tpu.memory_space<vmem_shared>>) target_semaphore(%run_scoped3A : memref<!tpu.dma_semaphore, #tpu.memory_space<semaphore_mem>>)
      %dma_wait3A_325 = arith.constant 0 : i32
      %dma_wait3A_326 = tpu.memref_slice %arg17[%add3A_138, %dma_wait3A_325] : memref<10240x32xf32, #tpu.memory_space<vmem_shared>> -> memref<128x32xf32, #tpu.memory_space<vmem_shared>>
      %dma_wait3A_327 = arith.constant 0 : i32
      %dma_wait3A_328 = tpu.memref_slice %arg17[%add3A_138, %dma_wait3A_327] : memref<10240x32xf32, #tpu.memory_space<vmem_shared>> -> memref<128x32xf32, #tpu.memory_space<vmem_shared>>
      tpu.wait_dma2 semaphore(%run_scoped3A : memref<!tpu.dma_semaphore, #tpu.memory_space<semaphore_mem>>) src(%arg12 : memref<128x32xf32, #tpu.memory_space<vmem>>) dst(%dma_wait3A_328 : memref<128x32xf32, #tpu.memory_space<vmem_shared>>)
      tpu.yield
    }) : () -> ()
    %add3A_139 = arith.constant 256 : i32
    %add3A_140 = arith.addi %mul3A_0, %add3A_139 : i32
    "tpu.region"() ({
      %run_scoped3A = tpu.sem_alloc : memref<!tpu.dma_semaphore, #tpu.memory_space<semaphore_mem>>
      %dma_start3A = arith.constant 0 : i32
      %dma_start3A_322 = tpu.memref_slice %arg16[%add3A_140, %dma_start3A] : memref<10240x32xf32, #tpu.memory_space<vmem_shared>> -> memref<128x32xf32, #tpu.memory_space<vmem_shared>>
      %dma_start3A_323 = arith.constant 0 : i32
      %dma_start3A_324 = tpu.memref_slice %arg16[%add3A_140, %dma_start3A_323] : memref<10240x32xf32, #tpu.memory_space<vmem_shared>> -> memref<128x32xf32, #tpu.memory_space<vmem_shared>>
      tpu.enqueue_dma source(%dma_start3A_324 : memref<128x32xf32, #tpu.memory_space<vmem_shared>>) target(%arg11 : memref<128x32xf32, #tpu.memory_space<vmem>>) target_semaphore(%run_scoped3A : memref<!tpu.dma_semaphore, #tpu.memory_space<semaphore_mem>>)
      %dma_wait3A_325 = arith.constant 0 : i32
      %dma_wait3A_326 = tpu.memref_slice %arg16[%add3A_140, %dma_wait3A_325] : memref<10240x32xf32, #tpu.memory_space<vmem_shared>> -> memref<128x32xf32, #tpu.memory_space<vmem_shared>>
      %dma_wait3A_327 = arith.constant 0 : i32
      %dma_wait3A_328 = tpu.memref_slice %arg16[%add3A_140, %dma_wait3A_327] : memref<10240x32xf32, #tpu.memory_space<vmem_shared>> -> memref<128x32xf32, #tpu.memory_space<vmem_shared>>
      tpu.wait_dma2 semaphore(%run_scoped3A : memref<!tpu.dma_semaphore, #tpu.memory_space<semaphore_mem>>) src(%dma_wait3A_328 : memref<128x32xf32, #tpu.memory_space<vmem_shared>>) dst(%arg11 : memref<128x32xf32, #tpu.memory_space<vmem>>)
      tpu.yield
    }) : () -> ()
    %add3A_141 = arith.constant 256 : i32
    %add3A_142 = arith.addi %mul3A_0, %add3A_141 : i32
    "tpu.region"() ({
      %run_scoped3A = tpu.sem_alloc : memref<!tpu.dma_semaphore, #tpu.memory_space<semaphore_mem>>
      %dma_start3A = arith.constant 0 : i32
      %dma_start3A_322 = tpu.memref_slice %arg17[%add3A_142, %dma_start3A] : memref<10240x32xf32, #tpu.memory_space<vmem_shared>> -> memref<128x32xf32, #tpu.memory_space<vmem_shared>>
      %dma_start3A_323 = arith.constant 0 : i32
      %dma_start3A_324 = tpu.memref_slice %arg17[%add3A_142, %dma_start3A_323] : memref<10240x32xf32, #tpu.memory_space<vmem_shared>> -> memref<128x32xf32, #tpu.memory_space<vmem_shared>>
      tpu.enqueue_dma source(%dma_start3A_324 : memref<128x32xf32, #tpu.memory_space<vmem_shared>>) target(%arg12 : memref<128x32xf32, #tpu.memory_space<vmem>>) target_semaphore(%run_scoped3A : memref<!tpu.dma_semaphore, #tpu.memory_space<semaphore_mem>>)
      %dma_wait3A_325 = arith.constant 0 : i32
      %dma_wait3A_326 = tpu.memref_slice %arg17[%add3A_142, %dma_wait3A_325] : memref<10240x32xf32, #tpu.memory_space<vmem_shared>> -> memref<128x32xf32, #tpu.memory_space<vmem_shared>>
      %dma_wait3A_327 = arith.constant 0 : i32
      %dma_wait3A_328 = tpu.memref_slice %arg17[%add3A_142, %dma_wait3A_327] : memref<10240x32xf32, #tpu.memory_space<vmem_shared>> -> memref<128x32xf32, #tpu.memory_space<vmem_shared>>
      tpu.wait_dma2 semaphore(%run_scoped3A : memref<!tpu.dma_semaphore, #tpu.memory_space<semaphore_mem>>) src(%dma_wait3A_328 : memref<128x32xf32, #tpu.memory_space<vmem_shared>>) dst(%arg12 : memref<128x32xf32, #tpu.memory_space<vmem>>)
      tpu.yield
    }) : () -> ()
    %scan3A_143 = arith.constant 0 : i32
    %scan3A_144 = arith.constant 128 : i32
    %scan3A_145 = arith.addi %scan3A_143, %scan3A_144 : i32
    %scan3A_146 = arith.constant 1 : i32
    scf.for %scan3A_322 = %scan3A_143 to %scan3A_145 step %scan3A_146  : i32 {
      %mul3A_323 = arith.constant 1 : i32
      %mul3A_324 = arith.muli %scan3A_322, %mul3A_323 : i32
      %add3A_325 = arith.constant 0 : i32
      %add3A_326 = arith.addi %add3A_325, %mul3A_324 : i32
      %add3A_327 = arith.constant 256 : i32
      %add3A_328 = arith.addi %add3A_327, %add3A_326 : i32
      %get3A = arith.index_cast %add3A_328 : i32 to index
      %get3A_329 = tpu.vector_load %arg9[%get3A] {strides = array<i32>} : memref<656xf32, #tpu.memory_space<vmem>>, vector<16xf32>,
      %get3A_330 = vector.shape_cast %get3A_329 : vector<16xf32> to vector<16xf32>
      %slice3A = vector.extract_strided_slice %get3A_330 {offsets = [0], sizes = [1], strides = [1]} : vector<16xf32> to vector<1xf32>
      %squeeze3A = vector.extract %slice3A[0] : f32 from vector<1xf32>
      %get3A_331 = arith.index_cast %add3A_326 : i32 to index
      %get3A_332 = arith.constant 0 : index
      %get3A_333 = tpu.vector_load %arg11[%get3A_331, %get3A_332] {strides = array<i32>} : memref<128x32xf32, #tpu.memory_space<vmem>>, vector<1x16xf32>,
      %get3A_334 = vector.shape_cast %get3A_333 : vector<1x16xf32> to vector<16xf32>
      %mul3A_335 = vector.broadcast %squeeze3A : f32 to vector<16xf32>
      %mul3A_336 = arith.mulf %get3A_334, %mul3A_335 : vector<16xf32>
      %swap3A = arith.index_cast %add3A_326 : i32 to index
      %swap3A_337 = arith.constant 0 : index
      %swap3A_338 = tpu.vector_load %arg11[%swap3A, %swap3A_337] {strides = array<i32>} : memref<128x32xf32, #tpu.memory_space<vmem>>, vector<1x16xf32>,
      %swap3A_339 = vector.shape_cast %swap3A_338 : vector<1x16xf32> to vector<16xf32>
      %swap3A_340 = vector.shape_cast %mul3A_336 : vector<16xf32> to vector<1x16xf32>
      tpu.vector_store %arg11[%swap3A, %swap3A_337], %swap3A_340 {strides = array<i32>} : memref<128x32xf32, #tpu.memory_space<vmem>>, vector<1x16xf32>,
      %get3A_341 = arith.index_cast %add3A_326 : i32 to index
      %get3A_342 = arith.constant 0 : index
      %get3A_343 = tpu.vector_load %arg12[%get3A_341, %get3A_342] {strides = array<i32>} : memref<128x32xf32, #tpu.memory_space<vmem>>, vector<1x16xf32>,
      %get3A_344 = vector.shape_cast %get3A_343 : vector<1x16xf32> to vector<16xf32>
      %mul3A_345 = vector.broadcast %squeeze3A : f32 to vector<16xf32>
      %mul3A_346 = arith.mulf %get3A_344, %mul3A_345 : vector<16xf32>
      %swap3A_347 = arith.index_cast %add3A_326 : i32 to index
      %swap3A_348 = arith.constant 0 : index
      %swap3A_349 = tpu.vector_load %arg12[%swap3A_347, %swap3A_348] {strides = array<i32>} : memref<128x32xf32, #tpu.memory_space<vmem>>, vector<1x16xf32>,
      %swap3A_350 = vector.shape_cast %swap3A_349 : vector<1x16xf32> to vector<16xf32>
      %swap3A_351 = vector.shape_cast %mul3A_346 : vector<16xf32> to vector<1x16xf32>
      tpu.vector_store %arg12[%swap3A_347, %swap3A_348], %swap3A_351 {strides = array<i32>} : memref<128x32xf32, #tpu.memory_space<vmem>>, vector<1x16xf32>,
      %get3A_352 = arith.index_cast %add3A_326 : i32 to index
      %get3A_353 = arith.constant 16 : index
      %get3A_354 = tpu.vector_load %arg11[%get3A_352, %get3A_353] {strides = array<i32>} : memref<128x32xf32, #tpu.memory_space<vmem>>, vector<1x16xf32>,
      %get3A_355 = vector.shape_cast %get3A_354 : vector<1x16xf32> to vector<16xf32>
      %mul3A_356 = vector.broadcast %squeeze3A : f32 to vector<16xf32>
      %mul3A_357 = arith.mulf %get3A_355, %mul3A_356 : vector<16xf32>
      %swap3A_358 = arith.index_cast %add3A_326 : i32 to index
      %swap3A_359 = arith.constant 16 : index
      %swap3A_360 = tpu.vector_load %arg11[%swap3A_358, %swap3A_359] {strides = array<i32>} : memref<128x32xf32, #tpu.memory_space<vmem>>, vector<1x16xf32>,
      %swap3A_361 = vector.shape_cast %swap3A_360 : vector<1x16xf32> to vector<16xf32>
      %swap3A_362 = vector.shape_cast %mul3A_357 : vector<16xf32> to vector<1x16xf32>
      tpu.vector_store %arg11[%swap3A_358, %swap3A_359], %swap3A_362 {strides = array<i32>} : memref<128x32xf32, #tpu.memory_space<vmem>>, vector<1x16xf32>,
      %get3A_363 = arith.index_cast %add3A_326 : i32 to index
      %get3A_364 = arith.constant 16 : index
      %get3A_365 = tpu.vector_load %arg12[%get3A_363, %get3A_364] {strides = array<i32>} : memref<128x32xf32, #tpu.memory_space<vmem>>, vector<1x16xf32>,
      %get3A_366 = vector.shape_cast %get3A_365 : vector<1x16xf32> to vector<16xf32>
      %mul3A_367 = vector.broadcast %squeeze3A : f32 to vector<16xf32>
      %mul3A_368 = arith.mulf %get3A_366, %mul3A_367 : vector<16xf32>
      %swap3A_369 = arith.index_cast %add3A_326 : i32 to index
      %swap3A_370 = arith.constant 16 : index
      %swap3A_371 = tpu.vector_load %arg12[%swap3A_369, %swap3A_370] {strides = array<i32>} : memref<128x32xf32, #tpu.memory_space<vmem>>, vector<1x16xf32>,
      %swap3A_372 = vector.shape_cast %swap3A_371 : vector<1x16xf32> to vector<16xf32>
      %swap3A_373 = vector.shape_cast %mul3A_368 : vector<16xf32> to vector<1x16xf32>
      tpu.vector_store %arg12[%swap3A_369, %swap3A_370], %swap3A_373 {strides = array<i32>} : memref<128x32xf32, #tpu.memory_space<vmem>>, vector<1x16xf32>,
    }
    %scan3A_147 = arith.constant 128 : i32
    %add3A_148 = arith.constant 256 : i32
    %add3A_149 = arith.addi %mul3A_0, %add3A_148 : i32
    "tpu.region"() ({
      %run_scoped3A = tpu.sem_alloc : memref<!tpu.dma_semaphore, #tpu.memory_space<semaphore_mem>>
      %dma_start3A = arith.constant 0 : i32
      %dma_start3A_322 = tpu.memref_slice %arg16[%add3A_149, %dma_start3A] : memref<10240x32xf32, #tpu.memory_space<vmem_shared>> -> memref<128x32xf32, #tpu.memory_space<vmem_shared>>
      %dma_start3A_323 = arith.constant 0 : i32
      %dma_start3A_324 = tpu.memref_slice %arg16[%add3A_149, %dma_start3A_323] : memref<10240x32xf32, #tpu.memory_space<vmem_shared>> -> memref<128x32xf32, #tpu.memory_space<vmem_shared>>
      tpu.enqueue_dma source(%arg11 : memref<128x32xf32, #tpu.memory_space<vmem>>) target(%dma_start3A_324 : memref<128x32xf32, #tpu.memory_space<vmem_shared>>) target_semaphore(%run_scoped3A : memref<!tpu.dma_semaphore, #tpu.memory_space<semaphore_mem>>)
      %dma_wait3A_325 = arith.constant 0 : i32
      %dma_wait3A_326 = tpu.memref_slice %arg16[%add3A_149, %dma_wait3A_325] : memref<10240x32xf32, #tpu.memory_space<vmem_shared>> -> memref<128x32xf32, #tpu.memory_space<vmem_shared>>
      %dma_wait3A_327 = arith.constant 0 : i32
      %dma_wait3A_328 = tpu.memref_slice %arg16[%add3A_149, %dma_wait3A_327] : memref<10240x32xf32, #tpu.memory_space<vmem_shared>> -> memref<128x32xf32, #tpu.memory_space<vmem_shared>>
      tpu.wait_dma2 semaphore(%run_scoped3A : memref<!tpu.dma_semaphore, #tpu.memory_space<semaphore_mem>>) src(%arg11 : memref<128x32xf32, #tpu.memory_space<vmem>>) dst(%dma_wait3A_328 : memref<128x32xf32, #tpu.memory_space<vmem_shared>>)
      tpu.yield
    }) : () -> ()
    %add3A_150 = arith.constant 256 : i32
    %add3A_151 = arith.addi %mul3A_0, %add3A_150 : i32
    "tpu.region"() ({
      %run_scoped3A = tpu.sem_alloc : memref<!tpu.dma_semaphore, #tpu.memory_space<semaphore_mem>>
      %dma_start3A = arith.constant 0 : i32
      %dma_start3A_322 = tpu.memref_slice %arg17[%add3A_151, %dma_start3A] : memref<10240x32xf32, #tpu.memory_space<vmem_shared>> -> memref<128x32xf32, #tpu.memory_space<vmem_shared>>
      %dma_start3A_323 = arith.constant 0 : i32
      %dma_start3A_324 = tpu.memref_slice %arg17[%add3A_151, %dma_start3A_323] : memref<10240x32xf32, #tpu.memory_space<vmem_shared>> -> memref<128x32xf32, #tpu.memory_space<vmem_shared>>
      tpu.enqueue_dma source(%arg12 : memref<128x32xf32, #tpu.memory_space<vmem>>) target(%dma_start3A_324 : memref<128x32xf32, #tpu.memory_space<vmem_shared>>) target_semaphore(%run_scoped3A : memref<!tpu.dma_semaphore, #tpu.memory_space<semaphore_mem>>)
      %dma_wait3A_325 = arith.constant 0 : i32
      %dma_wait3A_326 = tpu.memref_slice %arg17[%add3A_151, %dma_wait3A_325] : memref<10240x32xf32, #tpu.memory_space<vmem_shared>> -> memref<128x32xf32, #tpu.memory_space<vmem_shared>>
      %dma_wait3A_327 = arith.constant 0 : i32
      %dma_wait3A_328 = tpu.memref_slice %arg17[%add3A_151, %dma_wait3A_327] : memref<10240x32xf32, #tpu.memory_space<vmem_shared>> -> memref<128x32xf32, #tpu.memory_space<vmem_shared>>
      tpu.wait_dma2 semaphore(%run_scoped3A : memref<!tpu.dma_semaphore, #tpu.memory_space<semaphore_mem>>) src(%arg12 : memref<128x32xf32, #tpu.memory_space<vmem>>) dst(%dma_wait3A_328 : memref<128x32xf32, #tpu.memory_space<vmem_shared>>)
      tpu.yield
    }) : () -> ()
    %add3A_152 = arith.constant 384 : i32
    %add3A_153 = arith.addi %mul3A_0, %add3A_152 : i32
    "tpu.region"() ({
      %run_scoped3A = tpu.sem_alloc : memref<!tpu.dma_semaphore, #tpu.memory_space<semaphore_mem>>
      %dma_start3A = arith.constant 0 : i32
      %dma_start3A_322 = tpu.memref_slice %arg16[%add3A_153, %dma_start3A] : memref<10240x32xf32, #tpu.memory_space<vmem_shared>> -> memref<128x32xf32, #tpu.memory_space<vmem_shared>>
      %dma_start3A_323 = arith.constant 0 : i32
      %dma_start3A_324 = tpu.memref_slice %arg16[%add3A_153, %dma_start3A_323] : memref<10240x32xf32, #tpu.memory_space<vmem_shared>> -> memref<128x32xf32, #tpu.memory_space<vmem_shared>>
      tpu.enqueue_dma source(%dma_start3A_324 : memref<128x32xf32, #tpu.memory_space<vmem_shared>>) target(%arg11 : memref<128x32xf32, #tpu.memory_space<vmem>>) target_semaphore(%run_scoped3A : memref<!tpu.dma_semaphore, #tpu.memory_space<semaphore_mem>>)
      %dma_wait3A_325 = arith.constant 0 : i32
      %dma_wait3A_326 = tpu.memref_slice %arg16[%add3A_153, %dma_wait3A_325] : memref<10240x32xf32, #tpu.memory_space<vmem_shared>> -> memref<128x32xf32, #tpu.memory_space<vmem_shared>>
      %dma_wait3A_327 = arith.constant 0 : i32
      %dma_wait3A_328 = tpu.memref_slice %arg16[%add3A_153, %dma_wait3A_327] : memref<10240x32xf32, #tpu.memory_space<vmem_shared>> -> memref<128x32xf32, #tpu.memory_space<vmem_shared>>
      tpu.wait_dma2 semaphore(%run_scoped3A : memref<!tpu.dma_semaphore, #tpu.memory_space<semaphore_mem>>) src(%dma_wait3A_328 : memref<128x32xf32, #tpu.memory_space<vmem_shared>>) dst(%arg11 : memref<128x32xf32, #tpu.memory_space<vmem>>)
      tpu.yield
    }) : () -> ()
    %add3A_154 = arith.constant 384 : i32
    %add3A_155 = arith.addi %mul3A_0, %add3A_154 : i32
    "tpu.region"() ({
      %run_scoped3A = tpu.sem_alloc : memref<!tpu.dma_semaphore, #tpu.memory_space<semaphore_mem>>
      %dma_start3A = arith.constant 0 : i32
      %dma_start3A_322 = tpu.memref_slice %arg17[%add3A_155, %dma_start3A] : memref<10240x32xf32, #tpu.memory_space<vmem_shared>> -> memref<128x32xf32, #tpu.memory_space<vmem_shared>>
      %dma_start3A_323 = arith.constant 0 : i32
      %dma_start3A_324 = tpu.memref_slice %arg17[%add3A_155, %dma_start3A_323] : memref<10240x32xf32, #tpu.memory_space<vmem_shared>> -> memref<128x32xf32, #tpu.memory_space<vmem_shared>>
      tpu.enqueue_dma source(%dma_start3A_324 : memref<128x32xf32, #tpu.memory_space<vmem_shared>>) target(%arg12 : memref<128x32xf32, #tpu.memory_space<vmem>>) target_semaphore(%run_scoped3A : memref<!tpu.dma_semaphore, #tpu.memory_space<semaphore_mem>>)
      %dma_wait3A_325 = arith.constant 0 : i32
      %dma_wait3A_326 = tpu.memref_slice %arg17[%add3A_155, %dma_wait3A_325] : memref<10240x32xf32, #tpu.memory_space<vmem_shared>> -> memref<128x32xf32, #tpu.memory_space<vmem_shared>>
      %dma_wait3A_327 = arith.constant 0 : i32
      %dma_wait3A_328 = tpu.memref_slice %arg17[%add3A_155, %dma_wait3A_327] : memref<10240x32xf32, #tpu.memory_space<vmem_shared>> -> memref<128x32xf32, #tpu.memory_space<vmem_shared>>
      tpu.wait_dma2 semaphore(%run_scoped3A : memref<!tpu.dma_semaphore, #tpu.memory_space<semaphore_mem>>) src(%dma_wait3A_328 : memref<128x32xf32, #tpu.memory_space<vmem_shared>>) dst(%arg12 : memref<128x32xf32, #tpu.memory_space<vmem>>)
      tpu.yield
    }) : () -> ()
    %scan3A_156 = arith.constant 0 : i32
    %scan3A_157 = arith.constant 128 : i32
    %scan3A_158 = arith.addi %scan3A_156, %scan3A_157 : i32
    %scan3A_159 = arith.constant 1 : i32
    scf.for %scan3A_322 = %scan3A_156 to %scan3A_158 step %scan3A_159  : i32 {
      %mul3A_323 = arith.constant 1 : i32
      %mul3A_324 = arith.muli %scan3A_322, %mul3A_323 : i32
      %add3A_325 = arith.constant 0 : i32
      %add3A_326 = arith.addi %add3A_325, %mul3A_324 : i32
      %add3A_327 = arith.constant 384 : i32
      %add3A_328 = arith.addi %add3A_327, %add3A_326 : i32
      %get3A = arith.index_cast %add3A_328 : i32 to index
      %get3A_329 = tpu.vector_load %arg9[%get3A] {strides = array<i32>} : memref<656xf32, #tpu.memory_space<vmem>>, vector<16xf32>,
      %get3A_330 = vector.shape_cast %get3A_329 : vector<16xf32> to vector<16xf32>
      %slice3A = vector.extract_strided_slice %get3A_330 {offsets = [0], sizes = [1], strides = [1]} : vector<16xf32> to vector<1xf32>
      %squeeze3A = vector.extract %slice3A[0] : f32 from vector<1xf32>
      %get3A_331 = arith.index_cast %add3A_326 : i32 to index
      %get3A_332 = arith.constant 0 : index
      %get3A_333 = tpu.vector_load %arg11[%get3A_331, %get3A_332] {strides = array<i32>} : memref<128x32xf32, #tpu.memory_space<vmem>>, vector<1x16xf32>,
      %get3A_334 = vector.shape_cast %get3A_333 : vector<1x16xf32> to vector<16xf32>
      %mul3A_335 = vector.broadcast %squeeze3A : f32 to vector<16xf32>
      %mul3A_336 = arith.mulf %get3A_334, %mul3A_335 : vector<16xf32>
      %swap3A = arith.index_cast %add3A_326 : i32 to index
      %swap3A_337 = arith.constant 0 : index
      %swap3A_338 = tpu.vector_load %arg11[%swap3A, %swap3A_337] {strides = array<i32>} : memref<128x32xf32, #tpu.memory_space<vmem>>, vector<1x16xf32>,
      %swap3A_339 = vector.shape_cast %swap3A_338 : vector<1x16xf32> to vector<16xf32>
      %swap3A_340 = vector.shape_cast %mul3A_336 : vector<16xf32> to vector<1x16xf32>
      tpu.vector_store %arg11[%swap3A, %swap3A_337], %swap3A_340 {strides = array<i32>} : memref<128x32xf32, #tpu.memory_space<vmem>>, vector<1x16xf32>,
      %get3A_341 = arith.index_cast %add3A_326 : i32 to index
      %get3A_342 = arith.constant 0 : index
      %get3A_343 = tpu.vector_load %arg12[%get3A_341, %get3A_342] {strides = array<i32>} : memref<128x32xf32, #tpu.memory_space<vmem>>, vector<1x16xf32>,
      %get3A_344 = vector.shape_cast %get3A_343 : vector<1x16xf32> to vector<16xf32>
      %mul3A_345 = vector.broadcast %squeeze3A : f32 to vector<16xf32>
      %mul3A_346 = arith.mulf %get3A_344, %mul3A_345 : vector<16xf32>
      %swap3A_347 = arith.index_cast %add3A_326 : i32 to index
      %swap3A_348 = arith.constant 0 : index
      %swap3A_349 = tpu.vector_load %arg12[%swap3A_347, %swap3A_348] {strides = array<i32>} : memref<128x32xf32, #tpu.memory_space<vmem>>, vector<1x16xf32>,
      %swap3A_350 = vector.shape_cast %swap3A_349 : vector<1x16xf32> to vector<16xf32>
      %swap3A_351 = vector.shape_cast %mul3A_346 : vector<16xf32> to vector<1x16xf32>
      tpu.vector_store %arg12[%swap3A_347, %swap3A_348], %swap3A_351 {strides = array<i32>} : memref<128x32xf32, #tpu.memory_space<vmem>>, vector<1x16xf32>,
      %get3A_352 = arith.index_cast %add3A_326 : i32 to index
      %get3A_353 = arith.constant 16 : index
      %get3A_354 = tpu.vector_load %arg11[%get3A_352, %get3A_353] {strides = array<i32>} : memref<128x32xf32, #tpu.memory_space<vmem>>, vector<1x16xf32>,
      %get3A_355 = vector.shape_cast %get3A_354 : vector<1x16xf32> to vector<16xf32>
      %mul3A_356 = vector.broadcast %squeeze3A : f32 to vector<16xf32>
      %mul3A_357 = arith.mulf %get3A_355, %mul3A_356 : vector<16xf32>
      %swap3A_358 = arith.index_cast %add3A_326 : i32 to index
      %swap3A_359 = arith.constant 16 : index
      %swap3A_360 = tpu.vector_load %arg11[%swap3A_358, %swap3A_359] {strides = array<i32>} : memref<128x32xf32, #tpu.memory_space<vmem>>, vector<1x16xf32>,
      %swap3A_361 = vector.shape_cast %swap3A_360 : vector<1x16xf32> to vector<16xf32>
      %swap3A_362 = vector.shape_cast %mul3A_357 : vector<16xf32> to vector<1x16xf32>
      tpu.vector_store %arg11[%swap3A_358, %swap3A_359], %swap3A_362 {strides = array<i32>} : memref<128x32xf32, #tpu.memory_space<vmem>>, vector<1x16xf32>,
      %get3A_363 = arith.index_cast %add3A_326 : i32 to index
      %get3A_364 = arith.constant 16 : index
      %get3A_365 = tpu.vector_load %arg12[%get3A_363, %get3A_364] {strides = array<i32>} : memref<128x32xf32, #tpu.memory_space<vmem>>, vector<1x16xf32>,
      %get3A_366 = vector.shape_cast %get3A_365 : vector<1x16xf32> to vector<16xf32>
      %mul3A_367 = vector.broadcast %squeeze3A : f32 to vector<16xf32>
      %mul3A_368 = arith.mulf %get3A_366, %mul3A_367 : vector<16xf32>
      %swap3A_369 = arith.index_cast %add3A_326 : i32 to index
      %swap3A_370 = arith.constant 16 : index
      %swap3A_371 = tpu.vector_load %arg12[%swap3A_369, %swap3A_370] {strides = array<i32>} : memref<128x32xf32, #tpu.memory_space<vmem>>, vector<1x16xf32>,
      %swap3A_372 = vector.shape_cast %swap3A_371 : vector<1x16xf32> to vector<16xf32>
      %swap3A_373 = vector.shape_cast %mul3A_368 : vector<16xf32> to vector<1x16xf32>
      tpu.vector_store %arg12[%swap3A_369, %swap3A_370], %swap3A_373 {strides = array<i32>} : memref<128x32xf32, #tpu.memory_space<vmem>>, vector<1x16xf32>,
    }
    %scan3A_160 = arith.constant 128 : i32
    %add3A_161 = arith.constant 384 : i32
    %add3A_162 = arith.addi %mul3A_0, %add3A_161 : i32
    "tpu.region"() ({
      %run_scoped3A = tpu.sem_alloc : memref<!tpu.dma_semaphore, #tpu.memory_space<semaphore_mem>>
      %dma_start3A = arith.constant 0 : i32
      %dma_start3A_322 = tpu.memref_slice %arg16[%add3A_162, %dma_start3A] : memref<10240x32xf32, #tpu.memory_space<vmem_shared>> -> memref<128x32xf32, #tpu.memory_space<vmem_shared>>
      %dma_start3A_323 = arith.constant 0 : i32
      %dma_start3A_324 = tpu.memref_slice %arg16[%add3A_162, %dma_start3A_323] : memref<10240x32xf32, #tpu.memory_space<vmem_shared>> -> memref<128x32xf32, #tpu.memory_space<vmem_shared>>
      tpu.enqueue_dma source(%arg11 : memref<128x32xf32, #tpu.memory_space<vmem>>) target(%dma_start3A_324 : memref<128x32xf32, #tpu.memory_space<vmem_shared>>) target_semaphore(%run_scoped3A : memref<!tpu.dma_semaphore, #tpu.memory_space<semaphore_mem>>)
      %dma_wait3A_325 = arith.constant 0 : i32
      %dma_wait3A_326 = tpu.memref_slice %arg16[%add3A_162, %dma_wait3A_325] : memref<10240x32xf32, #tpu.memory_space<vmem_shared>> -> memref<128x32xf32, #tpu.memory_space<vmem_shared>>
      %dma_wait3A_327 = arith.constant 0 : i32
      %dma_wait3A_328 = tpu.memref_slice %arg16[%add3A_162, %dma_wait3A_327] : memref<10240x32xf32, #tpu.memory_space<vmem_shared>> -> memref<128x32xf32, #tpu.memory_space<vmem_shared>>
      tpu.wait_dma2 semaphore(%run_scoped3A : memref<!tpu.dma_semaphore, #tpu.memory_space<semaphore_mem>>) src(%arg11 : memref<128x32xf32, #tpu.memory_space<vmem>>) dst(%dma_wait3A_328 : memref<128x32xf32, #tpu.memory_space<vmem_shared>>)
      tpu.yield
    }) : () -> ()
    %add3A_163 = arith.constant 384 : i32
    %add3A_164 = arith.addi %mul3A_0, %add3A_163 : i32
    "tpu.region"() ({
      %run_scoped3A = tpu.sem_alloc : memref<!tpu.dma_semaphore, #tpu.memory_space<semaphore_mem>>
      %dma_start3A = arith.constant 0 : i32
      %dma_start3A_322 = tpu.memref_slice %arg17[%add3A_164, %dma_start3A] : memref<10240x32xf32, #tpu.memory_space<vmem_shared>> -> memref<128x32xf32, #tpu.memory_space<vmem_shared>>
      %dma_start3A_323 = arith.constant 0 : i32
      %dma_start3A_324 = tpu.memref_slice %arg17[%add3A_164, %dma_start3A_323] : memref<10240x32xf32, #tpu.memory_space<vmem_shared>> -> memref<128x32xf32, #tpu.memory_space<vmem_shared>>
      tpu.enqueue_dma source(%arg12 : memref<128x32xf32, #tpu.memory_space<vmem>>) target(%dma_start3A_324 : memref<128x32xf32, #tpu.memory_space<vmem_shared>>) target_semaphore(%run_scoped3A : memref<!tpu.dma_semaphore, #tpu.memory_space<semaphore_mem>>)
      %dma_wait3A_325 = arith.constant 0 : i32
      %dma_wait3A_326 = tpu.memref_slice %arg17[%add3A_164, %dma_wait3A_325] : memref<10240x32xf32, #tpu.memory_space<vmem_shared>> -> memref<128x32xf32, #tpu.memory_space<vmem_shared>>
      %dma_wait3A_327 = arith.constant 0 : i32
      %dma_wait3A_328 = tpu.memref_slice %arg17[%add3A_164, %dma_wait3A_327] : memref<10240x32xf32, #tpu.memory_space<vmem_shared>> -> memref<128x32xf32, #tpu.memory_space<vmem_shared>>
      tpu.wait_dma2 semaphore(%run_scoped3A : memref<!tpu.dma_semaphore, #tpu.memory_space<semaphore_mem>>) src(%arg12 : memref<128x32xf32, #tpu.memory_space<vmem>>) dst(%dma_wait3A_328 : memref<128x32xf32, #tpu.memory_space<vmem_shared>>)
      tpu.yield
    }) : () -> ()
    %add3A_165 = arith.constant 512 : i32
    %add3A_166 = arith.addi %mul3A_0, %add3A_165 : i32
    "tpu.region"() ({
      %run_scoped3A = tpu.sem_alloc : memref<!tpu.dma_semaphore, #tpu.memory_space<semaphore_mem>>
      %dma_start3A = arith.constant 0 : i32
      %dma_start3A_322 = tpu.memref_slice %arg16[%add3A_166, %dma_start3A] : memref<10240x32xf32, #tpu.memory_space<vmem_shared>> -> memref<128x32xf32, #tpu.memory_space<vmem_shared>>
      %dma_start3A_323 = arith.constant 0 : i32
      %dma_start3A_324 = tpu.memref_slice %arg16[%add3A_166, %dma_start3A_323] : memref<10240x32xf32, #tpu.memory_space<vmem_shared>> -> memref<128x32xf32, #tpu.memory_space<vmem_shared>>
      tpu.enqueue_dma source(%dma_start3A_324 : memref<128x32xf32, #tpu.memory_space<vmem_shared>>) target(%arg11 : memref<128x32xf32, #tpu.memory_space<vmem>>) target_semaphore(%run_scoped3A : memref<!tpu.dma_semaphore, #tpu.memory_space<semaphore_mem>>)
      %dma_wait3A_325 = arith.constant 0 : i32
      %dma_wait3A_326 = tpu.memref_slice %arg16[%add3A_166, %dma_wait3A_325] : memref<10240x32xf32, #tpu.memory_space<vmem_shared>> -> memref<128x32xf32, #tpu.memory_space<vmem_shared>>
      %dma_wait3A_327 = arith.constant 0 : i32
      %dma_wait3A_328 = tpu.memref_slice %arg16[%add3A_166, %dma_wait3A_327] : memref<10240x32xf32, #tpu.memory_space<vmem_shared>> -> memref<128x32xf32, #tpu.memory_space<vmem_shared>>
      tpu.wait_dma2 semaphore(%run_scoped3A : memref<!tpu.dma_semaphore, #tpu.memory_space<semaphore_mem>>) src(%dma_wait3A_328 : memref<128x32xf32, #tpu.memory_space<vmem_shared>>) dst(%arg11 : memref<128x32xf32, #tpu.memory_space<vmem>>)
      tpu.yield
    }) : () -> ()
    %add3A_167 = arith.constant 512 : i32
    %add3A_168 = arith.addi %mul3A_0, %add3A_167 : i32
    "tpu.region"() ({
      %run_scoped3A = tpu.sem_alloc : memref<!tpu.dma_semaphore, #tpu.memory_space<semaphore_mem>>
      %dma_start3A = arith.constant 0 : i32
      %dma_start3A_322 = tpu.memref_slice %arg17[%add3A_168, %dma_start3A] : memref<10240x32xf32, #tpu.memory_space<vmem_shared>> -> memref<128x32xf32, #tpu.memory_space<vmem_shared>>
      %dma_start3A_323 = arith.constant 0 : i32
      %dma_start3A_324 = tpu.memref_slice %arg17[%add3A_168, %dma_start3A_323] : memref<10240x32xf32, #tpu.memory_space<vmem_shared>> -> memref<128x32xf32, #tpu.memory_space<vmem_shared>>
      tpu.enqueue_dma source(%dma_start3A_324 : memref<128x32xf32, #tpu.memory_space<vmem_shared>>) target(%arg12 : memref<128x32xf32, #tpu.memory_space<vmem>>) target_semaphore(%run_scoped3A : memref<!tpu.dma_semaphore, #tpu.memory_space<semaphore_mem>>)
      %dma_wait3A_325 = arith.constant 0 : i32
      %dma_wait3A_326 = tpu.memref_slice %arg17[%add3A_168, %dma_wait3A_325] : memref<10240x32xf32, #tpu.memory_space<vmem_shared>> -> memref<128x32xf32, #tpu.memory_space<vmem_shared>>
      %dma_wait3A_327 = arith.constant 0 : i32
      %dma_wait3A_328 = tpu.memref_slice %arg17[%add3A_168, %dma_wait3A_327] : memref<10240x32xf32, #tpu.memory_space<vmem_shared>> -> memref<128x32xf32, #tpu.memory_space<vmem_shared>>
      tpu.wait_dma2 semaphore(%run_scoped3A : memref<!tpu.dma_semaphore, #tpu.memory_space<semaphore_mem>>) src(%dma_wait3A_328 : memref<128x32xf32, #tpu.memory_space<vmem_shared>>) dst(%arg12 : memref<128x32xf32, #tpu.memory_space<vmem>>)
      tpu.yield
    }) : () -> ()
    %scan3A_169 = arith.constant 0 : i32
    %scan3A_170 = arith.constant 128 : i32
    %scan3A_171 = arith.addi %scan3A_169, %scan3A_170 : i32
    %scan3A_172 = arith.constant 1 : i32
    scf.for %scan3A_322 = %scan3A_169 to %scan3A_171 step %scan3A_172  : i32 {
      %mul3A_323 = arith.constant 1 : i32
      %mul3A_324 = arith.muli %scan3A_322, %mul3A_323 : i32
      %add3A_325 = arith.constant 0 : i32
      %add3A_326 = arith.addi %add3A_325, %mul3A_324 : i32
      %add3A_327 = arith.constant 512 : i32
      %add3A_328 = arith.addi %add3A_327, %add3A_326 : i32
      %get3A = arith.index_cast %add3A_328 : i32 to index
      %get3A_329 = tpu.vector_load %arg9[%get3A] {strides = array<i32>} : memref<656xf32, #tpu.memory_space<vmem>>, vector<16xf32>,
      %get3A_330 = vector.shape_cast %get3A_329 : vector<16xf32> to vector<16xf32>
      %slice3A = vector.extract_strided_slice %get3A_330 {offsets = [0], sizes = [1], strides = [1]} : vector<16xf32> to vector<1xf32>
      %squeeze3A = vector.extract %slice3A[0] : f32 from vector<1xf32>
      %get3A_331 = arith.index_cast %add3A_326 : i32 to index
      %get3A_332 = arith.constant 0 : index
      %get3A_333 = tpu.vector_load %arg11[%get3A_331, %get3A_332] {strides = array<i32>} : memref<128x32xf32, #tpu.memory_space<vmem>>, vector<1x16xf32>,
      %get3A_334 = vector.shape_cast %get3A_333 : vector<1x16xf32> to vector<16xf32>
      %mul3A_335 = vector.broadcast %squeeze3A : f32 to vector<16xf32>
      %mul3A_336 = arith.mulf %get3A_334, %mul3A_335 : vector<16xf32>
      %swap3A = arith.index_cast %add3A_326 : i32 to index
      %swap3A_337 = arith.constant 0 : index
      %swap3A_338 = tpu.vector_load %arg11[%swap3A, %swap3A_337] {strides = array<i32>} : memref<128x32xf32, #tpu.memory_space<vmem>>, vector<1x16xf32>,
      %swap3A_339 = vector.shape_cast %swap3A_338 : vector<1x16xf32> to vector<16xf32>
      %swap3A_340 = vector.shape_cast %mul3A_336 : vector<16xf32> to vector<1x16xf32>
      tpu.vector_store %arg11[%swap3A, %swap3A_337], %swap3A_340 {strides = array<i32>} : memref<128x32xf32, #tpu.memory_space<vmem>>, vector<1x16xf32>,
      %get3A_341 = arith.index_cast %add3A_326 : i32 to index
      %get3A_342 = arith.constant 0 : index
      %get3A_343 = tpu.vector_load %arg12[%get3A_341, %get3A_342] {strides = array<i32>} : memref<128x32xf32, #tpu.memory_space<vmem>>, vector<1x16xf32>,
      %get3A_344 = vector.shape_cast %get3A_343 : vector<1x16xf32> to vector<16xf32>
      %mul3A_345 = vector.broadcast %squeeze3A : f32 to vector<16xf32>
      %mul3A_346 = arith.mulf %get3A_344, %mul3A_345 : vector<16xf32>
      %swap3A_347 = arith.index_cast %add3A_326 : i32 to index
      %swap3A_348 = arith.constant 0 : index
      %swap3A_349 = tpu.vector_load %arg12[%swap3A_347, %swap3A_348] {strides = array<i32>} : memref<128x32xf32, #tpu.memory_space<vmem>>, vector<1x16xf32>,
      %swap3A_350 = vector.shape_cast %swap3A_349 : vector<1x16xf32> to vector<16xf32>
      %swap3A_351 = vector.shape_cast %mul3A_346 : vector<16xf32> to vector<1x16xf32>
      tpu.vector_store %arg12[%swap3A_347, %swap3A_348], %swap3A_351 {strides = array<i32>} : memref<128x32xf32, #tpu.memory_space<vmem>>, vector<1x16xf32>,
      %get3A_352 = arith.index_cast %add3A_326 : i32 to index
      %get3A_353 = arith.constant 16 : index
      %get3A_354 = tpu.vector_load %arg11[%get3A_352, %get3A_353] {strides = array<i32>} : memref<128x32xf32, #tpu.memory_space<vmem>>, vector<1x16xf32>,
      %get3A_355 = vector.shape_cast %get3A_354 : vector<1x16xf32> to vector<16xf32>
      %mul3A_356 = vector.broadcast %squeeze3A : f32 to vector<16xf32>
      %mul3A_357 = arith.mulf %get3A_355, %mul3A_356 : vector<16xf32>
      %swap3A_358 = arith.index_cast %add3A_326 : i32 to index
      %swap3A_359 = arith.constant 16 : index
      %swap3A_360 = tpu.vector_load %arg11[%swap3A_358, %swap3A_359] {strides = array<i32>} : memref<128x32xf32, #tpu.memory_space<vmem>>, vector<1x16xf32>,
      %swap3A_361 = vector.shape_cast %swap3A_360 : vector<1x16xf32> to vector<16xf32>
      %swap3A_362 = vector.shape_cast %mul3A_357 : vector<16xf32> to vector<1x16xf32>
      tpu.vector_store %arg11[%swap3A_358, %swap3A_359], %swap3A_362 {strides = array<i32>} : memref<128x32xf32, #tpu.memory_space<vmem>>, vector<1x16xf32>,
      %get3A_363 = arith.index_cast %add3A_326 : i32 to index
      %get3A_364 = arith.constant 16 : index
      %get3A_365 = tpu.vector_load %arg12[%get3A_363, %get3A_364] {strides = array<i32>} : memref<128x32xf32, #tpu.memory_space<vmem>>, vector<1x16xf32>,
      %get3A_366 = vector.shape_cast %get3A_365 : vector<1x16xf32> to vector<16xf32>
      %mul3A_367 = vector.broadcast %squeeze3A : f32 to vector<16xf32>
      %mul3A_368 = arith.mulf %get3A_366, %mul3A_367 : vector<16xf32>
      %swap3A_369 = arith.index_cast %add3A_326 : i32 to index
      %swap3A_370 = arith.constant 16 : index
      %swap3A_371 = tpu.vector_load %arg12[%swap3A_369, %swap3A_370] {strides = array<i32>} : memref<128x32xf32, #tpu.memory_space<vmem>>, vector<1x16xf32>,
      %swap3A_372 = vector.shape_cast %swap3A_371 : vector<1x16xf32> to vector<16xf32>
      %swap3A_373 = vector.shape_cast %mul3A_368 : vector<16xf32> to vector<1x16xf32>
      tpu.vector_store %arg12[%swap3A_369, %swap3A_370], %swap3A_373 {strides = array<i32>} : memref<128x32xf32, #tpu.memory_space<vmem>>, vector<1x16xf32>,
    }
    %scan3A_173 = arith.constant 128 : i32
    %add3A_174 = arith.constant 512 : i32
    %add3A_175 = arith.addi %mul3A_0, %add3A_174 : i32
    "tpu.region"() ({
      %run_scoped3A = tpu.sem_alloc : memref<!tpu.dma_semaphore, #tpu.memory_space<semaphore_mem>>
      %dma_start3A = arith.constant 0 : i32
      %dma_start3A_322 = tpu.memref_slice %arg16[%add3A_175, %dma_start3A] : memref<10240x32xf32, #tpu.memory_space<vmem_shared>> -> memref<128x32xf32, #tpu.memory_space<vmem_shared>>
      %dma_start3A_323 = arith.constant 0 : i32
      %dma_start3A_324 = tpu.memref_slice %arg16[%add3A_175, %dma_start3A_323] : memref<10240x32xf32, #tpu.memory_space<vmem_shared>> -> memref<128x32xf32, #tpu.memory_space<vmem_shared>>
      tpu.enqueue_dma source(%arg11 : memref<128x32xf32, #tpu.memory_space<vmem>>) target(%dma_start3A_324 : memref<128x32xf32, #tpu.memory_space<vmem_shared>>) target_semaphore(%run_scoped3A : memref<!tpu.dma_semaphore, #tpu.memory_space<semaphore_mem>>)
      %dma_wait3A_325 = arith.constant 0 : i32
      %dma_wait3A_326 = tpu.memref_slice %arg16[%add3A_175, %dma_wait3A_325] : memref<10240x32xf32, #tpu.memory_space<vmem_shared>> -> memref<128x32xf32, #tpu.memory_space<vmem_shared>>
      %dma_wait3A_327 = arith.constant 0 : i32
      %dma_wait3A_328 = tpu.memref_slice %arg16[%add3A_175, %dma_wait3A_327] : memref<10240x32xf32, #tpu.memory_space<vmem_shared>> -> memref<128x32xf32, #tpu.memory_space<vmem_shared>>
      tpu.wait_dma2 semaphore(%run_scoped3A : memref<!tpu.dma_semaphore, #tpu.memory_space<semaphore_mem>>) src(%arg11 : memref<128x32xf32, #tpu.memory_space<vmem>>) dst(%dma_wait3A_328 : memref<128x32xf32, #tpu.memory_space<vmem_shared>>)
      tpu.yield
    }) : () -> ()
    %add3A_176 = arith.constant 512 : i32
    %add3A_177 = arith.addi %mul3A_0, %add3A_176 : i32
    "tpu.region"() ({
      %run_scoped3A = tpu.sem_alloc : memref<!tpu.dma_semaphore, #tpu.memory_space<semaphore_mem>>
      %dma_start3A = arith.constant 0 : i32
      %dma_start3A_322 = tpu.memref_slice %arg17[%add3A_177, %dma_start3A] : memref<10240x32xf32, #tpu.memory_space<vmem_shared>> -> memref<128x32xf32, #tpu.memory_space<vmem_shared>>
      %dma_start3A_323 = arith.constant 0 : i32
      %dma_start3A_324 = tpu.memref_slice %arg17[%add3A_177, %dma_start3A_323] : memref<10240x32xf32, #tpu.memory_space<vmem_shared>> -> memref<128x32xf32, #tpu.memory_space<vmem_shared>>
      tpu.enqueue_dma source(%arg12 : memref<128x32xf32, #tpu.memory_space<vmem>>) target(%dma_start3A_324 : memref<128x32xf32, #tpu.memory_space<vmem_shared>>) target_semaphore(%run_scoped3A : memref<!tpu.dma_semaphore, #tpu.memory_space<semaphore_mem>>)
      %dma_wait3A_325 = arith.constant 0 : i32
      %dma_wait3A_326 = tpu.memref_slice %arg17[%add3A_177, %dma_wait3A_325] : memref<10240x32xf32, #tpu.memory_space<vmem_shared>> -> memref<128x32xf32, #tpu.memory_space<vmem_shared>>
      %dma_wait3A_327 = arith.constant 0 : i32
      %dma_wait3A_328 = tpu.memref_slice %arg17[%add3A_177, %dma_wait3A_327] : memref<10240x32xf32, #tpu.memory_space<vmem_shared>> -> memref<128x32xf32, #tpu.memory_space<vmem_shared>>
      tpu.wait_dma2 semaphore(%run_scoped3A : memref<!tpu.dma_semaphore, #tpu.memory_space<semaphore_mem>>) src(%arg12 : memref<128x32xf32, #tpu.memory_space<vmem>>) dst(%dma_wait3A_328 : memref<128x32xf32, #tpu.memory_space<vmem_shared>>)
      tpu.yield
    }) : () -> ()
    %scan3A_178 = arith.constant 0 : i32
    %scan3A_179 = arith.constant 128 : i32
    %scan3A_180 = arith.addi %scan3A_178, %scan3A_179 : i32
    %scan3A_181 = arith.constant 1 : i32
    scf.for %scan3A_322 = %scan3A_178 to %scan3A_180 step %scan3A_181  : i32 {
      %mul3A_323 = arith.constant 1 : i32
      %mul3A_324 = arith.muli %scan3A_322, %mul3A_323 : i32
      %add3A_325 = arith.constant 0 : i32
      %add3A_326 = arith.addi %add3A_325, %mul3A_324 : i32
      %broadcast_in_dim3A = arith.constant 0.000000e+00 : f32
      %broadcast_in_dim3A_327 = vector.broadcast %broadcast_in_dim3A : f32 to vector<16xf32>
      %swap3A = arith.index_cast %add3A_326 : i32 to index
      %swap3A_328 = arith.constant 0 : index
      %swap3A_329 = tpu.vector_load %arg10[%swap3A, %swap3A_328] {strides = array<i32>} : memref<128x32xf32, #tpu.memory_space<vmem>>, vector<1x16xf32>,
      %swap3A_330 = vector.shape_cast %swap3A_329 : vector<1x16xf32> to vector<16xf32>
      %swap3A_331 = vector.shape_cast %broadcast_in_dim3A_327 : vector<16xf32> to vector<1x16xf32>
      tpu.vector_store %arg10[%swap3A, %swap3A_328], %swap3A_331 {strides = array<i32>} : memref<128x32xf32, #tpu.memory_space<vmem>>, vector<1x16xf32>,
      %broadcast_in_dim3A_332 = arith.constant 0.000000e+00 : f32
      %broadcast_in_dim3A_333 = vector.broadcast %broadcast_in_dim3A_332 : f32 to vector<16xf32>
      %swap3A_334 = arith.index_cast %add3A_326 : i32 to index
      %swap3A_335 = arith.constant 16 : index
      %swap3A_336 = tpu.vector_load %arg10[%swap3A_334, %swap3A_335] {strides = array<i32>} : memref<128x32xf32, #tpu.memory_space<vmem>>, vector<1x16xf32>,
      %swap3A_337 = vector.shape_cast %swap3A_336 : vector<1x16xf32> to vector<16xf32>
      %swap3A_338 = vector.shape_cast %broadcast_in_dim3A_333 : vector<16xf32> to vector<1x16xf32>
      tpu.vector_store %arg10[%swap3A_334, %swap3A_335], %swap3A_338 {strides = array<i32>} : memref<128x32xf32, #tpu.memory_space<vmem>>, vector<1x16xf32>,
    }
    %scan3A_182 = arith.constant 128 : i32
    %add3A_183 = arith.constant 0 : i32
    %add3A_184 = arith.addi %mul3A_0, %add3A_183 : i32
    "tpu.region"() ({
      %run_scoped3A = tpu.sem_alloc : memref<!tpu.dma_semaphore, #tpu.memory_space<semaphore_mem>>
      %dma_start3A = arith.constant 0 : i32
      %dma_start3A_322 = tpu.memref_slice %arg15[%add3A_184, %dma_start3A] : memref<10240x32xf32, #tpu.memory_space<vmem_shared>> -> memref<128x32xf32, #tpu.memory_space<vmem_shared>>
      %dma_start3A_323 = arith.constant 0 : i32
      %dma_start3A_324 = tpu.memref_slice %arg15[%add3A_184, %dma_start3A_323] : memref<10240x32xf32, #tpu.memory_space<vmem_shared>> -> memref<128x32xf32, #tpu.memory_space<vmem_shared>>
      tpu.enqueue_dma source(%arg10 : memref<128x32xf32, #tpu.memory_space<vmem>>) target(%dma_start3A_324 : memref<128x32xf32, #tpu.memory_space<vmem_shared>>) target_semaphore(%run_scoped3A : memref<!tpu.dma_semaphore, #tpu.memory_space<semaphore_mem>>)
      %dma_wait3A_325 = arith.constant 0 : i32
      %dma_wait3A_326 = tpu.memref_slice %arg15[%add3A_184, %dma_wait3A_325] : memref<10240x32xf32, #tpu.memory_space<vmem_shared>> -> memref<128x32xf32, #tpu.memory_space<vmem_shared>>
      %dma_wait3A_327 = arith.constant 0 : i32
      %dma_wait3A_328 = tpu.memref_slice %arg15[%add3A_184, %dma_wait3A_327] : memref<10240x32xf32, #tpu.memory_space<vmem_shared>> -> memref<128x32xf32, #tpu.memory_space<vmem_shared>>
      tpu.wait_dma2 semaphore(%run_scoped3A : memref<!tpu.dma_semaphore, #tpu.memory_space<semaphore_mem>>) src(%arg10 : memref<128x32xf32, #tpu.memory_space<vmem>>) dst(%dma_wait3A_328 : memref<128x32xf32, #tpu.memory_space<vmem_shared>>)
      tpu.yield
    }) : () -> ()
    %add3A_185 = arith.constant 128 : i32
    %add3A_186 = arith.addi %mul3A_0, %add3A_185 : i32
    "tpu.region"() ({
      %run_scoped3A = tpu.sem_alloc : memref<!tpu.dma_semaphore, #tpu.memory_space<semaphore_mem>>
      %dma_start3A = arith.constant 0 : i32
      %dma_start3A_322 = tpu.memref_slice %arg15[%add3A_186, %dma_start3A] : memref<10240x32xf32, #tpu.memory_space<vmem_shared>> -> memref<128x32xf32, #tpu.memory_space<vmem_shared>>
      %dma_start3A_323 = arith.constant 0 : i32
      %dma_start3A_324 = tpu.memref_slice %arg15[%add3A_186, %dma_start3A_323] : memref<10240x32xf32, #tpu.memory_space<vmem_shared>> -> memref<128x32xf32, #tpu.memory_space<vmem_shared>>
      tpu.enqueue_dma source(%arg10 : memref<128x32xf32, #tpu.memory_space<vmem>>) target(%dma_start3A_324 : memref<128x32xf32, #tpu.memory_space<vmem_shared>>) target_semaphore(%run_scoped3A : memref<!tpu.dma_semaphore, #tpu.memory_space<semaphore_mem>>)
      %dma_wait3A_325 = arith.constant 0 : i32
      %dma_wait3A_326 = tpu.memref_slice %arg15[%add3A_186, %dma_wait3A_325] : memref<10240x32xf32, #tpu.memory_space<vmem_shared>> -> memref<128x32xf32, #tpu.memory_space<vmem_shared>>
      %dma_wait3A_327 = arith.constant 0 : i32
      %dma_wait3A_328 = tpu.memref_slice %arg15[%add3A_186, %dma_wait3A_327] : memref<10240x32xf32, #tpu.memory_space<vmem_shared>> -> memref<128x32xf32, #tpu.memory_space<vmem_shared>>
      tpu.wait_dma2 semaphore(%run_scoped3A : memref<!tpu.dma_semaphore, #tpu.memory_space<semaphore_mem>>) src(%arg10 : memref<128x32xf32, #tpu.memory_space<vmem>>) dst(%dma_wait3A_328 : memref<128x32xf32, #tpu.memory_space<vmem_shared>>)
      tpu.yield
    }) : () -> ()
    %add3A_187 = arith.constant 256 : i32
    %add3A_188 = arith.addi %mul3A_0, %add3A_187 : i32
    "tpu.region"() ({
      %run_scoped3A = tpu.sem_alloc : memref<!tpu.dma_semaphore, #tpu.memory_space<semaphore_mem>>
      %dma_start3A = arith.constant 0 : i32
      %dma_start3A_322 = tpu.memref_slice %arg15[%add3A_188, %dma_start3A] : memref<10240x32xf32, #tpu.memory_space<vmem_shared>> -> memref<128x32xf32, #tpu.memory_space<vmem_shared>>
      %dma_start3A_323 = arith.constant 0 : i32
      %dma_start3A_324 = tpu.memref_slice %arg15[%add3A_188, %dma_start3A_323] : memref<10240x32xf32, #tpu.memory_space<vmem_shared>> -> memref<128x32xf32, #tpu.memory_space<vmem_shared>>
      tpu.enqueue_dma source(%arg10 : memref<128x32xf32, #tpu.memory_space<vmem>>) target(%dma_start3A_324 : memref<128x32xf32, #tpu.memory_space<vmem_shared>>) target_semaphore(%run_scoped3A : memref<!tpu.dma_semaphore, #tpu.memory_space<semaphore_mem>>)
      %dma_wait3A_325 = arith.constant 0 : i32
      %dma_wait3A_326 = tpu.memref_slice %arg15[%add3A_188, %dma_wait3A_325] : memref<10240x32xf32, #tpu.memory_space<vmem_shared>> -> memref<128x32xf32, #tpu.memory_space<vmem_shared>>
      %dma_wait3A_327 = arith.constant 0 : i32
      %dma_wait3A_328 = tpu.memref_slice %arg15[%add3A_188, %dma_wait3A_327] : memref<10240x32xf32, #tpu.memory_space<vmem_shared>> -> memref<128x32xf32, #tpu.memory_space<vmem_shared>>
      tpu.wait_dma2 semaphore(%run_scoped3A : memref<!tpu.dma_semaphore, #tpu.memory_space<semaphore_mem>>) src(%arg10 : memref<128x32xf32, #tpu.memory_space<vmem>>) dst(%dma_wait3A_328 : memref<128x32xf32, #tpu.memory_space<vmem_shared>>)
      tpu.yield
    }) : () -> ()
    %add3A_189 = arith.constant 384 : i32
    %add3A_190 = arith.addi %mul3A_0, %add3A_189 : i32
    "tpu.region"() ({
      %run_scoped3A = tpu.sem_alloc : memref<!tpu.dma_semaphore, #tpu.memory_space<semaphore_mem>>
      %dma_start3A = arith.constant 0 : i32
      %dma_start3A_322 = tpu.memref_slice %arg15[%add3A_190, %dma_start3A] : memref<10240x32xf32, #tpu.memory_space<vmem_shared>> -> memref<128x32xf32, #tpu.memory_space<vmem_shared>>
      %dma_start3A_323 = arith.constant 0 : i32
      %dma_start3A_324 = tpu.memref_slice %arg15[%add3A_190, %dma_start3A_323] : memref<10240x32xf32, #tpu.memory_space<vmem_shared>> -> memref<128x32xf32, #tpu.memory_space<vmem_shared>>
      tpu.enqueue_dma source(%arg10 : memref<128x32xf32, #tpu.memory_space<vmem>>) target(%dma_start3A_324 : memref<128x32xf32, #tpu.memory_space<vmem_shared>>) target_semaphore(%run_scoped3A : memref<!tpu.dma_semaphore, #tpu.memory_space<semaphore_mem>>)
      %dma_wait3A_325 = arith.constant 0 : i32
      %dma_wait3A_326 = tpu.memref_slice %arg15[%add3A_190, %dma_wait3A_325] : memref<10240x32xf32, #tpu.memory_space<vmem_shared>> -> memref<128x32xf32, #tpu.memory_space<vmem_shared>>
      %dma_wait3A_327 = arith.constant 0 : i32
      %dma_wait3A_328 = tpu.memref_slice %arg15[%add3A_190, %dma_wait3A_327] : memref<10240x32xf32, #tpu.memory_space<vmem_shared>> -> memref<128x32xf32, #tpu.memory_space<vmem_shared>>
      tpu.wait_dma2 semaphore(%run_scoped3A : memref<!tpu.dma_semaphore, #tpu.memory_space<semaphore_mem>>) src(%arg10 : memref<128x32xf32, #tpu.memory_space<vmem>>) dst(%dma_wait3A_328 : memref<128x32xf32, #tpu.memory_space<vmem_shared>>)
      tpu.yield
    }) : () -> ()
    %add3A_191 = arith.constant 512 : i32
    %add3A_192 = arith.addi %mul3A_0, %add3A_191 : i32
    "tpu.region"() ({
      %run_scoped3A = tpu.sem_alloc : memref<!tpu.dma_semaphore, #tpu.memory_space<semaphore_mem>>
      %dma_start3A = arith.constant 0 : i32
      %dma_start3A_322 = tpu.memref_slice %arg15[%add3A_192, %dma_start3A] : memref<10240x32xf32, #tpu.memory_space<vmem_shared>> -> memref<128x32xf32, #tpu.memory_space<vmem_shared>>
      %dma_start3A_323 = arith.constant 0 : i32
      %dma_start3A_324 = tpu.memref_slice %arg15[%add3A_192, %dma_start3A_323] : memref<10240x32xf32, #tpu.memory_space<vmem_shared>> -> memref<128x32xf32, #tpu.memory_space<vmem_shared>>
      tpu.enqueue_dma source(%arg10 : memref<128x32xf32, #tpu.memory_space<vmem>>) target(%dma_start3A_324 : memref<128x32xf32, #tpu.memory_space<vmem_shared>>) target_semaphore(%run_scoped3A : memref<!tpu.dma_semaphore, #tpu.memory_space<semaphore_mem>>)
      %dma_wait3A_325 = arith.constant 0 : i32
      %dma_wait3A_326 = tpu.memref_slice %arg15[%add3A_192, %dma_wait3A_325] : memref<10240x32xf32, #tpu.memory_space<vmem_shared>> -> memref<128x32xf32, #tpu.memory_space<vmem_shared>>
      %dma_wait3A_327 = arith.constant 0 : i32
      %dma_wait3A_328 = tpu.memref_slice %arg15[%add3A_192, %dma_wait3A_327] : memref<10240x32xf32, #tpu.memory_space<vmem_shared>> -> memref<128x32xf32, #tpu.memory_space<vmem_shared>>
      tpu.wait_dma2 semaphore(%run_scoped3A : memref<!tpu.dma_semaphore, #tpu.memory_space<semaphore_mem>>) src(%arg10 : memref<128x32xf32, #tpu.memory_space<vmem>>) dst(%dma_wait3A_328 : memref<128x32xf32, #tpu.memory_space<vmem_shared>>)
      tpu.yield
    }) : () -> ()
    %barrier3A_193 = arith.constant 0 : index
    tpu.barrier barrier_id(%barrier3A_193)
    %scan3A_194 = arith.constant 0 : i32
    %scan3A_195 = arith.constant 32 : i32
    %scan3A_196 = arith.addi %scan3A_194, %scan3A_195 : i32
    %scan3A_197 = arith.constant 1 : i32
    scf.for %scan3A_322 = %scan3A_194 to %scan3A_196 step %scan3A_197  : i32 {
      %mul3A_323 = arith.constant 5 : i32
      %mul3A_324 = arith.muli %scan3A_322, %mul3A_323 : i32
      %add3A_325 = arith.constant 0 : i32
      %add3A_326 = arith.addi %add3A_325, %mul3A_324 : i32
      %gt3A = arith.constant 0 : i32
      %gt3A_327 = arith.cmpi sgt, %add3A_326, %gt3A : i32
      %convert_element_type3A = arith.extui %gt3A_327 : i1 to i32
      %cond3A = arith.constant 0 : i32
      %cond3A_328 = arith.cmpi ne, %convert_element_type3A, %cond3A : i32
      scf.if %cond3A_328 {
        %dma_wait3A_438 = arith.constant 0 : i32
        %dma_wait3A_439 = arith.constant 0 : i32
        %dma_wait3A_440 = tpu.memref_slice %arg2[%dma_wait3A_438, %dma_wait3A_439] : memref<40960x32xf32, #tpu.memory_space<hbm>> -> memref<128x32xf32, #tpu.memory_space<hbm>>
        %dma_wait3A_441 = arith.constant 0 : i32
        %dma_wait3A_442 = arith.constant 0 : i32
        %dma_wait3A_443 = tpu.memref_slice %arg2[%dma_wait3A_441, %dma_wait3A_442] : memref<40960x32xf32, #tpu.memory_space<hbm>> -> memref<128x32xf32, #tpu.memory_space<hbm>>
        tpu.wait_dma2 semaphore(%arg23 : memref<!tpu.dma_semaphore, #tpu.memory_space<semaphore_mem>>) src(%dma_wait3A_443 : memref<128x32xf32, #tpu.memory_space<hbm>>) dst(%arg10 : memref<128x32xf32, #tpu.memory_space<vmem>>)
        %dma_wait3A_444 = arith.constant 0 : i32
        %dma_wait3A_445 = arith.constant 0 : i32
        %dma_wait3A_446 = tpu.memref_slice %arg2[%dma_wait3A_444, %dma_wait3A_445] : memref<40960x32xf32, #tpu.memory_space<hbm>> -> memref<128x32xf32, #tpu.memory_space<hbm>>
        %dma_wait3A_447 = arith.constant 0 : i32
        %dma_wait3A_448 = arith.constant 0 : i32
        %dma_wait3A_449 = tpu.memref_slice %arg2[%dma_wait3A_447, %dma_wait3A_448] : memref<40960x32xf32, #tpu.memory_space<hbm>> -> memref<128x32xf32, #tpu.memory_space<hbm>>
        tpu.wait_dma2 semaphore(%arg23 : memref<!tpu.dma_semaphore, #tpu.memory_space<semaphore_mem>>) src(%dma_wait3A_449 : memref<128x32xf32, #tpu.memory_space<hbm>>) dst(%arg11 : memref<128x32xf32, #tpu.memory_space<vmem>>)
        %dma_wait3A_450 = arith.constant 0 : i32
        %dma_wait3A_451 = arith.constant 0 : i32
        %dma_wait3A_452 = tpu.memref_slice %arg2[%dma_wait3A_450, %dma_wait3A_451] : memref<40960x32xf32, #tpu.memory_space<hbm>> -> memref<128x32xf32, #tpu.memory_space<hbm>>
        %dma_wait3A_453 = arith.constant 0 : i32
        %dma_wait3A_454 = arith.constant 0 : i32
        %dma_wait3A_455 = tpu.memref_slice %arg2[%dma_wait3A_453, %dma_wait3A_454] : memref<40960x32xf32, #tpu.memory_space<hbm>> -> memref<128x32xf32, #tpu.memory_space<hbm>>
        tpu.wait_dma2 semaphore(%arg23 : memref<!tpu.dma_semaphore, #tpu.memory_space<semaphore_mem>>) src(%dma_wait3A_455 : memref<128x32xf32, #tpu.memory_space<hbm>>) dst(%arg12 : memref<128x32xf32, #tpu.memory_space<vmem>>)
        %dma_wait3A_456 = arith.constant 0 : i32
        %dma_wait3A_457 = arith.constant 0 : i32
        %dma_wait3A_458 = tpu.memref_slice %arg2[%dma_wait3A_456, %dma_wait3A_457] : memref<40960x32xf32, #tpu.memory_space<hbm>> -> memref<128x32xf32, #tpu.memory_space<hbm>>
        %dma_wait3A_459 = arith.constant 0 : i32
        %dma_wait3A_460 = arith.constant 0 : i32
        %dma_wait3A_461 = tpu.memref_slice %arg2[%dma_wait3A_459, %dma_wait3A_460] : memref<40960x32xf32, #tpu.memory_space<hbm>> -> memref<128x32xf32, #tpu.memory_space<hbm>>
        tpu.wait_dma2 semaphore(%arg23 : memref<!tpu.dma_semaphore, #tpu.memory_space<semaphore_mem>>) src(%dma_wait3A_461 : memref<128x32xf32, #tpu.memory_space<hbm>>) dst(%arg13 : memref<128x32xf32, #tpu.memory_space<vmem>>)
        %dma_wait3A_462 = arith.constant 0 : i32
        %dma_wait3A_463 = arith.constant 0 : i32
        %dma_wait3A_464 = tpu.memref_slice %arg2[%dma_wait3A_462, %dma_wait3A_463] : memref<40960x32xf32, #tpu.memory_space<hbm>> -> memref<128x32xf32, #tpu.memory_space<hbm>>
        %dma_wait3A_465 = arith.constant 0 : i32
        %dma_wait3A_466 = arith.constant 0 : i32
        %dma_wait3A_467 = tpu.memref_slice %arg2[%dma_wait3A_465, %dma_wait3A_466] : memref<40960x32xf32, #tpu.memory_space<hbm>> -> memref<128x32xf32, #tpu.memory_space<hbm>>
        tpu.wait_dma2 semaphore(%arg23 : memref<!tpu.dma_semaphore, #tpu.memory_space<semaphore_mem>>) src(%dma_wait3A_467 : memref<128x32xf32, #tpu.memory_space<hbm>>) dst(%arg14 : memref<128x32xf32, #tpu.memory_space<vmem>>)
      } else {
      }
      %add3A_329 = arith.constant 0 : i32
      %add3A_330 = arith.addi %add3A_326, %add3A_329 : i32
      %dma_start3A = arith.constant 0 : i32
      %dma_start3A_331 = tpu.memref_slice %arg7[%add3A_330, %dma_start3A] : memref<160x128xi32, #tpu.memory_space<vmem>> -> memref<1x128xi32, #tpu.memory_space<vmem>>
      %dma_start3A_332 = tpu.memref_squeeze %dma_start3A_331 : memref<1x128xi32, #tpu.memory_space<vmem>> -> memref<128xi32, #tpu.memory_space<vmem>>
      %dma_start3A_333 = arith.constant 0 : i32
      %dma_start3A_334 = arith.constant 0 : i32
      %dma_start3A_335 = tpu.memref_slice %arg16[%dma_start3A_333, %dma_start3A_334] : memref<10240x32xf32, #tpu.memory_space<vmem_shared>> -> memref<10240x32xf32, #tpu.memory_space<vmem_shared>>
      tpu.enqueue_indirect_dma source(%dma_start3A_335 : memref<10240x32xf32, #tpu.memory_space<vmem_shared>>) target(%arg10 : memref<128x32xf32, #tpu.memory_space<vmem>>) offsets(%dma_start3A_332 : memref<128xi32, #tpu.memory_space<vmem>>) semaphore(%arg18 : memref<!tpu.dma_semaphore, #tpu.memory_space<semaphore_mem>>)
      %add3A_336 = arith.constant 1 : i32
      %add3A_337 = arith.addi %add3A_326, %add3A_336 : i32
      %dma_start3A_338 = arith.constant 0 : i32
      %dma_start3A_339 = tpu.memref_slice %arg7[%add3A_337, %dma_start3A_338] : memref<160x128xi32, #tpu.memory_space<vmem>> -> memref<1x128xi32, #tpu.memory_space<vmem>>
      %dma_start3A_340 = tpu.memref_squeeze %dma_start3A_339 : memref<1x128xi32, #tpu.memory_space<vmem>> -> memref<128xi32, #tpu.memory_space<vmem>>
      %dma_start3A_341 = arith.constant 0 : i32
      %dma_start3A_342 = arith.constant 0 : i32
      %dma_start3A_343 = tpu.memref_slice %arg16[%dma_start3A_341, %dma_start3A_342] : memref<10240x32xf32, #tpu.memory_space<vmem_shared>> -> memref<10240x32xf32, #tpu.memory_space<vmem_shared>>
      tpu.enqueue_indirect_dma source(%dma_start3A_343 : memref<10240x32xf32, #tpu.memory_space<vmem_shared>>) target(%arg11 : memref<128x32xf32, #tpu.memory_space<vmem>>) offsets(%dma_start3A_340 : memref<128xi32, #tpu.memory_space<vmem>>) semaphore(%arg19 : memref<!tpu.dma_semaphore, #tpu.memory_space<semaphore_mem>>)
      %add3A_344 = arith.constant 2 : i32
      %add3A_345 = arith.addi %add3A_326, %add3A_344 : i32
      %dma_start3A_346 = arith.constant 0 : i32
      %dma_start3A_347 = tpu.memref_slice %arg7[%add3A_345, %dma_start3A_346] : memref<160x128xi32, #tpu.memory_space<vmem>> -> memref<1x128xi32, #tpu.memory_space<vmem>>
      %dma_start3A_348 = tpu.memref_squeeze %dma_start3A_347 : memref<1x128xi32, #tpu.memory_space<vmem>> -> memref<128xi32, #tpu.memory_space<vmem>>
      %dma_start3A_349 = arith.constant 0 : i32
      %dma_start3A_350 = arith.constant 0 : i32
      %dma_start3A_351 = tpu.memref_slice %arg16[%dma_start3A_349, %dma_start3A_350] : memref<10240x32xf32, #tpu.memory_space<vmem_shared>> -> memref<10240x32xf32, #tpu.memory_space<vmem_shared>>
      tpu.enqueue_indirect_dma source(%dma_start3A_351 : memref<10240x32xf32, #tpu.memory_space<vmem_shared>>) target(%arg12 : memref<128x32xf32, #tpu.memory_space<vmem>>) offsets(%dma_start3A_348 : memref<128xi32, #tpu.memory_space<vmem>>) semaphore(%arg20 : memref<!tpu.dma_semaphore, #tpu.memory_space<semaphore_mem>>)
      %add3A_352 = arith.constant 3 : i32
      %add3A_353 = arith.addi %add3A_326, %add3A_352 : i32
      %dma_start3A_354 = arith.constant 0 : i32
      %dma_start3A_355 = tpu.memref_slice %arg7[%add3A_353, %dma_start3A_354] : memref<160x128xi32, #tpu.memory_space<vmem>> -> memref<1x128xi32, #tpu.memory_space<vmem>>
      %dma_start3A_356 = tpu.memref_squeeze %dma_start3A_355 : memref<1x128xi32, #tpu.memory_space<vmem>> -> memref<128xi32, #tpu.memory_space<vmem>>
      %dma_start3A_357 = arith.constant 0 : i32
      %dma_start3A_358 = arith.constant 0 : i32
      %dma_start3A_359 = tpu.memref_slice %arg16[%dma_start3A_357, %dma_start3A_358] : memref<10240x32xf32, #tpu.memory_space<vmem_shared>> -> memref<10240x32xf32, #tpu.memory_space<vmem_shared>>
      tpu.enqueue_indirect_dma source(%dma_start3A_359 : memref<10240x32xf32, #tpu.memory_space<vmem_shared>>) target(%arg13 : memref<128x32xf32, #tpu.memory_space<vmem>>) offsets(%dma_start3A_356 : memref<128xi32, #tpu.memory_space<vmem>>) semaphore(%arg21 : memref<!tpu.dma_semaphore, #tpu.memory_space<semaphore_mem>>)
      %add3A_360 = arith.constant 4 : i32
      %add3A_361 = arith.addi %add3A_326, %add3A_360 : i32
      %dma_start3A_362 = arith.constant 0 : i32
      %dma_start3A_363 = tpu.memref_slice %arg7[%add3A_361, %dma_start3A_362] : memref<160x128xi32, #tpu.memory_space<vmem>> -> memref<1x128xi32, #tpu.memory_space<vmem>>
      %dma_start3A_364 = tpu.memref_squeeze %dma_start3A_363 : memref<1x128xi32, #tpu.memory_space<vmem>> -> memref<128xi32, #tpu.memory_space<vmem>>
      %dma_start3A_365 = arith.constant 0 : i32
      %dma_start3A_366 = arith.constant 0 : i32
      %dma_start3A_367 = tpu.memref_slice %arg16[%dma_start3A_365, %dma_start3A_366] : memref<10240x32xf32, #tpu.memory_space<vmem_shared>> -> memref<10240x32xf32, #tpu.memory_space<vmem_shared>>
      tpu.enqueue_indirect_dma source(%dma_start3A_367 : memref<10240x32xf32, #tpu.memory_space<vmem_shared>>) target(%arg14 : memref<128x32xf32, #tpu.memory_space<vmem>>) offsets(%dma_start3A_364 : memref<128xi32, #tpu.memory_space<vmem>>) semaphore(%arg22 : memref<!tpu.dma_semaphore, #tpu.memory_space<semaphore_mem>>)
      %dma_wait3A_368 = arith.constant 0 : i32
      %dma_wait3A_369 = tpu.memref_slice %arg7[%add3A_330, %dma_wait3A_368] : memref<160x128xi32, #tpu.memory_space<vmem>> -> memref<1x128xi32, #tpu.memory_space<vmem>>
      %dma_wait3A_370 = tpu.memref_squeeze %dma_wait3A_369 : memref<1x128xi32, #tpu.memory_space<vmem>> -> memref<128xi32, #tpu.memory_space<vmem>>
      %dma_wait3A_371 = arith.constant 0 : i32
      %dma_wait3A_372 = arith.constant 0 : i32
      %dma_wait3A_373 = tpu.memref_slice %arg16[%dma_wait3A_371, %dma_wait3A_372] : memref<10240x32xf32, #tpu.memory_space<vmem_shared>> -> memref<10240x32xf32, #tpu.memory_space<vmem_shared>>
      tpu.wait_indirect_dma semaphore(%arg18 : memref<!tpu.dma_semaphore, #tpu.memory_space<semaphore_mem>>) src(%dma_wait3A_373 : memref<10240x32xf32, #tpu.memory_space<vmem_shared>>) dst(%arg10 : memref<128x32xf32, #tpu.memory_space<vmem>>)
      %add3A_374 = arith.constant 0 : i32
      %add3A_375 = arith.addi %add3A_326, %add3A_374 : i32
      %dma_start3A_376 = arith.constant 0 : i32
      %dma_start3A_377 = tpu.memref_slice %arg8[%add3A_375, %dma_start3A_376] : memref<160x128xi32, #tpu.memory_space<vmem>> -> memref<1x128xi32, #tpu.memory_space<vmem>>
      %dma_start3A_378 = tpu.memref_squeeze %dma_start3A_377 : memref<1x128xi32, #tpu.memory_space<vmem>> -> memref<128xi32, #tpu.memory_space<vmem>>
      %dma_start3A_379 = arith.constant 0 : i32
      %dma_start3A_380 = arith.constant 0 : i32
      %dma_start3A_381 = tpu.memref_slice %arg15[%dma_start3A_379, %dma_start3A_380] : memref<10240x32xf32, #tpu.memory_space<vmem_shared>> -> memref<10240x32xf32, #tpu.memory_space<vmem_shared>>
      tpu.enqueue_indirect_dma source(%arg10 : memref<128x32xf32, #tpu.memory_space<vmem>>) target(%dma_start3A_381 : memref<10240x32xf32, #tpu.memory_space<vmem_shared>>) offsets(%dma_start3A_378 : memref<128xi32, #tpu.memory_space<vmem>>) semaphore(%arg23 : memref<!tpu.dma_semaphore, #tpu.memory_space<semaphore_mem>>) {add = true}
      %dma_wait3A_382 = arith.constant 0 : i32
      %dma_wait3A_383 = tpu.memref_slice %arg7[%add3A_337, %dma_wait3A_382] : memref<160x128xi32, #tpu.memory_space<vmem>> -> memref<1x128xi32, #tpu.memory_space<vmem>>
      %dma_wait3A_384 = tpu.memref_squeeze %dma_wait3A_383 : memref<1x128xi32, #tpu.memory_space<vmem>> -> memref<128xi32, #tpu.memory_space<vmem>>
      %dma_wait3A_385 = arith.constant 0 : i32
      %dma_wait3A_386 = arith.constant 0 : i32
      %dma_wait3A_387 = tpu.memref_slice %arg16[%dma_wait3A_385, %dma_wait3A_386] : memref<10240x32xf32, #tpu.memory_space<vmem_shared>> -> memref<10240x32xf32, #tpu.memory_space<vmem_shared>>
      tpu.wait_indirect_dma semaphore(%arg19 : memref<!tpu.dma_semaphore, #tpu.memory_space<semaphore_mem>>) src(%dma_wait3A_387 : memref<10240x32xf32, #tpu.memory_space<vmem_shared>>) dst(%arg11 : memref<128x32xf32, #tpu.memory_space<vmem>>)
      %add3A_388 = arith.constant 1 : i32
      %add3A_389 = arith.addi %add3A_326, %add3A_388 : i32
      %dma_start3A_390 = arith.constant 0 : i32
      %dma_start3A_391 = tpu.memref_slice %arg8[%add3A_389, %dma_start3A_390] : memref<160x128xi32, #tpu.memory_space<vmem>> -> memref<1x128xi32, #tpu.memory_space<vmem>>
      %dma_start3A_392 = tpu.memref_squeeze %dma_start3A_391 : memref<1x128xi32, #tpu.memory_space<vmem>> -> memref<128xi32, #tpu.memory_space<vmem>>
      %dma_start3A_393 = arith.constant 0 : i32
      %dma_start3A_394 = arith.constant 0 : i32
      %dma_start3A_395 = tpu.memref_slice %arg15[%dma_start3A_393, %dma_start3A_394] : memref<10240x32xf32, #tpu.memory_space<vmem_shared>> -> memref<10240x32xf32, #tpu.memory_space<vmem_shared>>
      tpu.enqueue_indirect_dma source(%arg11 : memref<128x32xf32, #tpu.memory_space<vmem>>) target(%dma_start3A_395 : memref<10240x32xf32, #tpu.memory_space<vmem_shared>>) offsets(%dma_start3A_392 : memref<128xi32, #tpu.memory_space<vmem>>) semaphore(%arg23 : memref<!tpu.dma_semaphore, #tpu.memory_space<semaphore_mem>>) {add = true}
      %dma_wait3A_396 = arith.constant 0 : i32
      %dma_wait3A_397 = tpu.memref_slice %arg7[%add3A_345, %dma_wait3A_396] : memref<160x128xi32, #tpu.memory_space<vmem>> -> memref<1x128xi32, #tpu.memory_space<vmem>>
      %dma_wait3A_398 = tpu.memref_squeeze %dma_wait3A_397 : memref<1x128xi32, #tpu.memory_space<vmem>> -> memref<128xi32, #tpu.memory_space<vmem>>
      %dma_wait3A_399 = arith.constant 0 : i32
      %dma_wait3A_400 = arith.constant 0 : i32
      %dma_wait3A_401 = tpu.memref_slice %arg16[%dma_wait3A_399, %dma_wait3A_400] : memref<10240x32xf32, #tpu.memory_space<vmem_shared>> -> memref<10240x32xf32, #tpu.memory_space<vmem_shared>>
      tpu.wait_indirect_dma semaphore(%arg20 : memref<!tpu.dma_semaphore, #tpu.memory_space<semaphore_mem>>) src(%dma_wait3A_401 : memref<10240x32xf32, #tpu.memory_space<vmem_shared>>) dst(%arg12 : memref<128x32xf32, #tpu.memory_space<vmem>>)
      %add3A_402 = arith.constant 2 : i32
      %add3A_403 = arith.addi %add3A_326, %add3A_402 : i32
      %dma_start3A_404 = arith.constant 0 : i32
      %dma_start3A_405 = tpu.memref_slice %arg8[%add3A_403, %dma_start3A_404] : memref<160x128xi32, #tpu.memory_space<vmem>> -> memref<1x128xi32, #tpu.memory_space<vmem>>
      %dma_start3A_406 = tpu.memref_squeeze %dma_start3A_405 : memref<1x128xi32, #tpu.memory_space<vmem>> -> memref<128xi32, #tpu.memory_space<vmem>>
      %dma_start3A_407 = arith.constant 0 : i32
      %dma_start3A_408 = arith.constant 0 : i32
      %dma_start3A_409 = tpu.memref_slice %arg15[%dma_start3A_407, %dma_start3A_408] : memref<10240x32xf32, #tpu.memory_space<vmem_shared>> -> memref<10240x32xf32, #tpu.memory_space<vmem_shared>>
      tpu.enqueue_indirect_dma source(%arg12 : memref<128x32xf32, #tpu.memory_space<vmem>>) target(%dma_start3A_409 : memref<10240x32xf32, #tpu.memory_space<vmem_shared>>) offsets(%dma_start3A_406 : memref<128xi32, #tpu.memory_space<vmem>>) semaphore(%arg23 : memref<!tpu.dma_semaphore, #tpu.memory_space<semaphore_mem>>) {add = true}
      %dma_wait3A_410 = arith.constant 0 : i32
      %dma_wait3A_411 = tpu.memref_slice %arg7[%add3A_353, %dma_wait3A_410] : memref<160x128xi32, #tpu.memory_space<vmem>> -> memref<1x128xi32, #tpu.memory_space<vmem>>
      %dma_wait3A_412 = tpu.memref_squeeze %dma_wait3A_411 : memref<1x128xi32, #tpu.memory_space<vmem>> -> memref<128xi32, #tpu.memory_space<vmem>>
      %dma_wait3A_413 = arith.constant 0 : i32
      %dma_wait3A_414 = arith.constant 0 : i32
      %dma_wait3A_415 = tpu.memref_slice %arg16[%dma_wait3A_413, %dma_wait3A_414] : memref<10240x32xf32, #tpu.memory_space<vmem_shared>> -> memref<10240x32xf32, #tpu.memory_space<vmem_shared>>
      tpu.wait_indirect_dma semaphore(%arg21 : memref<!tpu.dma_semaphore, #tpu.memory_space<semaphore_mem>>) src(%dma_wait3A_415 : memref<10240x32xf32, #tpu.memory_space<vmem_shared>>) dst(%arg13 : memref<128x32xf32, #tpu.memory_space<vmem>>)
      %add3A_416 = arith.constant 3 : i32
      %add3A_417 = arith.addi %add3A_326, %add3A_416 : i32
      %dma_start3A_418 = arith.constant 0 : i32
      %dma_start3A_419 = tpu.memref_slice %arg8[%add3A_417, %dma_start3A_418] : memref<160x128xi32, #tpu.memory_space<vmem>> -> memref<1x128xi32, #tpu.memory_space<vmem>>
      %dma_start3A_420 = tpu.memref_squeeze %dma_start3A_419 : memref<1x128xi32, #tpu.memory_space<vmem>> -> memref<128xi32, #tpu.memory_space<vmem>>
      %dma_start3A_421 = arith.constant 0 : i32
      %dma_start3A_422 = arith.constant 0 : i32
      %dma_start3A_423 = tpu.memref_slice %arg15[%dma_start3A_421, %dma_start3A_422] : memref<10240x32xf32, #tpu.memory_space<vmem_shared>> -> memref<10240x32xf32, #tpu.memory_space<vmem_shared>>
      tpu.enqueue_indirect_dma source(%arg13 : memref<128x32xf32, #tpu.memory_space<vmem>>) target(%dma_start3A_423 : memref<10240x32xf32, #tpu.memory_space<vmem_shared>>) offsets(%dma_start3A_420 : memref<128xi32, #tpu.memory_space<vmem>>) semaphore(%arg23 : memref<!tpu.dma_semaphore, #tpu.memory_space<semaphore_mem>>) {add = true}
      %dma_wait3A_424 = arith.constant 0 : i32
      %dma_wait3A_425 = tpu.memref_slice %arg7[%add3A_361, %dma_wait3A_424] : memref<160x128xi32, #tpu.memory_space<vmem>> -> memref<1x128xi32, #tpu.memory_space<vmem>>
      %dma_wait3A_426 = tpu.memref_squeeze %dma_wait3A_425 : memref<1x128xi32, #tpu.memory_space<vmem>> -> memref<128xi32, #tpu.memory_space<vmem>>
      %dma_wait3A_427 = arith.constant 0 : i32
      %dma_wait3A_428 = arith.constant 0 : i32
      %dma_wait3A_429 = tpu.memref_slice %arg16[%dma_wait3A_427, %dma_wait3A_428] : memref<10240x32xf32, #tpu.memory_space<vmem_shared>> -> memref<10240x32xf32, #tpu.memory_space<vmem_shared>>
      tpu.wait_indirect_dma semaphore(%arg22 : memref<!tpu.dma_semaphore, #tpu.memory_space<semaphore_mem>>) src(%dma_wait3A_429 : memref<10240x32xf32, #tpu.memory_space<vmem_shared>>) dst(%arg14 : memref<128x32xf32, #tpu.memory_space<vmem>>)
      %add3A_430 = arith.constant 4 : i32
      %add3A_431 = arith.addi %add3A_326, %add3A_430 : i32
      %dma_start3A_432 = arith.constant 0 : i32
      %dma_start3A_433 = tpu.memref_slice %arg8[%add3A_431, %dma_start3A_432] : memref<160x128xi32, #tpu.memory_space<vmem>> -> memref<1x128xi32, #tpu.memory_space<vmem>>
      %dma_start3A_434 = tpu.memref_squeeze %dma_start3A_433 : memref<1x128xi32, #tpu.memory_space<vmem>> -> memref<128xi32, #tpu.memory_space<vmem>>
      %dma_start3A_435 = arith.constant 0 : i32
      %dma_start3A_436 = arith.constant 0 : i32
      %dma_start3A_437 = tpu.memref_slice %arg15[%dma_start3A_435, %dma_start3A_436] : memref<10240x32xf32, #tpu.memory_space<vmem_shared>> -> memref<10240x32xf32, #tpu.memory_space<vmem_shared>>
      tpu.enqueue_indirect_dma source(%arg14 : memref<128x32xf32, #tpu.memory_space<vmem>>) target(%dma_start3A_437 : memref<10240x32xf32, #tpu.memory_space<vmem_shared>>) offsets(%dma_start3A_434 : memref<128xi32, #tpu.memory_space<vmem>>) semaphore(%arg23 : memref<!tpu.dma_semaphore, #tpu.memory_space<semaphore_mem>>) {add = true}
    }
    %scan3A_198 = arith.constant 32 : i32
    %dma_wait3A_199 = arith.constant 0 : i32
    %dma_wait3A_200 = arith.constant 0 : i32
    %dma_wait3A_201 = tpu.memref_slice %arg2[%dma_wait3A_199, %dma_wait3A_200] : memref<40960x32xf32, #tpu.memory_space<hbm>> -> memref<128x32xf32, #tpu.memory_space<hbm>>
    %dma_wait3A_202 = arith.constant 0 : i32
    %dma_wait3A_203 = arith.constant 0 : i32
    %dma_wait3A_204 = tpu.memref_slice %arg2[%dma_wait3A_202, %dma_wait3A_203] : memref<40960x32xf32, #tpu.memory_space<hbm>> -> memref<128x32xf32, #tpu.memory_space<hbm>>
    tpu.wait_dma2 semaphore(%arg23 : memref<!tpu.dma_semaphore, #tpu.memory_space<semaphore_mem>>) src(%dma_wait3A_204 : memref<128x32xf32, #tpu.memory_space<hbm>>) dst(%arg10 : memref<128x32xf32, #tpu.memory_space<vmem>>)
    %dma_wait3A_205 = arith.constant 0 : i32
    %dma_wait3A_206 = arith.constant 0 : i32
    %dma_wait3A_207 = tpu.memref_slice %arg2[%dma_wait3A_205, %dma_wait3A_206] : memref<40960x32xf32, #tpu.memory_space<hbm>> -> memref<128x32xf32, #tpu.memory_space<hbm>>
    %dma_wait3A_208 = arith.constant 0 : i32
    %dma_wait3A_209 = arith.constant 0 : i32
    %dma_wait3A_210 = tpu.memref_slice %arg2[%dma_wait3A_208, %dma_wait3A_209] : memref<40960x32xf32, #tpu.memory_space<hbm>> -> memref<128x32xf32, #tpu.memory_space<hbm>>
    tpu.wait_dma2 semaphore(%arg23 : memref<!tpu.dma_semaphore, #tpu.memory_space<semaphore_mem>>) src(%dma_wait3A_210 : memref<128x32xf32, #tpu.memory_space<hbm>>) dst(%arg11 : memref<128x32xf32, #tpu.memory_space<vmem>>)
    %dma_wait3A_211 = arith.constant 0 : i32
    %dma_wait3A_212 = arith.constant 0 : i32
    %dma_wait3A_213 = tpu.memref_slice %arg2[%dma_wait3A_211, %dma_wait3A_212] : memref<40960x32xf32, #tpu.memory_space<hbm>> -> memref<128x32xf32, #tpu.memory_space<hbm>>
    %dma_wait3A_214 = arith.constant 0 : i32
    %dma_wait3A_215 = arith.constant 0 : i32
    %dma_wait3A_216 = tpu.memref_slice %arg2[%dma_wait3A_214, %dma_wait3A_215] : memref<40960x32xf32, #tpu.memory_space<hbm>> -> memref<128x32xf32, #tpu.memory_space<hbm>>
    tpu.wait_dma2 semaphore(%arg23 : memref<!tpu.dma_semaphore, #tpu.memory_space<semaphore_mem>>) src(%dma_wait3A_216 : memref<128x32xf32, #tpu.memory_space<hbm>>) dst(%arg12 : memref<128x32xf32, #tpu.memory_space<vmem>>)
    %dma_wait3A_217 = arith.constant 0 : i32
    %dma_wait3A_218 = arith.constant 0 : i32
    %dma_wait3A_219 = tpu.memref_slice %arg2[%dma_wait3A_217, %dma_wait3A_218] : memref<40960x32xf32, #tpu.memory_space<hbm>> -> memref<128x32xf32, #tpu.memory_space<hbm>>
    %dma_wait3A_220 = arith.constant 0 : i32
    %dma_wait3A_221 = arith.constant 0 : i32
    %dma_wait3A_222 = tpu.memref_slice %arg2[%dma_wait3A_220, %dma_wait3A_221] : memref<40960x32xf32, #tpu.memory_space<hbm>> -> memref<128x32xf32, #tpu.memory_space<hbm>>
    tpu.wait_dma2 semaphore(%arg23 : memref<!tpu.dma_semaphore, #tpu.memory_space<semaphore_mem>>) src(%dma_wait3A_222 : memref<128x32xf32, #tpu.memory_space<hbm>>) dst(%arg13 : memref<128x32xf32, #tpu.memory_space<vmem>>)
    %dma_wait3A_223 = arith.constant 0 : i32
    %dma_wait3A_224 = arith.constant 0 : i32
    %dma_wait3A_225 = tpu.memref_slice %arg2[%dma_wait3A_223, %dma_wait3A_224] : memref<40960x32xf32, #tpu.memory_space<hbm>> -> memref<128x32xf32, #tpu.memory_space<hbm>>
    %dma_wait3A_226 = arith.constant 0 : i32
    %dma_wait3A_227 = arith.constant 0 : i32
    %dma_wait3A_228 = tpu.memref_slice %arg2[%dma_wait3A_226, %dma_wait3A_227] : memref<40960x32xf32, #tpu.memory_space<hbm>> -> memref<128x32xf32, #tpu.memory_space<hbm>>
    tpu.wait_dma2 semaphore(%arg23 : memref<!tpu.dma_semaphore, #tpu.memory_space<semaphore_mem>>) src(%dma_wait3A_228 : memref<128x32xf32, #tpu.memory_space<hbm>>) dst(%arg14 : memref<128x32xf32, #tpu.memory_space<vmem>>)
    %barrier3A_229 = arith.constant 0 : index
    tpu.barrier barrier_id(%barrier3A_229)
    %add3A_230 = arith.constant 0 : i32
    %add3A_231 = arith.addi %mul3A_0, %add3A_230 : i32
    "tpu.region"() ({
      %run_scoped3A = tpu.sem_alloc : memref<!tpu.dma_semaphore, #tpu.memory_space<semaphore_mem>>
      %dma_start3A = arith.constant 0 : i32
      %dma_start3A_322 = tpu.memref_slice %arg15[%add3A_231, %dma_start3A] : memref<10240x32xf32, #tpu.memory_space<vmem_shared>> -> memref<128x32xf32, #tpu.memory_space<vmem_shared>>
      %dma_start3A_323 = arith.constant 0 : i32
      %dma_start3A_324 = tpu.memref_slice %arg15[%add3A_231, %dma_start3A_323] : memref<10240x32xf32, #tpu.memory_space<vmem_shared>> -> memref<128x32xf32, #tpu.memory_space<vmem_shared>>
      tpu.enqueue_dma source(%dma_start3A_324 : memref<128x32xf32, #tpu.memory_space<vmem_shared>>) target(%arg10 : memref<128x32xf32, #tpu.memory_space<vmem>>) target_semaphore(%run_scoped3A : memref<!tpu.dma_semaphore, #tpu.memory_space<semaphore_mem>>)
      %dma_wait3A_325 = arith.constant 0 : i32
      %dma_wait3A_326 = tpu.memref_slice %arg15[%add3A_231, %dma_wait3A_325] : memref<10240x32xf32, #tpu.memory_space<vmem_shared>> -> memref<128x32xf32, #tpu.memory_space<vmem_shared>>
      %dma_wait3A_327 = arith.constant 0 : i32
      %dma_wait3A_328 = tpu.memref_slice %arg15[%add3A_231, %dma_wait3A_327] : memref<10240x32xf32, #tpu.memory_space<vmem_shared>> -> memref<128x32xf32, #tpu.memory_space<vmem_shared>>
      tpu.wait_dma2 semaphore(%run_scoped3A : memref<!tpu.dma_semaphore, #tpu.memory_space<semaphore_mem>>) src(%dma_wait3A_328 : memref<128x32xf32, #tpu.memory_space<vmem_shared>>) dst(%arg10 : memref<128x32xf32, #tpu.memory_space<vmem>>)
      tpu.yield
    }) : () -> ()
    %add3A_232 = arith.constant 0 : i32
    %add3A_233 = arith.addi %mul3A_0, %add3A_232 : i32
    "tpu.region"() ({
      %run_scoped3A = tpu.sem_alloc : memref<!tpu.dma_semaphore, #tpu.memory_space<semaphore_mem>>
      %dma_start3A = arith.constant 0 : i32
      %dma_start3A_322 = tpu.memref_slice %arg6[%mul3A_2, %add3A_233, %dma_start3A] : memref<4x10240x32xf32, #tpu.memory_space<hbm>> -> memref<1x128x32xf32, #tpu.memory_space<hbm>>
      %dma_start3A_323 = tpu.memref_squeeze %dma_start3A_322 : memref<1x128x32xf32, #tpu.memory_space<hbm>> -> memref<128x32xf32, #tpu.memory_space<hbm>>
      %dma_start3A_324 = arith.constant 0 : i32
      %dma_start3A_325 = tpu.memref_slice %arg6[%mul3A_2, %add3A_233, %dma_start3A_324] : memref<4x10240x32xf32, #tpu.memory_space<hbm>> -> memref<1x128x32xf32, #tpu.memory_space<hbm>>
      %dma_start3A_326 = tpu.memref_squeeze %dma_start3A_325 : memref<1x128x32xf32, #tpu.memory_space<hbm>> -> memref<128x32xf32, #tpu.memory_space<hbm>>
      tpu.enqueue_dma source(%arg10 : memref<128x32xf32, #tpu.memory_space<vmem>>) target(%dma_start3A_326 : memref<128x32xf32, #tpu.memory_space<hbm>>) target_semaphore(%run_scoped3A : memref<!tpu.dma_semaphore, #tpu.memory_space<semaphore_mem>>)
      %dma_wait3A_327 = arith.constant 0 : i32
      %dma_wait3A_328 = tpu.memref_slice %arg6[%mul3A_2, %add3A_233, %dma_wait3A_327] : memref<4x10240x32xf32, #tpu.memory_space<hbm>> -> memref<1x128x32xf32, #tpu.memory_space<hbm>>
      %dma_wait3A_329 = tpu.memref_squeeze %dma_wait3A_328 : memref<1x128x32xf32, #tpu.memory_space<hbm>> -> memref<128x32xf32, #tpu.memory_space<hbm>>
      %dma_wait3A_330 = arith.constant 0 : i32
      %dma_wait3A_331 = tpu.memref_slice %arg6[%mul3A_2, %add3A_233, %dma_wait3A_330] : memref<4x10240x32xf32, #tpu.memory_space<hbm>> -> memref<1x128x32xf32, #tpu.memory_space<hbm>>
      %dma_wait3A_332 = tpu.memref_squeeze %dma_wait3A_331 : memref<1x128x32xf32, #tpu.memory_space<hbm>> -> memref<128x32xf32, #tpu.memory_space<hbm>>
      tpu.wait_dma2 semaphore(%run_scoped3A : memref<!tpu.dma_semaphore, #tpu.memory_space<semaphore_mem>>) src(%arg10 : memref<128x32xf32, #tpu.memory_space<vmem>>) dst(%dma_wait3A_332 : memref<128x32xf32, #tpu.memory_space<hbm>>)
      tpu.yield
    }) : () -> ()
    %add3A_234 = arith.constant 128 : i32
    %add3A_235 = arith.addi %mul3A_0, %add3A_234 : i32
    "tpu.region"() ({
      %run_scoped3A = tpu.sem_alloc : memref<!tpu.dma_semaphore, #tpu.memory_space<semaphore_mem>>
      %dma_start3A = arith.constant 0 : i32
      %dma_start3A_322 = tpu.memref_slice %arg15[%add3A_235, %dma_start3A] : memref<10240x32xf32, #tpu.memory_space<vmem_shared>> -> memref<128x32xf32, #tpu.memory_space<vmem_shared>>
      %dma_start3A_323 = arith.constant 0 : i32
      %dma_start3A_324 = tpu.memref_slice %arg15[%add3A_235, %dma_start3A_323] : memref<10240x32xf32, #tpu.memory_space<vmem_shared>> -> memref<128x32xf32, #tpu.memory_space<vmem_shared>>
      tpu.enqueue_dma source(%dma_start3A_324 : memref<128x32xf32, #tpu.memory_space<vmem_shared>>) target(%arg10 : memref<128x32xf32, #tpu.memory_space<vmem>>) target_semaphore(%run_scoped3A : memref<!tpu.dma_semaphore, #tpu.memory_space<semaphore_mem>>)
      %dma_wait3A_325 = arith.constant 0 : i32
      %dma_wait3A_326 = tpu.memref_slice %arg15[%add3A_235, %dma_wait3A_325] : memref<10240x32xf32, #tpu.memory_space<vmem_shared>> -> memref<128x32xf32, #tpu.memory_space<vmem_shared>>
      %dma_wait3A_327 = arith.constant 0 : i32
      %dma_wait3A_328 = tpu.memref_slice %arg15[%add3A_235, %dma_wait3A_327] : memref<10240x32xf32, #tpu.memory_space<vmem_shared>> -> memref<128x32xf32, #tpu.memory_space<vmem_shared>>
      tpu.wait_dma2 semaphore(%run_scoped3A : memref<!tpu.dma_semaphore, #tpu.memory_space<semaphore_mem>>) src(%dma_wait3A_328 : memref<128x32xf32, #tpu.memory_space<vmem_shared>>) dst(%arg10 : memref<128x32xf32, #tpu.memory_space<vmem>>)
      tpu.yield
    }) : () -> ()
    %add3A_236 = arith.constant 128 : i32
    %add3A_237 = arith.addi %mul3A_0, %add3A_236 : i32
    "tpu.region"() ({
      %run_scoped3A = tpu.sem_alloc : memref<!tpu.dma_semaphore, #tpu.memory_space<semaphore_mem>>
      %dma_start3A = arith.constant 0 : i32
      %dma_start3A_322 = tpu.memref_slice %arg6[%mul3A_2, %add3A_237, %dma_start3A] : memref<4x10240x32xf32, #tpu.memory_space<hbm>> -> memref<1x128x32xf32, #tpu.memory_space<hbm>>
      %dma_start3A_323 = tpu.memref_squeeze %dma_start3A_322 : memref<1x128x32xf32, #tpu.memory_space<hbm>> -> memref<128x32xf32, #tpu.memory_space<hbm>>
      %dma_start3A_324 = arith.constant 0 : i32
      %dma_start3A_325 = tpu.memref_slice %arg6[%mul3A_2, %add3A_237, %dma_start3A_324] : memref<4x10240x32xf32, #tpu.memory_space<hbm>> -> memref<1x128x32xf32, #tpu.memory_space<hbm>>
      %dma_start3A_326 = tpu.memref_squeeze %dma_start3A_325 : memref<1x128x32xf32, #tpu.memory_space<hbm>> -> memref<128x32xf32, #tpu.memory_space<hbm>>
      tpu.enqueue_dma source(%arg10 : memref<128x32xf32, #tpu.memory_space<vmem>>) target(%dma_start3A_326 : memref<128x32xf32, #tpu.memory_space<hbm>>) target_semaphore(%run_scoped3A : memref<!tpu.dma_semaphore, #tpu.memory_space<semaphore_mem>>)
      %dma_wait3A_327 = arith.constant 0 : i32
      %dma_wait3A_328 = tpu.memref_slice %arg6[%mul3A_2, %add3A_237, %dma_wait3A_327] : memref<4x10240x32xf32, #tpu.memory_space<hbm>> -> memref<1x128x32xf32, #tpu.memory_space<hbm>>
      %dma_wait3A_329 = tpu.memref_squeeze %dma_wait3A_328 : memref<1x128x32xf32, #tpu.memory_space<hbm>> -> memref<128x32xf32, #tpu.memory_space<hbm>>
      %dma_wait3A_330 = arith.constant 0 : i32
      %dma_wait3A_331 = tpu.memref_slice %arg6[%mul3A_2, %add3A_237, %dma_wait3A_330] : memref<4x10240x32xf32, #tpu.memory_space<hbm>> -> memref<1x128x32xf32, #tpu.memory_space<hbm>>
      %dma_wait3A_332 = tpu.memref_squeeze %dma_wait3A_331 : memref<1x128x32xf32, #tpu.memory_space<hbm>> -> memref<128x32xf32, #tpu.memory_space<hbm>>
      tpu.wait_dma2 semaphore(%run_scoped3A : memref<!tpu.dma_semaphore, #tpu.memory_space<semaphore_mem>>) src(%arg10 : memref<128x32xf32, #tpu.memory_space<vmem>>) dst(%dma_wait3A_332 : memref<128x32xf32, #tpu.memory_space<hbm>>)
      tpu.yield
    }) : () -> ()
    %add3A_238 = arith.constant 256 : i32
    %add3A_239 = arith.addi %mul3A_0, %add3A_238 : i32
    "tpu.region"() ({
      %run_scoped3A = tpu.sem_alloc : memref<!tpu.dma_semaphore, #tpu.memory_space<semaphore_mem>>
      %dma_start3A = arith.constant 0 : i32
      %dma_start3A_322 = tpu.memref_slice %arg15[%add3A_239, %dma_start3A] : memref<10240x32xf32, #tpu.memory_space<vmem_shared>> -> memref<128x32xf32, #tpu.memory_space<vmem_shared>>
      %dma_start3A_323 = arith.constant 0 : i32
      %dma_start3A_324 = tpu.memref_slice %arg15[%add3A_239, %dma_start3A_323] : memref<10240x32xf32, #tpu.memory_space<vmem_shared>> -> memref<128x32xf32, #tpu.memory_space<vmem_shared>>
      tpu.enqueue_dma source(%dma_start3A_324 : memref<128x32xf32, #tpu.memory_space<vmem_shared>>) target(%arg10 : memref<128x32xf32, #tpu.memory_space<vmem>>) target_semaphore(%run_scoped3A : memref<!tpu.dma_semaphore, #tpu.memory_space<semaphore_mem>>)
      %dma_wait3A_325 = arith.constant 0 : i32
      %dma_wait3A_326 = tpu.memref_slice %arg15[%add3A_239, %dma_wait3A_325] : memref<10240x32xf32, #tpu.memory_space<vmem_shared>> -> memref<128x32xf32, #tpu.memory_space<vmem_shared>>
      %dma_wait3A_327 = arith.constant 0 : i32
      %dma_wait3A_328 = tpu.memref_slice %arg15[%add3A_239, %dma_wait3A_327] : memref<10240x32xf32, #tpu.memory_space<vmem_shared>> -> memref<128x32xf32, #tpu.memory_space<vmem_shared>>
      tpu.wait_dma2 semaphore(%run_scoped3A : memref<!tpu.dma_semaphore, #tpu.memory_space<semaphore_mem>>) src(%dma_wait3A_328 : memref<128x32xf32, #tpu.memory_space<vmem_shared>>) dst(%arg10 : memref<128x32xf32, #tpu.memory_space<vmem>>)
      tpu.yield
    }) : () -> ()
    %add3A_240 = arith.constant 256 : i32
    %add3A_241 = arith.addi %mul3A_0, %add3A_240 : i32
    "tpu.region"() ({
      %run_scoped3A = tpu.sem_alloc : memref<!tpu.dma_semaphore, #tpu.memory_space<semaphore_mem>>
      %dma_start3A = arith.constant 0 : i32
      %dma_start3A_322 = tpu.memref_slice %arg6[%mul3A_2, %add3A_241, %dma_start3A] : memref<4x10240x32xf32, #tpu.memory_space<hbm>> -> memref<1x128x32xf32, #tpu.memory_space<hbm>>
      %dma_start3A_323 = tpu.memref_squeeze %dma_start3A_322 : memref<1x128x32xf32, #tpu.memory_space<hbm>> -> memref<128x32xf32, #tpu.memory_space<hbm>>
      %dma_start3A_324 = arith.constant 0 : i32
      %dma_start3A_325 = tpu.memref_slice %arg6[%mul3A_2, %add3A_241, %dma_start3A_324] : memref<4x10240x32xf32, #tpu.memory_space<hbm>> -> memref<1x128x32xf32, #tpu.memory_space<hbm>>
      %dma_start3A_326 = tpu.memref_squeeze %dma_start3A_325 : memref<1x128x32xf32, #tpu.memory_space<hbm>> -> memref<128x32xf32, #tpu.memory_space<hbm>>
      tpu.enqueue_dma source(%arg10 : memref<128x32xf32, #tpu.memory_space<vmem>>) target(%dma_start3A_326 : memref<128x32xf32, #tpu.memory_space<hbm>>) target_semaphore(%run_scoped3A : memref<!tpu.dma_semaphore, #tpu.memory_space<semaphore_mem>>)
      %dma_wait3A_327 = arith.constant 0 : i32
      %dma_wait3A_328 = tpu.memref_slice %arg6[%mul3A_2, %add3A_241, %dma_wait3A_327] : memref<4x10240x32xf32, #tpu.memory_space<hbm>> -> memref<1x128x32xf32, #tpu.memory_space<hbm>>
      %dma_wait3A_329 = tpu.memref_squeeze %dma_wait3A_328 : memref<1x128x32xf32, #tpu.memory_space<hbm>> -> memref<128x32xf32, #tpu.memory_space<hbm>>
      %dma_wait3A_330 = arith.constant 0 : i32
      %dma_wait3A_331 = tpu.memref_slice %arg6[%mul3A_2, %add3A_241, %dma_wait3A_330] : memref<4x10240x32xf32, #tpu.memory_space<hbm>> -> memref<1x128x32xf32, #tpu.memory_space<hbm>>
      %dma_wait3A_332 = tpu.memref_squeeze %dma_wait3A_331 : memref<1x128x32xf32, #tpu.memory_space<hbm>> -> memref<128x32xf32, #tpu.memory_space<hbm>>
      tpu.wait_dma2 semaphore(%run_scoped3A : memref<!tpu.dma_semaphore, #tpu.memory_space<semaphore_mem>>) src(%arg10 : memref<128x32xf32, #tpu.memory_space<vmem>>) dst(%dma_wait3A_332 : memref<128x32xf32, #tpu.memory_space<hbm>>)
      tpu.yield
    }) : () -> ()
    %add3A_242 = arith.constant 384 : i32
    %add3A_243 = arith.addi %mul3A_0, %add3A_242 : i32
    "tpu.region"() ({
      %run_scoped3A = tpu.sem_alloc : memref<!tpu.dma_semaphore, #tpu.memory_space<semaphore_mem>>
      %dma_start3A = arith.constant 0 : i32
      %dma_start3A_322 = tpu.memref_slice %arg15[%add3A_243, %dma_start3A] : memref<10240x32xf32, #tpu.memory_space<vmem_shared>> -> memref<128x32xf32, #tpu.memory_space<vmem_shared>>
      %dma_start3A_323 = arith.constant 0 : i32
      %dma_start3A_324 = tpu.memref_slice %arg15[%add3A_243, %dma_start3A_323] : memref<10240x32xf32, #tpu.memory_space<vmem_shared>> -> memref<128x32xf32, #tpu.memory_space<vmem_shared>>
      tpu.enqueue_dma source(%dma_start3A_324 : memref<128x32xf32, #tpu.memory_space<vmem_shared>>) target(%arg10 : memref<128x32xf32, #tpu.memory_space<vmem>>) target_semaphore(%run_scoped3A : memref<!tpu.dma_semaphore, #tpu.memory_space<semaphore_mem>>)
      %dma_wait3A_325 = arith.constant 0 : i32
      %dma_wait3A_326 = tpu.memref_slice %arg15[%add3A_243, %dma_wait3A_325] : memref<10240x32xf32, #tpu.memory_space<vmem_shared>> -> memref<128x32xf32, #tpu.memory_space<vmem_shared>>
      %dma_wait3A_327 = arith.constant 0 : i32
      %dma_wait3A_328 = tpu.memref_slice %arg15[%add3A_243, %dma_wait3A_327] : memref<10240x32xf32, #tpu.memory_space<vmem_shared>> -> memref<128x32xf32, #tpu.memory_space<vmem_shared>>
      tpu.wait_dma2 semaphore(%run_scoped3A : memref<!tpu.dma_semaphore, #tpu.memory_space<semaphore_mem>>) src(%dma_wait3A_328 : memref<128x32xf32, #tpu.memory_space<vmem_shared>>) dst(%arg10 : memref<128x32xf32, #tpu.memory_space<vmem>>)
      tpu.yield
    }) : () -> ()
    %add3A_244 = arith.constant 384 : i32
    %add3A_245 = arith.addi %mul3A_0, %add3A_244 : i32
    "tpu.region"() ({
      %run_scoped3A = tpu.sem_alloc : memref<!tpu.dma_semaphore, #tpu.memory_space<semaphore_mem>>
      %dma_start3A = arith.constant 0 : i32
      %dma_start3A_322 = tpu.memref_slice %arg6[%mul3A_2, %add3A_245, %dma_start3A] : memref<4x10240x32xf32, #tpu.memory_space<hbm>> -> memref<1x128x32xf32, #tpu.memory_space<hbm>>
      %dma_start3A_323 = tpu.memref_squeeze %dma_start3A_322 : memref<1x128x32xf32, #tpu.memory_space<hbm>> -> memref<128x32xf32, #tpu.memory_space<hbm>>
      %dma_start3A_324 = arith.constant 0 : i32
      %dma_start3A_325 = tpu.memref_slice %arg6[%mul3A_2, %add3A_245, %dma_start3A_324] : memref<4x10240x32xf32, #tpu.memory_space<hbm>> -> memref<1x128x32xf32, #tpu.memory_space<hbm>>
      %dma_start3A_326 = tpu.memref_squeeze %dma_start3A_325 : memref<1x128x32xf32, #tpu.memory_space<hbm>> -> memref<128x32xf32, #tpu.memory_space<hbm>>
      tpu.enqueue_dma source(%arg10 : memref<128x32xf32, #tpu.memory_space<vmem>>) target(%dma_start3A_326 : memref<128x32xf32, #tpu.memory_space<hbm>>) target_semaphore(%run_scoped3A : memref<!tpu.dma_semaphore, #tpu.memory_space<semaphore_mem>>)
      %dma_wait3A_327 = arith.constant 0 : i32
      %dma_wait3A_328 = tpu.memref_slice %arg6[%mul3A_2, %add3A_245, %dma_wait3A_327] : memref<4x10240x32xf32, #tpu.memory_space<hbm>> -> memref<1x128x32xf32, #tpu.memory_space<hbm>>
      %dma_wait3A_329 = tpu.memref_squeeze %dma_wait3A_328 : memref<1x128x32xf32, #tpu.memory_space<hbm>> -> memref<128x32xf32, #tpu.memory_space<hbm>>
      %dma_wait3A_330 = arith.constant 0 : i32
      %dma_wait3A_331 = tpu.memref_slice %arg6[%mul3A_2, %add3A_245, %dma_wait3A_330] : memref<4x10240x32xf32, #tpu.memory_space<hbm>> -> memref<1x128x32xf32, #tpu.memory_space<hbm>>
      %dma_wait3A_332 = tpu.memref_squeeze %dma_wait3A_331 : memref<1x128x32xf32, #tpu.memory_space<hbm>> -> memref<128x32xf32, #tpu.memory_space<hbm>>
      tpu.wait_dma2 semaphore(%run_scoped3A : memref<!tpu.dma_semaphore, #tpu.memory_space<semaphore_mem>>) src(%arg10 : memref<128x32xf32, #tpu.memory_space<vmem>>) dst(%dma_wait3A_332 : memref<128x32xf32, #tpu.memory_space<hbm>>)
      tpu.yield
    }) : () -> ()
    %add3A_246 = arith.constant 512 : i32
    %add3A_247 = arith.addi %mul3A_0, %add3A_246 : i32
    "tpu.region"() ({
      %run_scoped3A = tpu.sem_alloc : memref<!tpu.dma_semaphore, #tpu.memory_space<semaphore_mem>>
      %dma_start3A = arith.constant 0 : i32
      %dma_start3A_322 = tpu.memref_slice %arg15[%add3A_247, %dma_start3A] : memref<10240x32xf32, #tpu.memory_space<vmem_shared>> -> memref<128x32xf32, #tpu.memory_space<vmem_shared>>
      %dma_start3A_323 = arith.constant 0 : i32
      %dma_start3A_324 = tpu.memref_slice %arg15[%add3A_247, %dma_start3A_323] : memref<10240x32xf32, #tpu.memory_space<vmem_shared>> -> memref<128x32xf32, #tpu.memory_space<vmem_shared>>
      tpu.enqueue_dma source(%dma_start3A_324 : memref<128x32xf32, #tpu.memory_space<vmem_shared>>) target(%arg10 : memref<128x32xf32, #tpu.memory_space<vmem>>) target_semaphore(%run_scoped3A : memref<!tpu.dma_semaphore, #tpu.memory_space<semaphore_mem>>)
      %dma_wait3A_325 = arith.constant 0 : i32
      %dma_wait3A_326 = tpu.memref_slice %arg15[%add3A_247, %dma_wait3A_325] : memref<10240x32xf32, #tpu.memory_space<vmem_shared>> -> memref<128x32xf32, #tpu.memory_space<vmem_shared>>
      %dma_wait3A_327 = arith.constant 0 : i32
      %dma_wait3A_328 = tpu.memref_slice %arg15[%add3A_247, %dma_wait3A_327] : memref<10240x32xf32, #tpu.memory_space<vmem_shared>> -> memref<128x32xf32, #tpu.memory_space<vmem_shared>>
      tpu.wait_dma2 semaphore(%run_scoped3A : memref<!tpu.dma_semaphore, #tpu.memory_space<semaphore_mem>>) src(%dma_wait3A_328 : memref<128x32xf32, #tpu.memory_space<vmem_shared>>) dst(%arg10 : memref<128x32xf32, #tpu.memory_space<vmem>>)
      tpu.yield
    }) : () -> ()
    %add3A_248 = arith.constant 512 : i32
    %add3A_249 = arith.addi %mul3A_0, %add3A_248 : i32
    "tpu.region"() ({
      %run_scoped3A = tpu.sem_alloc : memref<!tpu.dma_semaphore, #tpu.memory_space<semaphore_mem>>
      %dma_start3A = arith.constant 0 : i32
      %dma_start3A_322 = tpu.memref_slice %arg6[%mul3A_2, %add3A_249, %dma_start3A] : memref<4x10240x32xf32, #tpu.memory_space<hbm>> -> memref<1x128x32xf32, #tpu.memory_space<hbm>>
      %dma_start3A_323 = tpu.memref_squeeze %dma_start3A_322 : memref<1x128x32xf32, #tpu.memory_space<hbm>> -> memref<128x32xf32, #tpu.memory_space<hbm>>
      %dma_start3A_324 = arith.constant 0 : i32
      %dma_start3A_325 = tpu.memref_slice %arg6[%mul3A_2, %add3A_249, %dma_start3A_324] : memref<4x10240x32xf32, #tpu.memory_space<hbm>> -> memref<1x128x32xf32, #tpu.memory_space<hbm>>
      %dma_start3A_326 = tpu.memref_squeeze %dma_start3A_325 : memref<1x128x32xf32, #tpu.memory_space<hbm>> -> memref<128x32xf32, #tpu.memory_space<hbm>>
      tpu.enqueue_dma source(%arg10 : memref<128x32xf32, #tpu.memory_space<vmem>>) target(%dma_start3A_326 : memref<128x32xf32, #tpu.memory_space<hbm>>) target_semaphore(%run_scoped3A : memref<!tpu.dma_semaphore, #tpu.memory_space<semaphore_mem>>)
      %dma_wait3A_327 = arith.constant 0 : i32
      %dma_wait3A_328 = tpu.memref_slice %arg6[%mul3A_2, %add3A_249, %dma_wait3A_327] : memref<4x10240x32xf32, #tpu.memory_space<hbm>> -> memref<1x128x32xf32, #tpu.memory_space<hbm>>
      %dma_wait3A_329 = tpu.memref_squeeze %dma_wait3A_328 : memref<1x128x32xf32, #tpu.memory_space<hbm>> -> memref<128x32xf32, #tpu.memory_space<hbm>>
      %dma_wait3A_330 = arith.constant 0 : i32
      %dma_wait3A_331 = tpu.memref_slice %arg6[%mul3A_2, %add3A_249, %dma_wait3A_330] : memref<4x10240x32xf32, #tpu.memory_space<hbm>> -> memref<1x128x32xf32, #tpu.memory_space<hbm>>
      %dma_wait3A_332 = tpu.memref_squeeze %dma_wait3A_331 : memref<1x128x32xf32, #tpu.memory_space<hbm>> -> memref<128x32xf32, #tpu.memory_space<hbm>>
      tpu.wait_dma2 semaphore(%run_scoped3A : memref<!tpu.dma_semaphore, #tpu.memory_space<semaphore_mem>>) src(%arg10 : memref<128x32xf32, #tpu.memory_space<vmem>>) dst(%dma_wait3A_332 : memref<128x32xf32, #tpu.memory_space<hbm>>)
      tpu.yield
    }) : () -> ()
    %scan3A_250 = arith.constant 0 : i32
    %scan3A_251 = arith.constant 128 : i32
    %scan3A_252 = arith.addi %scan3A_250, %scan3A_251 : i32
    %scan3A_253 = arith.constant 1 : i32
    scf.for %scan3A_322 = %scan3A_250 to %scan3A_252 step %scan3A_253  : i32 {
      %mul3A_323 = arith.constant 1 : i32
      %mul3A_324 = arith.muli %scan3A_322, %mul3A_323 : i32
      %add3A_325 = arith.constant 0 : i32
      %add3A_326 = arith.addi %add3A_325, %mul3A_324 : i32
      %broadcast_in_dim3A = arith.constant 0.000000e+00 : f32
      %broadcast_in_dim3A_327 = vector.broadcast %broadcast_in_dim3A : f32 to vector<16xf32>
      %swap3A = arith.index_cast %add3A_326 : i32 to index
      %swap3A_328 = arith.constant 0 : index
      %swap3A_329 = tpu.vector_load %arg10[%swap3A, %swap3A_328] {strides = array<i32>} : memref<128x32xf32, #tpu.memory_space<vmem>>, vector<1x16xf32>,
      %swap3A_330 = vector.shape_cast %swap3A_329 : vector<1x16xf32> to vector<16xf32>
      %swap3A_331 = vector.shape_cast %broadcast_in_dim3A_327 : vector<16xf32> to vector<1x16xf32>
      tpu.vector_store %arg10[%swap3A, %swap3A_328], %swap3A_331 {strides = array<i32>} : memref<128x32xf32, #tpu.memory_space<vmem>>, vector<1x16xf32>,
      %broadcast_in_dim3A_332 = arith.constant 0.000000e+00 : f32
      %broadcast_in_dim3A_333 = vector.broadcast %broadcast_in_dim3A_332 : f32 to vector<16xf32>
      %swap3A_334 = arith.index_cast %add3A_326 : i32 to index
      %swap3A_335 = arith.constant 16 : index
      %swap3A_336 = tpu.vector_load %arg10[%swap3A_334, %swap3A_335] {strides = array<i32>} : memref<128x32xf32, #tpu.memory_space<vmem>>, vector<1x16xf32>,
      %swap3A_337 = vector.shape_cast %swap3A_336 : vector<1x16xf32> to vector<16xf32>
      %swap3A_338 = vector.shape_cast %broadcast_in_dim3A_333 : vector<16xf32> to vector<1x16xf32>
      tpu.vector_store %arg10[%swap3A_334, %swap3A_335], %swap3A_338 {strides = array<i32>} : memref<128x32xf32, #tpu.memory_space<vmem>>, vector<1x16xf32>,
    }
    %scan3A_254 = arith.constant 128 : i32
    %add3A_255 = arith.constant 0 : i32
    %add3A_256 = arith.addi %mul3A_0, %add3A_255 : i32
    "tpu.region"() ({
      %run_scoped3A = tpu.sem_alloc : memref<!tpu.dma_semaphore, #tpu.memory_space<semaphore_mem>>
      %dma_start3A = arith.constant 0 : i32
      %dma_start3A_322 = tpu.memref_slice %arg16[%add3A_256, %dma_start3A] : memref<10240x32xf32, #tpu.memory_space<vmem_shared>> -> memref<128x32xf32, #tpu.memory_space<vmem_shared>>
      %dma_start3A_323 = arith.constant 0 : i32
      %dma_start3A_324 = tpu.memref_slice %arg16[%add3A_256, %dma_start3A_323] : memref<10240x32xf32, #tpu.memory_space<vmem_shared>> -> memref<128x32xf32, #tpu.memory_space<vmem_shared>>
      tpu.enqueue_dma source(%arg10 : memref<128x32xf32, #tpu.memory_space<vmem>>) target(%dma_start3A_324 : memref<128x32xf32, #tpu.memory_space<vmem_shared>>) target_semaphore(%run_scoped3A : memref<!tpu.dma_semaphore, #tpu.memory_space<semaphore_mem>>)
      %dma_wait3A_325 = arith.constant 0 : i32
      %dma_wait3A_326 = tpu.memref_slice %arg16[%add3A_256, %dma_wait3A_325] : memref<10240x32xf32, #tpu.memory_space<vmem_shared>> -> memref<128x32xf32, #tpu.memory_space<vmem_shared>>
      %dma_wait3A_327 = arith.constant 0 : i32
      %dma_wait3A_328 = tpu.memref_slice %arg16[%add3A_256, %dma_wait3A_327] : memref<10240x32xf32, #tpu.memory_space<vmem_shared>> -> memref<128x32xf32, #tpu.memory_space<vmem_shared>>
      tpu.wait_dma2 semaphore(%run_scoped3A : memref<!tpu.dma_semaphore, #tpu.memory_space<semaphore_mem>>) src(%arg10 : memref<128x32xf32, #tpu.memory_space<vmem>>) dst(%dma_wait3A_328 : memref<128x32xf32, #tpu.memory_space<vmem_shared>>)
      tpu.yield
    }) : () -> ()
    %add3A_257 = arith.constant 128 : i32
    %add3A_258 = arith.addi %mul3A_0, %add3A_257 : i32
    "tpu.region"() ({
      %run_scoped3A = tpu.sem_alloc : memref<!tpu.dma_semaphore, #tpu.memory_space<semaphore_mem>>
      %dma_start3A = arith.constant 0 : i32
      %dma_start3A_322 = tpu.memref_slice %arg16[%add3A_258, %dma_start3A] : memref<10240x32xf32, #tpu.memory_space<vmem_shared>> -> memref<128x32xf32, #tpu.memory_space<vmem_shared>>
      %dma_start3A_323 = arith.constant 0 : i32
      %dma_start3A_324 = tpu.memref_slice %arg16[%add3A_258, %dma_start3A_323] : memref<10240x32xf32, #tpu.memory_space<vmem_shared>> -> memref<128x32xf32, #tpu.memory_space<vmem_shared>>
      tpu.enqueue_dma source(%arg10 : memref<128x32xf32, #tpu.memory_space<vmem>>) target(%dma_start3A_324 : memref<128x32xf32, #tpu.memory_space<vmem_shared>>) target_semaphore(%run_scoped3A : memref<!tpu.dma_semaphore, #tpu.memory_space<semaphore_mem>>)
      %dma_wait3A_325 = arith.constant 0 : i32
      %dma_wait3A_326 = tpu.memref_slice %arg16[%add3A_258, %dma_wait3A_325] : memref<10240x32xf32, #tpu.memory_space<vmem_shared>> -> memref<128x32xf32, #tpu.memory_space<vmem_shared>>
      %dma_wait3A_327 = arith.constant 0 : i32
      %dma_wait3A_328 = tpu.memref_slice %arg16[%add3A_258, %dma_wait3A_327] : memref<10240x32xf32, #tpu.memory_space<vmem_shared>> -> memref<128x32xf32, #tpu.memory_space<vmem_shared>>
      tpu.wait_dma2 semaphore(%run_scoped3A : memref<!tpu.dma_semaphore, #tpu.memory_space<semaphore_mem>>) src(%arg10 : memref<128x32xf32, #tpu.memory_space<vmem>>) dst(%dma_wait3A_328 : memref<128x32xf32, #tpu.memory_space<vmem_shared>>)
      tpu.yield
    }) : () -> ()
    %add3A_259 = arith.constant 256 : i32
    %add3A_260 = arith.addi %mul3A_0, %add3A_259 : i32
    "tpu.region"() ({
      %run_scoped3A = tpu.sem_alloc : memref<!tpu.dma_semaphore, #tpu.memory_space<semaphore_mem>>
      %dma_start3A = arith.constant 0 : i32
      %dma_start3A_322 = tpu.memref_slice %arg16[%add3A_260, %dma_start3A] : memref<10240x32xf32, #tpu.memory_space<vmem_shared>> -> memref<128x32xf32, #tpu.memory_space<vmem_shared>>
      %dma_start3A_323 = arith.constant 0 : i32
      %dma_start3A_324 = tpu.memref_slice %arg16[%add3A_260, %dma_start3A_323] : memref<10240x32xf32, #tpu.memory_space<vmem_shared>> -> memref<128x32xf32, #tpu.memory_space<vmem_shared>>
      tpu.enqueue_dma source(%arg10 : memref<128x32xf32, #tpu.memory_space<vmem>>) target(%dma_start3A_324 : memref<128x32xf32, #tpu.memory_space<vmem_shared>>) target_semaphore(%run_scoped3A : memref<!tpu.dma_semaphore, #tpu.memory_space<semaphore_mem>>)
      %dma_wait3A_325 = arith.constant 0 : i32
      %dma_wait3A_326 = tpu.memref_slice %arg16[%add3A_260, %dma_wait3A_325] : memref<10240x32xf32, #tpu.memory_space<vmem_shared>> -> memref<128x32xf32, #tpu.memory_space<vmem_shared>>
      %dma_wait3A_327 = arith.constant 0 : i32
      %dma_wait3A_328 = tpu.memref_slice %arg16[%add3A_260, %dma_wait3A_327] : memref<10240x32xf32, #tpu.memory_space<vmem_shared>> -> memref<128x32xf32, #tpu.memory_space<vmem_shared>>
      tpu.wait_dma2 semaphore(%run_scoped3A : memref<!tpu.dma_semaphore, #tpu.memory_space<semaphore_mem>>) src(%arg10 : memref<128x32xf32, #tpu.memory_space<vmem>>) dst(%dma_wait3A_328 : memref<128x32xf32, #tpu.memory_space<vmem_shared>>)
      tpu.yield
    }) : () -> ()
    %add3A_261 = arith.constant 384 : i32
    %add3A_262 = arith.addi %mul3A_0, %add3A_261 : i32
    "tpu.region"() ({
      %run_scoped3A = tpu.sem_alloc : memref<!tpu.dma_semaphore, #tpu.memory_space<semaphore_mem>>
      %dma_start3A = arith.constant 0 : i32
      %dma_start3A_322 = tpu.memref_slice %arg16[%add3A_262, %dma_start3A] : memref<10240x32xf32, #tpu.memory_space<vmem_shared>> -> memref<128x32xf32, #tpu.memory_space<vmem_shared>>
      %dma_start3A_323 = arith.constant 0 : i32
      %dma_start3A_324 = tpu.memref_slice %arg16[%add3A_262, %dma_start3A_323] : memref<10240x32xf32, #tpu.memory_space<vmem_shared>> -> memref<128x32xf32, #tpu.memory_space<vmem_shared>>
      tpu.enqueue_dma source(%arg10 : memref<128x32xf32, #tpu.memory_space<vmem>>) target(%dma_start3A_324 : memref<128x32xf32, #tpu.memory_space<vmem_shared>>) target_semaphore(%run_scoped3A : memref<!tpu.dma_semaphore, #tpu.memory_space<semaphore_mem>>)
      %dma_wait3A_325 = arith.constant 0 : i32
      %dma_wait3A_326 = tpu.memref_slice %arg16[%add3A_262, %dma_wait3A_325] : memref<10240x32xf32, #tpu.memory_space<vmem_shared>> -> memref<128x32xf32, #tpu.memory_space<vmem_shared>>
      %dma_wait3A_327 = arith.constant 0 : i32
      %dma_wait3A_328 = tpu.memref_slice %arg16[%add3A_262, %dma_wait3A_327] : memref<10240x32xf32, #tpu.memory_space<vmem_shared>> -> memref<128x32xf32, #tpu.memory_space<vmem_shared>>
      tpu.wait_dma2 semaphore(%run_scoped3A : memref<!tpu.dma_semaphore, #tpu.memory_space<semaphore_mem>>) src(%arg10 : memref<128x32xf32, #tpu.memory_space<vmem>>) dst(%dma_wait3A_328 : memref<128x32xf32, #tpu.memory_space<vmem_shared>>)
      tpu.yield
    }) : () -> ()
    %add3A_263 = arith.constant 512 : i32
    %add3A_264 = arith.addi %mul3A_0, %add3A_263 : i32
    "tpu.region"() ({
      %run_scoped3A = tpu.sem_alloc : memref<!tpu.dma_semaphore, #tpu.memory_space<semaphore_mem>>
      %dma_start3A = arith.constant 0 : i32
      %dma_start3A_322 = tpu.memref_slice %arg16[%add3A_264, %dma_start3A] : memref<10240x32xf32, #tpu.memory_space<vmem_shared>> -> memref<128x32xf32, #tpu.memory_space<vmem_shared>>
      %dma_start3A_323 = arith.constant 0 : i32
      %dma_start3A_324 = tpu.memref_slice %arg16[%add3A_264, %dma_start3A_323] : memref<10240x32xf32, #tpu.memory_space<vmem_shared>> -> memref<128x32xf32, #tpu.memory_space<vmem_shared>>
      tpu.enqueue_dma source(%arg10 : memref<128x32xf32, #tpu.memory_space<vmem>>) target(%dma_start3A_324 : memref<128x32xf32, #tpu.memory_space<vmem_shared>>) target_semaphore(%run_scoped3A : memref<!tpu.dma_semaphore, #tpu.memory_space<semaphore_mem>>)
      %dma_wait3A_325 = arith.constant 0 : i32
      %dma_wait3A_326 = tpu.memref_slice %arg16[%add3A_264, %dma_wait3A_325] : memref<10240x32xf32, #tpu.memory_space<vmem_shared>> -> memref<128x32xf32, #tpu.memory_space<vmem_shared>>
      %dma_wait3A_327 = arith.constant 0 : i32
      %dma_wait3A_328 = tpu.memref_slice %arg16[%add3A_264, %dma_wait3A_327] : memref<10240x32xf32, #tpu.memory_space<vmem_shared>> -> memref<128x32xf32, #tpu.memory_space<vmem_shared>>
      tpu.wait_dma2 semaphore(%run_scoped3A : memref<!tpu.dma_semaphore, #tpu.memory_space<semaphore_mem>>) src(%arg10 : memref<128x32xf32, #tpu.memory_space<vmem>>) dst(%dma_wait3A_328 : memref<128x32xf32, #tpu.memory_space<vmem_shared>>)
      tpu.yield
    }) : () -> ()
    %barrier3A_265 = arith.constant 0 : index
    tpu.barrier barrier_id(%barrier3A_265)
    %scan3A_266 = arith.constant 0 : i32
    %scan3A_267 = arith.constant 32 : i32
    %scan3A_268 = arith.addi %scan3A_266, %scan3A_267 : i32
    %scan3A_269 = arith.constant 1 : i32
    scf.for %scan3A_322 = %scan3A_266 to %scan3A_268 step %scan3A_269  : i32 {
      %mul3A_323 = arith.constant 5 : i32
      %mul3A_324 = arith.muli %scan3A_322, %mul3A_323 : i32
      %add3A_325 = arith.constant 0 : i32
      %add3A_326 = arith.addi %add3A_325, %mul3A_324 : i32
      %gt3A = arith.constant 0 : i32
      %gt3A_327 = arith.cmpi sgt, %add3A_326, %gt3A : i32
      %convert_element_type3A = arith.extui %gt3A_327 : i1 to i32
      %cond3A = arith.constant 0 : i32
      %cond3A_328 = arith.cmpi ne, %convert_element_type3A, %cond3A : i32
      scf.if %cond3A_328 {
        %dma_wait3A_438 = arith.constant 0 : i32
        %dma_wait3A_439 = arith.constant 0 : i32
        %dma_wait3A_440 = tpu.memref_slice %arg2[%dma_wait3A_438, %dma_wait3A_439] : memref<40960x32xf32, #tpu.memory_space<hbm>> -> memref<128x32xf32, #tpu.memory_space<hbm>>
        %dma_wait3A_441 = arith.constant 0 : i32
        %dma_wait3A_442 = arith.constant 0 : i32
        %dma_wait3A_443 = tpu.memref_slice %arg2[%dma_wait3A_441, %dma_wait3A_442] : memref<40960x32xf32, #tpu.memory_space<hbm>> -> memref<128x32xf32, #tpu.memory_space<hbm>>
        tpu.wait_dma2 semaphore(%arg23 : memref<!tpu.dma_semaphore, #tpu.memory_space<semaphore_mem>>) src(%dma_wait3A_443 : memref<128x32xf32, #tpu.memory_space<hbm>>) dst(%arg10 : memref<128x32xf32, #tpu.memory_space<vmem>>)
        %dma_wait3A_444 = arith.constant 0 : i32
        %dma_wait3A_445 = arith.constant 0 : i32
        %dma_wait3A_446 = tpu.memref_slice %arg2[%dma_wait3A_444, %dma_wait3A_445] : memref<40960x32xf32, #tpu.memory_space<hbm>> -> memref<128x32xf32, #tpu.memory_space<hbm>>
        %dma_wait3A_447 = arith.constant 0 : i32
        %dma_wait3A_448 = arith.constant 0 : i32
        %dma_wait3A_449 = tpu.memref_slice %arg2[%dma_wait3A_447, %dma_wait3A_448] : memref<40960x32xf32, #tpu.memory_space<hbm>> -> memref<128x32xf32, #tpu.memory_space<hbm>>
        tpu.wait_dma2 semaphore(%arg23 : memref<!tpu.dma_semaphore, #tpu.memory_space<semaphore_mem>>) src(%dma_wait3A_449 : memref<128x32xf32, #tpu.memory_space<hbm>>) dst(%arg11 : memref<128x32xf32, #tpu.memory_space<vmem>>)
        %dma_wait3A_450 = arith.constant 0 : i32
        %dma_wait3A_451 = arith.constant 0 : i32
        %dma_wait3A_452 = tpu.memref_slice %arg2[%dma_wait3A_450, %dma_wait3A_451] : memref<40960x32xf32, #tpu.memory_space<hbm>> -> memref<128x32xf32, #tpu.memory_space<hbm>>
        %dma_wait3A_453 = arith.constant 0 : i32
        %dma_wait3A_454 = arith.constant 0 : i32
        %dma_wait3A_455 = tpu.memref_slice %arg2[%dma_wait3A_453, %dma_wait3A_454] : memref<40960x32xf32, #tpu.memory_space<hbm>> -> memref<128x32xf32, #tpu.memory_space<hbm>>
        tpu.wait_dma2 semaphore(%arg23 : memref<!tpu.dma_semaphore, #tpu.memory_space<semaphore_mem>>) src(%dma_wait3A_455 : memref<128x32xf32, #tpu.memory_space<hbm>>) dst(%arg12 : memref<128x32xf32, #tpu.memory_space<vmem>>)
        %dma_wait3A_456 = arith.constant 0 : i32
        %dma_wait3A_457 = arith.constant 0 : i32
        %dma_wait3A_458 = tpu.memref_slice %arg2[%dma_wait3A_456, %dma_wait3A_457] : memref<40960x32xf32, #tpu.memory_space<hbm>> -> memref<128x32xf32, #tpu.memory_space<hbm>>
        %dma_wait3A_459 = arith.constant 0 : i32
        %dma_wait3A_460 = arith.constant 0 : i32
        %dma_wait3A_461 = tpu.memref_slice %arg2[%dma_wait3A_459, %dma_wait3A_460] : memref<40960x32xf32, #tpu.memory_space<hbm>> -> memref<128x32xf32, #tpu.memory_space<hbm>>
        tpu.wait_dma2 semaphore(%arg23 : memref<!tpu.dma_semaphore, #tpu.memory_space<semaphore_mem>>) src(%dma_wait3A_461 : memref<128x32xf32, #tpu.memory_space<hbm>>) dst(%arg13 : memref<128x32xf32, #tpu.memory_space<vmem>>)
        %dma_wait3A_462 = arith.constant 0 : i32
        %dma_wait3A_463 = arith.constant 0 : i32
        %dma_wait3A_464 = tpu.memref_slice %arg2[%dma_wait3A_462, %dma_wait3A_463] : memref<40960x32xf32, #tpu.memory_space<hbm>> -> memref<128x32xf32, #tpu.memory_space<hbm>>
        %dma_wait3A_465 = arith.constant 0 : i32
        %dma_wait3A_466 = arith.constant 0 : i32
        %dma_wait3A_467 = tpu.memref_slice %arg2[%dma_wait3A_465, %dma_wait3A_466] : memref<40960x32xf32, #tpu.memory_space<hbm>> -> memref<128x32xf32, #tpu.memory_space<hbm>>
        tpu.wait_dma2 semaphore(%arg23 : memref<!tpu.dma_semaphore, #tpu.memory_space<semaphore_mem>>) src(%dma_wait3A_467 : memref<128x32xf32, #tpu.memory_space<hbm>>) dst(%arg14 : memref<128x32xf32, #tpu.memory_space<vmem>>)
      } else {
      }
      %add3A_329 = arith.constant 0 : i32
      %add3A_330 = arith.addi %add3A_326, %add3A_329 : i32
      %dma_start3A = arith.constant 0 : i32
      %dma_start3A_331 = tpu.memref_slice %arg7[%add3A_330, %dma_start3A] : memref<160x128xi32, #tpu.memory_space<vmem>> -> memref<1x128xi32, #tpu.memory_space<vmem>>
      %dma_start3A_332 = tpu.memref_squeeze %dma_start3A_331 : memref<1x128xi32, #tpu.memory_space<vmem>> -> memref<128xi32, #tpu.memory_space<vmem>>
      %dma_start3A_333 = arith.constant 0 : i32
      %dma_start3A_334 = arith.constant 0 : i32
      %dma_start3A_335 = tpu.memref_slice %arg17[%dma_start3A_333, %dma_start3A_334] : memref<10240x32xf32, #tpu.memory_space<vmem_shared>> -> memref<10240x32xf32, #tpu.memory_space<vmem_shared>>
      tpu.enqueue_indirect_dma source(%dma_start3A_335 : memref<10240x32xf32, #tpu.memory_space<vmem_shared>>) target(%arg10 : memref<128x32xf32, #tpu.memory_space<vmem>>) offsets(%dma_start3A_332 : memref<128xi32, #tpu.memory_space<vmem>>) semaphore(%arg18 : memref<!tpu.dma_semaphore, #tpu.memory_space<semaphore_mem>>)
      %add3A_336 = arith.constant 1 : i32
      %add3A_337 = arith.addi %add3A_326, %add3A_336 : i32
      %dma_start3A_338 = arith.constant 0 : i32
      %dma_start3A_339 = tpu.memref_slice %arg7[%add3A_337, %dma_start3A_338] : memref<160x128xi32, #tpu.memory_space<vmem>> -> memref<1x128xi32, #tpu.memory_space<vmem>>
      %dma_start3A_340 = tpu.memref_squeeze %dma_start3A_339 : memref<1x128xi32, #tpu.memory_space<vmem>> -> memref<128xi32, #tpu.memory_space<vmem>>
      %dma_start3A_341 = arith.constant 0 : i32
      %dma_start3A_342 = arith.constant 0 : i32
      %dma_start3A_343 = tpu.memref_slice %arg17[%dma_start3A_341, %dma_start3A_342] : memref<10240x32xf32, #tpu.memory_space<vmem_shared>> -> memref<10240x32xf32, #tpu.memory_space<vmem_shared>>
      tpu.enqueue_indirect_dma source(%dma_start3A_343 : memref<10240x32xf32, #tpu.memory_space<vmem_shared>>) target(%arg11 : memref<128x32xf32, #tpu.memory_space<vmem>>) offsets(%dma_start3A_340 : memref<128xi32, #tpu.memory_space<vmem>>) semaphore(%arg19 : memref<!tpu.dma_semaphore, #tpu.memory_space<semaphore_mem>>)
      %add3A_344 = arith.constant 2 : i32
      %add3A_345 = arith.addi %add3A_326, %add3A_344 : i32
      %dma_start3A_346 = arith.constant 0 : i32
      %dma_start3A_347 = tpu.memref_slice %arg7[%add3A_345, %dma_start3A_346] : memref<160x128xi32, #tpu.memory_space<vmem>> -> memref<1x128xi32, #tpu.memory_space<vmem>>
      %dma_start3A_348 = tpu.memref_squeeze %dma_start3A_347 : memref<1x128xi32, #tpu.memory_space<vmem>> -> memref<128xi32, #tpu.memory_space<vmem>>
      %dma_start3A_349 = arith.constant 0 : i32
      %dma_start3A_350 = arith.constant 0 : i32
      %dma_start3A_351 = tpu.memref_slice %arg17[%dma_start3A_349, %dma_start3A_350] : memref<10240x32xf32, #tpu.memory_space<vmem_shared>> -> memref<10240x32xf32, #tpu.memory_space<vmem_shared>>
      tpu.enqueue_indirect_dma source(%dma_start3A_351 : memref<10240x32xf32, #tpu.memory_space<vmem_shared>>) target(%arg12 : memref<128x32xf32, #tpu.memory_space<vmem>>) offsets(%dma_start3A_348 : memref<128xi32, #tpu.memory_space<vmem>>) semaphore(%arg20 : memref<!tpu.dma_semaphore, #tpu.memory_space<semaphore_mem>>)
      %add3A_352 = arith.constant 3 : i32
      %add3A_353 = arith.addi %add3A_326, %add3A_352 : i32
      %dma_start3A_354 = arith.constant 0 : i32
      %dma_start3A_355 = tpu.memref_slice %arg7[%add3A_353, %dma_start3A_354] : memref<160x128xi32, #tpu.memory_space<vmem>> -> memref<1x128xi32, #tpu.memory_space<vmem>>
      %dma_start3A_356 = tpu.memref_squeeze %dma_start3A_355 : memref<1x128xi32, #tpu.memory_space<vmem>> -> memref<128xi32, #tpu.memory_space<vmem>>
      %dma_start3A_357 = arith.constant 0 : i32
      %dma_start3A_358 = arith.constant 0 : i32
      %dma_start3A_359 = tpu.memref_slice %arg17[%dma_start3A_357, %dma_start3A_358] : memref<10240x32xf32, #tpu.memory_space<vmem_shared>> -> memref<10240x32xf32, #tpu.memory_space<vmem_shared>>
      tpu.enqueue_indirect_dma source(%dma_start3A_359 : memref<10240x32xf32, #tpu.memory_space<vmem_shared>>) target(%arg13 : memref<128x32xf32, #tpu.memory_space<vmem>>) offsets(%dma_start3A_356 : memref<128xi32, #tpu.memory_space<vmem>>) semaphore(%arg21 : memref<!tpu.dma_semaphore, #tpu.memory_space<semaphore_mem>>)
      %add3A_360 = arith.constant 4 : i32
      %add3A_361 = arith.addi %add3A_326, %add3A_360 : i32
      %dma_start3A_362 = arith.constant 0 : i32
      %dma_start3A_363 = tpu.memref_slice %arg7[%add3A_361, %dma_start3A_362] : memref<160x128xi32, #tpu.memory_space<vmem>> -> memref<1x128xi32, #tpu.memory_space<vmem>>
      %dma_start3A_364 = tpu.memref_squeeze %dma_start3A_363 : memref<1x128xi32, #tpu.memory_space<vmem>> -> memref<128xi32, #tpu.memory_space<vmem>>
      %dma_start3A_365 = arith.constant 0 : i32
      %dma_start3A_366 = arith.constant 0 : i32
      %dma_start3A_367 = tpu.memref_slice %arg17[%dma_start3A_365, %dma_start3A_366] : memref<10240x32xf32, #tpu.memory_space<vmem_shared>> -> memref<10240x32xf32, #tpu.memory_space<vmem_shared>>
      tpu.enqueue_indirect_dma source(%dma_start3A_367 : memref<10240x32xf32, #tpu.memory_space<vmem_shared>>) target(%arg14 : memref<128x32xf32, #tpu.memory_space<vmem>>) offsets(%dma_start3A_364 : memref<128xi32, #tpu.memory_space<vmem>>) semaphore(%arg22 : memref<!tpu.dma_semaphore, #tpu.memory_space<semaphore_mem>>)
      %dma_wait3A_368 = arith.constant 0 : i32
      %dma_wait3A_369 = tpu.memref_slice %arg7[%add3A_330, %dma_wait3A_368] : memref<160x128xi32, #tpu.memory_space<vmem>> -> memref<1x128xi32, #tpu.memory_space<vmem>>
      %dma_wait3A_370 = tpu.memref_squeeze %dma_wait3A_369 : memref<1x128xi32, #tpu.memory_space<vmem>> -> memref<128xi32, #tpu.memory_space<vmem>>
      %dma_wait3A_371 = arith.constant 0 : i32
      %dma_wait3A_372 = arith.constant 0 : i32
      %dma_wait3A_373 = tpu.memref_slice %arg17[%dma_wait3A_371, %dma_wait3A_372] : memref<10240x32xf32, #tpu.memory_space<vmem_shared>> -> memref<10240x32xf32, #tpu.memory_space<vmem_shared>>
      tpu.wait_indirect_dma semaphore(%arg18 : memref<!tpu.dma_semaphore, #tpu.memory_space<semaphore_mem>>) src(%dma_wait3A_373 : memref<10240x32xf32, #tpu.memory_space<vmem_shared>>) dst(%arg10 : memref<128x32xf32, #tpu.memory_space<vmem>>)
      %add3A_374 = arith.constant 0 : i32
      %add3A_375 = arith.addi %add3A_326, %add3A_374 : i32
      %dma_start3A_376 = arith.constant 0 : i32
      %dma_start3A_377 = tpu.memref_slice %arg8[%add3A_375, %dma_start3A_376] : memref<160x128xi32, #tpu.memory_space<vmem>> -> memref<1x128xi32, #tpu.memory_space<vmem>>
      %dma_start3A_378 = tpu.memref_squeeze %dma_start3A_377 : memref<1x128xi32, #tpu.memory_space<vmem>> -> memref<128xi32, #tpu.memory_space<vmem>>
      %dma_start3A_379 = arith.constant 0 : i32
      %dma_start3A_380 = arith.constant 0 : i32
      %dma_start3A_381 = tpu.memref_slice %arg16[%dma_start3A_379, %dma_start3A_380] : memref<10240x32xf32, #tpu.memory_space<vmem_shared>> -> memref<10240x32xf32, #tpu.memory_space<vmem_shared>>
      tpu.enqueue_indirect_dma source(%arg10 : memref<128x32xf32, #tpu.memory_space<vmem>>) target(%dma_start3A_381 : memref<10240x32xf32, #tpu.memory_space<vmem_shared>>) offsets(%dma_start3A_378 : memref<128xi32, #tpu.memory_space<vmem>>) semaphore(%arg23 : memref<!tpu.dma_semaphore, #tpu.memory_space<semaphore_mem>>) {add = true}
      %dma_wait3A_382 = arith.constant 0 : i32
      %dma_wait3A_383 = tpu.memref_slice %arg7[%add3A_337, %dma_wait3A_382] : memref<160x128xi32, #tpu.memory_space<vmem>> -> memref<1x128xi32, #tpu.memory_space<vmem>>
      %dma_wait3A_384 = tpu.memref_squeeze %dma_wait3A_383 : memref<1x128xi32, #tpu.memory_space<vmem>> -> memref<128xi32, #tpu.memory_space<vmem>>
      %dma_wait3A_385 = arith.constant 0 : i32
      %dma_wait3A_386 = arith.constant 0 : i32
      %dma_wait3A_387 = tpu.memref_slice %arg17[%dma_wait3A_385, %dma_wait3A_386] : memref<10240x32xf32, #tpu.memory_space<vmem_shared>> -> memref<10240x32xf32, #tpu.memory_space<vmem_shared>>
      tpu.wait_indirect_dma semaphore(%arg19 : memref<!tpu.dma_semaphore, #tpu.memory_space<semaphore_mem>>) src(%dma_wait3A_387 : memref<10240x32xf32, #tpu.memory_space<vmem_shared>>) dst(%arg11 : memref<128x32xf32, #tpu.memory_space<vmem>>)
      %add3A_388 = arith.constant 1 : i32
      %add3A_389 = arith.addi %add3A_326, %add3A_388 : i32
      %dma_start3A_390 = arith.constant 0 : i32
      %dma_start3A_391 = tpu.memref_slice %arg8[%add3A_389, %dma_start3A_390] : memref<160x128xi32, #tpu.memory_space<vmem>> -> memref<1x128xi32, #tpu.memory_space<vmem>>
      %dma_start3A_392 = tpu.memref_squeeze %dma_start3A_391 : memref<1x128xi32, #tpu.memory_space<vmem>> -> memref<128xi32, #tpu.memory_space<vmem>>
      %dma_start3A_393 = arith.constant 0 : i32
      %dma_start3A_394 = arith.constant 0 : i32
      %dma_start3A_395 = tpu.memref_slice %arg16[%dma_start3A_393, %dma_start3A_394] : memref<10240x32xf32, #tpu.memory_space<vmem_shared>> -> memref<10240x32xf32, #tpu.memory_space<vmem_shared>>
      tpu.enqueue_indirect_dma source(%arg11 : memref<128x32xf32, #tpu.memory_space<vmem>>) target(%dma_start3A_395 : memref<10240x32xf32, #tpu.memory_space<vmem_shared>>) offsets(%dma_start3A_392 : memref<128xi32, #tpu.memory_space<vmem>>) semaphore(%arg23 : memref<!tpu.dma_semaphore, #tpu.memory_space<semaphore_mem>>) {add = true}
      %dma_wait3A_396 = arith.constant 0 : i32
      %dma_wait3A_397 = tpu.memref_slice %arg7[%add3A_345, %dma_wait3A_396] : memref<160x128xi32, #tpu.memory_space<vmem>> -> memref<1x128xi32, #tpu.memory_space<vmem>>
      %dma_wait3A_398 = tpu.memref_squeeze %dma_wait3A_397 : memref<1x128xi32, #tpu.memory_space<vmem>> -> memref<128xi32, #tpu.memory_space<vmem>>
      %dma_wait3A_399 = arith.constant 0 : i32
      %dma_wait3A_400 = arith.constant 0 : i32
      %dma_wait3A_401 = tpu.memref_slice %arg17[%dma_wait3A_399, %dma_wait3A_400] : memref<10240x32xf32, #tpu.memory_space<vmem_shared>> -> memref<10240x32xf32, #tpu.memory_space<vmem_shared>>
      tpu.wait_indirect_dma semaphore(%arg20 : memref<!tpu.dma_semaphore, #tpu.memory_space<semaphore_mem>>) src(%dma_wait3A_401 : memref<10240x32xf32, #tpu.memory_space<vmem_shared>>) dst(%arg12 : memref<128x32xf32, #tpu.memory_space<vmem>>)
      %add3A_402 = arith.constant 2 : i32
      %add3A_403 = arith.addi %add3A_326, %add3A_402 : i32
      %dma_start3A_404 = arith.constant 0 : i32
      %dma_start3A_405 = tpu.memref_slice %arg8[%add3A_403, %dma_start3A_404] : memref<160x128xi32, #tpu.memory_space<vmem>> -> memref<1x128xi32, #tpu.memory_space<vmem>>
      %dma_start3A_406 = tpu.memref_squeeze %dma_start3A_405 : memref<1x128xi32, #tpu.memory_space<vmem>> -> memref<128xi32, #tpu.memory_space<vmem>>
      %dma_start3A_407 = arith.constant 0 : i32
      %dma_start3A_408 = arith.constant 0 : i32
      %dma_start3A_409 = tpu.memref_slice %arg16[%dma_start3A_407, %dma_start3A_408] : memref<10240x32xf32, #tpu.memory_space<vmem_shared>> -> memref<10240x32xf32, #tpu.memory_space<vmem_shared>>
      tpu.enqueue_indirect_dma source(%arg12 : memref<128x32xf32, #tpu.memory_space<vmem>>) target(%dma_start3A_409 : memref<10240x32xf32, #tpu.memory_space<vmem_shared>>) offsets(%dma_start3A_406 : memref<128xi32, #tpu.memory_space<vmem>>) semaphore(%arg23 : memref<!tpu.dma_semaphore, #tpu.memory_space<semaphore_mem>>) {add = true}
      %dma_wait3A_410 = arith.constant 0 : i32
      %dma_wait3A_411 = tpu.memref_slice %arg7[%add3A_353, %dma_wait3A_410] : memref<160x128xi32, #tpu.memory_space<vmem>> -> memref<1x128xi32, #tpu.memory_space<vmem>>
      %dma_wait3A_412 = tpu.memref_squeeze %dma_wait3A_411 : memref<1x128xi32, #tpu.memory_space<vmem>> -> memref<128xi32, #tpu.memory_space<vmem>>
      %dma_wait3A_413 = arith.constant 0 : i32
      %dma_wait3A_414 = arith.constant 0 : i32
      %dma_wait3A_415 = tpu.memref_slice %arg17[%dma_wait3A_413, %dma_wait3A_414] : memref<10240x32xf32, #tpu.memory_space<vmem_shared>> -> memref<10240x32xf32, #tpu.memory_space<vmem_shared>>
      tpu.wait_indirect_dma semaphore(%arg21 : memref<!tpu.dma_semaphore, #tpu.memory_space<semaphore_mem>>) src(%dma_wait3A_415 : memref<10240x32xf32, #tpu.memory_space<vmem_shared>>) dst(%arg13 : memref<128x32xf32, #tpu.memory_space<vmem>>)
      %add3A_416 = arith.constant 3 : i32
      %add3A_417 = arith.addi %add3A_326, %add3A_416 : i32
      %dma_start3A_418 = arith.constant 0 : i32
      %dma_start3A_419 = tpu.memref_slice %arg8[%add3A_417, %dma_start3A_418] : memref<160x128xi32, #tpu.memory_space<vmem>> -> memref<1x128xi32, #tpu.memory_space<vmem>>
      %dma_start3A_420 = tpu.memref_squeeze %dma_start3A_419 : memref<1x128xi32, #tpu.memory_space<vmem>> -> memref<128xi32, #tpu.memory_space<vmem>>
      %dma_start3A_421 = arith.constant 0 : i32
      %dma_start3A_422 = arith.constant 0 : i32
      %dma_start3A_423 = tpu.memref_slice %arg16[%dma_start3A_421, %dma_start3A_422] : memref<10240x32xf32, #tpu.memory_space<vmem_shared>> -> memref<10240x32xf32, #tpu.memory_space<vmem_shared>>
      tpu.enqueue_indirect_dma source(%arg13 : memref<128x32xf32, #tpu.memory_space<vmem>>) target(%dma_start3A_423 : memref<10240x32xf32, #tpu.memory_space<vmem_shared>>) offsets(%dma_start3A_420 : memref<128xi32, #tpu.memory_space<vmem>>) semaphore(%arg23 : memref<!tpu.dma_semaphore, #tpu.memory_space<semaphore_mem>>) {add = true}
      %dma_wait3A_424 = arith.constant 0 : i32
      %dma_wait3A_425 = tpu.memref_slice %arg7[%add3A_361, %dma_wait3A_424] : memref<160x128xi32, #tpu.memory_space<vmem>> -> memref<1x128xi32, #tpu.memory_space<vmem>>
      %dma_wait3A_426 = tpu.memref_squeeze %dma_wait3A_425 : memref<1x128xi32, #tpu.memory_space<vmem>> -> memref<128xi32, #tpu.memory_space<vmem>>
      %dma_wait3A_427 = arith.constant 0 : i32
      %dma_wait3A_428 = arith.constant 0 : i32
      %dma_wait3A_429 = tpu.memref_slice %arg17[%dma_wait3A_427, %dma_wait3A_428] : memref<10240x32xf32, #tpu.memory_space<vmem_shared>> -> memref<10240x32xf32, #tpu.memory_space<vmem_shared>>
      tpu.wait_indirect_dma semaphore(%arg22 : memref<!tpu.dma_semaphore, #tpu.memory_space<semaphore_mem>>) src(%dma_wait3A_429 : memref<10240x32xf32, #tpu.memory_space<vmem_shared>>) dst(%arg14 : memref<128x32xf32, #tpu.memory_space<vmem>>)
      %add3A_430 = arith.constant 4 : i32
      %add3A_431 = arith.addi %add3A_326, %add3A_430 : i32
      %dma_start3A_432 = arith.constant 0 : i32
      %dma_start3A_433 = tpu.memref_slice %arg8[%add3A_431, %dma_start3A_432] : memref<160x128xi32, #tpu.memory_space<vmem>> -> memref<1x128xi32, #tpu.memory_space<vmem>>
      %dma_start3A_434 = tpu.memref_squeeze %dma_start3A_433 : memref<1x128xi32, #tpu.memory_space<vmem>> -> memref<128xi32, #tpu.memory_space<vmem>>
      %dma_start3A_435 = arith.constant 0 : i32
      %dma_start3A_436 = arith.constant 0 : i32
      %dma_start3A_437 = tpu.memref_slice %arg16[%dma_start3A_435, %dma_start3A_436] : memref<10240x32xf32, #tpu.memory_space<vmem_shared>> -> memref<10240x32xf32, #tpu.memory_space<vmem_shared>>
      tpu.enqueue_indirect_dma source(%arg14 : memref<128x32xf32, #tpu.memory_space<vmem>>) target(%dma_start3A_437 : memref<10240x32xf32, #tpu.memory_space<vmem_shared>>) offsets(%dma_start3A_434 : memref<128xi32, #tpu.memory_space<vmem>>) semaphore(%arg23 : memref<!tpu.dma_semaphore, #tpu.memory_space<semaphore_mem>>) {add = true}
    }
    %scan3A_270 = arith.constant 32 : i32
    %dma_wait3A_271 = arith.constant 0 : i32
    %dma_wait3A_272 = arith.constant 0 : i32
    %dma_wait3A_273 = tpu.memref_slice %arg2[%dma_wait3A_271, %dma_wait3A_272] : memref<40960x32xf32, #tpu.memory_space<hbm>> -> memref<128x32xf32, #tpu.memory_space<hbm>>
    %dma_wait3A_274 = arith.constant 0 : i32
    %dma_wait3A_275 = arith.constant 0 : i32
    %dma_wait3A_276 = tpu.memref_slice %arg2[%dma_wait3A_274, %dma_wait3A_275] : memref<40960x32xf32, #tpu.memory_space<hbm>> -> memref<128x32xf32, #tpu.memory_space<hbm>>
    tpu.wait_dma2 semaphore(%arg23 : memref<!tpu.dma_semaphore, #tpu.memory_space<semaphore_mem>>) src(%dma_wait3A_276 : memref<128x32xf32, #tpu.memory_space<hbm>>) dst(%arg10 : memref<128x32xf32, #tpu.memory_space<vmem>>)
    %dma_wait3A_277 = arith.constant 0 : i32
    %dma_wait3A_278 = arith.constant 0 : i32
    %dma_wait3A_279 = tpu.memref_slice %arg2[%dma_wait3A_277, %dma_wait3A_278] : memref<40960x32xf32, #tpu.memory_space<hbm>> -> memref<128x32xf32, #tpu.memory_space<hbm>>
    %dma_wait3A_280 = arith.constant 0 : i32
    %dma_wait3A_281 = arith.constant 0 : i32
    %dma_wait3A_282 = tpu.memref_slice %arg2[%dma_wait3A_280, %dma_wait3A_281] : memref<40960x32xf32, #tpu.memory_space<hbm>> -> memref<128x32xf32, #tpu.memory_space<hbm>>
    tpu.wait_dma2 semaphore(%arg23 : memref<!tpu.dma_semaphore, #tpu.memory_space<semaphore_mem>>) src(%dma_wait3A_282 : memref<128x32xf32, #tpu.memory_space<hbm>>) dst(%arg11 : memref<128x32xf32, #tpu.memory_space<vmem>>)
    %dma_wait3A_283 = arith.constant 0 : i32
    %dma_wait3A_284 = arith.constant 0 : i32
    %dma_wait3A_285 = tpu.memref_slice %arg2[%dma_wait3A_283, %dma_wait3A_284] : memref<40960x32xf32, #tpu.memory_space<hbm>> -> memref<128x32xf32, #tpu.memory_space<hbm>>
    %dma_wait3A_286 = arith.constant 0 : i32
    %dma_wait3A_287 = arith.constant 0 : i32
    %dma_wait3A_288 = tpu.memref_slice %arg2[%dma_wait3A_286, %dma_wait3A_287] : memref<40960x32xf32, #tpu.memory_space<hbm>> -> memref<128x32xf32, #tpu.memory_space<hbm>>
    tpu.wait_dma2 semaphore(%arg23 : memref<!tpu.dma_semaphore, #tpu.memory_space<semaphore_mem>>) src(%dma_wait3A_288 : memref<128x32xf32, #tpu.memory_space<hbm>>) dst(%arg12 : memref<128x32xf32, #tpu.memory_space<vmem>>)
    %dma_wait3A_289 = arith.constant 0 : i32
    %dma_wait3A_290 = arith.constant 0 : i32
    %dma_wait3A_291 = tpu.memref_slice %arg2[%dma_wait3A_289, %dma_wait3A_290] : memref<40960x32xf32, #tpu.memory_space<hbm>> -> memref<128x32xf32, #tpu.memory_space<hbm>>
    %dma_wait3A_292 = arith.constant 0 : i32
    %dma_wait3A_293 = arith.constant 0 : i32
    %dma_wait3A_294 = tpu.memref_slice %arg2[%dma_wait3A_292, %dma_wait3A_293] : memref<40960x32xf32, #tpu.memory_space<hbm>> -> memref<128x32xf32, #tpu.memory_space<hbm>>
    tpu.wait_dma2 semaphore(%arg23 : memref<!tpu.dma_semaphore, #tpu.memory_space<semaphore_mem>>) src(%dma_wait3A_294 : memref<128x32xf32, #tpu.memory_space<hbm>>) dst(%arg13 : memref<128x32xf32, #tpu.memory_space<vmem>>)
    %dma_wait3A_295 = arith.constant 0 : i32
    %dma_wait3A_296 = arith.constant 0 : i32
    %dma_wait3A_297 = tpu.memref_slice %arg2[%dma_wait3A_295, %dma_wait3A_296] : memref<40960x32xf32, #tpu.memory_space<hbm>> -> memref<128x32xf32, #tpu.memory_space<hbm>>
    %dma_wait3A_298 = arith.constant 0 : i32
    %dma_wait3A_299 = arith.constant 0 : i32
    %dma_wait3A_300 = tpu.memref_slice %arg2[%dma_wait3A_298, %dma_wait3A_299] : memref<40960x32xf32, #tpu.memory_space<hbm>> -> memref<128x32xf32, #tpu.memory_space<hbm>>
    tpu.wait_dma2 semaphore(%arg23 : memref<!tpu.dma_semaphore, #tpu.memory_space<semaphore_mem>>) src(%dma_wait3A_300 : memref<128x32xf32, #tpu.memory_space<hbm>>) dst(%arg14 : memref<128x32xf32, #tpu.memory_space<vmem>>)
    %barrier3A_301 = arith.constant 0 : index
    tpu.barrier barrier_id(%barrier3A_301)
    %add3A_302 = arith.constant 0 : i32
    %add3A_303 = arith.addi %mul3A_0, %add3A_302 : i32
    "tpu.region"() ({
      %run_scoped3A = tpu.sem_alloc : memref<!tpu.dma_semaphore, #tpu.memory_space<semaphore_mem>>
      %dma_start3A = arith.constant 0 : i32
      %dma_start3A_322 = tpu.memref_slice %arg16[%add3A_303, %dma_start3A] : memref<10240x32xf32, #tpu.memory_space<vmem_shared>> -> memref<128x32xf32, #tpu.memory_space<vmem_shared>>
      %dma_start3A_323 = arith.constant 0 : i32
      %dma_start3A_324 = tpu.memref_slice %arg16[%add3A_303, %dma_start3A_323] : memref<10240x32xf32, #tpu.memory_space<vmem_shared>> -> memref<128x32xf32, #tpu.memory_space<vmem_shared>>
      tpu.enqueue_dma source(%dma_start3A_324 : memref<128x32xf32, #tpu.memory_space<vmem_shared>>) target(%arg10 : memref<128x32xf32, #tpu.memory_space<vmem>>) target_semaphore(%run_scoped3A : memref<!tpu.dma_semaphore, #tpu.memory_space<semaphore_mem>>)
      %dma_wait3A_325 = arith.constant 0 : i32
      %dma_wait3A_326 = tpu.memref_slice %arg16[%add3A_303, %dma_wait3A_325] : memref<10240x32xf32, #tpu.memory_space<vmem_shared>> -> memref<128x32xf32, #tpu.memory_space<vmem_shared>>
      %dma_wait3A_327 = arith.constant 0 : i32
      %dma_wait3A_328 = tpu.memref_slice %arg16[%add3A_303, %dma_wait3A_327] : memref<10240x32xf32, #tpu.memory_space<vmem_shared>> -> memref<128x32xf32, #tpu.memory_space<vmem_shared>>
      tpu.wait_dma2 semaphore(%run_scoped3A : memref<!tpu.dma_semaphore, #tpu.memory_space<semaphore_mem>>) src(%dma_wait3A_328 : memref<128x32xf32, #tpu.memory_space<vmem_shared>>) dst(%arg10 : memref<128x32xf32, #tpu.memory_space<vmem>>)
      tpu.yield
    }) : () -> ()
    %add3A_304 = arith.constant 0 : i32
    %add3A_305 = arith.addi %mul3A_0, %add3A_304 : i32
    "tpu.region"() ({
      %run_scoped3A = tpu.sem_alloc : memref<!tpu.dma_semaphore, #tpu.memory_space<semaphore_mem>>
      %dma_start3A = arith.constant 0 : i32
      %dma_start3A_322 = tpu.memref_slice %arg6[%add3A_5, %add3A_305, %dma_start3A] : memref<4x10240x32xf32, #tpu.memory_space<hbm>> -> memref<1x128x32xf32, #tpu.memory_space<hbm>>
      %dma_start3A_323 = tpu.memref_squeeze %dma_start3A_322 : memref<1x128x32xf32, #tpu.memory_space<hbm>> -> memref<128x32xf32, #tpu.memory_space<hbm>>
      %dma_start3A_324 = arith.constant 0 : i32
      %dma_start3A_325 = tpu.memref_slice %arg6[%add3A_5, %add3A_305, %dma_start3A_324] : memref<4x10240x32xf32, #tpu.memory_space<hbm>> -> memref<1x128x32xf32, #tpu.memory_space<hbm>>
      %dma_start3A_326 = tpu.memref_squeeze %dma_start3A_325 : memref<1x128x32xf32, #tpu.memory_space<hbm>> -> memref<128x32xf32, #tpu.memory_space<hbm>>
      tpu.enqueue_dma source(%arg10 : memref<128x32xf32, #tpu.memory_space<vmem>>) target(%dma_start3A_326 : memref<128x32xf32, #tpu.memory_space<hbm>>) target_semaphore(%run_scoped3A : memref<!tpu.dma_semaphore, #tpu.memory_space<semaphore_mem>>)
      %dma_wait3A_327 = arith.constant 0 : i32
      %dma_wait3A_328 = tpu.memref_slice %arg6[%add3A_5, %add3A_305, %dma_wait3A_327] : memref<4x10240x32xf32, #tpu.memory_space<hbm>> -> memref<1x128x32xf32, #tpu.memory_space<hbm>>
      %dma_wait3A_329 = tpu.memref_squeeze %dma_wait3A_328 : memref<1x128x32xf32, #tpu.memory_space<hbm>> -> memref<128x32xf32, #tpu.memory_space<hbm>>
      %dma_wait3A_330 = arith.constant 0 : i32
      %dma_wait3A_331 = tpu.memref_slice %arg6[%add3A_5, %add3A_305, %dma_wait3A_330] : memref<4x10240x32xf32, #tpu.memory_space<hbm>> -> memref<1x128x32xf32, #tpu.memory_space<hbm>>
      %dma_wait3A_332 = tpu.memref_squeeze %dma_wait3A_331 : memref<1x128x32xf32, #tpu.memory_space<hbm>> -> memref<128x32xf32, #tpu.memory_space<hbm>>
      tpu.wait_dma2 semaphore(%run_scoped3A : memref<!tpu.dma_semaphore, #tpu.memory_space<semaphore_mem>>) src(%arg10 : memref<128x32xf32, #tpu.memory_space<vmem>>) dst(%dma_wait3A_332 : memref<128x32xf32, #tpu.memory_space<hbm>>)
      tpu.yield
    }) : () -> ()
    %add3A_306 = arith.constant 128 : i32
    %add3A_307 = arith.addi %mul3A_0, %add3A_306 : i32
    "tpu.region"() ({
      %run_scoped3A = tpu.sem_alloc : memref<!tpu.dma_semaphore, #tpu.memory_space<semaphore_mem>>
      %dma_start3A = arith.constant 0 : i32
      %dma_start3A_322 = tpu.memref_slice %arg16[%add3A_307, %dma_start3A] : memref<10240x32xf32, #tpu.memory_space<vmem_shared>> -> memref<128x32xf32, #tpu.memory_space<vmem_shared>>
      %dma_start3A_323 = arith.constant 0 : i32
      %dma_start3A_324 = tpu.memref_slice %arg16[%add3A_307, %dma_start3A_323] : memref<10240x32xf32, #tpu.memory_space<vmem_shared>> -> memref<128x32xf32, #tpu.memory_space<vmem_shared>>
      tpu.enqueue_dma source(%dma_start3A_324 : memref<128x32xf32, #tpu.memory_space<vmem_shared>>) target(%arg10 : memref<128x32xf32, #tpu.memory_space<vmem>>) target_semaphore(%run_scoped3A : memref<!tpu.dma_semaphore, #tpu.memory_space<semaphore_mem>>)
      %dma_wait3A_325 = arith.constant 0 : i32
      %dma_wait3A_326 = tpu.memref_slice %arg16[%add3A_307, %dma_wait3A_325] : memref<10240x32xf32, #tpu.memory_space<vmem_shared>> -> memref<128x32xf32, #tpu.memory_space<vmem_shared>>
      %dma_wait3A_327 = arith.constant 0 : i32
      %dma_wait3A_328 = tpu.memref_slice %arg16[%add3A_307, %dma_wait3A_327] : memref<10240x32xf32, #tpu.memory_space<vmem_shared>> -> memref<128x32xf32, #tpu.memory_space<vmem_shared>>
      tpu.wait_dma2 semaphore(%run_scoped3A : memref<!tpu.dma_semaphore, #tpu.memory_space<semaphore_mem>>) src(%dma_wait3A_328 : memref<128x32xf32, #tpu.memory_space<vmem_shared>>) dst(%arg10 : memref<128x32xf32, #tpu.memory_space<vmem>>)
      tpu.yield
    }) : () -> ()
    %add3A_308 = arith.constant 128 : i32
    %add3A_309 = arith.addi %mul3A_0, %add3A_308 : i32
    "tpu.region"() ({
      %run_scoped3A = tpu.sem_alloc : memref<!tpu.dma_semaphore, #tpu.memory_space<semaphore_mem>>
      %dma_start3A = arith.constant 0 : i32
      %dma_start3A_322 = tpu.memref_slice %arg6[%add3A_5, %add3A_309, %dma_start3A] : memref<4x10240x32xf32, #tpu.memory_space<hbm>> -> memref<1x128x32xf32, #tpu.memory_space<hbm>>
      %dma_start3A_323 = tpu.memref_squeeze %dma_start3A_322 : memref<1x128x32xf32, #tpu.memory_space<hbm>> -> memref<128x32xf32, #tpu.memory_space<hbm>>
      %dma_start3A_324 = arith.constant 0 : i32
      %dma_start3A_325 = tpu.memref_slice %arg6[%add3A_5, %add3A_309, %dma_start3A_324] : memref<4x10240x32xf32, #tpu.memory_space<hbm>> -> memref<1x128x32xf32, #tpu.memory_space<hbm>>
      %dma_start3A_326 = tpu.memref_squeeze %dma_start3A_325 : memref<1x128x32xf32, #tpu.memory_space<hbm>> -> memref<128x32xf32, #tpu.memory_space<hbm>>
      tpu.enqueue_dma source(%arg10 : memref<128x32xf32, #tpu.memory_space<vmem>>) target(%dma_start3A_326 : memref<128x32xf32, #tpu.memory_space<hbm>>) target_semaphore(%run_scoped3A : memref<!tpu.dma_semaphore, #tpu.memory_space<semaphore_mem>>)
      %dma_wait3A_327 = arith.constant 0 : i32
      %dma_wait3A_328 = tpu.memref_slice %arg6[%add3A_5, %add3A_309, %dma_wait3A_327] : memref<4x10240x32xf32, #tpu.memory_space<hbm>> -> memref<1x128x32xf32, #tpu.memory_space<hbm>>
      %dma_wait3A_329 = tpu.memref_squeeze %dma_wait3A_328 : memref<1x128x32xf32, #tpu.memory_space<hbm>> -> memref<128x32xf32, #tpu.memory_space<hbm>>
      %dma_wait3A_330 = arith.constant 0 : i32
      %dma_wait3A_331 = tpu.memref_slice %arg6[%add3A_5, %add3A_309, %dma_wait3A_330] : memref<4x10240x32xf32, #tpu.memory_space<hbm>> -> memref<1x128x32xf32, #tpu.memory_space<hbm>>
      %dma_wait3A_332 = tpu.memref_squeeze %dma_wait3A_331 : memref<1x128x32xf32, #tpu.memory_space<hbm>> -> memref<128x32xf32, #tpu.memory_space<hbm>>
      tpu.wait_dma2 semaphore(%run_scoped3A : memref<!tpu.dma_semaphore, #tpu.memory_space<semaphore_mem>>) src(%arg10 : memref<128x32xf32, #tpu.memory_space<vmem>>) dst(%dma_wait3A_332 : memref<128x32xf32, #tpu.memory_space<hbm>>)
      tpu.yield
    }) : () -> ()
    %add3A_310 = arith.constant 256 : i32
    %add3A_311 = arith.addi %mul3A_0, %add3A_310 : i32
    "tpu.region"() ({
      %run_scoped3A = tpu.sem_alloc : memref<!tpu.dma_semaphore, #tpu.memory_space<semaphore_mem>>
      %dma_start3A = arith.constant 0 : i32
      %dma_start3A_322 = tpu.memref_slice %arg16[%add3A_311, %dma_start3A] : memref<10240x32xf32, #tpu.memory_space<vmem_shared>> -> memref<128x32xf32, #tpu.memory_space<vmem_shared>>
      %dma_start3A_323 = arith.constant 0 : i32
      %dma_start3A_324 = tpu.memref_slice %arg16[%add3A_311, %dma_start3A_323] : memref<10240x32xf32, #tpu.memory_space<vmem_shared>> -> memref<128x32xf32, #tpu.memory_space<vmem_shared>>
      tpu.enqueue_dma source(%dma_start3A_324 : memref<128x32xf32, #tpu.memory_space<vmem_shared>>) target(%arg10 : memref<128x32xf32, #tpu.memory_space<vmem>>) target_semaphore(%run_scoped3A : memref<!tpu.dma_semaphore, #tpu.memory_space<semaphore_mem>>)
      %dma_wait3A_325 = arith.constant 0 : i32
      %dma_wait3A_326 = tpu.memref_slice %arg16[%add3A_311, %dma_wait3A_325] : memref<10240x32xf32, #tpu.memory_space<vmem_shared>> -> memref<128x32xf32, #tpu.memory_space<vmem_shared>>
      %dma_wait3A_327 = arith.constant 0 : i32
      %dma_wait3A_328 = tpu.memref_slice %arg16[%add3A_311, %dma_wait3A_327] : memref<10240x32xf32, #tpu.memory_space<vmem_shared>> -> memref<128x32xf32, #tpu.memory_space<vmem_shared>>
      tpu.wait_dma2 semaphore(%run_scoped3A : memref<!tpu.dma_semaphore, #tpu.memory_space<semaphore_mem>>) src(%dma_wait3A_328 : memref<128x32xf32, #tpu.memory_space<vmem_shared>>) dst(%arg10 : memref<128x32xf32, #tpu.memory_space<vmem>>)
      tpu.yield
    }) : () -> ()
    %add3A_312 = arith.constant 256 : i32
    %add3A_313 = arith.addi %mul3A_0, %add3A_312 : i32
    "tpu.region"() ({
      %run_scoped3A = tpu.sem_alloc : memref<!tpu.dma_semaphore, #tpu.memory_space<semaphore_mem>>
      %dma_start3A = arith.constant 0 : i32
      %dma_start3A_322 = tpu.memref_slice %arg6[%add3A_5, %add3A_313, %dma_start3A] : memref<4x10240x32xf32, #tpu.memory_space<hbm>> -> memref<1x128x32xf32, #tpu.memory_space<hbm>>
      %dma_start3A_323 = tpu.memref_squeeze %dma_start3A_322 : memref<1x128x32xf32, #tpu.memory_space<hbm>> -> memref<128x32xf32, #tpu.memory_space<hbm>>
      %dma_start3A_324 = arith.constant 0 : i32
      %dma_start3A_325 = tpu.memref_slice %arg6[%add3A_5, %add3A_313, %dma_start3A_324] : memref<4x10240x32xf32, #tpu.memory_space<hbm>> -> memref<1x128x32xf32, #tpu.memory_space<hbm>>
      %dma_start3A_326 = tpu.memref_squeeze %dma_start3A_325 : memref<1x128x32xf32, #tpu.memory_space<hbm>> -> memref<128x32xf32, #tpu.memory_space<hbm>>
      tpu.enqueue_dma source(%arg10 : memref<128x32xf32, #tpu.memory_space<vmem>>) target(%dma_start3A_326 : memref<128x32xf32, #tpu.memory_space<hbm>>) target_semaphore(%run_scoped3A : memref<!tpu.dma_semaphore, #tpu.memory_space<semaphore_mem>>)
      %dma_wait3A_327 = arith.constant 0 : i32
      %dma_wait3A_328 = tpu.memref_slice %arg6[%add3A_5, %add3A_313, %dma_wait3A_327] : memref<4x10240x32xf32, #tpu.memory_space<hbm>> -> memref<1x128x32xf32, #tpu.memory_space<hbm>>
      %dma_wait3A_329 = tpu.memref_squeeze %dma_wait3A_328 : memref<1x128x32xf32, #tpu.memory_space<hbm>> -> memref<128x32xf32, #tpu.memory_space<hbm>>
      %dma_wait3A_330 = arith.constant 0 : i32
      %dma_wait3A_331 = tpu.memref_slice %arg6[%add3A_5, %add3A_313, %dma_wait3A_330] : memref<4x10240x32xf32, #tpu.memory_space<hbm>> -> memref<1x128x32xf32, #tpu.memory_space<hbm>>
      %dma_wait3A_332 = tpu.memref_squeeze %dma_wait3A_331 : memref<1x128x32xf32, #tpu.memory_space<hbm>> -> memref<128x32xf32, #tpu.memory_space<hbm>>
      tpu.wait_dma2 semaphore(%run_scoped3A : memref<!tpu.dma_semaphore, #tpu.memory_space<semaphore_mem>>) src(%arg10 : memref<128x32xf32, #tpu.memory_space<vmem>>) dst(%dma_wait3A_332 : memref<128x32xf32, #tpu.memory_space<hbm>>)
      tpu.yield
    }) : () -> ()
    %add3A_314 = arith.constant 384 : i32
    %add3A_315 = arith.addi %mul3A_0, %add3A_314 : i32
    "tpu.region"() ({
      %run_scoped3A = tpu.sem_alloc : memref<!tpu.dma_semaphore, #tpu.memory_space<semaphore_mem>>
      %dma_start3A = arith.constant 0 : i32
      %dma_start3A_322 = tpu.memref_slice %arg16[%add3A_315, %dma_start3A] : memref<10240x32xf32, #tpu.memory_space<vmem_shared>> -> memref<128x32xf32, #tpu.memory_space<vmem_shared>>
      %dma_start3A_323 = arith.constant 0 : i32
      %dma_start3A_324 = tpu.memref_slice %arg16[%add3A_315, %dma_start3A_323] : memref<10240x32xf32, #tpu.memory_space<vmem_shared>> -> memref<128x32xf32, #tpu.memory_space<vmem_shared>>
      tpu.enqueue_dma source(%dma_start3A_324 : memref<128x32xf32, #tpu.memory_space<vmem_shared>>) target(%arg10 : memref<128x32xf32, #tpu.memory_space<vmem>>) target_semaphore(%run_scoped3A : memref<!tpu.dma_semaphore, #tpu.memory_space<semaphore_mem>>)
      %dma_wait3A_325 = arith.constant 0 : i32
      %dma_wait3A_326 = tpu.memref_slice %arg16[%add3A_315, %dma_wait3A_325] : memref<10240x32xf32, #tpu.memory_space<vmem_shared>> -> memref<128x32xf32, #tpu.memory_space<vmem_shared>>
      %dma_wait3A_327 = arith.constant 0 : i32
      %dma_wait3A_328 = tpu.memref_slice %arg16[%add3A_315, %dma_wait3A_327] : memref<10240x32xf32, #tpu.memory_space<vmem_shared>> -> memref<128x32xf32, #tpu.memory_space<vmem_shared>>
      tpu.wait_dma2 semaphore(%run_scoped3A : memref<!tpu.dma_semaphore, #tpu.memory_space<semaphore_mem>>) src(%dma_wait3A_328 : memref<128x32xf32, #tpu.memory_space<vmem_shared>>) dst(%arg10 : memref<128x32xf32, #tpu.memory_space<vmem>>)
      tpu.yield
    }) : () -> ()
    %add3A_316 = arith.constant 384 : i32
    %add3A_317 = arith.addi %mul3A_0, %add3A_316 : i32
    "tpu.region"() ({
      %run_scoped3A = tpu.sem_alloc : memref<!tpu.dma_semaphore, #tpu.memory_space<semaphore_mem>>
      %dma_start3A = arith.constant 0 : i32
      %dma_start3A_322 = tpu.memref_slice %arg6[%add3A_5, %add3A_317, %dma_start3A] : memref<4x10240x32xf32, #tpu.memory_space<hbm>> -> memref<1x128x32xf32, #tpu.memory_space<hbm>>
      %dma_start3A_323 = tpu.memref_squeeze %dma_start3A_322 : memref<1x128x32xf32, #tpu.memory_space<hbm>> -> memref<128x32xf32, #tpu.memory_space<hbm>>
      %dma_start3A_324 = arith.constant 0 : i32
      %dma_start3A_325 = tpu.memref_slice %arg6[%add3A_5, %add3A_317, %dma_start3A_324] : memref<4x10240x32xf32, #tpu.memory_space<hbm>> -> memref<1x128x32xf32, #tpu.memory_space<hbm>>
      %dma_start3A_326 = tpu.memref_squeeze %dma_start3A_325 : memref<1x128x32xf32, #tpu.memory_space<hbm>> -> memref<128x32xf32, #tpu.memory_space<hbm>>
      tpu.enqueue_dma source(%arg10 : memref<128x32xf32, #tpu.memory_space<vmem>>) target(%dma_start3A_326 : memref<128x32xf32, #tpu.memory_space<hbm>>) target_semaphore(%run_scoped3A : memref<!tpu.dma_semaphore, #tpu.memory_space<semaphore_mem>>)
      %dma_wait3A_327 = arith.constant 0 : i32
      %dma_wait3A_328 = tpu.memref_slice %arg6[%add3A_5, %add3A_317, %dma_wait3A_327] : memref<4x10240x32xf32, #tpu.memory_space<hbm>> -> memref<1x128x32xf32, #tpu.memory_space<hbm>>
      %dma_wait3A_329 = tpu.memref_squeeze %dma_wait3A_328 : memref<1x128x32xf32, #tpu.memory_space<hbm>> -> memref<128x32xf32, #tpu.memory_space<hbm>>
      %dma_wait3A_330 = arith.constant 0 : i32
      %dma_wait3A_331 = tpu.memref_slice %arg6[%add3A_5, %add3A_317, %dma_wait3A_330] : memref<4x10240x32xf32, #tpu.memory_space<hbm>> -> memref<1x128x32xf32, #tpu.memory_space<hbm>>
      %dma_wait3A_332 = tpu.memref_squeeze %dma_wait3A_331 : memref<1x128x32xf32, #tpu.memory_space<hbm>> -> memref<128x32xf32, #tpu.memory_space<hbm>>
      tpu.wait_dma2 semaphore(%run_scoped3A : memref<!tpu.dma_semaphore, #tpu.memory_space<semaphore_mem>>) src(%arg10 : memref<128x32xf32, #tpu.memory_space<vmem>>) dst(%dma_wait3A_332 : memref<128x32xf32, #tpu.memory_space<hbm>>)
      tpu.yield
    }) : () -> ()
    %add3A_318 = arith.constant 512 : i32
    %add3A_319 = arith.addi %mul3A_0, %add3A_318 : i32
    "tpu.region"() ({
      %run_scoped3A = tpu.sem_alloc : memref<!tpu.dma_semaphore, #tpu.memory_space<semaphore_mem>>
      %dma_start3A = arith.constant 0 : i32
      %dma_start3A_322 = tpu.memref_slice %arg16[%add3A_319, %dma_start3A] : memref<10240x32xf32, #tpu.memory_space<vmem_shared>> -> memref<128x32xf32, #tpu.memory_space<vmem_shared>>
      %dma_start3A_323 = arith.constant 0 : i32
      %dma_start3A_324 = tpu.memref_slice %arg16[%add3A_319, %dma_start3A_323] : memref<10240x32xf32, #tpu.memory_space<vmem_shared>> -> memref<128x32xf32, #tpu.memory_space<vmem_shared>>
      tpu.enqueue_dma source(%dma_start3A_324 : memref<128x32xf32, #tpu.memory_space<vmem_shared>>) target(%arg10 : memref<128x32xf32, #tpu.memory_space<vmem>>) target_semaphore(%run_scoped3A : memref<!tpu.dma_semaphore, #tpu.memory_space<semaphore_mem>>)
      %dma_wait3A_325 = arith.constant 0 : i32
      %dma_wait3A_326 = tpu.memref_slice %arg16[%add3A_319, %dma_wait3A_325] : memref<10240x32xf32, #tpu.memory_space<vmem_shared>> -> memref<128x32xf32, #tpu.memory_space<vmem_shared>>
      %dma_wait3A_327 = arith.constant 0 : i32
      %dma_wait3A_328 = tpu.memref_slice %arg16[%add3A_319, %dma_wait3A_327] : memref<10240x32xf32, #tpu.memory_space<vmem_shared>> -> memref<128x32xf32, #tpu.memory_space<vmem_shared>>
      tpu.wait_dma2 semaphore(%run_scoped3A : memref<!tpu.dma_semaphore, #tpu.memory_space<semaphore_mem>>) src(%dma_wait3A_328 : memref<128x32xf32, #tpu.memory_space<vmem_shared>>) dst(%arg10 : memref<128x32xf32, #tpu.memory_space<vmem>>)
      tpu.yield
    }) : () -> ()
    %add3A_320 = arith.constant 512 : i32
    %add3A_321 = arith.addi %mul3A_0, %add3A_320 : i32
    "tpu.region"() ({
      %run_scoped3A = tpu.sem_alloc : memref<!tpu.dma_semaphore, #tpu.memory_space<semaphore_mem>>
      %dma_start3A = arith.constant 0 : i32
      %dma_start3A_322 = tpu.memref_slice %arg6[%add3A_5, %add3A_321, %dma_start3A] : memref<4x10240x32xf32, #tpu.memory_space<hbm>> -> memref<1x128x32xf32, #tpu.memory_space<hbm>>
      %dma_start3A_323 = tpu.memref_squeeze %dma_start3A_322 : memref<1x128x32xf32, #tpu.memory_space<hbm>> -> memref<128x32xf32, #tpu.memory_space<hbm>>
      %dma_start3A_324 = arith.constant 0 : i32
      %dma_start3A_325 = tpu.memref_slice %arg6[%add3A_5, %add3A_321, %dma_start3A_324] : memref<4x10240x32xf32, #tpu.memory_space<hbm>> -> memref<1x128x32xf32, #tpu.memory_space<hbm>>
      %dma_start3A_326 = tpu.memref_squeeze %dma_start3A_325 : memref<1x128x32xf32, #tpu.memory_space<hbm>> -> memref<128x32xf32, #tpu.memory_space<hbm>>
      tpu.enqueue_dma source(%arg10 : memref<128x32xf32, #tpu.memory_space<vmem>>) target(%dma_start3A_326 : memref<128x32xf32, #tpu.memory_space<hbm>>) target_semaphore(%run_scoped3A : memref<!tpu.dma_semaphore, #tpu.memory_space<semaphore_mem>>)
      %dma_wait3A_327 = arith.constant 0 : i32
      %dma_wait3A_328 = tpu.memref_slice %arg6[%add3A_5, %add3A_321, %dma_wait3A_327] : memref<4x10240x32xf32, #tpu.memory_space<hbm>> -> memref<1x128x32xf32, #tpu.memory_space<hbm>>
      %dma_wait3A_329 = tpu.memref_squeeze %dma_wait3A_328 : memref<1x128x32xf32, #tpu.memory_space<hbm>> -> memref<128x32xf32, #tpu.memory_space<hbm>>
      %dma_wait3A_330 = arith.constant 0 : i32
      %dma_wait3A_331 = tpu.memref_slice %arg6[%add3A_5, %add3A_321, %dma_wait3A_330] : memref<4x10240x32xf32, #tpu.memory_space<hbm>> -> memref<1x128x32xf32, #tpu.memory_space<hbm>>
      %dma_wait3A_332 = tpu.memref_squeeze %dma_wait3A_331 : memref<1x128x32xf32, #tpu.memory_space<hbm>> -> memref<128x32xf32, #tpu.memory_space<hbm>>
      tpu.wait_dma2 semaphore(%run_scoped3A : memref<!tpu.dma_semaphore, #tpu.memory_space<semaphore_mem>>) src(%arg10 : memref<128x32xf32, #tpu.memory_space<vmem>>) dst(%dma_wait3A_332 : memref<128x32xf32, #tpu.memory_space<hbm>>)
      tpu.yield
    }) : () -> ()
    return
  }
}

module attributes {stable_mosaic.version = 14 : i64} {
  func.func @_tc1_body(%arg0: i32, %arg1: i32, %arg2: memref<1024x128xf32, #tpu.memory_space<vmem>>, %arg3: memref<1024x1xf32, #tpu.memory_space<vmem>>, %arg4: memref<1024x1xf32, #tpu.memory_space<vmem>>, %arg5: memref<1x128x32xf32, #tpu.memory_space<vmem>>, %arg6: memref<1x1x32xf32, #tpu.memory_space<vmem>>, %arg7: memref<1024x32xf32, #tpu.memory_space<vmem>>, %arg8: memref<1024x1xf32, #tpu.memory_space<vmem>>) attributes {dimension_semantics = [#tpu.dimension_semantics<arbitrary>, #tpu.dimension_semantics<arbitrary>], iteration_bounds = array<i64: 4, 10>, scalar_prefetch = 0 : i64, scratch_operands = 0 : i64, tpu.core_type = #tpu.core_type<tc>, window_params = [{transform_indices = @transform_0, window_bounds = array<i64: 1024, 128>}, {transform_indices = @transform_1, window_bounds = array<i64: 1024, 1>}, {transform_indices = @transform_2, window_bounds = array<i64: 1024, 1>}, {transform_indices = @transform_3, window_bounds = array<i64: 1, 128, 32>}, {transform_indices = @transform_4, window_bounds = array<i64: 1, 1, 32>}, {transform_indices = @transform_5, window_bounds = array<i64: 1024, 32>}, {transform_indices = @transform_6, window_bounds = array<i64: 1024, 1>}]} {
    %get3A = arith.constant 0 : index
    %get3A_0 = arith.constant 0 : index
    %get3A_1 = vector.load %arg3[%get3A, %get3A_0] : memref<1024x1xf32, #tpu.memory_space<vmem>>, vector<1024x1xf32>
    %get3A_2 = arith.constant 0 : index
    %get3A_3 = arith.constant 0 : index
    %get3A_4 = vector.load %arg4[%get3A_2, %get3A_3] : memref<1024x1xf32, #tpu.memory_space<vmem>>, vector<1024x1xf32>
    %add3A = arith.addf %get3A_1, %get3A_4 : vector<1024x1xf32>
    %max3A = arith.constant 1.000000e+00 : f32
    %max3A_5 = vector.broadcast %max3A : f32 to vector<1024x1xf32>
    %max3A_6 = arith.maximumf %add3A, %max3A_5 : vector<1024x1xf32>
    %rsqrt3A = math.rsqrt %max3A_6 : vector<1024x1xf32>
    %get3A_7 = arith.constant 0 : index
    %get3A_8 = arith.constant 0 : index
    %get3A_9 = vector.load %arg2[%get3A_7, %get3A_8] : memref<1024x128xf32, #tpu.memory_space<vmem>>, vector<1024x128xf32>
    %get3A_10 = arith.constant 0 : index
    %get3A_11 = arith.constant 0 : index
    %get3A_12 = arith.constant 0 : index
    %get3A_13 = vector.load %arg5[%get3A_10, %get3A_11, %get3A_12] : memref<1x128x32xf32, #tpu.memory_space<vmem>>, vector<1x128x32xf32>
    %get3A_14 = vector.shape_cast %get3A_13 : vector<1x128x32xf32> to vector<128x32xf32>
    %dot_general3A = arith.constant dense<0.000000e+00> : vector<1024x32xf32>
    %dot_general3A_15 = tpu.matmul %get3A_9, %get3A_14, %dot_general3A {dimension_numbers = #tpu.dot_dimension_numbers<[1], [0], [0], [1], [0, 0, 1, 1], [], []>, transpose_lhs_hint = false} : vector<1024x128xf32>, vector<128x32xf32>, vector<1024x32xf32> -> vector<1024x32xf32>
    %get3A_16 = arith.constant 0 : index
    %get3A_17 = arith.constant 0 : index
    %get3A_18 = arith.constant 0 : index
    %get3A_19 = vector.load %arg6[%get3A_16, %get3A_17, %get3A_18] : memref<1x1x32xf32, #tpu.memory_space<vmem>>, vector<1x1x32xf32>
    %get3A_20 = vector.shape_cast %get3A_19 : vector<1x1x32xf32> to vector<1x32xf32>
    %add3A_21 = vector.broadcast %get3A_20 : vector<1x32xf32> to vector<1024x32xf32>
    %add3A_22 = arith.addf %dot_general3A_15, %add3A_21 : vector<1024x32xf32>
    %mul3A = vector.broadcast %rsqrt3A : vector<1024x1xf32> to vector<1024x32xf32>
    %mul3A_23 = arith.mulf %add3A_22, %mul3A : vector<1024x32xf32>
    %swap3A = arith.constant 0 : index
    %swap3A_24 = arith.constant 0 : index
    %swap3A_25 = vector.load %arg7[%swap3A, %swap3A_24] : memref<1024x32xf32, #tpu.memory_space<vmem>>, vector<1024x32xf32>
    tpu.vector_store %arg7[%swap3A, %swap3A_24], %mul3A_23 {strides = array<i32>} : memref<1024x32xf32, #tpu.memory_space<vmem>>, vector<1024x32xf32>,
    %mul3A_26 = arith.mulf %rsqrt3A, %rsqrt3A : vector<1024x1xf32>
    %swap3A_27 = arith.constant 0 : index
    %swap3A_28 = arith.constant 0 : index
    %swap3A_29 = vector.load %arg8[%swap3A_27, %swap3A_28] : memref<1024x1xf32, #tpu.memory_space<vmem>>, vector<1024x1xf32>
    tpu.vector_store %arg8[%swap3A_27, %swap3A_28], %mul3A_26 {strides = array<i32>} : memref<1024x1xf32, #tpu.memory_space<vmem>>, vector<1024x1xf32>,
    return
  }
  func.func @transform_0(%arg0: i32, %arg1: i32) -> (i32, i32) {
    %c0_i32 = arith.constant 0 : i32
    %c0_i32_0 = arith.constant 0 : i32
    return %arg1, %c0_i32 : i32, i32
  }
  func.func @transform_1(%arg0: i32, %arg1: i32) -> (i32, i32) {
    %c0_i32 = arith.constant 0 : i32
    %c0_i32_0 = arith.constant 0 : i32
    return %arg1, %c0_i32 : i32, i32
  }
  func.func @transform_2(%arg0: i32, %arg1: i32) -> (i32, i32) {
    %c0_i32 = arith.constant 0 : i32
    %c0_i32_0 = arith.constant 0 : i32
    return %arg1, %c0_i32 : i32, i32
  }
  func.func @transform_3(%arg0: i32, %arg1: i32) -> (i32, i32, i32) {
    %c0_i32 = arith.constant 0 : i32
    %c0_i32_0 = arith.constant 0 : i32
    %c0_i32_1 = arith.constant 0 : i32
    return %arg0, %c0_i32, %c0_i32_0 : i32, i32, i32
  }
  func.func @transform_4(%arg0: i32, %arg1: i32) -> (i32, i32, i32) {
    %c0_i32 = arith.constant 0 : i32
    %c0_i32_0 = arith.constant 0 : i32
    %c0_i32_1 = arith.constant 0 : i32
    return %arg0, %c0_i32, %c0_i32_0 : i32, i32, i32
  }
  func.func @transform_5(%arg0: i32, %arg1: i32) -> (i32, i32) {
    %mul3A = arith.constant 10 : i32
    %mul3A_0 = arith.muli %arg0, %mul3A : i32
    %add3A = arith.addi %mul3A_0, %arg1 : i32
    %c0_i32 = arith.constant 0 : i32
    %c0_i32_1 = arith.constant 0 : i32
    return %add3A, %c0_i32 : i32, i32
  }
  func.func @transform_6(%arg0: i32, %arg1: i32) -> (i32, i32) {
    %c0_i32 = arith.constant 0 : i32
    %c0_i32_0 = arith.constant 0 : i32
    return %arg1, %c0_i32 : i32, i32
  }
}

module attributes {stable_mosaic.version = 14 : i64} {
  func.func @_tc3_body(%arg0: i32, %arg1: memref<4x1024x32xf32, #tpu.memory_space<vmem>>, %arg2: memref<1024x1xf32, #tpu.memory_space<vmem>>, %arg3: memref<1024x1xf32, #tpu.memory_space<vmem>>, %arg4: memref<128x128xf32, #tpu.memory_space<vmem>>, %arg5: memref<1x128xf32, #tpu.memory_space<vmem>>, %arg6: memref<128x128xf32, #tpu.memory_space<vmem>>, %arg7: memref<1x128xf32, #tpu.memory_space<vmem>>, %arg8: memref<128x128xf32, #tpu.memory_space<vmem>>, %arg9: memref<1x128xf32, #tpu.memory_space<vmem>>, %arg10: memref<128x128xf32, #tpu.memory_space<vmem>>, %arg11: memref<1x128xf32, #tpu.memory_space<vmem>>, %arg12: memref<1024x128xf32, #tpu.memory_space<vmem>>) attributes {dimension_semantics = [#tpu.dimension_semantics<arbitrary>], iteration_bounds = array<i64: 10>, scalar_prefetch = 0 : i64, scratch_operands = 0 : i64, tpu.core_type = #tpu.core_type<tc>, window_params = [{transform_indices = @transform_0, window_bounds = array<i64: 4, 1024, 32>}, {transform_indices = @transform_1, window_bounds = array<i64: 1024, 1>}, {transform_indices = @transform_2, window_bounds = array<i64: 1024, 1>}, {pipeline_mode = #tpu.pipeline_mode<synchronous>, transform_indices = @transform_3, window_bounds = array<i64: 128, 128>}, {pipeline_mode = #tpu.pipeline_mode<synchronous>, transform_indices = @transform_4, window_bounds = array<i64: 1, 128>}, {pipeline_mode = #tpu.pipeline_mode<synchronous>, transform_indices = @transform_5, window_bounds = array<i64: 128, 128>}, {pipeline_mode = #tpu.pipeline_mode<synchronous>, transform_indices = @transform_6, window_bounds = array<i64: 1, 128>}, {pipeline_mode = #tpu.pipeline_mode<synchronous>, transform_indices = @transform_7, window_bounds = array<i64: 128, 128>}, {pipeline_mode = #tpu.pipeline_mode<synchronous>, transform_indices = @transform_8, window_bounds = array<i64: 1, 128>}, {pipeline_mode = #tpu.pipeline_mode<synchronous>, transform_indices = @transform_9, window_bounds = array<i64: 128, 128>}, {pipeline_mode = #tpu.pipeline_mode<synchronous>, transform_indices = @transform_10, window_bounds = array<i64: 1, 128>}, {transform_indices = @transform_11, window_bounds = array<i64: 1024, 128>}]} {
    %get3A = arith.constant 0 : index
    %get3A_0 = arith.constant 0 : index
    %get3A_1 = vector.load %arg2[%get3A, %get3A_0] : memref<1024x1xf32, #tpu.memory_space<vmem>>, vector<1024x1xf32>
    %get3A_2 = arith.constant 0 : index
    %get3A_3 = arith.constant 0 : index
    %get3A_4 = vector.load %arg3[%get3A_2, %get3A_3] : memref<1024x1xf32, #tpu.memory_space<vmem>>, vector<1024x1xf32>
    %add3A = arith.addf %get3A_1, %get3A_4 : vector<1024x1xf32>
    %max3A = arith.constant 1.000000e+00 : f32
    %max3A_5 = vector.broadcast %max3A : f32 to vector<1024x1xf32>
    %max3A_6 = arith.maximumf %add3A, %max3A_5 : vector<1024x1xf32>
    %rsqrt3A = math.rsqrt %max3A_6 : vector<1024x1xf32>
    %get3A_7 = arith.constant 0 : index
    %get3A_8 = arith.constant 0 : index
    %get3A_9 = arith.constant 0 : index
    %get3A_10 = vector.load %arg1[%get3A_7, %get3A_8, %get3A_9] : memref<4x1024x32xf32, #tpu.memory_space<vmem>>, vector<1x1024x32xf32>
    %get3A_11 = vector.shape_cast %get3A_10 : vector<1x1024x32xf32> to vector<1024x32xf32>
    %get3A_12 = arith.constant 1 : index
    %get3A_13 = arith.constant 0 : index
    %get3A_14 = arith.constant 0 : index
    %get3A_15 = vector.load %arg1[%get3A_12, %get3A_13, %get3A_14] : memref<4x1024x32xf32, #tpu.memory_space<vmem>>, vector<1x1024x32xf32>
    %get3A_16 = vector.shape_cast %get3A_15 : vector<1x1024x32xf32> to vector<1024x32xf32>
    %get3A_17 = arith.constant 2 : index
    %get3A_18 = arith.constant 0 : index
    %get3A_19 = arith.constant 0 : index
    %get3A_20 = vector.load %arg1[%get3A_17, %get3A_18, %get3A_19] : memref<4x1024x32xf32, #tpu.memory_space<vmem>>, vector<1x1024x32xf32>
    %get3A_21 = vector.shape_cast %get3A_20 : vector<1x1024x32xf32> to vector<1024x32xf32>
    %get3A_22 = arith.constant 3 : index
    %get3A_23 = arith.constant 0 : index
    %get3A_24 = arith.constant 0 : index
    %get3A_25 = vector.load %arg1[%get3A_22, %get3A_23, %get3A_24] : memref<4x1024x32xf32, #tpu.memory_space<vmem>>, vector<1x1024x32xf32>
    %get3A_26 = vector.shape_cast %get3A_25 : vector<1x1024x32xf32> to vector<1024x32xf32>
    %concatenate3A = tpu.concatenate %get3A_11, %get3A_16, %get3A_21, %get3A_26 in 1 : vector<1024x32xf32>, vector<1024x32xf32>, vector<1024x32xf32>, vector<1024x32xf32> -> vector<1024x128xf32>
    %mul3A = vector.broadcast %rsqrt3A : vector<1024x1xf32> to vector<1024x128xf32>
    %mul3A_27 = arith.mulf %concatenate3A, %mul3A : vector<1024x128xf32>
    %get3A_28 = arith.constant 0 : index
    %get3A_29 = arith.constant 0 : index
    %get3A_30 = vector.load %arg4[%get3A_28, %get3A_29] : memref<128x128xf32, #tpu.memory_space<vmem>>, vector<128x128xf32>
    %dot_general3A = arith.constant dense<0.000000e+00> : vector<1024x128xf32>
    %dot_general3A_31 = tpu.matmul %mul3A_27, %get3A_30, %dot_general3A {dimension_numbers = #tpu.dot_dimension_numbers<[1], [0], [0], [1], [0, 0, 1, 1], [], []>, transpose_lhs_hint = false} : vector<1024x128xf32>, vector<128x128xf32>, vector<1024x128xf32> -> vector<1024x128xf32>
    %get3A_32 = arith.constant 0 : index
    %get3A_33 = arith.constant 0 : index
    %get3A_34 = vector.load %arg5[%get3A_32, %get3A_33] : memref<1x128xf32, #tpu.memory_space<vmem>>, vector<1x128xf32>
    %add3A_35 = vector.broadcast %get3A_34 : vector<1x128xf32> to vector<1024x128xf32>
    %add3A_36 = arith.addf %dot_general3A_31, %add3A_35 : vector<1024x128xf32>
    %get3A_37 = arith.constant 0 : index
    %get3A_38 = arith.constant 0 : index
    %get3A_39 = vector.load %arg6[%get3A_37, %get3A_38] : memref<128x128xf32, #tpu.memory_space<vmem>>, vector<128x128xf32>
    %dot_general3A_40 = arith.constant dense<0.000000e+00> : vector<1024x128xf32>
    %dot_general3A_41 = tpu.matmul %add3A_36, %get3A_39, %dot_general3A_40 {dimension_numbers = #tpu.dot_dimension_numbers<[1], [0], [0], [1], [0, 0, 1, 1], [], []>, transpose_lhs_hint = false} : vector<1024x128xf32>, vector<128x128xf32>, vector<1024x128xf32> -> vector<1024x128xf32>
    %get3A_42 = arith.constant 0 : index
    %get3A_43 = arith.constant 0 : index
    %get3A_44 = vector.load %arg7[%get3A_42, %get3A_43] : memref<1x128xf32, #tpu.memory_space<vmem>>, vector<1x128xf32>
    %add3A_45 = vector.broadcast %get3A_44 : vector<1x128xf32> to vector<1024x128xf32>
    %add3A_46 = arith.addf %dot_general3A_41, %add3A_45 : vector<1024x128xf32>
    %max3A_47 = arith.constant 0.000000e+00 : f32
    %max3A_48 = vector.broadcast %max3A_47 : f32 to vector<1024x128xf32>
    %max3A_49 = arith.maximumf %add3A_46, %max3A_48 : vector<1024x128xf32>
    %get3A_50 = arith.constant 0 : index
    %get3A_51 = arith.constant 0 : index
    %get3A_52 = vector.load %arg8[%get3A_50, %get3A_51] : memref<128x128xf32, #tpu.memory_space<vmem>>, vector<128x128xf32>
    %dot_general3A_53 = arith.constant dense<0.000000e+00> : vector<1024x128xf32>
    %dot_general3A_54 = tpu.matmul %max3A_49, %get3A_52, %dot_general3A_53 {dimension_numbers = #tpu.dot_dimension_numbers<[1], [0], [0], [1], [0, 0, 1, 1], [], []>, transpose_lhs_hint = false} : vector<1024x128xf32>, vector<128x128xf32>, vector<1024x128xf32> -> vector<1024x128xf32>
    %get3A_55 = arith.constant 0 : index
    %get3A_56 = arith.constant 0 : index
    %get3A_57 = vector.load %arg9[%get3A_55, %get3A_56] : memref<1x128xf32, #tpu.memory_space<vmem>>, vector<1x128xf32>
    %add3A_58 = vector.broadcast %get3A_57 : vector<1x128xf32> to vector<1024x128xf32>
    %add3A_59 = arith.addf %dot_general3A_54, %add3A_58 : vector<1024x128xf32>
    %max3A_60 = arith.constant 0.000000e+00 : f32
    %max3A_61 = vector.broadcast %max3A_60 : f32 to vector<1024x128xf32>
    %max3A_62 = arith.maximumf %add3A_59, %max3A_61 : vector<1024x128xf32>
    %get3A_63 = arith.constant 0 : index
    %get3A_64 = arith.constant 0 : index
    %get3A_65 = vector.load %arg10[%get3A_63, %get3A_64] : memref<128x128xf32, #tpu.memory_space<vmem>>, vector<128x128xf32>
    %dot_general3A_66 = arith.constant dense<0.000000e+00> : vector<1024x128xf32>
    %dot_general3A_67 = tpu.matmul %max3A_62, %get3A_65, %dot_general3A_66 {dimension_numbers = #tpu.dot_dimension_numbers<[1], [0], [0], [1], [0, 0, 1, 1], [], []>, transpose_lhs_hint = false} : vector<1024x128xf32>, vector<128x128xf32>, vector<1024x128xf32> -> vector<1024x128xf32>
    %get3A_68 = arith.constant 0 : index
    %get3A_69 = arith.constant 0 : index
    %get3A_70 = vector.load %arg11[%get3A_68, %get3A_69] : memref<1x128xf32, #tpu.memory_space<vmem>>, vector<1x128xf32>
    %add3A_71 = vector.broadcast %get3A_70 : vector<1x128xf32> to vector<1024x128xf32>
    %add3A_72 = arith.addf %dot_general3A_67, %add3A_71 : vector<1024x128xf32>
    %swap3A = arith.constant 0 : index
    %swap3A_73 = arith.constant 0 : index
    %swap3A_74 = vector.load %arg12[%swap3A, %swap3A_73] : memref<1024x128xf32, #tpu.memory_space<vmem>>, vector<1024x128xf32>
    tpu.vector_store %arg12[%swap3A, %swap3A_73], %add3A_72 {strides = array<i32>} : memref<1024x128xf32, #tpu.memory_space<vmem>>, vector<1024x128xf32>,
    return
  }
  func.func @transform_0(%arg0: i32) -> (i32, i32, i32) {
    %c0_i32 = arith.constant 0 : i32
    %c0_i32_0 = arith.constant 0 : i32
    %c0_i32_1 = arith.constant 0 : i32
    return %c0_i32, %arg0, %c0_i32_0 : i32, i32, i32
  }
  func.func @transform_1(%arg0: i32) -> (i32, i32) {
    %c0_i32 = arith.constant 0 : i32
    %c0_i32_0 = arith.constant 0 : i32
    return %arg0, %c0_i32 : i32, i32
  }
  func.func @transform_2(%arg0: i32) -> (i32, i32) {
    %c0_i32 = arith.constant 0 : i32
    %c0_i32_0 = arith.constant 0 : i32
    return %arg0, %c0_i32 : i32, i32
  }
  func.func @transform_3(%arg0: i32) -> (i32, i32) {
    %c0_i32 = arith.constant 0 : i32
    %c0_i32_0 = arith.constant 0 : i32
    %c0_i32_1 = arith.constant 0 : i32
    return %c0_i32, %c0_i32_0 : i32, i32
  }
  func.func @transform_4(%arg0: i32) -> (i32, i32) {
    %c0_i32 = arith.constant 0 : i32
    %c0_i32_0 = arith.constant 0 : i32
    %c0_i32_1 = arith.constant 0 : i32
    return %c0_i32, %c0_i32_0 : i32, i32
  }
  func.func @transform_5(%arg0: i32) -> (i32, i32) {
    %c0_i32 = arith.constant 0 : i32
    %c0_i32_0 = arith.constant 0 : i32
    %c0_i32_1 = arith.constant 0 : i32
    return %c0_i32, %c0_i32_0 : i32, i32
  }
  func.func @transform_6(%arg0: i32) -> (i32, i32) {
    %c0_i32 = arith.constant 0 : i32
    %c0_i32_0 = arith.constant 0 : i32
    %c0_i32_1 = arith.constant 0 : i32
    return %c0_i32, %c0_i32_0 : i32, i32
  }
  func.func @transform_7(%arg0: i32) -> (i32, i32) {
    %c0_i32 = arith.constant 0 : i32
    %c0_i32_0 = arith.constant 0 : i32
    %c0_i32_1 = arith.constant 0 : i32
    return %c0_i32, %c0_i32_0 : i32, i32
  }
  func.func @transform_8(%arg0: i32) -> (i32, i32) {
    %c0_i32 = arith.constant 0 : i32
    %c0_i32_0 = arith.constant 0 : i32
    %c0_i32_1 = arith.constant 0 : i32
    return %c0_i32, %c0_i32_0 : i32, i32
  }
  func.func @transform_9(%arg0: i32) -> (i32, i32) {
    %c0_i32 = arith.constant 0 : i32
    %c0_i32_0 = arith.constant 0 : i32
    %c0_i32_1 = arith.constant 0 : i32
    return %c0_i32, %c0_i32_0 : i32, i32
  }
  func.func @transform_10(%arg0: i32) -> (i32, i32) {
    %c0_i32 = arith.constant 0 : i32
    %c0_i32_0 = arith.constant 0 : i32
    %c0_i32_1 = arith.constant 0 : i32
    return %c0_i32, %c0_i32_0 : i32, i32
  }
  func.func @transform_11(%arg0: i32) -> (i32, i32) {
    %c0_i32 = arith.constant 0 : i32
    %c0_i32_0 = arith.constant 0 : i32
    return %arg0, %c0_i32 : i32, i32
  }
}

</mosaic_0001>

<sc_bundles>
// kernel: kernel.6.cloned.1.call-start
scs
__scs_entry_jumppad:
0x0: {  	(pc) =	sbr.rel $0x88, $3  }
0x1: {  	(tag) =	ssettag $0x0;
	lr =	simm.s32 $0x1  }
0x2: {  	[smem:$0x3F94] =	sst lr;
	_ =	strace $0xD0000000  }
0x3: {  	_ = 	snop  }
0x4: {  	_ = 	snop  }
0x5: {  	_ = 	snop  }
0x6: {  	_ = 	snop  }
0x7: {  	_ = 	snop  }
__scs_overlays_trampoline_lowered:
0x8: {  	[smem:$0x3FA3] =	sst s0  }
0x9: {  	[smem:$0x3FA4] =	sst s1  }
0xa: {  	[smem:$0x3FA5] =	sst s2  }
0xb: {  	[smem:$0x3FA6] =	sst s3  }
0xc: {  	[smem:$0x3FA7] =	sst s4  }
0xd: {  	[smem:$0x3FA8] =	sst s5  }
0xe: {  	[smem:$0x3FA9] =	sst s6  }
0xf: {  	[smem:$0x3FAA] =	sst s7  }
0x10: {  	[smem:$0x3FAB] =	sst s8  }
0x11: {  	[smem:$0x3FAC] =	sst s9;
	s0 =	simm.s32 @!p0 $0x0  }
0x12: {  	s1 =	sld [smem:$0x3F92];
	s0 =	simm.s32 @p0 $0x1  }
0x13: {  	[smem:$0x3FAD] =	sst s0;
	s0 =	simm.s32 @!p1 $0x0  }
0x14: {  	s2 =	sld [smem:$0x3F91];
	s0 =	simm.s32 @p1 $0x1  }
0x15: {  	[smem:$0x3FAE] =	sst s0;
	s0 =	simm.s32 @!p2 $0x0  }
0x16: {  	s3 =	sld [smem:$0x3FDB];
	s0 =	simm.s32 @p2 $0x1  }
0x17: {  	s4 =	simm.s32 $0x1BF5;
	[smem:$0x3FB0] =	sst s0  }
0x18: {  	s0 =	sld [smem:$0x3F93];
	_ =	swait.ge [sflag:s4], $0x0  }
0x19: {  	s7 =	sld [smem:$0x3F94]  }
0x1a: {  	s8 =	sadd.s32 $0xFFFFE003, lr  }
0x1b: {  	s9 =	sadd.s32 $0xFFFFFEF7, lr;
	s5 =	simm.s32 $0xFFFFFFFF;
	p2 =	slt.u32 s8, $0xFFFFF086  }
0x1c: {  	p1 =	slt.u32 s9, $0xF7A;
	s5 =	simm.s32 @!p2 $0x0  }
0x1d: {  	s5 =	simm.s32 @p1 $0x1;
	p0 =	seq.s32 s7, s2  }
0x1e: {  	s7 =	smul.u32 @!p0 $0xF7A, s2;
	p2 =	seq.s32 @!p0 s5, $0x0  }
0x1f: {  	s9 =	smul.u32 $0xF7A, s1;
	s8 =	simm.s32 @!p0 $0x1BF5;
	p2 =	por !p2, p0  }
0x20: {  	[sflag:s8] =	ssyncset.s32 @!p0 $0xFFFFF086;
	s6 =	sadd.s32 @!p0 s3, s7;
	s7 =	simm.s32 @!p0 $0x108  }
0x21: {  	s3 =	sadd.s32 s3, s9;
	s6 =	sadd.s32 @!p0 $0x88, s6;
	s7 =	simm.s32 @p2 $0x1082  }
0x22: {  	[simem:s7], [sflag:s8] =	dma.local @!p0 [hbm:s6], $0xF7A  }
0x23: {  	s9 =	sor.u32 $0xD0000000, s2;
	s6 =	simm.s32 $0x108;
	_ =	swait.ge @!p0 [sflag:s8], $0x0  }
0x24: {  	s3 =	sadd.s32 $0x88, s3;
	s6 =	simm.s32 @!p1 $0x1082;
	[sflag:s4] =	ssyncset.s32 $0xFFFFF086  }
0x25: {  	[simem:s6], [sflag:s4] =	dma.local [hbm:s3], $0xF7A  }
0x26: {  	[smem:$0x3F94] =	sst s1;
	(tag) =	ssettag s2;
	_ =	strace s9  }
0x27: {  	s1 =	sld [smem:$0x3FA4]  }
0x28: {  	s2 =	sld [smem:$0x3FA5]  }
0x29: {  	s4 =	sld [smem:$0x3FA7]  }
0x2a: {  	p0 =	seq.s32 s5, $0x0;
	s5 =	sld [smem:$0x3FA8]  }
0x2b: {  	s6 =	sld [smem:$0x3FA9]  }
0x2c: {  	s7 =	sld [smem:$0x3FAA]  }
0x2d: {  	s3 =	simm.s32 $0x108;
	s8 =	sld [smem:$0x3FAB]  }
0x2e: {  	s3 =	simm.s32 @!p0 $0x1082;
	s9 =	sld [smem:$0x3FAC]  }
0x2f: {  	lr =	sadd.s32 s0, s3;
	s0 =	sld [smem:$0x3FA3]  }
0x30: {  	s3 =	sld [smem:$0x3FA6]  }
0x31: {  	[smem:$0x3FAF] =	sst s10  }
0x32: {  	s10 =	sld [smem:$0x3FAD];
	_ =	sdelay $0x3  }
0x33: {  	p0 =	seq.s32 s10, $0x1;
	s10 =	sld [smem:$0x3FAF];
	_ =	sdelay $0x3  }
0x34: {  	[smem:$0x3FAF] =	sst s10  }
0x35: {  	s10 =	sld [smem:$0x3FAE];
	_ =	sdelay $0x3  }
0x36: {  	p1 =	seq.s32 s10, $0x1;
	s10 =	sld [smem:$0x3FAF];
	_ =	sdelay $0x3  }
0x37: {  	[smem:$0x3FAF] =	sst s10  }
0x38: {  	s10 =	sld [smem:$0x3FB0]  }
0x39: {  	_ = 	snop;
	(pc) =	sbr.ind lr, $3  }
0x3a: {  	_ = 	snop  }
0x3b: {  	_ = 	snop  }
0x3c: {  	p2 =	seq.s32 s10, $0x1;
	s10 =	sld [smem:$0x3FAF]  }
0x3d: {  	_ =	shalt  }
0x3e: {  	_ =	shalt  }
0x3f: {  	_ =	shalt  }
0x40: {  	_ =	shalt  }
0x41: {  	_ =	shalt  }
0x42: {  	_ =	shalt  }
0x43: {  	_ =	shalt  }
0x44: {  	_ =	shalt  }
0x45: {  	_ =	shalt  }
0x46: {  	_ =	shalt  }
0x47: {  	_ =	shalt  }
0x48: {  	_ =	shalt  }
0x49: {  	_ =	shalt  }
0x4a: {  	_ =	shalt  }
0x4b: {  	_ =	shalt  }
0x4c: {  	_ =	shalt  }
0x4d: {  	_ =	shalt  }
0x4e: {  	_ =	shalt  }
0x4f: {  	_ =	shalt  }
0x50: {  	_ =	shalt  }
0x51: {  	_ =	shalt  }
0x52: {  	_ =	shalt  }
0x53: {  	_ =	shalt  }
0x54: {  	_ =	shalt  }
0x55: {  	_ =	shalt  }
0x56: {  	_ =	shalt  }
0x57: {  	_ =	shalt  }
0x58: {  	_ =	shalt  }
0x59: {  	_ =	shalt  }
0x5a: {  	_ =	shalt  }
0x5b: {  	_ =	shalt  }
0x5c: {  	_ =	shalt  }
0x5d: {  	_ =	shalt  }
0x5e: {  	_ =	shalt  }
0x5f: {  	_ =	shalt  }
0x60: {  	_ =	shalt  }
0x61: {  	_ =	shalt  }
0x62: {  	_ =	shalt  }
0x63: {  	_ =	shalt  }
0x64: {  	_ =	shalt  }
0x65: {  	_ =	shalt  }
0x66: {  	_ =	shalt  }
0x67: {  	_ =	shalt  }
0x68: {  	_ =	shalt  }
0x69: {  	_ =	shalt  }
0x6a: {  	_ =	shalt  }
0x6b: {  	_ =	shalt  }
0x6c: {  	_ =	shalt  }
0x6d: {  	_ =	shalt  }
0x6e: {  	_ =	shalt  }
0x6f: {  	_ =	shalt  }
0x70: {  	_ =	shalt  }
0x71: {  	_ =	shalt  }
0x72: {  	_ =	shalt  }
0x73: {  	_ =	shalt  }
0x74: {  	_ =	shalt  }
0x75: {  	_ =	shalt  }
0x76: {  	_ =	shalt  }
0x77: {  	_ =	shalt  }
0x78: {  	_ =	shalt  }
0x79: {  	_ =	shalt  }
0x7a: {  	_ =	shalt  }
0x7b: {  	_ =	shalt  }
0x7c: {  	_ =	shalt  }
0x7d: {  	_ =	shalt  }
0x7e: {  	_ =	shalt  }
0x7f: {  	_ =	shalt  }
0x80: {  	_ =	shalt  }
0x81: {  	_ =	shalt  }
0x82: {  	_ =	shalt  }
0x83: {  	_ =	shalt  }
0x84: {  	_ =	shalt  }
0x85: {  	_ =	shalt  }
0x86: {  	_ =	shalt  }
0x87: {  	_ =	shalt  }
.Lfunc_end0:
.L_simem_size_0:
called_computation_lowered:
.L_overlay_start_0:
0x88: {  	s2 =	sld [smem:$0x3FD9]  }
0x89: {  	s3 =	sld [smem:$0x3FFE];
	_ =	sdelay $0x1  }
0x8a: {  	s1 =	srdreg.scid  }
0x8b: {  	s0 =	sand.u32 $0x1, s1  }
0x8c: {  	s17 =	sshll.u32 s0, $0xA;
	s2 =	sadd.s32 s3, s2  }
0x8d: {  	s2 =	sadd.s32 s2, s17  }
0x8e: {  	[smem:$0x3FBB] =	sst s2  }
0x8f: {  	_ = 	snop  }
0x90: {  	s2 =	sld [smem:$0x3FC7]  }
0x91: {  	s18 =	sld [smem:$0x3FD0];
	(tm) =	ssettm $0x1  }
0x92: {  	s4 =	sld [smem:$0x3FFB];
	_ =	sdelay $0x3  }
0x93: {  	_ =	strace s4  }
0x94: {  	s4 =	sld [smem:$0x3FFC];
	_ =	sdelay $0x3  }
0x95: {  	_ =	strace s4  }
0x96: {  	s4 =	sld [smem:$0x3FFD];
	_ =	sdelay $0x3  }
0x97: {  	_ =	strace s4  }
0x98: {  	_ =	strace $0x8FFFFFFF  }
0x99: {  	s19 =	sld [smem:$0x3FDB];
	_ =	sdelay $0x1  }
0x9a: {  	s5 =	simm.s32 $_scs_section_size  }
0x9b: {  	s6 =	simm.s32 $_size__tile_overlayer_lowered;
	s7 =	simm.s32 $_tile_overlayer_lowered  }
0x9c: {  	s22 =	simm.s32 $0x1BFF;
	s21 =	sshll.u32 s7, $0x1;
	s4 =	sadd.s32 s5, s19  }
0x9d: {  	s8 =	simm.s32 $0x0;
	s20 =	sshll.u32 s6, $0x1;
	s6 =	sadd.s32 s21, s4  }
0x9e: {  	[timem:s8], [sflag:s22] =	dma.local [hbm:s6], s20  }
0x9f: {  	_ =	swait.ge [sflag:s22], s20  }
0xa0: {  	s5 =	ssub.s32 $0x0, s20;
	[sflag:s22] =	ssyncset.done $0x0  }
0xa1: {  	[sflag:s22] =	ssyncadd.s32 s5;
	_ =	sdelay $0x1  }
0xa2: {  	s23 =	simm.s32 $0x1B8B  }
0xa3: {  	_ =	swait.ge [sflag:s23], $0x1  }
0xa4: {  	[sflag:s23] =	ssyncset.done $0x0  }
0xa5: {  	s25 =	simm.s32 $0x1B8E;
	s24 =	sld [smem:$0x3FFE];
	[sflag:s23] =	ssyncadd.s32 $0xFFFFFFFF  }
0xa6: {  	s26 =	simm.s32 $execute0_lowered;
	[smem:$0x3FD2] =	sst s25  }
0xa7: {  	s6 =	sshll.u32 s26, $0x1;
	_ =	strace $0x80000046;
	[dreg:$0x1] =	wrdreg $0xFFFFFFFF  }
0xa8: {  	s28 =	simm.s32 $_size_execute0_lowered;
	s4 =	sadd.s32 s4, s6;
	[dreg:$0x0] =	wrdreg $0x0  }
0xa9: {  	s6 =	sshll.u32 s28, $0x1;
	[dreg:$0x2] =	wrdreg s4  }
0xaa: {  	[dreg:$0x3] =	wrdreg s6  }
0xab: {  	[dreg:$0x4] =	wrdreg $0xC0  }
0xac: {  	_ =	task [dreg:s8], $0x5FFFF  }
0xad: {  	[dreg:$0x1] =	wrdreg $0xFFFFFFFF  }
0xae: {  	[dreg:$0x0] =	wrdreg $0x60  }
0xaf: {  	[dreg:$0x2] =	wrdreg s2  }
0xb0: {  	[dreg:$0x3] =	wrdreg s24  }
0xb1: {  	[dreg:$0x4] =	wrdreg s18  }
0xb2: {  	[dreg:$0x5] =	wrdreg $0xCD000  }
0xb3: {  	[dreg:$0x6] =	wrdreg $0x9  }
0xb4: {  	_ =	task.clear_ibuf [dreg:s8], $0x7FFFF;
	_ =	strace $0x90000046  }
0xb5: {  	s29 =	simm.s32 $0x9;
	_ =	strace $0x80000048  }
0xb6: {  	_ =	swait.ge [sflag:s29], $0x1  }
0xb7: {  	[sflag:s29] =	ssyncadd.s32 $0xFFFFFFFF  }
0xb8: {  	_ =	strace $0x90000048  }
0xb9: {  	_ =	sfence  }
0xba: {  	s30 =	sld [smem:$0x0];
	_ =	sdelay $0x2  }
0xbb: {  	s31 =	sshll.u32 s1, $0xD;
	s1 =	sshrl.u32 s1, $0x2  }
0xbc: {  	s3 =	sand.u32 $0x4000, s31;
	s1 =	sadd.s32 s1, s30  }
0xbd: {  	s0 =	sor.u32 s3, s0;
	s1 =	sshll.u32 s1, $0x11  }
0xbe: {  	s0 =	sor.u32 s1, s0  }
0xbf: {  	s0 =	sadd.s32 $0x8F2B, s0  }
0xc0: {  	[sflag:s0] =	ssyncadd.remote.s32 $0x1  }
0xc1: {  	_ =	sfence.sel $0xFFFF  }
0xc2: {  	[dreg:$0x0] =	wrdreg $0xFFFFFFFF;
	(pc) =	sbr.abs _section_cstart, $3  }
0xc3: {  	[dreg:$0x1] =	wrdreg $0xFFFFFFFF  }
0xc4: {  	_ =	task.clear_ibuf [dreg:s8], $0x2FFFF;
	_ =	strace $0x9FFFFFFF  }
0xc5: {  	(tm) =	ssettm $0x7FFFFFFF  }
tec
execute0_lowered:
.L_overlay_start_1:
0x0: {  	(tag) =	ssettag $0x1  }
0x1: {  	s0 =	rddreg [dreg:$0x0]  }
0x2: {  	s1 =	rddreg [dreg:$0x1]  }
0x3: {  	s12 =	rddreg [dreg:$0x2]  }
0x4: {  	s2 =	srdreg.scid;
	s3 =	rddreg [dreg:$0x3]  }
0x5: {  	s14 =	stileid.u32;
	s4 =	simm.s32 $0x0;
	s15 =	simm.s32 $0x6  }
0x6: {  	s16 =	simm.s32 $0x50;
	s17 =	simm.s32 $0x2A00;
	s18 =	simm.s32 $0x80  }
0x7: {  	s19 =	simm.s32 $0x5200;
	s20 =	simm.s32 $0x100;
	s21 =	simm.s32 $0x7A00  }
0x8: {  	s23 =	simm.s32 $0xA200;
	s28 =	simm.s32 $0x2;
	s29 =	simm.s32 $0x3  }
0x9: {  	s30 =	simm.s32 $0x4;
	s31 =	simm.s32 $0x5;
	s9 =	smul.u32 $0xA00, s14  }
0xa: {  	s2 =	sand.u32 $0x1, s2;
	[smem:$0x7FF] =	sst s4;
	s26 =	smul.u32 $0x500, s14  }
0xb: {  	s5 =	sshll.u32 s2, $0x4;
	_ =	strace $0x80000047;
	s8 =	ssub.s32 $0x2, s2  }
0xc: {  	s2 =	sshll.u32 s2, $0x7;
	s5 =	sor.u32 s14, s5;
	s10 =	sshrl.u32 s8, $0x1  }
0xd: {  	s24 =	sshrl.u32 s9, $0x2;
	s2 =	sor.u32 s2, s26;
	s7 =	smul.u32 $0x500, s5  }
0xe: {  	s14 =	simm.s32 $0xCA80;
	s26 =	simm.s32 $0x1;
	s11 =	smul.u32 $0x1400, s5  }
0xf: {  	s6 =	sshll.u32 s5, $0x6;
	s13 =	ssub.s32 s8, s10;
	s25 =	smul.u32 $0xA000, s5  }
0x10: {  	s5 =	sadd.s32 s24, s3;
	s2 =	sshrl.u32 s2, $0x3;
	s24 =	simm.s32 $0x200  }
0x11: {  	s6 =	sadd.s32 s6, s1;
	s12 =	sadd.s32 s12, s2;
	s13 =	smax.u32 s13, $0x1  }
0x12: {  	s7 =	sadd.s32 s7, s1;
	s1 =	sadd.s32 $0xCE00, s1;
	s9 =	sshrl.u32 s25, $0x3  }
0x13: {  	s6 =	sadd.s32 $0x2600, s6;
	s8 =	sadd.s32 s1, s11;
	s1 =	sadd.s32 s1, s9  }
0x14: {  	s25 =	simm.s32 $0xCA00;
	s7 =	sadd.s32 $0x2E00, s7;
	s9 =	sadd.s32 $0x500, s1  }
0x15: {  	v0 =	vimm.f32 $0.0e+00;
	v1 =	vimm.f32 $1.000000000e+00;
	s10 =	sadd.s32 $0xA00, s1;
	s11 =	sadd.s32 $0xF00, s1;
	s1 =	simm.s32 $0x0  }
.LBB2_1:
0x16: {  	[tilespmem:$0xCA80] =	vst v0  }
0x17: {  	[tilespmem:$0xCA90] =	vst v0  }
0x18: {  	[tilespmem:$0xCAA0] =	vst v0  }
0x19: {  	[tilespmem:$0xCAB0] =	vst v0  }
0x1a: {  	[tilespmem:$0xCAC0] =	vst v0  }
0x1b: {  	[tilespmem:$0xCAD0] =	vst v0  }
0x1c: {  	[tilespmem:$0xCAE0] =	vst v0  }
0x1d: {  	[tilespmem:$0xCAF0] =	vst v0  }
0x1e: {  	[tilespmem:$0xCB00] =	vst v0  }
0x1f: {  	[tilespmem:$0xCB10] =	vst v0  }
0x20: {  	[tilespmem:$0xCB20] =	vst v0  }
0x21: {  	[tilespmem:$0xCB30] =	vst v0  }
0x22: {  	[tilespmem:$0xCB40] =	vst v0  }
0x23: {  	[tilespmem:$0xCB50] =	vst v0  }
0x24: {  	[tilespmem:$0xCB60] =	vst v0  }
0x25: {  	[tilespmem:$0xCB70] =	vst v0  }
0x26: {  	[tilespmem:$0xCB80] =	vst v0  }
0x27: {  	[tilespmem:$0xCB90] =	vst v0  }
0x28: {  	[tilespmem:$0xCBA0] =	vst v0  }
0x29: {  	[tilespmem:$0xCBB0] =	vst v0  }
0x2a: {  	[tilespmem:$0xCBC0] =	vst v0  }
0x2b: {  	[tilespmem:$0xCBD0] =	vst v0  }
0x2c: {  	[tilespmem:$0xCBE0] =	vst v0  }
0x2d: {  	[tilespmem:$0xCBF0] =	vst v0  }
0x2e: {  	[tilespmem:$0xCC00] =	vst v0  }
0x2f: {  	[tilespmem:$0xCC10] =	vst v0  }
0x30: {  	[tilespmem:$0xCC20] =	vst v0  }
0x31: {  	[tilespmem:$0xCC30] =	vst v0  }
0x32: {  	[tilespmem:$0xCC40] =	vst v0  }
0x33: {  	[tilespmem:$0xCC50] =	vst v0  }
0x34: {  	[tilespmem:$0xCC60] =	vst v0  }
0x35: {  	[tilespmem:$0xCC70] =	vst v0  }
0x36: {  	[tilespmem:$0xCC80] =	vst v0  }
0x37: {  	[tilespmem:$0xCC90] =	vst v0  }
0x38: {  	[tilespmem:$0xCCA0] =	vst v0  }
0x39: {  	[tilespmem:$0xCCB0] =	vst v0  }
0x3a: {  	[tilespmem:$0xCCC0] =	vst v0  }
0x3b: {  	[tilespmem:$0xCCD0] =	vst v0  }
0x3c: {  	[tilespmem:$0xCCE0] =	vst v0  }
0x3d: {  	[tilespmem:$0xCCF0] =	vst v0  }
0x3e: {  	[spmem:s5] =	stream.linear.scatter [tilespmem:s14], [sflag:$0x6], $0x280, $0x38;
	[tilespmem:$0xCF80] =	vst v63  }
0x3f: {  	_ =	swait.ge [sflag:s15], $0x280  }
0x40: {  	[sflag:s15] =	ssyncset.done $0x0  }
0x41: {  	[sflag:s15] =	ssyncadd.s32 $0xFFFFFD80  }
0x42: {  	[tilespmem:$0xCA00] =	vst v1  }
0x43: {  	[tilespmem:$0xCA10] =	vst v1  }
0x44: {  	[tilespmem:$0xCA20] =	vst v1  }
0x45: {  	[tilespmem:$0xCA30] =	vst v1  }
0x46: {  	[tilespmem:$0xCA40] =	vst v1  }
0x47: {  	[tilespmem:$0xCA50] =	vst v1  }
0x48: {  	[tilespmem:$0xCA60] =	vst v1  }
0x49: {  	[tilespmem:$0xCA70] =	vst v1  }
0x4a: {  	[bflag:$0x0] =	sbarrier.arrive $0xFFFF  }
0x4b: {  	[tilespmem:s4], [sflag:$0x6] =	stream.linear.gather [hbm4b:s6+s4], $0x200, $0x38;
	[tilespmem:$0xCF80] =	vst v63  }
0x4c: {  	_ =	swait.ge [sflag:s15], $0x200  }
0x4d: {  	[sflag:s15] =	ssyncset.done $0x0  }
0x4e: {  	[sflag:s15] =	ssyncadd.s32 $0xFFFFFE00  }
0x4f: {  	[tilespmem:s17], [sflag:$0x1] =	stream.indirect.gather [hbm4b:s0+s16], $0x80, s4, s16, $0xb8;
	[tilespmem:$0xCF80] =	vst v63  }
0x50: {  	_ = 	snop  }
0x51: {  	[tilespmem:s19], [sflag:$0x2] =	stream.indirect.gather [hbm4b:s0+s16], $0x80, s18, s16, $0xb8;
	[tilespmem:$0xCF80] =	vst v63  }
0x52: {  	_ = 	snop  }
0x53: {  	[tilespmem:s21], [sflag:$0x3] =	stream.indirect.gather [hbm4b:s0+s16], $0x80, s20, s16, $0xb8;
	[tilespmem:$0xCF80] =	vst v63  }
0x54: {  	s2 =	simm.s32 $0x180  }
0x55: {  	[tilespmem:s23], [sflag:$0x4] =	stream.indirect.gather [hbm4b:s0+s16], $0x80, s2, s16, $0xb8;
	[tilespmem:$0xCF80] =	vst v63  }
0x56: {  	_ = 	snop  }
0x57: {  	[tilespmem:s24], [sflag:$0x6] =	stream.linear.gather [hbm4b:s7+s4], $0x2800, $0x38;
	[tilespmem:$0xCF80] =	vst v63  }
0x58: {  	_ =	swait.ge [sflag:s15], $0x2800  }
0x59: {  	[sflag:s15] =	ssyncset.done $0x0  }
0x5a: {  	s22 =	simm.s32 $0x200;
	s2 =	simm.s32 $0x200;
	[sflag:s15] =	ssyncadd.s32 $0xFFFFD800  }
.LBB2_2:
0x5b: {  	[spmem:s3] =	stream.indirect.scatter.add.f32 [tilespmem:s25], [sflag:$0x5], $0x1, s22, s18, $0xb8;
	[tilespmem:$0xCF80] =	vst v63  }
0x5c: {  	s22 =	smov.u32 s2;
	p0 =	sne.s32 s2, $0x9E00  }
.Ltmp0:
0x5d: {  	s2 =	sadd.s32 $0x200, s2;
	(pc) =	sbr.rel @p0 .LBB2_2-.Ltmp0, $3  }
0x5e: {  	_ =	sdelay $0x1  }
0x5f: {  	s22 =	sshra.s32 s22, $0x2  }
0x60: {  	s22 =	sadd.s32 $0x200, s22  }
0x61: {  	[spmem:s3] =	stream.indirect.scatter.add.f32 [tilespmem:s25], [sflag:$0x5], $0x1, s22, s18, $0xb8;
	[tilespmem:$0xCF80] =	vst v63  }
0x62: {  	_ =	swait.ge [sflag:s26], $0x2800  }
0x63: {  	[sflag:s26] =	ssyncset.done $0x0  }
0x64: {  	[sflag:s26] =	ssyncadd.s32 $0xFFFFD800  }
0x65: {  	[hbm4b:s8+s4] =	stream.linear.scatter [tilespmem:s17], [sflag:$0x6], $0x2800, $0x38;
	[tilespmem:$0xCF80] =	vst v63  }
0x66: {  	_ =	swait.ge [sflag:s15], $0x2800  }
0x67: {  	[sflag:s15] =	ssyncset.done $0x0  }
0x68: {  	[sflag:s15] =	ssyncadd.s32 $0xFFFFD800  }
0x69: {  	_ =	swait.ge [sflag:s28], $0x2800  }
0x6a: {  	[sflag:s28] =	ssyncset.done $0x0  }
0x6b: {  	[sflag:s28] =	ssyncadd.s32 $0xFFFFD800  }
0x6c: {  	[hbm4b:s9+s4] =	stream.linear.scatter [tilespmem:s19], [sflag:$0x6], $0x2800, $0x38;
	[tilespmem:$0xCF80] =	vst v63  }
0x6d: {  	_ =	swait.ge [sflag:s15], $0x2800  }
0x6e: {  	[sflag:s15] =	ssyncset.done $0x0  }
0x6f: {  	[sflag:s15] =	ssyncadd.s32 $0xFFFFD800  }
0x70: {  	_ =	swait.ge [sflag:s29], $0x2800  }
0x71: {  	[sflag:s29] =	ssyncset.done $0x0  }
0x72: {  	[sflag:s29] =	ssyncadd.s32 $0xFFFFD800  }
0x73: {  	[hbm4b:s10+s4] =	stream.linear.scatter [tilespmem:s21], [sflag:$0x6], $0x2800, $0x38;
	[tilespmem:$0xCF80] =	vst v63  }
0x74: {  	_ =	swait.ge [sflag:s15], $0x2800  }
0x75: {  	[sflag:s15] =	ssyncset.done $0x0  }
0x76: {  	[sflag:s15] =	ssyncadd.s32 $0xFFFFD800  }
0x77: {  	_ =	swait.ge [sflag:s30], $0x2800  }
0x78: {  	[sflag:s30] =	ssyncset.done $0x0  }
0x79: {  	[sflag:s30] =	ssyncadd.s32 $0xFFFFD800  }
0x7a: {  	[hbm4b:s11+s4] =	stream.linear.scatter [tilespmem:s23], [sflag:$0x6], $0x2800, $0x38;
	[tilespmem:$0xCF80] =	vst v63  }
0x7b: {  	_ =	swait.ge [sflag:s15], $0x2800  }
0x7c: {  	[sflag:s15] =	ssyncset.done $0x0  }
0x7d: {  	[sflag:s15] =	ssyncadd.s32 $0xFFFFD800  }
0x7e: {  	_ =	swait.ge [sflag:s31], $0x80  }
0x7f: {  	s2 =	simm.s32 $0x4F;
	[sflag:s31] =	ssyncset.done $0x0  }
.LBB2_4:
0x80: {  	p0 =	sne.s32 s2, $0x1;
	s2 =	sadd.s32 $0xFFFFFFFF, s2;
	[sflag:s31] =	ssyncadd.s32 $0xFFFFFF80  }
.Ltmp1:
0x81: {  	(pc) =	sbr.rel @p0 .LBB2_4-.Ltmp1, $3  }
0x82: {  	_ =	sdelay $0x1  }
0x83: {  	_ =	swait.ge [sflag:s31], $0x80  }
0x84: {  	[sflag:s31] =	ssyncset.done $0x0  }
0x85: {  	[sflag:s31] =	ssyncadd.s32 $0xFFFFFF80  }
0x86: {  	[bflag:$0x0] =	sbarrier.arrive $0xFFFF  }
0x87: {  	[tilespmem:s14], [sflag:$0x6] =	stream.linear.gather [spmem:s5], $0x280, $0x38;
	[tilespmem:$0xCF80] =	vst v63  }
0x88: {  	s1 =	sadd.s32 $0x1, s1;
	_ =	swait.ge [sflag:s15], $0x280  }
0x89: {  	p0 =	sne.s32 s1, s13;
	[sflag:s15] =	ssyncset.done $0x0  }
.Ltmp2:
0x8a: {  	[sflag:s15] =	ssyncadd.s32 $0xFFFFFD80;
	(pc) =	sbr.rel @p0 .LBB2_1-.Ltmp2, $4  }
0x8b: {  	[hbm4b:s12+s18] =	stream.strided.scatter [tilespmem:s14], [sflag:$0x6], $0x280, s20, s18, $0x38;
	[tilespmem:$0xCF80] =	vst v63  }
0x8c: {  	_ =	swait.ge [sflag:s15], $0x280  }
0x8d: {  	[sflag:s15] =	ssyncset.done $0x0  }
0x8e: {  	[sflag:s15] =	ssyncadd.s32 $0xFFFFFD80  }
0x8f: {  	_ =	sfence.sel $0x180000  }
0x90: {  	[bflag:$0x0] =	sbarrier.arrive $0xFFFF  }
0x91: {  	_ =	strace $0x90000047  }
0x92: {  	s0 =	stileid.u32;
	[bflag:$0x2] =	sbarrier.arrive $0xFFFF  }
0x93: {  	p0 =	sne.s32 s0, $0x0;
	s0 =	rddreg [dreg:$0x4]  }
0x94: {  	s0 =	sadd.s32 @!p0 $0x100000, s0  }
0x95: {  	[sflag:s0] =	ssyncadd.tile.s32 @!p0 $0x1;
	_ =	shalt  }
.Lfunc_end2:
_tile_overlayer_lowered:
.L_overlay_start_2:
0x96: {  	(tag) =	ssettag $0x2  }
0x97: {  	s0 =	rddreg [dreg:$0x0];
	s2 =	stileid.u32  }
0x98: {  	s1 =	rddreg [dreg:$0x1];
	p0 =	sne.s32 s2, $0x0  }
0x99: {  	s3 =	rddreg [dreg:$0x2];
	[bflag:$0x3] =	sbarrier.arrive $0xFFFF;
	s2 =	simm.s32 @!p0 $0x1C06  }
0x9a: {  	[timem:s3], [sflag:s2] =	dma.local @!p0 [hbm:s0], s1  }
0x9b: {  	s0 =	simm.s32 @!p0 $0x6  }
0x9c: {  	_ =	swait.ge @!p0 [sflag:s0], s1  }
0x9d: {  	s1 =	ssub.s32 @!p0 $0x0, s1;
	[sflag:s0] =	ssyncset.done @!p0 $0x0  }
0x9e: {  	[sflag:s0] =	ssyncadd.s32 @!p0 s1  }
0x9f: {  	[bflag:$0x3] =	sbarrier.arrive $0xFFFF  }
0xa0: {  	_ =	shalt  }

// kernel: kernel.9.cloned.1.call-start
scs
__scs_entry_jumppad:
0x0: {  	(pc) =	sbr.rel $0x88, $3  }
0x1: {  	(tag) =	ssettag $0x0;
	lr =	simm.s32 $0x1  }
0x2: {  	[smem:$0x3F94] =	sst lr;
	_ =	strace $0xD0000000  }
0x3: {  	_ = 	snop  }
0x4: {  	_ = 	snop  }
0x5: {  	_ = 	snop  }
0x6: {  	_ = 	snop  }
0x7: {  	_ = 	snop  }
__scs_overlays_trampoline_lowered:
0x8: {  	[smem:$0x3FA3] =	sst s0  }
0x9: {  	[smem:$0x3FA4] =	sst s1  }
0xa: {  	[smem:$0x3FA5] =	sst s2  }
0xb: {  	[smem:$0x3FA6] =	sst s3  }
0xc: {  	[smem:$0x3FA7] =	sst s4  }
0xd: {  	[smem:$0x3FA8] =	sst s5  }
0xe: {  	[smem:$0x3FA9] =	sst s6  }
0xf: {  	[smem:$0x3FAA] =	sst s7  }
0x10: {  	[smem:$0x3FAB] =	sst s8  }
0x11: {  	[smem:$0x3FAC] =	sst s9;
	s0 =	simm.s32 @!p0 $0x0  }
0x12: {  	s1 =	sld [smem:$0x3F92];
	s0 =	simm.s32 @p0 $0x1  }
0x13: {  	[smem:$0x3FAD] =	sst s0;
	s0 =	simm.s32 @!p1 $0x0  }
0x14: {  	s2 =	sld [smem:$0x3F91];
	s0 =	simm.s32 @p1 $0x1  }
0x15: {  	[smem:$0x3FAE] =	sst s0;
	s0 =	simm.s32 @!p2 $0x0  }
0x16: {  	s3 =	sld [smem:$0x3FDB];
	s0 =	simm.s32 @p2 $0x1  }
0x17: {  	s4 =	simm.s32 $0x1BF5;
	[smem:$0x3FB0] =	sst s0  }
0x18: {  	s0 =	sld [smem:$0x3F93];
	_ =	swait.ge [sflag:s4], $0x0  }
0x19: {  	s7 =	sld [smem:$0x3F94]  }
0x1a: {  	s8 =	sadd.s32 $0xFFFFE003, lr  }
0x1b: {  	s9 =	sadd.s32 $0xFFFFFEF7, lr;
	s5 =	simm.s32 $0xFFFFFFFF;
	p2 =	slt.u32 s8, $0xFFFFF086  }
0x1c: {  	p1 =	slt.u32 s9, $0xF7A;
	s5 =	simm.s32 @!p2 $0x0  }
0x1d: {  	s5 =	simm.s32 @p1 $0x1;
	p0 =	seq.s32 s7, s2  }
0x1e: {  	s7 =	smul.u32 @!p0 $0xF7A, s2;
	p2 =	seq.s32 @!p0 s5, $0x0  }
0x1f: {  	s9 =	smul.u32 $0xF7A, s1;
	s8 =	simm.s32 @!p0 $0x1BF5;
	p2 =	por !p2, p0  }
0x20: {  	[sflag:s8] =	ssyncset.s32 @!p0 $0xFFFFF086;
	s6 =	sadd.s32 @!p0 s3, s7;
	s7 =	simm.s32 @!p0 $0x108  }
0x21: {  	s3 =	sadd.s32 s3, s9;
	s6 =	sadd.s32 @!p0 $0x88, s6;
	s7 =	simm.s32 @p2 $0x1082  }
0x22: {  	[simem:s7], [sflag:s8] =	dma.local @!p0 [hbm:s6], $0xF7A  }
0x23: {  	s9 =	sor.u32 $0xD0000000, s2;
	s6 =	simm.s32 $0x108;
	_ =	swait.ge @!p0 [sflag:s8], $0x0  }
0x24: {  	s3 =	sadd.s32 $0x88, s3;
	s6 =	simm.s32 @!p1 $0x1082;
	[sflag:s4] =	ssyncset.s32 $0xFFFFF086  }
0x25: {  	[simem:s6], [sflag:s4] =	dma.local [hbm:s3], $0xF7A  }
0x26: {  	[smem:$0x3F94] =	sst s1;
	(tag) =	ssettag s2;
	_ =	strace s9  }
0x27: {  	s1 =	sld [smem:$0x3FA4]  }
0x28: {  	s2 =	sld [smem:$0x3FA5]  }
0x29: {  	s4 =	sld [smem:$0x3FA7]  }
0x2a: {  	p0 =	seq.s32 s5, $0x0;
	s5 =	sld [smem:$0x3FA8]  }
0x2b: {  	s6 =	sld [smem:$0x3FA9]  }
0x2c: {  	s7 =	sld [smem:$0x3FAA]  }
0x2d: {  	s3 =	simm.s32 $0x108;
	s8 =	sld [smem:$0x3FAB]  }
0x2e: {  	s3 =	simm.s32 @!p0 $0x1082;
	s9 =	sld [smem:$0x3FAC]  }
0x2f: {  	lr =	sadd.s32 s0, s3;
	s0 =	sld [smem:$0x3FA3]  }
0x30: {  	s3 =	sld [smem:$0x3FA6]  }
0x31: {  	[smem:$0x3FAF] =	sst s10  }
0x32: {  	s10 =	sld [smem:$0x3FAD];
	_ =	sdelay $0x3  }
0x33: {  	p0 =	seq.s32 s10, $0x1;
	s10 =	sld [smem:$0x3FAF];
	_ =	sdelay $0x3  }
0x34: {  	[smem:$0x3FAF] =	sst s10  }
0x35: {  	s10 =	sld [smem:$0x3FAE];
	_ =	sdelay $0x3  }
0x36: {  	p1 =	seq.s32 s10, $0x1;
	s10 =	sld [smem:$0x3FAF];
	_ =	sdelay $0x3  }
0x37: {  	[smem:$0x3FAF] =	sst s10  }
0x38: {  	s10 =	sld [smem:$0x3FB0]  }
0x39: {  	_ = 	snop;
	(pc) =	sbr.ind lr, $3  }
0x3a: {  	_ = 	snop  }
0x3b: {  	_ = 	snop  }
0x3c: {  	p2 =	seq.s32 s10, $0x1;
	s10 =	sld [smem:$0x3FAF]  }
0x3d: {  	_ =	shalt  }
0x3e: {  	_ =	shalt  }
0x3f: {  	_ =	shalt  }
0x40: {  	_ =	shalt  }
0x41: {  	_ =	shalt  }
0x42: {  	_ =	shalt  }
0x43: {  	_ =	shalt  }
0x44: {  	_ =	shalt  }
0x45: {  	_ =	shalt  }
0x46: {  	_ =	shalt  }
0x47: {  	_ =	shalt  }
0x48: {  	_ =	shalt  }
0x49: {  	_ =	shalt  }
0x4a: {  	_ =	shalt  }
0x4b: {  	_ =	shalt  }
0x4c: {  	_ =	shalt  }
0x4d: {  	_ =	shalt  }
0x4e: {  	_ =	shalt  }
0x4f: {  	_ =	shalt  }
0x50: {  	_ =	shalt  }
0x51: {  	_ =	shalt  }
0x52: {  	_ =	shalt  }
0x53: {  	_ =	shalt  }
0x54: {  	_ =	shalt  }
0x55: {  	_ =	shalt  }
0x56: {  	_ =	shalt  }
0x57: {  	_ =	shalt  }
0x58: {  	_ =	shalt  }
0x59: {  	_ =	shalt  }
0x5a: {  	_ =	shalt  }
0x5b: {  	_ =	shalt  }
0x5c: {  	_ =	shalt  }
0x5d: {  	_ =	shalt  }
0x5e: {  	_ =	shalt  }
0x5f: {  	_ =	shalt  }
0x60: {  	_ =	shalt  }
0x61: {  	_ =	shalt  }
0x62: {  	_ =	shalt  }
0x63: {  	_ =	shalt  }
0x64: {  	_ =	shalt  }
0x65: {  	_ =	shalt  }
0x66: {  	_ =	shalt  }
0x67: {  	_ =	shalt  }
0x68: {  	_ =	shalt  }
0x69: {  	_ =	shalt  }
0x6a: {  	_ =	shalt  }
0x6b: {  	_ =	shalt  }
0x6c: {  	_ =	shalt  }
0x6d: {  	_ =	shalt  }
0x6e: {  	_ =	shalt  }
0x6f: {  	_ =	shalt  }
0x70: {  	_ =	shalt  }
0x71: {  	_ =	shalt  }
0x72: {  	_ =	shalt  }
0x73: {  	_ =	shalt  }
0x74: {  	_ =	shalt  }
0x75: {  	_ =	shalt  }
0x76: {  	_ =	shalt  }
0x77: {  	_ =	shalt  }
0x78: {  	_ =	shalt  }
0x79: {  	_ =	shalt  }
0x7a: {  	_ =	shalt  }
0x7b: {  	_ =	shalt  }
0x7c: {  	_ =	shalt  }
0x7d: {  	_ =	shalt  }
0x7e: {  	_ =	shalt  }
0x7f: {  	_ =	shalt  }
0x80: {  	_ =	shalt  }
0x81: {  	_ =	shalt  }
0x82: {  	_ =	shalt  }
0x83: {  	_ =	shalt  }
0x84: {  	_ =	shalt  }
0x85: {  	_ =	shalt  }
0x86: {  	_ =	shalt  }
0x87: {  	_ =	shalt  }
.Lfunc_end0:
.L_simem_size_0:
called_computation.1_lowered:
.L_overlay_start_0:
0x88: {  	s2 =	sld [smem:$0x3FD9]  }
0x89: {  	s3 =	sld [smem:$0x3FFE];
	_ =	sdelay $0x1  }
0x8a: {  	s1 =	srdreg.scid  }
0x8b: {  	s0 =	sand.u32 $0x1, s1  }
0x8c: {  	s17 =	sshll.u32 s0, $0xA;
	s2 =	sadd.s32 s3, s2  }
0x8d: {  	s2 =	sadd.s32 s2, s17  }
0x8e: {  	[smem:$0x3FBB] =	sst s2  }
0x8f: {  	_ = 	snop  }
0x90: {  	s2 =	sld [smem:$0x3FD0];
	(tm) =	ssettm $0x1  }
0x91: {  	s18 =	sld [smem:$0x3FFB];
	_ =	sdelay $0x3  }
0x92: {  	_ =	strace s18  }
0x93: {  	s3 =	sld [smem:$0x3FFC];
	_ =	sdelay $0x3  }
0x94: {  	_ =	strace s3  }
0x95: {  	s3 =	sld [smem:$0x3FFD];
	_ =	sdelay $0x3  }
0x96: {  	_ =	strace s3  }
0x97: {  	_ =	strace $0x8FFFFFFF  }
0x98: {  	s19 =	sld [smem:$0x3FDB];
	_ =	sdelay $0x1  }
0x99: {  	s4 =	simm.s32 $_scs_section_size  }
0x9a: {  	s5 =	simm.s32 $_size__tile_overlayer_lowered;
	s6 =	simm.s32 $_tile_overlayer_lowered  }
0x9b: {  	s22 =	simm.s32 $0x1BFF;
	s21 =	sshll.u32 s6, $0x1;
	s3 =	sadd.s32 s4, s19  }
0x9c: {  	s7 =	simm.s32 $0x0;
	s20 =	sshll.u32 s5, $0x1;
	s5 =	sadd.s32 s21, s3  }
0x9d: {  	[timem:s7], [sflag:s22] =	dma.local [hbm:s5], s20  }
0x9e: {  	_ =	swait.ge [sflag:s22], s20  }
0x9f: {  	s4 =	ssub.s32 $0x0, s20;
	[sflag:s22] =	ssyncset.done $0x0  }
0xa0: {  	[sflag:s22] =	ssyncadd.s32 s4;
	_ =	sdelay $0x1  }
0xa1: {  	s23 =	simm.s32 $0x1B8B  }
0xa2: {  	_ =	swait.ge [sflag:s23], $0x1  }
0xa3: {  	[sflag:s23] =	ssyncset.done $0x0  }
0xa4: {  	s25 =	simm.s32 $0x1B8E;
	s24 =	sld [smem:$0x3FFE];
	[sflag:s23] =	ssyncadd.s32 $0xFFFFFFFF  }
0xa5: {  	s26 =	simm.s32 $execute0_lowered;
	[smem:$0x3FD2] =	sst s25  }
0xa6: {  	s5 =	sshll.u32 s26, $0x1;
	_ =	strace $0x80000049;
	[dreg:$0x1] =	wrdreg $0xFFFFFFFF  }
0xa7: {  	s28 =	simm.s32 $_size_execute0_lowered;
	s3 =	sadd.s32 s3, s5;
	[dreg:$0x0] =	wrdreg $0x0  }
0xa8: {  	s5 =	sshll.u32 s28, $0x1;
	[dreg:$0x2] =	wrdreg s3  }
0xa9: {  	[dreg:$0x3] =	wrdreg s5  }
0xaa: {  	[dreg:$0x4] =	wrdreg $0xC0  }
0xab: {  	_ =	task [dreg:s7], $0x5FFFF  }
0xac: {  	[dreg:$0x1] =	wrdreg $0xFFFFFFFF  }
0xad: {  	[dreg:$0x0] =	wrdreg $0x60  }
0xae: {  	[dreg:$0x2] =	wrdreg s24  }
0xaf: {  	[dreg:$0x3] =	wrdreg s2  }
0xb0: {  	[dreg:$0x4] =	wrdreg $0xF2900  }
0xb1: {  	[dreg:$0x5] =	wrdreg $0x142900  }
0xb2: {  	[dreg:$0x6] =	wrdreg $0x192900  }
0xb3: {  	[dreg:$0x7] =	wrdreg $0x9  }
0xb4: {  	_ =	task.clear_ibuf [dreg:s7], $0x8FFFF;
	_ =	strace $0x90000049  }
0xb5: {  	s29 =	simm.s32 $0x9;
	_ =	strace $0x8000004B  }
0xb6: {  	_ =	swait.ge [sflag:s29], $0x1  }
0xb7: {  	[sflag:s29] =	ssyncadd.s32 $0xFFFFFFFF  }
0xb8: {  	_ =	strace $0x9000004B  }
0xb9: {  	_ =	sfence  }
0xba: {  	s30 =	sld [smem:$0x0];
	_ =	sdelay $0x2  }
0xbb: {  	s31 =	sshll.u32 s1, $0xD;
	s1 =	sshrl.u32 s1, $0x2  }
0xbc: {  	s3 =	sand.u32 $0x4000, s31;
	s1 =	sadd.s32 s1, s30  }
0xbd: {  	s0 =	sor.u32 s3, s0;
	s1 =	sshll.u32 s1, $0x11  }
0xbe: {  	s0 =	sor.u32 s1, s0  }
0xbf: {  	s0 =	sadd.s32 $0x8F2B, s0  }
0xc0: {  	[sflag:s0] =	ssyncadd.remote.s32 $0x1  }
0xc1: {  	_ =	sfence.sel $0xFFFF  }
0xc2: {  	[dreg:$0x0] =	wrdreg $0xFFFFFFFF;
	(pc) =	sbr.abs _section_cstart, $3  }
0xc3: {  	[dreg:$0x1] =	wrdreg $0xFFFFFFFF  }
0xc4: {  	_ =	task.clear_ibuf [dreg:s7], $0x2FFFF;
	_ =	strace $0x9FFFFFFF  }
0xc5: {  	(tm) =	ssettm $0x7FFFFFFF  }
tec
execute0_lowered:
.L_overlay_start_1:
0x0: {  	(tag) =	ssettag $0x1  }
0x1: {  	s0 =	rddreg [dreg:$0x0]  }
0x2: {  	s5 =	rddreg [dreg:$0x1]  }
0x3: {  	s2 =	rddreg [dreg:$0x2];
	s13 =	stileid.u32  }
0x4: {  	s3 =	rddreg [dreg:$0x3];
	s6 =	smul.u32 $0xA00, s13  }
0x5: {  	s1 =	srdreg.scid;
	s9 =	smul.u32 $0x280, s13  }
0x6: {  	s4 =	rddreg [dreg:$0x4];
	s7 =	sand.u32 $0x1, s1;
	s13 =	smul.u32 $0x5000, s13  }
0x7: {  	s8 =	sadd.s32 $0xCE00, s0;
	s1 =	ssub.s32 $0x2, s7;
	s11 =	smul.u32 $0x5000, s7  }
0x8: {  	s25 =	sshllo.u32 s7, $0x1;
	s7 =	smul.u32 $0xA0000, s7;
	s6 =	sadd.s32 s6, s0  }
0x9: {  	s10 =	sshrl.u32 s1, $0x1;
	s0 =	sadd.s32 $0x3EE00, s0;
	s12 =	sshrl.u32 s9, $0x3  }
0xa: {  	s30 =	smul.u32 $0x2800, s25;
	s14 =	sadd.s32 $0x3000, s13;
	s29 =	sadd.s32 s13, s4  }
0xb: {  	s1 =	ssub.s32 s1, s10;
	s11 =	sadd.s32 s9, s11;
	s5 =	sadd.s32 s5, s12  }
0xc: {  	s12 =	sadd.s32 $0x2000, s13;
	s15 =	sadd.s32 s13, s7;
	s19 =	sadd.s32 s7, s14  }
0xd: {  	s10 =	smul.u32 $0x50000, s25;
	s31 =	sadd.s32 s14, s3;
	[dreg:$0x6] =	wrdreg s5  }
0xe: {  	s26 =	sshll.u32 s11, $0x2;
	s9 =	sadd.s32 s9, s30;
	s11 =	sadd.s32 $0x4000, s13  }
0xf: {  	s17 =	sadd.s32 s7, s12;
	s28 =	sadd.s32 s12, s3;
	s5 =	sadd.s32 s8, s26  }
0x10: {  	s9 =	sshll.u32 s9, $0x2;
	s18 =	sshrl.u32 s17, $0x3;
	s21 =	sadd.s32 s13, s10  }
0x11: {  	s23 =	sadd.s32 s12, s10;
	s26 =	sadd.s32 s14, s10;
	s30 =	sadd.s32 s11, s10  }
0x12: {  	s17 =	sadd.s32 s12, s4;
	[dreg:$0x7] =	wrdreg s5;
	s5 =	sadd.s32 $0x1000, s13  }
0x13: {  	s8 =	sadd.s32 s8, s9;
	s9 =	sshrl.u32 s15, $0x3;
	s25 =	sshrl.u32 s23, $0x3  }
0x14: {  	s23 =	sadd.s32 s13, s2;
	[dreg:$0x8] =	wrdreg s8;
	s15 =	sadd.s32 s7, s5  }
0x15: {  	s8 =	sadd.s32 s0, s9;
	s9 =	sshrl.u32 s19, $0x3;
	s7 =	sadd.s32 s7, s11  }
0x16: {  	[dreg:$0x9] =	wrdreg s8;
	s16 =	sshrl.u32 s15, $0x3;
	s20 =	sadd.s32 s0, s9  }
0x17: {  	s7 =	sshrl.u32 s7, $0x3;
	s8 =	sadd.s32 s0, s16;
	[dreg:$0xc] =	wrdreg s20  }
0x18: {  	s22 =	sadd.s32 s5, s10;
	s7 =	sadd.s32 s0, s7;
	[dreg:$0xa] =	wrdreg s8  }
0x19: {  	s10 =	sadd.s32 $0x2E00, s6;
	s16 =	simm.s32 $0x0;
	[dreg:$0xd] =	wrdreg s7  }
0x1a: {  	s8 =	sadd.s32 s0, s18;
	s7 =	sshrl.u32 s21, $0x3;
	[smem:$0x7FF] =	sst s16  }
0x1b: {  	s19 =	sadd.s32 s14, s2;
	[dreg:$0xb] =	wrdreg s8;
	s7 =	sadd.s32 s0, s7  }
0x1c: {  	s8 =	sshrl.u32 s22, $0x3;
	[dreg:$0xe] =	wrdreg s7;
	s7 =	sadd.s32 s0, s25  }
0x1d: {  	s24 =	sadd.s32 s0, s8;
	[dreg:$0x10] =	wrdreg s7;
	s7 =	sshrl.u32 s26, $0x3  }
0x1e: {  	s8 =	sshrl.u32 s30, $0x3;
	[dreg:$0xf] =	wrdreg s24;
	s7 =	sadd.s32 s0, s7  }
0x1f: {  	s9 =	sadd.s32 $0x34E00, s6;
	s0 =	sadd.s32 s0, s8;
	[dreg:$0x11] =	wrdreg s7  }
0x20: {  	s15 =	sadd.s32 s5, s4;
	s6 =	simm.s32 $0x5000;
	[dreg:$0x12] =	wrdreg s0  }
0x21: {  	s20 =	sadd.s32 s11, s4;
	_ =	strace $0x8000004A;
	[dreg:$0x13] =	wrdreg s9  }
0x22: {  	s18 =	sadd.s32 s14, s4;
	s21 =	sadd.s32 s11, s2;
	[dreg:$0x14] =	wrdreg s10  }
0x23: {  	s14 =	simm.s32 $0x3;
	s22 =	sadd.s32 s13, s3;
	[dreg:$0x16] =	wrdreg s15  }
0x24: {  	s13 =	simm.s32 $0xB290;
	s25 =	sadd.s32 s5, s2;
	[dreg:$0x18] =	wrdreg s17  }
0x25: {  	s30 =	sadd.s32 s12, s2;
	s12 =	simm.s32 $0x80;
	[dreg:$0x1a] =	wrdreg s18  }
0x26: {  	s24 =	sadd.s32 s5, s3;
	s5 =	sadd.s32 s11, s3;
	[dreg:$0x1b] =	wrdreg s19  }
0x27: {  	s26 =	smax.u32 s1, $0x1;
	s11 =	simm.s32 $0xA290;
	[dreg:$0x1c] =	wrdreg s20  }
0x28: {  	s1 =	simm.s32 $0x6;
	s8 =	simm.s32 $0x1;
	[dreg:$0x1d] =	wrdreg s21  }
0x29: {  	s7 =	simm.s32 $0x5;
	[dreg:$0x1e] =	wrdreg s26;
	s9 =	simm.s32 $0x7  }
0x2a: {  	s15 =	simm.s32 $0xC290;
	s18 =	simm.s32 $0xD290;
	[dreg:$0x15] =	wrdreg s23  }
0x2b: {  	s20 =	simm.s32 $0xE290;
	s26 =	simm.s32 $0x2;
	[dreg:$0x17] =	wrdreg s25  }
0x2c: {  	v0 =	vimm.f32 $0.0e+00;
	s17 =	simm.s32 $0x4;
	s19 =	simm.s32 $0x0;
	[dreg:$0x19] =	wrdreg s30  }
.LBB2_1:
0x2d: {  	s0 =	rddreg [dreg:$0x13]  }
0x2e: {  	[tilespmem:s16], [sflag:$0x7] =	stream.linear.gather [hbm4b:s0+s16], $0x5000, $0x38;
	[tilespmem:$0x1E290] =	vst v63  }
0x2f: {  	_ =	swait.ge [sflag:s9], $0x5000  }
0x30: {  	[sflag:s9] =	ssyncset.done $0x0  }
0x31: {  	s21 =	rddreg [dreg:$0x14];
	[sflag:s9] =	ssyncadd.s32 $0xFFFFB000  }
0x32: {  	[tilespmem:s6], [sflag:$0x7] =	stream.linear.gather [hbm4b:s21+s16], $0x5000, $0x38;
	[tilespmem:$0x1E290] =	vst v63  }
0x33: {  	_ =	swait.ge [sflag:s9], $0x5000  }
0x34: {  	[sflag:s9] =	ssyncset.done $0x0  }
0x35: {  	s10 =	simm.s32 $0xA000;
	s25 =	rddreg [dreg:$0x6];
	[sflag:s9] =	ssyncadd.s32 $0xFFFFB000  }
0x36: {  	[tilespmem:s10], [sflag:$0x7] =	stream.linear.gather [hbm4b:s25+s16], $0x280, $0x38;
	[tilespmem:$0x1E290] =	vst v63  }
0x37: {  	s10 =	stileid.u32;
	_ =	swait.ge [sflag:s9], $0x280  }
0x38: {  	s21 =	sshll.u32 s10, $0x6;
	s10 =	sshrl.u32 s23, $0x3;
	[sflag:s9] =	ssyncset.done $0x0  }
0x39: {  	s30 =	sor.u32 $0x1C07, s21;
	s25 =	rddreg [dreg:$0x7];
	[sflag:s9] =	ssyncadd.s32 $0xFFFFFD80  }
0x3a: {  	[spmem:s10], [sflag:s30] =	dma.local [hbm:s25], $0xA00  }
0x3b: {  	_ =	swait.ge [sflag:s9], $0xA00  }
0x3c: {  	[sflag:s9] =	ssyncset.done $0x0  }
0x3d: {  	s23 =	simm.s32 $0x0;
	s21 =	simm.s32 $0x80;
	[sflag:s9] =	ssyncadd.s32 $0xFFFFF600  }
.LBB2_2:
0x3e: {  	p0 =	sne.s32 s21, $0x3F80;
	[tilespmem:s23+$0xA290] =	vst v0;
	s25 =	smov.u32 s21;
	s21 =	sadd.s32 $0x80, s21  }
.Ltmp0:
0x3f: {  	[tilespmem:s23+$0xA2A0] =	vst v0;
	(pc) =	sbr.rel @p0 .LBB2_2-.Ltmp0, $2  }
0x40: {  	_ =	sdelay $0x2  }
0x41: {  	s23 =	sshra.s32 s25, $0x2  }
0x42: {  	[tilespmem:s23+$0xA290] =	vst v0  }
0x43: {  	[tilespmem:s23+$0xA2A0] =	vst v0  }
0x44: {  	[spmem:s22] =	stream.linear.scatter [tilespmem:s11], [sflag:$0x7], $0x1000, $0x38;
	[tilespmem:$0x1E290] =	vst v63  }
0x45: {  	_ =	swait.ge [sflag:s9], $0x1000  }
0x46: {  	[sflag:s9] =	ssyncset.done $0x0  }
0x47: {  	[sflag:s9] =	ssyncadd.s32 $0xFFFFF000  }
0x48: {  	[spmem:s24] =	stream.linear.scatter [tilespmem:s11], [sflag:$0x7], $0x1000, $0x38;
	[tilespmem:$0x1E290] =	vst v63  }
0x49: {  	_ =	swait.ge [sflag:s9], $0x1000  }
0x4a: {  	[sflag:s9] =	ssyncset.done $0x0  }
0x4b: {  	[sflag:s9] =	ssyncadd.s32 $0xFFFFF000  }
0x4c: {  	[spmem:s28] =	stream.linear.scatter [tilespmem:s11], [sflag:$0x7], $0x1000, $0x38;
	[tilespmem:$0x1E290] =	vst v63  }
0x4d: {  	_ =	swait.ge [sflag:s9], $0x1000  }
0x4e: {  	[sflag:s9] =	ssyncset.done $0x0  }
0x4f: {  	[sflag:s9] =	ssyncadd.s32 $0xFFFFF000  }
0x50: {  	[spmem:s31] =	stream.linear.scatter [tilespmem:s11], [sflag:$0x7], $0x1000, $0x38;
	[tilespmem:$0x1E290] =	vst v63  }
0x51: {  	_ =	swait.ge [sflag:s9], $0x1000  }
0x52: {  	[sflag:s9] =	ssyncset.done $0x0  }
0x53: {  	[sflag:s9] =	ssyncadd.s32 $0xFFFFF000  }
0x54: {  	[spmem:s5] =	stream.linear.scatter [tilespmem:s11], [sflag:$0x7], $0x1000, $0x38;
	[tilespmem:$0x1E290] =	vst v63  }
0x55: {  	_ =	swait.ge [sflag:s9], $0x1000  }
0x56: {  	[sflag:s9] =	ssyncset.done $0x0  }
0x57: {  	[sflag:s9] =	ssyncadd.s32 $0xFFFFF000  }
0x58: {  	s21 =	simm.s32 $0x0;
	[bflag:$0x0] =	sbarrier.arrive $0xFFFF  }
0x59: {  	[tilespmem:s11], [sflag:$0x1] =	stream.indirect.gather [spmem:s2], $0x20, s21, s12, $0xb8;
	[tilespmem:$0x1E290] =	vst v63  }
0x5a: {  	_ = 	snop  }
0x5b: {  	[tilespmem:s13], [sflag:$0x2] =	stream.indirect.gather [spmem:s2], $0x20, s12, s12, $0xb8;
	[tilespmem:$0x1E290] =	vst v63  }
0x5c: {  	s0 =	simm.s32 $0x100  }
0x5d: {  	[tilespmem:s15], [sflag:$0x3] =	stream.indirect.gather [spmem:s2], $0x20, s0, s12, $0xb8;
	[tilespmem:$0x1E290] =	vst v63  }
0x5e: {  	s21 =	simm.s32 $0x180  }
0x5f: {  	[tilespmem:s18], [sflag:$0x4] =	stream.indirect.gather [spmem:s2], $0x20, s21, s12, $0xb8;
	[tilespmem:$0x1E290] =	vst v63  }
0x60: {  	s23 =	simm.s32 $0x200  }
0x61: {  	[tilespmem:s20], [sflag:$0x5] =	stream.indirect.gather [spmem:s2], $0x20, s23, s12, $0xb8;
	[tilespmem:$0x1E290] =	vst v63  }
0x62: {  	_ =	swait.ge [sflag:s8], $0x1000  }
0x63: {  	[sflag:s8] =	ssyncset.done $0x0  }
0x64: {  	[sflag:s8] =	ssyncadd.s32 $0xFFFFF000  }
0x65: {  	[spmem:s3] =	stream.indirect.scatter.add.f32 [tilespmem:s11], [sflag:$0x6], $0x20, s6, s12, $0xb8;
	[tilespmem:$0x1E290] =	vst v63  }
0x66: {  	_ =	swait.ge [sflag:s26], $0x1000  }
0x67: {  	[sflag:s26] =	ssyncset.done $0x0  }
0x68: {  	s25 =	simm.s32 $0x5080;
	[sflag:s26] =	ssyncadd.s32 $0xFFFFF000  }
0x69: {  	[spmem:s3] =	stream.indirect.scatter.add.f32 [tilespmem:s13], [sflag:$0x6], $0x20, s25, s12, $0xb8;
	[tilespmem:$0x1E290] =	vst v63  }
0x6a: {  	_ =	swait.ge [sflag:s14], $0x1000  }
0x6b: {  	[sflag:s14] =	ssyncset.done $0x0  }
0x6c: {  	s21 =	simm.s32 $0x5100;
	[sflag:s14] =	ssyncadd.s32 $0xFFFFF000  }
0x6d: {  	[spmem:s3] =	stream.indirect.scatter.add.f32 [tilespmem:s15], [sflag:$0x6], $0x20, s21, s12, $0xb8;
	[tilespmem:$0x1E290] =	vst v63  }
0x6e: {  	_ =	swait.ge [sflag:s17], $0x1000  }
0x6f: {  	[sflag:s17] =	ssyncset.done $0x0  }
0x70: {  	s23 =	simm.s32 $0x5180;
	[sflag:s17] =	ssyncadd.s32 $0xFFFFF000  }
0x71: {  	[spmem:s3] =	stream.indirect.scatter.add.f32 [tilespmem:s18], [sflag:$0x6], $0x20, s23, s12, $0xb8;
	[tilespmem:$0x1E290] =	vst v63  }
0x72: {  	_ =	swait.ge [sflag:s7], $0x1000  }
0x73: {  	[sflag:s7] =	ssyncset.done $0x0  }
0x74: {  	s25 =	simm.s32 $0x5200;
	[sflag:s7] =	ssyncadd.s32 $0xFFFFF000  }
0x75: {  	[spmem:s3] =	stream.indirect.scatter.add.f32 [tilespmem:s20], [sflag:$0x6], $0x20, s25, s12, $0xb8;
	[tilespmem:$0x1E290] =	vst v63  }
0x76: {  	_ =	swait.ge [sflag:s1], $0x1000  }
0x77: {  	[sflag:s1] =	ssyncset.done $0x0  }
0x78: {  	[sflag:s1] =	ssyncadd.s32 $0xFFFFF000  }
0x79: {  	_ =	swait.ge [sflag:s1], $0x1000  }
0x7a: {  	[sflag:s1] =	ssyncset.done $0x0  }
0x7b: {  	[sflag:s1] =	ssyncadd.s32 $0xFFFFF000  }
0x7c: {  	_ =	swait.ge [sflag:s1], $0x1000  }
0x7d: {  	[sflag:s1] =	ssyncset.done $0x0  }
0x7e: {  	[sflag:s1] =	ssyncadd.s32 $0xFFFFF000  }
0x7f: {  	_ =	swait.ge [sflag:s1], $0x1000  }
0x80: {  	[sflag:s1] =	ssyncset.done $0x0  }
0x81: {  	[sflag:s1] =	ssyncadd.s32 $0xFFFFF000  }
0x82: {  	_ =	swait.ge [sflag:s1], $0x1000  }
0x83: {  	[sflag:s1] =	ssyncset.done $0x0  }
0x84: {  	s0 =	simm.s32 $0x280;
	[sflag:s1] =	ssyncadd.s32 $0xFFFFF000  }
0x85: {  	[tilespmem:s11], [sflag:$0x1] =	stream.indirect.gather [spmem:s2], $0x20, s0, s12, $0xb8;
	[tilespmem:$0x1E290] =	vst v63  }
0x86: {  	s23 =	simm.s32 $0x300  }
0x87: {  	[tilespmem:s13], [sflag:$0x2] =	stream.indirect.gather [spmem:s2], $0x20, s23, s12, $0xb8;
	[tilespmem:$0x1E290] =	vst v63  }
0x88: {  	s25 =	simm.s32 $0x380  }
0x89: {  	[tilespmem:s15], [sflag:$0x3] =	stream.indirect.gather [spmem:s2], $0x20, s25, s12, $0xb8;
	[tilespmem:$0x1E290] =	vst v63  }
0x8a: {  	s0 =	simm.s32 $0x400  }
0x8b: {  	[tilespmem:s18], [sflag:$0x4] =	stream.indirect.gather [spmem:s2], $0x20, s0, s12, $0xb8;
	[tilespmem:$0x1E290] =	vst v63  }
0x8c: {  	s23 =	simm.s32 $0x480  }
0x8d: {  	[tilespmem:s20], [sflag:$0x5] =	stream.indirect.gather [spmem:s2], $0x20, s23, s12, $0xb8;
	[tilespmem:$0x1E290] =	vst v63  }
0x8e: {  	_ =	swait.ge [sflag:s8], $0x1000  }
0x8f: {  	[sflag:s8] =	ssyncset.done $0x0  }
0x90: {  	s25 =	simm.s32 $0x5280;
	[sflag:s8] =	ssyncadd.s32 $0xFFFFF000  }
0x91: {  	[spmem:s3] =	stream.indirect.scatter.add.f32 [tilespmem:s11], [sflag:$0x6], $0x20, s25, s12, $0xb8;
	[tilespmem:$0x1E290] =	vst v63  }
0x92: {  	_ =	swait.ge [sflag:s26], $0x1000  }
0x93: {  	[sflag:s26] =	ssyncset.done $0x0  }
0x94: {  	s0 =	simm.s32 $0x5300;
	[sflag:s26] =	ssyncadd.s32 $0xFFFFF000  }
0x95: {  	[spmem:s3] =	stream.indirect.scatter.add.f32 [tilespmem:s13], [sflag:$0x6], $0x20, s0, s12, $0xb8;
	[tilespmem:$0x1E290] =	vst v63  }
0x96: {  	_ =	swait.ge [sflag:s14], $0x1000  }
0x97: {  	[sflag:s14] =	ssyncset.done $0x0  }
0x98: {  	s23 =	simm.s32 $0x5380;
	[sflag:s14] =	ssyncadd.s32 $0xFFFFF000  }
0x99: {  	[spmem:s3] =	stream.indirect.scatter.add.f32 [tilespmem:s15], [sflag:$0x6], $0x20, s23, s12, $0xb8;
	[tilespmem:$0x1E290] =	vst v63  }
0x9a: {  	_ =	swait.ge [sflag:s17], $0x1000  }
0x9b: {  	[sflag:s17] =	ssyncset.done $0x0  }
0x9c: {  	s25 =	simm.s32 $0x5400;
	[sflag:s17] =	ssyncadd.s32 $0xFFFFF000  }
0x9d: {  	[spmem:s3] =	stream.indirect.scatter.add.f32 [tilespmem:s18], [sflag:$0x6], $0x20, s25, s12, $0xb8;
	[tilespmem:$0x1E290] =	vst v63  }
0x9e: {  	_ =	swait.ge [sflag:s7], $0x1000  }
0x9f: {  	[sflag:s7] =	ssyncset.done $0x0  }
0xa0: {  	s21 =	simm.s32 $0xA00;
	s23 =	simm.s32 $0x5480;
	[sflag:s7] =	ssyncadd.s32 $0xFFFFF000  }
.LBB2_4:
0xa1: {  	[spmem:s3] =	stream.indirect.scatter.add.f32 [tilespmem:s20], [sflag:$0x6], $0x20, s23, s12, $0xb8;
	[tilespmem:$0x1E290] =	vst v63  }
0xa2: {  	s23 =	smov.u32 s21  }
0xa3: {  	p0 =	sne.s32 s21, $0x12C00;
	s21 =	sadd.s32 $0xA00, s21;
	_ =	swait.ge [sflag:s1], $0x1000  }
0xa4: {  	[sflag:s1] =	ssyncset.done $0x0  }
0xa5: {  	[sflag:s1] =	ssyncadd.s32 $0xFFFFF000  }
0xa6: {  	_ =	swait.ge [sflag:s1], $0x1000  }
0xa7: {  	[sflag:s1] =	ssyncset.done $0x0  }
0xa8: {  	[sflag:s1] =	ssyncadd.s32 $0xFFFFF000  }
0xa9: {  	_ =	swait.ge [sflag:s1], $0x1000  }
0xaa: {  	[sflag:s1] =	ssyncset.done $0x0  }
0xab: {  	[sflag:s1] =	ssyncadd.s32 $0xFFFFF000  }
0xac: {  	_ =	swait.ge [sflag:s1], $0x1000  }
0xad: {  	[sflag:s1] =	ssyncset.done $0x0  }
0xae: {  	[sflag:s1] =	ssyncadd.s32 $0xFFFFF000  }
0xaf: {  	_ =	swait.ge [sflag:s1], $0x1000  }
0xb0: {  	s23 =	sshra.s32 s23, $0x2;
	[sflag:s1] =	ssyncset.done $0x0  }
0xb1: {  	s25 =	sadd.s32 $0x280, s23;
	[sflag:s1] =	ssyncadd.s32 $0xFFFFF000  }
0xb2: {  	[tilespmem:s11], [sflag:$0x1] =	stream.indirect.gather [spmem:s2], $0x20, s25, s12, $0xb8;
	[tilespmem:$0x1E290] =	vst v63  }
0xb3: {  	s25 =	sadd.s32 $0x300, s23  }
0xb4: {  	[tilespmem:s13], [sflag:$0x2] =	stream.indirect.gather [spmem:s2], $0x20, s25, s12, $0xb8;
	[tilespmem:$0x1E290] =	vst v63  }
0xb5: {  	s25 =	sadd.s32 $0x380, s23  }
0xb6: {  	[tilespmem:s15], [sflag:$0x3] =	stream.indirect.gather [spmem:s2], $0x20, s25, s12, $0xb8;
	[tilespmem:$0x1E290] =	vst v63  }
0xb7: {  	s25 =	sadd.s32 $0x400, s23  }
0xb8: {  	[tilespmem:s18], [sflag:$0x4] =	stream.indirect.gather [spmem:s2], $0x20, s25, s12, $0xb8;
	[tilespmem:$0x1E290] =	vst v63  }
0xb9: {  	s25 =	sadd.s32 $0x480, s23  }
0xba: {  	[tilespmem:s20], [sflag:$0x5] =	stream.indirect.gather [spmem:s2], $0x20, s25, s12, $0xb8;
	[tilespmem:$0x1E290] =	vst v63  }
0xbb: {  	_ =	swait.ge [sflag:s8], $0x1000  }
0xbc: {  	[sflag:s8] =	ssyncset.done $0x0  }
0xbd: {  	s25 =	sadd.s32 $0x5280, s23;
	[sflag:s8] =	ssyncadd.s32 $0xFFFFF000  }
0xbe: {  	[spmem:s3] =	stream.indirect.scatter.add.f32 [tilespmem:s11], [sflag:$0x6], $0x20, s25, s12, $0xb8;
	[tilespmem:$0x1E290] =	vst v63  }
0xbf: {  	_ =	swait.ge [sflag:s26], $0x1000  }
0xc0: {  	[sflag:s26] =	ssyncset.done $0x0  }
0xc1: {  	s25 =	sadd.s32 $0x5300, s23;
	[sflag:s26] =	ssyncadd.s32 $0xFFFFF000  }
0xc2: {  	[spmem:s3] =	stream.indirect.scatter.add.f32 [tilespmem:s13], [sflag:$0x6], $0x20, s25, s12, $0xb8;
	[tilespmem:$0x1E290] =	vst v63  }
0xc3: {  	_ =	swait.ge [sflag:s14], $0x1000  }
0xc4: {  	[sflag:s14] =	ssyncset.done $0x0  }
0xc5: {  	s25 =	sadd.s32 $0x5380, s23;
	[sflag:s14] =	ssyncadd.s32 $0xFFFFF000  }
0xc6: {  	[spmem:s3] =	stream.indirect.scatter.add.f32 [tilespmem:s15], [sflag:$0x6], $0x20, s25, s12, $0xb8;
	[tilespmem:$0x1E290] =	vst v63  }
0xc7: {  	_ =	swait.ge [sflag:s17], $0x1000  }
0xc8: {  	[sflag:s17] =	ssyncset.done $0x0  }
.Ltmp1:
0xc9: {  	s25 =	sadd.s32 $0x5400, s23;
	[sflag:s17] =	ssyncadd.s32 $0xFFFFF000;
	(pc) =	sbr.rel @p0 .LBB2_4-.Ltmp1, $4  }
0xca: {  	[spmem:s3] =	stream.indirect.scatter.add.f32 [tilespmem:s18], [sflag:$0x6], $0x20, s25, s12, $0xb8;
	[tilespmem:$0x1E290] =	vst v63  }
0xcb: {  	_ =	swait.ge [sflag:s7], $0x1000  }
0xcc: {  	[sflag:s7] =	ssyncset.done $0x0  }
0xcd: {  	s23 =	sadd.s32 $0x5480, s23;
	[sflag:s7] =	ssyncadd.s32 $0xFFFFF000  }
0xce: {  	[spmem:s3] =	stream.indirect.scatter.add.f32 [tilespmem:s20], [sflag:$0x6], $0x20, s23, s12, $0xb8;
	[tilespmem:$0x1E290] =	vst v63  }
0xcf: {  	_ =	swait.ge [sflag:s1], $0x1000  }
0xd0: {  	[sflag:s1] =	ssyncset.done $0x0  }
0xd1: {  	[sflag:s1] =	ssyncadd.s32 $0xFFFFF000  }
0xd2: {  	_ =	swait.ge [sflag:s1], $0x1000  }
0xd3: {  	[sflag:s1] =	ssyncset.done $0x0  }
0xd4: {  	[sflag:s1] =	ssyncadd.s32 $0xFFFFF000  }
0xd5: {  	_ =	swait.ge [sflag:s1], $0x1000  }
0xd6: {  	[sflag:s1] =	ssyncset.done $0x0  }
0xd7: {  	[sflag:s1] =	ssyncadd.s32 $0xFFFFF000  }
0xd8: {  	_ =	swait.ge [sflag:s1], $0x1000  }
0xd9: {  	[sflag:s1] =	ssyncset.done $0x0  }
0xda: {  	[sflag:s1] =	ssyncadd.s32 $0xFFFFF000  }
0xdb: {  	_ =	swait.ge [sflag:s1], $0x1000  }
0xdc: {  	[sflag:s1] =	ssyncset.done $0x0  }
0xdd: {  	[sflag:s1] =	ssyncadd.s32 $0xFFFFF000  }
0xde: {  	[bflag:$0x0] =	sbarrier.arrive $0xFFFF  }
0xdf: {  	s0 =	rddreg [dreg:$0x8]  }
0xe0: {  	[spmem:s10], [sflag:s30] =	dma.local [hbm:s0], $0xA00  }
0xe1: {  	_ =	swait.ge [sflag:s9], $0xA00  }
0xe2: {  	[sflag:s9] =	ssyncset.done $0x0  }
0xe3: {  	s21 =	simm.s32 $0x0;
	s10 =	simm.s32 $0x80;
	[sflag:s9] =	ssyncadd.s32 $0xFFFFF600  }
.LBB2_6:
0xe4: {  	p0 =	sne.s32 s10, $0x3F80;
	[tilespmem:s21+$0xA290] =	vst v0;
	s23 =	smov.u32 s10;
	s10 =	sadd.s32 $0x80, s10  }
.Ltmp2:
0xe5: {  	[tilespmem:s21+$0xA2A0] =	vst v0;
	(pc) =	sbr.rel @p0 .LBB2_6-.Ltmp2, $2  }
0xe6: {  	_ =	sdelay $0x2  }
0xe7: {  	s21 =	sshra.s32 s23, $0x2  }
0xe8: {  	[tilespmem:s21+$0xA290] =	vst v0  }
0xe9: {  	[tilespmem:s21+$0xA2A0] =	vst v0  }
0xea: {  	[spmem:s29] =	stream.linear.scatter [tilespmem:s11], [sflag:$0x7], $0x1000, $0x38;
	[tilespmem:$0x1E290] =	vst v63  }
0xeb: {  	_ =	swait.ge [sflag:s9], $0x1000  }
0xec: {  	[sflag:s9] =	ssyncset.done $0x0  }
0xed: {  	s0 =	rddreg [dreg:$0x16];
	[sflag:s9] =	ssyncadd.s32 $0xFFFFF000  }
0xee: {  	[spmem:s0] =	stream.linear.scatter [tilespmem:s11], [sflag:$0x7], $0x1000, $0x38;
	[tilespmem:$0x1E290] =	vst v63  }
0xef: {  	_ =	swait.ge [sflag:s9], $0x1000  }
0xf0: {  	[sflag:s9] =	ssyncset.done $0x0  }
0xf1: {  	s25 =	rddreg [dreg:$0x18];
	[sflag:s9] =	ssyncadd.s32 $0xFFFFF000  }
0xf2: {  	[spmem:s25] =	stream.linear.scatter [tilespmem:s11], [sflag:$0x7], $0x1000, $0x38;
	[tilespmem:$0x1E290] =	vst v63  }
0xf3: {  	_ =	swait.ge [sflag:s9], $0x1000  }
0xf4: {  	[sflag:s9] =	ssyncset.done $0x0  }
0xf5: {  	s30 =	rddreg [dreg:$0x1a];
	[sflag:s9] =	ssyncadd.s32 $0xFFFFF000  }
0xf6: {  	[spmem:s30] =	stream.linear.scatter [tilespmem:s11], [sflag:$0x7], $0x1000, $0x38;
	[tilespmem:$0x1E290] =	vst v63  }
0xf7: {  	_ =	swait.ge [sflag:s9], $0x1000  }
0xf8: {  	[sflag:s9] =	ssyncset.done $0x0  }
0xf9: {  	s10 =	rddreg [dreg:$0x1c];
	[sflag:s9] =	ssyncadd.s32 $0xFFFFF000  }
0xfa: {  	[spmem:s10] =	stream.linear.scatter [tilespmem:s11], [sflag:$0x7], $0x1000, $0x38;
	[tilespmem:$0x1E290] =	vst v63  }
0xfb: {  	_ =	swait.ge [sflag:s9], $0x1000  }
0xfc: {  	[sflag:s9] =	ssyncset.done $0x0  }
0xfd: {  	[sflag:s9] =	ssyncadd.s32 $0xFFFFF000  }
0xfe: {  	s10 =	simm.s32 $0x0;
	[bflag:$0x0] =	sbarrier.arrive $0xFFFF  }
0xff: {  	[tilespmem:s11], [sflag:$0x1] =	stream.indirect.gather [spmem:s2], $0x20, s10, s12, $0xb8;
	[tilespmem:$0x1E290] =	vst v63  }
0x100: {  	_ = 	snop  }
0x101: {  	[tilespmem:s13], [sflag:$0x2] =	stream.indirect.gather [spmem:s2], $0x20, s12, s12, $0xb8;
	[tilespmem:$0x1E290] =	vst v63  }
0x102: {  	s21 =	simm.s32 $0x100  }
0x103: {  	[tilespmem:s15], [sflag:$0x3] =	stream.indirect.gather [spmem:s2], $0x20, s21, s12, $0xb8;
	[tilespmem:$0x1E290] =	vst v63  }
0x104: {  	s23 =	simm.s32 $0x180  }
0x105: {  	[tilespmem:s18], [sflag:$0x4] =	stream.indirect.gather [spmem:s2], $0x20, s23, s12, $0xb8;
	[tilespmem:$0x1E290] =	vst v63  }
0x106: {  	s25 =	simm.s32 $0x200  }
0x107: {  	[tilespmem:s20], [sflag:$0x5] =	stream.indirect.gather [spmem:s2], $0x20, s25, s12, $0xb8;
	[tilespmem:$0x1E290] =	vst v63  }
0x108: {  	_ =	swait.ge [sflag:s8], $0x1000  }
0x109: {  	[sflag:s8] =	ssyncset.done $0x0  }
0x10a: {  	[sflag:s8] =	ssyncadd.s32 $0xFFFFF000  }
0x10b: {  	[spmem:s4] =	stream.indirect.scatter.add.f32 [tilespmem:s11], [sflag:$0x6], $0x20, s6, s12, $0xb8;
	[tilespmem:$0x1E290] =	vst v63  }
0x10c: {  	_ =	swait.ge [sflag:s26], $0x1000  }
0x10d: {  	[sflag:s26] =	ssyncset.done $0x0  }
0x10e: {  	s30 =	simm.s32 $0x5080;
	[sflag:s26] =	ssyncadd.s32 $0xFFFFF000  }
0x10f: {  	[spmem:s4] =	stream.indirect.scatter.add.f32 [tilespmem:s13], [sflag:$0x6], $0x20, s30, s12, $0xb8;
	[tilespmem:$0x1E290] =	vst v63  }
0x110: {  	_ =	swait.ge [sflag:s14], $0x1000  }
0x111: {  	[sflag:s14] =	ssyncset.done $0x0  }
0x112: {  	s6 =	simm.s32 $0x5100;
	[sflag:s14] =	ssyncadd.s32 $0xFFFFF000  }
0x113: {  	[spmem:s4] =	stream.indirect.scatter.add.f32 [tilespmem:s15], [sflag:$0x6], $0x20, s6, s12, $0xb8;
	[tilespmem:$0x1E290] =	vst v63  }
0x114: {  	_ =	swait.ge [sflag:s17], $0x1000  }
0x115: {  	[sflag:s17] =	ssyncset.done $0x0  }
0x116: {  	s10 =	simm.s32 $0x5180;
	[sflag:s17] =	ssyncadd.s32 $0xFFFFF000  }
0x117: {  	[spmem:s4] =	stream.indirect.scatter.add.f32 [tilespmem:s18], [sflag:$0x6], $0x20, s10, s12, $0xb8;
	[tilespmem:$0x1E290] =	vst v63  }
0x118: {  	_ =	swait.ge [sflag:s7], $0x1000  }
0x119: {  	[sflag:s7] =	ssyncset.done $0x0  }
0x11a: {  	s21 =	simm.s32 $0x5200;
	[sflag:s7] =	ssyncadd.s32 $0xFFFFF000  }
0x11b: {  	[spmem:s4] =	stream.indirect.scatter.add.f32 [tilespmem:s20], [sflag:$0x6], $0x20, s21, s12, $0xb8;
	[tilespmem:$0x1E290] =	vst v63  }
0x11c: {  	_ =	swait.ge [sflag:s1], $0x1000  }
0x11d: {  	[sflag:s1] =	ssyncset.done $0x0  }
0x11e: {  	[sflag:s1] =	ssyncadd.s32 $0xFFFFF000  }
0x11f: {  	_ =	swait.ge [sflag:s1], $0x1000  }
0x120: {  	[sflag:s1] =	ssyncset.done $0x0  }
0x121: {  	[sflag:s1] =	ssyncadd.s32 $0xFFFFF000  }
0x122: {  	_ =	swait.ge [sflag:s1], $0x1000  }
0x123: {  	[sflag:s1] =	ssyncset.done $0x0  }
0x124: {  	[sflag:s1] =	ssyncadd.s32 $0xFFFFF000  }
0x125: {  	_ =	swait.ge [sflag:s1], $0x1000  }
0x126: {  	[sflag:s1] =	ssyncset.done $0x0  }
0x127: {  	[sflag:s1] =	ssyncadd.s32 $0xFFFFF000  }
0x128: {  	_ =	swait.ge [sflag:s1], $0x1000  }
0x129: {  	[sflag:s1] =	ssyncset.done $0x0  }
0x12a: {  	s23 =	simm.s32 $0x280;
	[sflag:s1] =	ssyncadd.s32 $0xFFFFF000  }
0x12b: {  	[tilespmem:s11], [sflag:$0x1] =	stream.indirect.gather [spmem:s2], $0x20, s23, s12, $0xb8;
	[tilespmem:$0x1E290] =	vst v63  }
0x12c: {  	s25 =	simm.s32 $0x300  }
0x12d: {  	[tilespmem:s13], [sflag:$0x2] =	stream.indirect.gather [spmem:s2], $0x20, s25, s12, $0xb8;
	[tilespmem:$0x1E290] =	vst v63  }
0x12e: {  	s30 =	simm.s32 $0x380  }
0x12f: {  	[tilespmem:s15], [sflag:$0x3] =	stream.indirect.gather [spmem:s2], $0x20, s30, s12, $0xb8;
	[tilespmem:$0x1E290] =	vst v63  }
0x130: {  	s0 =	simm.s32 $0x400  }
0x131: {  	[tilespmem:s18], [sflag:$0x4] =	stream.indirect.gather [spmem:s2], $0x20, s0, s12, $0xb8;
	[tilespmem:$0x1E290] =	vst v63  }
0x132: {  	s6 =	simm.s32 $0x480  }
0x133: {  	[tilespmem:s20], [sflag:$0x5] =	stream.indirect.gather [spmem:s2], $0x20, s6, s12, $0xb8;
	[tilespmem:$0x1E290] =	vst v63  }
0x134: {  	_ =	swait.ge [sflag:s8], $0x1000  }
0x135: {  	[sflag:s8] =	ssyncset.done $0x0  }
0x136: {  	s21 =	simm.s32 $0x5280;
	[sflag:s8] =	ssyncadd.s32 $0xFFFFF000  }
0x137: {  	[spmem:s4] =	stream.indirect.scatter.add.f32 [tilespmem:s11], [sflag:$0x6], $0x20, s21, s12, $0xb8;
	[tilespmem:$0x1E290] =	vst v63  }
0x138: {  	_ =	swait.ge [sflag:s26], $0x1000  }
0x139: {  	[sflag:s26] =	ssyncset.done $0x0  }
0x13a: {  	s23 =	simm.s32 $0x5300;
	[sflag:s26] =	ssyncadd.s32 $0xFFFFF000  }
0x13b: {  	[spmem:s4] =	stream.indirect.scatter.add.f32 [tilespmem:s13], [sflag:$0x6], $0x20, s23, s12, $0xb8;
	[tilespmem:$0x1E290] =	vst v63  }
0x13c: {  	_ =	swait.ge [sflag:s14], $0x1000  }
0x13d: {  	[sflag:s14] =	ssyncset.done $0x0  }
0x13e: {  	s25 =	simm.s32 $0x5380;
	[sflag:s14] =	ssyncadd.s32 $0xFFFFF000  }
0x13f: {  	[spmem:s4] =	stream.indirect.scatter.add.f32 [tilespmem:s15], [sflag:$0x6], $0x20, s25, s12, $0xb8;
	[tilespmem:$0x1E290] =	vst v63  }
0x140: {  	_ =	swait.ge [sflag:s17], $0x1000  }
0x141: {  	[sflag:s17] =	ssyncset.done $0x0  }
0x142: {  	s30 =	simm.s32 $0x5400;
	[sflag:s17] =	ssyncadd.s32 $0xFFFFF000  }
0x143: {  	[spmem:s4] =	stream.indirect.scatter.add.f32 [tilespmem:s18], [sflag:$0x6], $0x20, s30, s12, $0xb8;
	[tilespmem:$0x1E290] =	vst v63  }
0x144: {  	_ =	swait.ge [sflag:s7], $0x1000  }
0x145: {  	[sflag:s7] =	ssyncset.done $0x0  }
0x146: {  	s10 =	simm.s32 $0xA00;
	s21 =	simm.s32 $0x5480;
	[sflag:s7] =	ssyncadd.s32 $0xFFFFF000  }
.LBB2_8:
0x147: {  	[spmem:s4] =	stream.indirect.scatter.add.f32 [tilespmem:s20], [sflag:$0x6], $0x20, s21, s12, $0xb8;
	[tilespmem:$0x1E290] =	vst v63  }
0x148: {  	s21 =	smov.u32 s10  }
0x149: {  	p0 =	sne.s32 s10, $0x12C00;
	s10 =	sadd.s32 $0xA00, s10;
	_ =	swait.ge [sflag:s1], $0x1000  }
0x14a: {  	[sflag:s1] =	ssyncset.done $0x0  }
0x14b: {  	[sflag:s1] =	ssyncadd.s32 $0xFFFFF000  }
0x14c: {  	_ =	swait.ge [sflag:s1], $0x1000  }
0x14d: {  	[sflag:s1] =	ssyncset.done $0x0  }
0x14e: {  	[sflag:s1] =	ssyncadd.s32 $0xFFFFF000  }
0x14f: {  	_ =	swait.ge [sflag:s1], $0x1000  }
0x150: {  	[sflag:s1] =	ssyncset.done $0x0  }
0x151: {  	[sflag:s1] =	ssyncadd.s32 $0xFFFFF000  }
0x152: {  	_ =	swait.ge [sflag:s1], $0x1000  }
0x153: {  	[sflag:s1] =	ssyncset.done $0x0  }
0x154: {  	[sflag:s1] =	ssyncadd.s32 $0xFFFFF000  }
0x155: {  	_ =	swait.ge [sflag:s1], $0x1000  }
0x156: {  	s21 =	sshra.s32 s21, $0x2;
	[sflag:s1] =	ssyncset.done $0x0  }
0x157: {  	s23 =	sadd.s32 $0x280, s21;
	[sflag:s1] =	ssyncadd.s32 $0xFFFFF000  }
0x158: {  	[tilespmem:s11], [sflag:$0x1] =	stream.indirect.gather [spmem:s2], $0x20, s23, s12, $0xb8;
	[tilespmem:$0x1E290] =	vst v63  }
0x159: {  	s23 =	sadd.s32 $0x300, s21  }
0x15a: {  	[tilespmem:s13], [sflag:$0x2] =	stream.indirect.gather [spmem:s2], $0x20, s23, s12, $0xb8;
	[tilespmem:$0x1E290] =	vst v63  }
0x15b: {  	s23 =	sadd.s32 $0x380, s21  }
0x15c: {  	[tilespmem:s15], [sflag:$0x3] =	stream.indirect.gather [spmem:s2], $0x20, s23, s12, $0xb8;
	[tilespmem:$0x1E290] =	vst v63  }
0x15d: {  	s23 =	sadd.s32 $0x400, s21  }
0x15e: {  	[tilespmem:s18], [sflag:$0x4] =	stream.indirect.gather [spmem:s2], $0x20, s23, s12, $0xb8;
	[tilespmem:$0x1E290] =	vst v63  }
0x15f: {  	s23 =	sadd.s32 $0x480, s21  }
0x160: {  	[tilespmem:s20], [sflag:$0x5] =	stream.indirect.gather [spmem:s2], $0x20, s23, s12, $0xb8;
	[tilespmem:$0x1E290] =	vst v63  }
0x161: {  	_ =	swait.ge [sflag:s8], $0x1000  }
0x162: {  	[sflag:s8] =	ssyncset.done $0x0  }
0x163: {  	s23 =	sadd.s32 $0x5280, s21;
	[sflag:s8] =	ssyncadd.s32 $0xFFFFF000  }
0x164: {  	[spmem:s4] =	stream.indirect.scatter.add.f32 [tilespmem:s11], [sflag:$0x6], $0x20, s23, s12, $0xb8;
	[tilespmem:$0x1E290] =	vst v63  }
0x165: {  	_ =	swait.ge [sflag:s26], $0x1000  }
0x166: {  	[sflag:s26] =	ssyncset.done $0x0  }
0x167: {  	s23 =	sadd.s32 $0x5300, s21;
	[sflag:s26] =	ssyncadd.s32 $0xFFFFF000  }
0x168: {  	[spmem:s4] =	stream.indirect.scatter.add.f32 [tilespmem:s13], [sflag:$0x6], $0x20, s23, s12, $0xb8;
	[tilespmem:$0x1E290] =	vst v63  }
0x169: {  	_ =	swait.ge [sflag:s14], $0x1000  }
0x16a: {  	[sflag:s14] =	ssyncset.done $0x0  }
0x16b: {  	s23 =	sadd.s32 $0x5380, s21;
	[sflag:s14] =	ssyncadd.s32 $0xFFFFF000  }
0x16c: {  	[spmem:s4] =	stream.indirect.scatter.add.f32 [tilespmem:s15], [sflag:$0x6], $0x20, s23, s12, $0xb8;
	[tilespmem:$0x1E290] =	vst v63  }
0x16d: {  	_ =	swait.ge [sflag:s17], $0x1000  }
0x16e: {  	[sflag:s17] =	ssyncset.done $0x0  }
.Ltmp3:
0x16f: {  	s23 =	sadd.s32 $0x5400, s21;
	[sflag:s17] =	ssyncadd.s32 $0xFFFFF000;
	(pc) =	sbr.rel @p0 .LBB2_8-.Ltmp3, $4  }
0x170: {  	[spmem:s4] =	stream.indirect.scatter.add.f32 [tilespmem:s18], [sflag:$0x6], $0x20, s23, s12, $0xb8;
	[tilespmem:$0x1E290] =	vst v63  }
0x171: {  	_ =	swait.ge [sflag:s7], $0x1000  }
0x172: {  	[sflag:s7] =	ssyncset.done $0x0  }
0x173: {  	s21 =	sadd.s32 $0x5480, s21;
	[sflag:s7] =	ssyncadd.s32 $0xFFFFF000  }
0x174: {  	[spmem:s4] =	stream.indirect.scatter.add.f32 [tilespmem:s20], [sflag:$0x6], $0x20, s21, s12, $0xb8;
	[tilespmem:$0x1E290] =	vst v63  }
0x175: {  	_ =	swait.ge [sflag:s1], $0x1000  }
0x176: {  	[sflag:s1] =	ssyncset.done $0x0  }
0x177: {  	[sflag:s1] =	ssyncadd.s32 $0xFFFFF000  }
0x178: {  	_ =	swait.ge [sflag:s1], $0x1000  }
0x179: {  	[sflag:s1] =	ssyncset.done $0x0  }
0x17a: {  	[sflag:s1] =	ssyncadd.s32 $0xFFFFF000  }
0x17b: {  	_ =	swait.ge [sflag:s1], $0x1000  }
0x17c: {  	[sflag:s1] =	ssyncset.done $0x0  }
0x17d: {  	[sflag:s1] =	ssyncadd.s32 $0xFFFFF000  }
0x17e: {  	_ =	swait.ge [sflag:s1], $0x1000  }
0x17f: {  	[sflag:s1] =	ssyncset.done $0x0  }
0x180: {  	[sflag:s1] =	ssyncadd.s32 $0xFFFFF000  }
0x181: {  	_ =	swait.ge [sflag:s1], $0x1000  }
0x182: {  	[sflag:s1] =	ssyncset.done $0x0  }
0x183: {  	[sflag:s1] =	ssyncadd.s32 $0xFFFFF000  }
0x184: {  	[bflag:$0x0] =	sbarrier.arrive $0xFFFF  }
0x185: {  	[tilespmem:s13], [sflag:$0x7] =	stream.linear.gather [spmem:s22], $0x1000, $0x38;
	[tilespmem:$0x1E290] =	vst v63  }
0x186: {  	_ =	swait.ge [sflag:s9], $0x1000  }
0x187: {  	[sflag:s9] =	ssyncset.done $0x0  }
0x188: {  	[sflag:s9] =	ssyncadd.s32 $0xFFFFF000  }
0x189: {  	[tilespmem:s15], [sflag:$0x7] =	stream.linear.gather [spmem:s29], $0x1000, $0x38;
	[tilespmem:$0x1E290] =	vst v63  }
0x18a: {  	_ =	swait.ge [sflag:s9], $0x1000  }
0x18b: {  	[sflag:s9] =	ssyncset.done $0x0  }
0x18c: {  	s21 =	simm.s32 $0xA000;
	[sflag:s9] =	ssyncadd.s32 $0xFFFFF000  }
0x18d: {  	s10 =	simm.s32 $0x0;
	v1 =	vld.msk [tilespmem:s21+$0x0 ss:$0x0], $0xffff  }
0x18e: {  	v4 =	vld [tilespmem:s10+$0xC2A0]  }
0x18f: {  	v6 =	vld [tilespmem:s10+$0xC290];
	_ =	sdelay $0x1  }
0x190: {  	v3 =	vld [tilespmem:s10+$0xB2A0]  }
0x191: {  	v2 =	vld [tilespmem:s10+$0xB290];
	_ =	sdelay $0x1  }
0x192: {  	s23 =	simm.s32 $0x80;
	v5 =	vmul.f32 v4, v1;
	v4 =	vmul.f32 v6, v1  }
.LBB2_10:
0x193: {  	p0 =	sne.s32 s23, $0x3F80  }
0x194: {  	v3 =	vmul.f32 v3, v1;
	[tilespmem:s10+$0xC2A0] =	vst v5;
	s21 =	sadd.s32 $0x1, s21;
	s25 =	smov.u32 s23;
	s23 =	sadd.s32 $0x80, s23  }
0x195: {  	v1 =	vmul.f32 v1, v2;
	[tilespmem:s10+$0xC290] =	vst v4  }
0x196: {  	[tilespmem:s10+$0xB2A0] =	vst v3  }
0x197: {  	[tilespmem:s10+$0xB290] =	vst v1  }
0x198: {  	s10 =	sshra.s32 s25, $0x2;
	v1 =	vld.msk [tilespmem:s21+$0x0 ss:$0x0], $0xffff  }
0x199: {  	v4 =	vld [tilespmem:s10+$0xC2A0]  }
0x19a: {  	v6 =	vld [tilespmem:s10+$0xC290]  }
.Ltmp4:
0x19b: {  	v3 =	vld [tilespmem:s10+$0xB2A0];
	(pc) =	sbr.rel @p0 .LBB2_10-.Ltmp4, $3  }
0x19c: {  	v2 =	vld [tilespmem:s10+$0xB290];
	_ =	sdelay $0x1  }
0x19d: {  	v5 =	vmul.f32 v4, v1  }
0x19e: {  	v4 =	vmul.f32 v6, v1  }
0x19f: {  	v3 =	vmul.f32 v3, v1;
	[tilespmem:s10+$0xC2A0] =	vst v5  }
0x1a0: {  	v1 =	vmul.f32 v1, v2;
	[tilespmem:s10+$0xC290] =	vst v4  }
0x1a1: {  	[tilespmem:s10+$0xB2A0] =	vst v3  }
0x1a2: {  	[tilespmem:s10+$0xB290] =	vst v1  }
0x1a3: {  	[spmem:s22] =	stream.linear.scatter [tilespmem:s13], [sflag:$0x7], $0x1000, $0x38;
	[tilespmem:$0x1E290] =	vst v63  }
0x1a4: {  	_ =	swait.ge [sflag:s9], $0x1000  }
0x1a5: {  	[sflag:s9] =	ssyncset.done $0x0  }
0x1a6: {  	[sflag:s9] =	ssyncadd.s32 $0xFFFFF000  }
0x1a7: {  	[spmem:s29] =	stream.linear.scatter [tilespmem:s15], [sflag:$0x7], $0x1000, $0x38;
	[tilespmem:$0x1E290] =	vst v63  }
0x1a8: {  	_ =	swait.ge [sflag:s9], $0x1000  }
0x1a9: {  	[sflag:s9] =	ssyncset.done $0x0  }
0x1aa: {  	[sflag:s9] =	ssyncadd.s32 $0xFFFFF000  }
0x1ab: {  	[tilespmem:s13], [sflag:$0x7] =	stream.linear.gather [spmem:s24], $0x1000, $0x38;
	[tilespmem:$0x1E290] =	vst v63  }
0x1ac: {  	_ =	swait.ge [sflag:s9], $0x1000  }
0x1ad: {  	[sflag:s9] =	ssyncset.done $0x0  }
0x1ae: {  	s0 =	rddreg [dreg:$0x16];
	[sflag:s9] =	ssyncadd.s32 $0xFFFFF000  }
0x1af: {  	[tilespmem:s15], [sflag:$0x7] =	stream.linear.gather [spmem:s0], $0x1000, $0x38;
	[tilespmem:$0x1E290] =	vst v63  }
0x1b0: {  	s25 =	simm.s32 $0x0;
	_ =	swait.ge [sflag:s9], $0x1000  }
0x1b1: {  	s10 =	sand.u32 $0x7F, s25;
	[sflag:s9] =	ssyncset.done $0x0  }
0x1b2: {  	s21 =	sor.u32 $0xA080, s10;
	[sflag:s9] =	ssyncadd.s32 $0xFFFFF000  }
0x1b3: {  	s10 =	simm.s32 $0xB2A0;
	v1 =	vld.msk [tilespmem:s21+$0x0 ss:$0x0], $0xffff  }
0x1b4: {  	v2 =	vld [tilespmem:s10+$0xFFFFFFF0];
	_ =	sdelay $0x4  }
0x1b5: {  	v2 =	vmul.f32 v1, v2;
	_ =	sdelay $0x1  }
0x1b6: {  	s30 =	simm.s32 $0xC2A0;
	[tilespmem:s10+$0xFFFFFFF0] =	vst v2  }
0x1b7: {  	v2 =	vld [tilespmem:s30+$0xFFFFFFF0];
	_ =	sdelay $0x4  }
0x1b8: {  	v2 =	vmul.f32 v2, v1;
	_ =	sdelay $0x1  }
0x1b9: {  	[tilespmem:s30+$0xFFFFFFF0] =	vst v2  }
0x1ba: {  	v2 =	vld [tilespmem:s10+$0x0];
	_ =	sdelay $0x4  }
0x1bb: {  	v2 =	vmul.f32 v2, v1;
	_ =	sdelay $0x1  }
0x1bc: {  	[tilespmem:s10+$0x0] =	vst v2  }
0x1bd: {  	v2 =	vld [tilespmem:s30+$0x0];
	_ =	sdelay $0x3  }
0x1be: {  	s6 =	smov.u32 s29;
	s29 =	simm.s32 $0x1  }
0x1bf: {  	s23 =	simm.s32 $0x2;
	s25 =	sand.u32 $0x7F, s29;
	s21 =	simm.s32 $0xC2C0;
	v1 =	vmul.f32 v2, v1  }
.LBB2_12:
0x1c0: {  	s25 =	sor.u32 $0xA080, s25;
	s10 =	sadd.s32 $0x20, s10  }
0x1c1: {  	[tilespmem:s30+$0x0] =	vst v1;
	s29 =	smov.u32 s23;
	s0 =	sadd.s32 $0x1, s23;
	s30 =	smov.u32 s21  }
0x1c2: {  	p0 =	sne.s32 s23, $0x7F;
	v1 =	vld.msk [tilespmem:s25+$0x0 ss:$0x0], $0xffff  }
0x1c3: {  	v2 =	vld [tilespmem:s10+$0xFFFFFFF0];
	_ =	sdelay $0x4  }
0x1c4: {  	v2 =	vmul.f32 v1, v2;
	_ =	sdelay $0x1  }
0x1c5: {  	[tilespmem:s10+$0xFFFFFFF0] =	vst v2  }
0x1c6: {  	v2 =	vld [tilespmem:s21+$0xFFFFFFF0];
	_ =	sdelay $0x4  }
0x1c7: {  	v2 =	vmul.f32 v2, v1;
	_ =	sdelay $0x1  }
0x1c8: {  	[tilespmem:s21+$0xFFFFFFF0] =	vst v2  }
0x1c9: {  	v2 =	vld [tilespmem:s10+$0x0];
	_ =	sdelay $0x4  }
0x1ca: {  	v2 =	vmul.f32 v2, v1;
	_ =	sdelay $0x1  }
0x1cb: {  	[tilespmem:s10+$0x0] =	vst v2  }
0x1cc: {  	v2 =	vld [tilespmem:s21+$0x0];
	_ =	sdelay $0x1  }
.Ltmp5:
0x1cd: {  	(pc) =	sbr.rel @p0 .LBB2_12-.Ltmp5, $3  }
0x1ce: {  	_ =	sdelay $0x1  }
0x1cf: {  	v1 =	vmul.f32 v2, v1  }
0x1d0: {  	s25 =	sand.u32 $0x7F, s29;
	s23 =	smov.u32 s0;
	s21 =	sadd.s32 $0x20, s21  }
0x1d1: {  	s0 =	sor.u32 $0xA080, s25;
	[tilespmem:s30+$0x0] =	vst v1  }
0x1d2: {  	s10 =	sadd.s32 $0x20, s10;
	v1 =	vld.msk [tilespmem:s0+$0x0 ss:$0x0], $0xffff  }
0x1d3: {  	v2 =	vld [tilespmem:s10+$0xFFFFFFF0];
	_ =	sdelay $0x4  }
0x1d4: {  	v2 =	vmul.f32 v1, v2;
	_ =	sdelay $0x1  }
0x1d5: {  	[tilespmem:s10+$0xFFFFFFF0] =	vst v2  }
0x1d6: {  	v2 =	vld [tilespmem:s21+$0xFFFFFFF0];
	_ =	sdelay $0x4  }
0x1d7: {  	v2 =	vmul.f32 v2, v1;
	_ =	sdelay $0x1  }
0x1d8: {  	[tilespmem:s21+$0xFFFFFFF0] =	vst v2  }
0x1d9: {  	v2 =	vld [tilespmem:s10+$0x0];
	_ =	sdelay $0x4  }
0x1da: {  	v2 =	vmul.f32 v2, v1;
	_ =	sdelay $0x1  }
0x1db: {  	[tilespmem:s10+$0x0] =	vst v2  }
0x1dc: {  	v2 =	vld [tilespmem:s21+$0x0];
	_ =	sdelay $0x4  }
0x1dd: {  	v1 =	vmul.f32 v2, v1;
	_ =	sdelay $0x1  }
0x1de: {  	[tilespmem:s21+$0x0] =	vst v1  }
0x1df: {  	[spmem:s24] =	stream.linear.scatter [tilespmem:s13], [sflag:$0x7], $0x1000, $0x38;
	[tilespmem:$0x1E290] =	vst v63  }
0x1e0: {  	_ =	swait.ge [sflag:s9], $0x1000  }
0x1e1: {  	[sflag:s9] =	ssyncset.done $0x0  }
0x1e2: {  	s21 =	rddreg [dreg:$0x16];
	[sflag:s9] =	ssyncadd.s32 $0xFFFFF000  }
0x1e3: {  	[spmem:s21] =	stream.linear.scatter [tilespmem:s15], [sflag:$0x7], $0x1000, $0x38;
	[tilespmem:$0x1E290] =	vst v63  }
0x1e4: {  	_ =	swait.ge [sflag:s9], $0x1000  }
0x1e5: {  	[sflag:s9] =	ssyncset.done $0x0  }
0x1e6: {  	[sflag:s9] =	ssyncadd.s32 $0xFFFFF000  }
0x1e7: {  	[tilespmem:s13], [sflag:$0x7] =	stream.linear.gather [spmem:s28], $0x1000, $0x38;
	[tilespmem:$0x1E290] =	vst v63  }
0x1e8: {  	_ =	swait.ge [sflag:s9], $0x1000  }
0x1e9: {  	[sflag:s9] =	ssyncset.done $0x0  }
0x1ea: {  	s23 =	rddreg [dreg:$0x18];
	[sflag:s9] =	ssyncadd.s32 $0xFFFFF000  }
0x1eb: {  	[tilespmem:s15], [sflag:$0x7] =	stream.linear.gather [spmem:s23], $0x1000, $0x38;
	[tilespmem:$0x1E290] =	vst v63  }
0x1ec: {  	s25 =	simm.s32 $0x0;
	_ =	swait.ge [sflag:s9], $0x1000  }
0x1ed: {  	s0 =	sand.u32 $0x7F, s25;
	[sflag:s9] =	ssyncset.done $0x0  }
0x1ee: {  	s0 =	sor.u32 $0xA100, s0;
	[sflag:s9] =	ssyncadd.s32 $0xFFFFF000  }
0x1ef: {  	s10 =	simm.s32 $0xB2A0;
	v1 =	vld.msk [tilespmem:s0+$0x0 ss:$0x0], $0xffff  }
0x1f0: {  	v2 =	vld [tilespmem:s10+$0xFFFFFFF0];
	_ =	sdelay $0x4  }
0x1f1: {  	v2 =	vmul.f32 v1, v2;
	_ =	sdelay $0x1  }
0x1f2: {  	s30 =	simm.s32 $0xC2A0;
	[tilespmem:s10+$0xFFFFFFF0] =	vst v2  }
0x1f3: {  	v2 =	vld [tilespmem:s30+$0xFFFFFFF0];
	_ =	sdelay $0x4  }
0x1f4: {  	v2 =	vmul.f32 v2, v1;
	_ =	sdelay $0x1  }
0x1f5: {  	[tilespmem:s30+$0xFFFFFFF0] =	vst v2  }
0x1f6: {  	v2 =	vld [tilespmem:s10+$0x0];
	_ =	sdelay $0x4  }
0x1f7: {  	v2 =	vmul.f32 v2, v1;
	_ =	sdelay $0x1  }
0x1f8: {  	[tilespmem:s10+$0x0] =	vst v2  }
0x1f9: {  	v2 =	vld [tilespmem:s30+$0x0];
	_ =	sdelay $0x3  }
0x1fa: {  	s29 =	simm.s32 $0x1  }
0x1fb: {  	s25 =	sand.u32 $0x7F, s29;
	s21 =	simm.s32 $0xC2C0;
	s23 =	simm.s32 $0x2;
	v1 =	vmul.f32 v2, v1  }
.LBB2_14:
0x1fc: {  	s0 =	sor.u32 $0xA100, s25;
	s10 =	sadd.s32 $0x20, s10  }
0x1fd: {  	[tilespmem:s30+$0x0] =	vst v1;
	s25 =	smov.u32 s23;
	s29 =	sadd.s32 $0x1, s23;
	s30 =	smov.u32 s21  }
0x1fe: {  	p0 =	sne.s32 s23, $0x7F;
	v1 =	vld.msk [tilespmem:s0+$0x0 ss:$0x0], $0xffff  }
0x1ff: {  	v2 =	vld [tilespmem:s10+$0xFFFFFFF0];
	_ =	sdelay $0x4  }
0x200: {  	v2 =	vmul.f32 v1, v2;
	_ =	sdelay $0x1  }
0x201: {  	[tilespmem:s10+$0xFFFFFFF0] =	vst v2  }
0x202: {  	v2 =	vld [tilespmem:s21+$0xFFFFFFF0];
	_ =	sdelay $0x4  }
0x203: {  	v2 =	vmul.f32 v2, v1;
	_ =	sdelay $0x1  }
0x204: {  	[tilespmem:s21+$0xFFFFFFF0] =	vst v2  }
0x205: {  	v2 =	vld [tilespmem:s10+$0x0];
	_ =	sdelay $0x4  }
0x206: {  	v2 =	vmul.f32 v2, v1;
	_ =	sdelay $0x1  }
0x207: {  	[tilespmem:s10+$0x0] =	vst v2  }
0x208: {  	v2 =	vld [tilespmem:s21+$0x0];
	_ =	sdelay $0x1  }
.Ltmp6:
0x209: {  	(pc) =	sbr.rel @p0 .LBB2_14-.Ltmp6, $3  }
0x20a: {  	_ =	sdelay $0x1  }
0x20b: {  	v1 =	vmul.f32 v2, v1  }
0x20c: {  	s25 =	sand.u32 $0x7F, s25;
	s23 =	smov.u32 s29;
	s21 =	sadd.s32 $0x20, s21  }
0x20d: {  	s0 =	sor.u32 $0xA100, s25;
	[tilespmem:s30+$0x0] =	vst v1  }
0x20e: {  	s10 =	sadd.s32 $0x20, s10;
	v1 =	vld.msk [tilespmem:s0+$0x0 ss:$0x0], $0xffff  }
0x20f: {  	v2 =	vld [tilespmem:s10+$0xFFFFFFF0];
	_ =	sdelay $0x4  }
0x210: {  	v2 =	vmul.f32 v1, v2;
	_ =	sdelay $0x1  }
0x211: {  	[tilespmem:s10+$0xFFFFFFF0] =	vst v2  }
0x212: {  	v2 =	vld [tilespmem:s21+$0xFFFFFFF0];
	_ =	sdelay $0x4  }
0x213: {  	v2 =	vmul.f32 v2, v1;
	_ =	sdelay $0x1  }
0x214: {  	[tilespmem:s21+$0xFFFFFFF0] =	vst v2  }
0x215: {  	v2 =	vld [tilespmem:s10+$0x0];
	_ =	sdelay $0x4  }
0x216: {  	v2 =	vmul.f32 v2, v1;
	_ =	sdelay $0x1  }
0x217: {  	[tilespmem:s10+$0x0] =	vst v2  }
0x218: {  	v2 =	vld [tilespmem:s21+$0x0];
	_ =	sdelay $0x4  }
0x219: {  	v1 =	vmul.f32 v2, v1;
	_ =	sdelay $0x1  }
0x21a: {  	[tilespmem:s21+$0x0] =	vst v1  }
0x21b: {  	[spmem:s28] =	stream.linear.scatter [tilespmem:s13], [sflag:$0x7], $0x1000, $0x38;
	[tilespmem:$0x1E290] =	vst v63  }
0x21c: {  	_ =	swait.ge [sflag:s9], $0x1000  }
0x21d: {  	[sflag:s9] =	ssyncset.done $0x0  }
0x21e: {  	s21 =	rddreg [dreg:$0x18];
	[sflag:s9] =	ssyncadd.s32 $0xFFFFF000  }
0x21f: {  	[spmem:s21] =	stream.linear.scatter [tilespmem:s15], [sflag:$0x7], $0x1000, $0x38;
	[tilespmem:$0x1E290] =	vst v63  }
0x220: {  	_ =	swait.ge [sflag:s9], $0x1000  }
0x221: {  	[sflag:s9] =	ssyncset.done $0x0  }
0x222: {  	[sflag:s9] =	ssyncadd.s32 $0xFFFFF000  }
0x223: {  	[tilespmem:s13], [sflag:$0x7] =	stream.linear.gather [spmem:s31], $0x1000, $0x38;
	[tilespmem:$0x1E290] =	vst v63  }
0x224: {  	_ =	swait.ge [sflag:s9], $0x1000  }
0x225: {  	[sflag:s9] =	ssyncset.done $0x0  }
0x226: {  	s23 =	rddreg [dreg:$0x1a];
	[sflag:s9] =	ssyncadd.s32 $0xFFFFF000  }
0x227: {  	[tilespmem:s15], [sflag:$0x7] =	stream.linear.gather [spmem:s23], $0x1000, $0x38;
	[tilespmem:$0x1E290] =	vst v63  }
0x228: {  	s25 =	simm.s32 $0x0;
	_ =	swait.ge [sflag:s9], $0x1000  }
0x229: {  	s0 =	sand.u32 $0x7F, s25;
	[sflag:s9] =	ssyncset.done $0x0  }
0x22a: {  	s0 =	sor.u32 $0xA180, s0;
	[sflag:s9] =	ssyncadd.s32 $0xFFFFF000  }
0x22b: {  	s10 =	simm.s32 $0xB2A0;
	v1 =	vld.msk [tilespmem:s0+$0x0 ss:$0x0], $0xffff  }
0x22c: {  	v2 =	vld [tilespmem:s10+$0xFFFFFFF0];
	_ =	sdelay $0x4  }
0x22d: {  	v2 =	vmul.f32 v1, v2;
	_ =	sdelay $0x1  }
0x22e: {  	s30 =	simm.s32 $0xC2A0;
	[tilespmem:s10+$0xFFFFFFF0] =	vst v2  }
0x22f: {  	v2 =	vld [tilespmem:s30+$0xFFFFFFF0];
	_ =	sdelay $0x4  }
0x230: {  	v2 =	vmul.f32 v2, v1;
	_ =	sdelay $0x1  }
0x231: {  	[tilespmem:s30+$0xFFFFFFF0] =	vst v2  }
0x232: {  	v2 =	vld [tilespmem:s10+$0x0];
	_ =	sdelay $0x4  }
0x233: {  	v2 =	vmul.f32 v2, v1;
	_ =	sdelay $0x1  }
0x234: {  	[tilespmem:s10+$0x0] =	vst v2  }
0x235: {  	v2 =	vld [tilespmem:s30+$0x0];
	_ =	sdelay $0x3  }
0x236: {  	s29 =	simm.s32 $0x1  }
0x237: {  	s25 =	sand.u32 $0x7F, s29;
	s21 =	simm.s32 $0xC2C0;
	s23 =	simm.s32 $0x2;
	v1 =	vmul.f32 v2, v1  }
.LBB2_16:
0x238: {  	s0 =	sor.u32 $0xA180, s25;
	s10 =	sadd.s32 $0x20, s10  }
0x239: {  	[tilespmem:s30+$0x0] =	vst v1;
	s25 =	smov.u32 s23;
	s29 =	sadd.s32 $0x1, s23;
	s30 =	smov.u32 s21  }
0x23a: {  	p0 =	sne.s32 s23, $0x7F;
	v1 =	vld.msk [tilespmem:s0+$0x0 ss:$0x0], $0xffff  }
0x23b: {  	v2 =	vld [tilespmem:s10+$0xFFFFFFF0];
	_ =	sdelay $0x4  }
0x23c: {  	v2 =	vmul.f32 v1, v2;
	_ =	sdelay $0x1  }
0x23d: {  	[tilespmem:s10+$0xFFFFFFF0] =	vst v2  }
0x23e: {  	v2 =	vld [tilespmem:s21+$0xFFFFFFF0];
	_ =	sdelay $0x4  }
0x23f: {  	v2 =	vmul.f32 v2, v1;
	_ =	sdelay $0x1  }
0x240: {  	[tilespmem:s21+$0xFFFFFFF0] =	vst v2  }
0x241: {  	v2 =	vld [tilespmem:s10+$0x0];
	_ =	sdelay $0x4  }
0x242: {  	v2 =	vmul.f32 v2, v1;
	_ =	sdelay $0x1  }
0x243: {  	[tilespmem:s10+$0x0] =	vst v2  }
0x244: {  	v2 =	vld [tilespmem:s21+$0x0];
	_ =	sdelay $0x1  }
.Ltmp7:
0x245: {  	(pc) =	sbr.rel @p0 .LBB2_16-.Ltmp7, $3  }
0x246: {  	_ =	sdelay $0x1  }
0x247: {  	v1 =	vmul.f32 v2, v1  }
0x248: {  	s25 =	sand.u32 $0x7F, s25;
	s23 =	smov.u32 s29;
	s21 =	sadd.s32 $0x20, s21  }
0x249: {  	s0 =	sor.u32 $0xA180, s25;
	[tilespmem:s30+$0x0] =	vst v1  }
0x24a: {  	s10 =	sadd.s32 $0x20, s10;
	v1 =	vld.msk [tilespmem:s0+$0x0 ss:$0x0], $0xffff  }
0x24b: {  	v2 =	vld [tilespmem:s10+$0xFFFFFFF0];
	_ =	sdelay $0x4  }
0x24c: {  	v2 =	vmul.f32 v1, v2;
	_ =	sdelay $0x1  }
0x24d: {  	[tilespmem:s10+$0xFFFFFFF0] =	vst v2  }
0x24e: {  	v2 =	vld [tilespmem:s21+$0xFFFFFFF0];
	_ =	sdelay $0x4  }
0x24f: {  	v2 =	vmul.f32 v2, v1;
	_ =	sdelay $0x1  }
0x250: {  	[tilespmem:s21+$0xFFFFFFF0] =	vst v2  }
0x251: {  	v2 =	vld [tilespmem:s10+$0x0];
	_ =	sdelay $0x4  }
0x252: {  	v2 =	vmul.f32 v2, v1;
	_ =	sdelay $0x1  }
0x253: {  	[tilespmem:s10+$0x0] =	vst v2  }
0x254: {  	v2 =	vld [tilespmem:s21+$0x0];
	_ =	sdelay $0x4  }
0x255: {  	v1 =	vmul.f32 v2, v1;
	_ =	sdelay $0x1  }
0x256: {  	[tilespmem:s21+$0x0] =	vst v1  }
0x257: {  	[spmem:s31] =	stream.linear.scatter [tilespmem:s13], [sflag:$0x7], $0x1000, $0x38;
	[tilespmem:$0x1E290] =	vst v63  }
0x258: {  	_ =	swait.ge [sflag:s9], $0x1000  }
0x259: {  	[sflag:s9] =	ssyncset.done $0x0  }
0x25a: {  	s21 =	rddreg [dreg:$0x1a];
	[sflag:s9] =	ssyncadd.s32 $0xFFFFF000  }
0x25b: {  	[spmem:s21] =	stream.linear.scatter [tilespmem:s15], [sflag:$0x7], $0x1000, $0x38;
	[tilespmem:$0x1E290] =	vst v63  }
0x25c: {  	_ =	swait.ge [sflag:s9], $0x1000  }
0x25d: {  	[sflag:s9] =	ssyncset.done $0x0  }
0x25e: {  	[sflag:s9] =	ssyncadd.s32 $0xFFFFF000  }
0x25f: {  	[tilespmem:s13], [sflag:$0x7] =	stream.linear.gather [spmem:s5], $0x1000, $0x38;
	[tilespmem:$0x1E290] =	vst v63  }
0x260: {  	_ =	swait.ge [sflag:s9], $0x1000  }
0x261: {  	[sflag:s9] =	ssyncset.done $0x0  }
0x262: {  	s23 =	rddreg [dreg:$0x1c];
	[sflag:s9] =	ssyncadd.s32 $0xFFFFF000  }
0x263: {  	[tilespmem:s15], [sflag:$0x7] =	stream.linear.gather [spmem:s23], $0x1000, $0x38;
	[tilespmem:$0x1E290] =	vst v63  }
0x264: {  	s25 =	simm.s32 $0x0;
	_ =	swait.ge [sflag:s9], $0x1000  }
0x265: {  	s0 =	sand.u32 $0x7F, s25;
	[sflag:s9] =	ssyncset.done $0x0  }
0x266: {  	s0 =	sor.u32 $0xA200, s0;
	[sflag:s9] =	ssyncadd.s32 $0xFFFFF000  }
0x267: {  	s10 =	simm.s32 $0xB2A0;
	v1 =	vld.msk [tilespmem:s0+$0x0 ss:$0x0], $0xffff  }
0x268: {  	v2 =	vld [tilespmem:s10+$0xFFFFFFF0];
	_ =	sdelay $0x4  }
0x269: {  	v2 =	vmul.f32 v1, v2;
	_ =	sdelay $0x1  }
0x26a: {  	s30 =	simm.s32 $0xC2A0;
	[tilespmem:s10+$0xFFFFFFF0] =	vst v2  }
0x26b: {  	v2 =	vld [tilespmem:s30+$0xFFFFFFF0];
	_ =	sdelay $0x4  }
0x26c: {  	v2 =	vmul.f32 v2, v1;
	_ =	sdelay $0x1  }
0x26d: {  	[tilespmem:s30+$0xFFFFFFF0] =	vst v2  }
0x26e: {  	v2 =	vld [tilespmem:s10+$0x0];
	_ =	sdelay $0x4  }
0x26f: {  	v2 =	vmul.f32 v2, v1;
	_ =	sdelay $0x1  }
0x270: {  	[tilespmem:s10+$0x0] =	vst v2  }
0x271: {  	v2 =	vld [tilespmem:s30+$0x0];
	_ =	sdelay $0x3  }
0x272: {  	s29 =	simm.s32 $0x1  }
0x273: {  	s25 =	sand.u32 $0x7F, s29;
	s21 =	simm.s32 $0xC2C0;
	s23 =	simm.s32 $0x2;
	v1 =	vmul.f32 v2, v1  }
.LBB2_18:
0x274: {  	s0 =	sor.u32 $0xA200, s25;
	s10 =	sadd.s32 $0x20, s10  }
0x275: {  	[tilespmem:s30+$0x0] =	vst v1;
	s25 =	smov.u32 s23;
	s29 =	sadd.s32 $0x1, s23;
	s30 =	smov.u32 s21  }
0x276: {  	p0 =	sne.s32 s23, $0x7F;
	v1 =	vld.msk [tilespmem:s0+$0x0 ss:$0x0], $0xffff  }
0x277: {  	v2 =	vld [tilespmem:s10+$0xFFFFFFF0];
	_ =	sdelay $0x4  }
0x278: {  	v2 =	vmul.f32 v1, v2;
	_ =	sdelay $0x1  }
0x279: {  	[tilespmem:s10+$0xFFFFFFF0] =	vst v2  }
0x27a: {  	v2 =	vld [tilespmem:s21+$0xFFFFFFF0];
	_ =	sdelay $0x4  }
0x27b: {  	v2 =	vmul.f32 v2, v1;
	_ =	sdelay $0x1  }
0x27c: {  	[tilespmem:s21+$0xFFFFFFF0] =	vst v2  }
0x27d: {  	v2 =	vld [tilespmem:s10+$0x0];
	_ =	sdelay $0x4  }
0x27e: {  	v2 =	vmul.f32 v2, v1;
	_ =	sdelay $0x1  }
0x27f: {  	[tilespmem:s10+$0x0] =	vst v2  }
0x280: {  	v2 =	vld [tilespmem:s21+$0x0];
	_ =	sdelay $0x1  }
.Ltmp8:
0x281: {  	(pc) =	sbr.rel @p0 .LBB2_18-.Ltmp8, $3  }
0x282: {  	_ =	sdelay $0x1  }
0x283: {  	v1 =	vmul.f32 v2, v1  }
0x284: {  	s25 =	sand.u32 $0x7F, s25;
	s23 =	smov.u32 s29;
	s21 =	sadd.s32 $0x20, s21  }
0x285: {  	s0 =	sor.u32 $0xA200, s25;
	[tilespmem:s30+$0x0] =	vst v1  }
0x286: {  	s10 =	sadd.s32 $0x20, s10;
	v1 =	vld.msk [tilespmem:s0+$0x0 ss:$0x0], $0xffff  }
0x287: {  	v2 =	vld [tilespmem:s10+$0xFFFFFFF0];
	_ =	sdelay $0x4  }
0x288: {  	v2 =	vmul.f32 v1, v2;
	_ =	sdelay $0x1  }
0x289: {  	[tilespmem:s10+$0xFFFFFFF0] =	vst v2  }
0x28a: {  	v2 =	vld [tilespmem:s21+$0xFFFFFFF0];
	_ =	sdelay $0x4  }
0x28b: {  	v2 =	vmul.f32 v2, v1;
	_ =	sdelay $0x1  }
0x28c: {  	[tilespmem:s21+$0xFFFFFFF0] =	vst v2  }
0x28d: {  	v2 =	vld [tilespmem:s10+$0x0];
	_ =	sdelay $0x4  }
0x28e: {  	v2 =	vmul.f32 v2, v1;
	_ =	sdelay $0x1  }
0x28f: {  	[tilespmem:s10+$0x0] =	vst v2  }
0x290: {  	v2 =	vld [tilespmem:s21+$0x0];
	_ =	sdelay $0x4  }
0x291: {  	v1 =	vmul.f32 v2, v1;
	_ =	sdelay $0x1  }
0x292: {  	[tilespmem:s21+$0x0] =	vst v1  }
0x293: {  	[spmem:s5] =	stream.linear.scatter [tilespmem:s13], [sflag:$0x7], $0x1000, $0x38;
	[tilespmem:$0x1E290] =	vst v63  }
0x294: {  	_ =	swait.ge [sflag:s9], $0x1000  }
0x295: {  	[sflag:s9] =	ssyncset.done $0x0  }
0x296: {  	s30 =	rddreg [dreg:$0x1c];
	[sflag:s9] =	ssyncadd.s32 $0xFFFFF000  }
0x297: {  	[spmem:s30] =	stream.linear.scatter [tilespmem:s15], [sflag:$0x7], $0x1000, $0x38;
	[tilespmem:$0x1E290] =	vst v63  }
0x298: {  	_ =	swait.ge [sflag:s9], $0x1000  }
0x299: {  	[sflag:s9] =	ssyncset.done $0x0  }
0x29a: {  	s10 =	simm.s32 $0x80;
	s21 =	simm.s32 $0x0;
	[sflag:s9] =	ssyncadd.s32 $0xFFFFF000  }
.LBB2_20:
0x29b: {  	p0 =	sne.s32 s10, $0x3F80;
	[tilespmem:s21+$0xA290] =	vst v0;
	s0 =	smov.u32 s10;
	s10 =	sadd.s32 $0x80, s10  }
.Ltmp9:
0x29c: {  	[tilespmem:s21+$0xA2A0] =	vst v0;
	(pc) =	sbr.rel @p0 .LBB2_20-.Ltmp9, $2  }
0x29d: {  	_ =	sdelay $0x2  }
0x29e: {  	s21 =	sshra.s32 s0, $0x2  }
0x29f: {  	[tilespmem:s21+$0xA290] =	vst v0  }
0x2a0: {  	[tilespmem:s21+$0xA2A0] =	vst v0;
	s23 =	rddreg [dreg:$0x15]  }
0x2a1: {  	[spmem:s23] =	stream.linear.scatter [tilespmem:s11], [sflag:$0x7], $0x1000, $0x38;
	[tilespmem:$0x1E290] =	vst v63  }
0x2a2: {  	_ =	swait.ge [sflag:s9], $0x1000  }
0x2a3: {  	[sflag:s9] =	ssyncset.done $0x0  }
0x2a4: {  	s25 =	rddreg [dreg:$0x17];
	[sflag:s9] =	ssyncadd.s32 $0xFFFFF000  }
0x2a5: {  	[spmem:s25] =	stream.linear.scatter [tilespmem:s11], [sflag:$0x7], $0x1000, $0x38;
	[tilespmem:$0x1E290] =	vst v63  }
0x2a6: {  	_ =	swait.ge [sflag:s9], $0x1000  }
0x2a7: {  	[sflag:s9] =	ssyncset.done $0x0  }
0x2a8: {  	s30 =	rddreg [dreg:$0x19];
	[sflag:s9] =	ssyncadd.s32 $0xFFFFF000  }
0x2a9: {  	[spmem:s30] =	stream.linear.scatter [tilespmem:s11], [sflag:$0x7], $0x1000, $0x38;
	[tilespmem:$0x1E290] =	vst v63  }
0x2aa: {  	_ =	swait.ge [sflag:s9], $0x1000  }
0x2ab: {  	[sflag:s9] =	ssyncset.done $0x0  }
0x2ac: {  	s0 =	rddreg [dreg:$0x1b];
	[sflag:s9] =	ssyncadd.s32 $0xFFFFF000  }
0x2ad: {  	[spmem:s0] =	stream.linear.scatter [tilespmem:s11], [sflag:$0x7], $0x1000, $0x38;
	[tilespmem:$0x1E290] =	vst v63  }
0x2ae: {  	_ =	swait.ge [sflag:s9], $0x1000  }
0x2af: {  	[sflag:s9] =	ssyncset.done $0x0  }
0x2b0: {  	s21 =	rddreg [dreg:$0x1d];
	[sflag:s9] =	ssyncadd.s32 $0xFFFFF000  }
0x2b1: {  	[spmem:s21] =	stream.linear.scatter [tilespmem:s11], [sflag:$0x7], $0x1000, $0x38;
	[tilespmem:$0x1E290] =	vst v63  }
0x2b2: {  	_ =	swait.ge [sflag:s9], $0x1000  }
0x2b3: {  	[sflag:s9] =	ssyncset.done $0x0  }
0x2b4: {  	[sflag:s9] =	ssyncadd.s32 $0xFFFFF000  }
0x2b5: {  	s10 =	simm.s32 $0x0;
	[bflag:$0x0] =	sbarrier.arrive $0xFFFF  }
0x2b6: {  	[tilespmem:s11], [sflag:$0x1] =	stream.indirect.gather [spmem:s3], $0x20, s10, s12, $0xb8;
	[tilespmem:$0x1E290] =	vst v63  }
0x2b7: {  	_ = 	snop  }
0x2b8: {  	[tilespmem:s13], [sflag:$0x2] =	stream.indirect.gather [spmem:s3], $0x20, s12, s12, $0xb8;
	[tilespmem:$0x1E290] =	vst v63  }
0x2b9: {  	s21 =	simm.s32 $0x100  }
0x2ba: {  	[tilespmem:s15], [sflag:$0x3] =	stream.indirect.gather [spmem:s3], $0x20, s21, s12, $0xb8;
	[tilespmem:$0x1E290] =	vst v63  }
0x2bb: {  	s10 =	simm.s32 $0x180  }
0x2bc: {  	[tilespmem:s18], [sflag:$0x4] =	stream.indirect.gather [spmem:s3], $0x20, s10, s12, $0xb8;
	[tilespmem:$0x1E290] =	vst v63  }
0x2bd: {  	s21 =	simm.s32 $0x200  }
0x2be: {  	[tilespmem:s20], [sflag:$0x5] =	stream.indirect.gather [spmem:s3], $0x20, s21, s12, $0xb8;
	[tilespmem:$0x1E290] =	vst v63  }
0x2bf: {  	_ =	swait.ge [sflag:s8], $0x1000  }
0x2c0: {  	[sflag:s8] =	ssyncset.done $0x0  }
0x2c1: {  	s10 =	simm.s32 $0x5000;
	[sflag:s8] =	ssyncadd.s32 $0xFFFFF000  }
0x2c2: {  	[spmem:s2] =	stream.indirect.scatter.add.f32 [tilespmem:s11], [sflag:$0x6], $0x20, s10, s12, $0xb8;
	[tilespmem:$0x1E290] =	vst v63  }
0x2c3: {  	_ =	swait.ge [sflag:s26], $0x1000  }
0x2c4: {  	[sflag:s26] =	ssyncset.done $0x0  }
0x2c5: {  	s21 =	simm.s32 $0x5080;
	[sflag:s26] =	ssyncadd.s32 $0xFFFFF000  }
0x2c6: {  	[spmem:s2] =	stream.indirect.scatter.add.f32 [tilespmem:s13], [sflag:$0x6], $0x20, s21, s12, $0xb8;
	[tilespmem:$0x1E290] =	vst v63  }
0x2c7: {  	_ =	swait.ge [sflag:s14], $0x1000  }
0x2c8: {  	[sflag:s14] =	ssyncset.done $0x0  }
0x2c9: {  	s10 =	simm.s32 $0x5100;
	[sflag:s14] =	ssyncadd.s32 $0xFFFFF000  }
0x2ca: {  	[spmem:s2] =	stream.indirect.scatter.add.f32 [tilespmem:s15], [sflag:$0x6], $0x20, s10, s12, $0xb8;
	[tilespmem:$0x1E290] =	vst v63  }
0x2cb: {  	_ =	swait.ge [sflag:s17], $0x1000  }
0x2cc: {  	[sflag:s17] =	ssyncset.done $0x0  }
0x2cd: {  	s21 =	simm.s32 $0x5180;
	[sflag:s17] =	ssyncadd.s32 $0xFFFFF000  }
0x2ce: {  	[spmem:s2] =	stream.indirect.scatter.add.f32 [tilespmem:s18], [sflag:$0x6], $0x20, s21, s12, $0xb8;
	[tilespmem:$0x1E290] =	vst v63  }
0x2cf: {  	_ =	swait.ge [sflag:s7], $0x1000  }
0x2d0: {  	[sflag:s7] =	ssyncset.done $0x0  }
0x2d1: {  	s10 =	simm.s32 $0x5200;
	[sflag:s7] =	ssyncadd.s32 $0xFFFFF000  }
0x2d2: {  	[spmem:s2] =	stream.indirect.scatter.add.f32 [tilespmem:s20], [sflag:$0x6], $0x20, s10, s12, $0xb8;
	[tilespmem:$0x1E290] =	vst v63  }
0x2d3: {  	_ =	swait.ge [sflag:s1], $0x1000  }
0x2d4: {  	[sflag:s1] =	ssyncset.done $0x0  }
0x2d5: {  	[sflag:s1] =	ssyncadd.s32 $0xFFFFF000  }
0x2d6: {  	_ =	swait.ge [sflag:s1], $0x1000  }
0x2d7: {  	[sflag:s1] =	ssyncset.done $0x0  }
0x2d8: {  	[sflag:s1] =	ssyncadd.s32 $0xFFFFF000  }
0x2d9: {  	_ =	swait.ge [sflag:s1], $0x1000  }
0x2da: {  	[sflag:s1] =	ssyncset.done $0x0  }
0x2db: {  	[sflag:s1] =	ssyncadd.s32 $0xFFFFF000  }
0x2dc: {  	_ =	swait.ge [sflag:s1], $0x1000  }
0x2dd: {  	[sflag:s1] =	ssyncset.done $0x0  }
0x2de: {  	[sflag:s1] =	ssyncadd.s32 $0xFFFFF000  }
0x2df: {  	_ =	swait.ge [sflag:s1], $0x1000  }
0x2e0: {  	[sflag:s1] =	ssyncset.done $0x0  }
0x2e1: {  	s21 =	simm.s32 $0x280;
	[sflag:s1] =	ssyncadd.s32 $0xFFFFF000  }
0x2e2: {  	[tilespmem:s11], [sflag:$0x1] =	stream.indirect.gather [spmem:s3], $0x20, s21, s12, $0xb8;
	[tilespmem:$0x1E290] =	vst v63  }
0x2e3: {  	s10 =	simm.s32 $0x300  }
0x2e4: {  	[tilespmem:s13], [sflag:$0x2] =	stream.indirect.gather [spmem:s3], $0x20, s10, s12, $0xb8;
	[tilespmem:$0x1E290] =	vst v63  }
0x2e5: {  	s21 =	simm.s32 $0x380  }
0x2e6: {  	[tilespmem:s15], [sflag:$0x3] =	stream.indirect.gather [spmem:s3], $0x20, s21, s12, $0xb8;
	[tilespmem:$0x1E290] =	vst v63  }
0x2e7: {  	s10 =	simm.s32 $0x400  }
0x2e8: {  	[tilespmem:s18], [sflag:$0x4] =	stream.indirect.gather [spmem:s3], $0x20, s10, s12, $0xb8;
	[tilespmem:$0x1E290] =	vst v63  }
0x2e9: {  	s21 =	simm.s32 $0x480  }
0x2ea: {  	[tilespmem:s20], [sflag:$0x5] =	stream.indirect.gather [spmem:s3], $0x20, s21, s12, $0xb8;
	[tilespmem:$0x1E290] =	vst v63  }
0x2eb: {  	_ =	swait.ge [sflag:s8], $0x1000  }
0x2ec: {  	[sflag:s8] =	ssyncset.done $0x0  }
0x2ed: {  	s10 =	simm.s32 $0x5280;
	[sflag:s8] =	ssyncadd.s32 $0xFFFFF000  }
0x2ee: {  	[spmem:s2] =	stream.indirect.scatter.add.f32 [tilespmem:s11], [sflag:$0x6], $0x20, s10, s12, $0xb8;
	[tilespmem:$0x1E290] =	vst v63  }
0x2ef: {  	_ =	swait.ge [sflag:s26], $0x1000  }
0x2f0: {  	[sflag:s26] =	ssyncset.done $0x0  }
0x2f1: {  	s21 =	simm.s32 $0x5300;
	[sflag:s26] =	ssyncadd.s32 $0xFFFFF000  }
0x2f2: {  	[spmem:s2] =	stream.indirect.scatter.add.f32 [tilespmem:s13], [sflag:$0x6], $0x20, s21, s12, $0xb8;
	[tilespmem:$0x1E290] =	vst v63  }
0x2f3: {  	_ =	swait.ge [sflag:s14], $0x1000  }
0x2f4: {  	[sflag:s14] =	ssyncset.done $0x0  }
0x2f5: {  	s10 =	simm.s32 $0x5380;
	[sflag:s14] =	ssyncadd.s32 $0xFFFFF000  }
0x2f6: {  	[spmem:s2] =	stream.indirect.scatter.add.f32 [tilespmem:s15], [sflag:$0x6], $0x20, s10, s12, $0xb8;
	[tilespmem:$0x1E290] =	vst v63  }
0x2f7: {  	_ =	swait.ge [sflag:s17], $0x1000  }
0x2f8: {  	[sflag:s17] =	ssyncset.done $0x0  }
0x2f9: {  	s21 =	simm.s32 $0x5400;
	[sflag:s17] =	ssyncadd.s32 $0xFFFFF000  }
0x2fa: {  	[spmem:s2] =	stream.indirect.scatter.add.f32 [tilespmem:s18], [sflag:$0x6], $0x20, s21, s12, $0xb8;
	[tilespmem:$0x1E290] =	vst v63  }
0x2fb: {  	_ =	swait.ge [sflag:s7], $0x1000  }
0x2fc: {  	s29 =	smov.u32 s6;
	[sflag:s7] =	ssyncset.done $0x0  }
0x2fd: {  	s10 =	simm.s32 $0xA00;
	s21 =	simm.s32 $0x5480;
	[sflag:s7] =	ssyncadd.s32 $0xFFFFF000  }
.LBB2_22:
0x2fe: {  	[spmem:s2] =	stream.indirect.scatter.add.f32 [tilespmem:s20], [sflag:$0x6], $0x20, s21, s12, $0xb8;
	[tilespmem:$0x1E290] =	vst v63  }
0x2ff: {  	s0 =	smov.u32 s10  }
0x300: {  	p0 =	sne.s32 s10, $0x12C00;
	s10 =	sadd.s32 $0xA00, s10;
	_ =	swait.ge [sflag:s1], $0x1000  }
0x301: {  	[sflag:s1] =	ssyncset.done $0x0  }
0x302: {  	[sflag:s1] =	ssyncadd.s32 $0xFFFFF000  }
0x303: {  	_ =	swait.ge [sflag:s1], $0x1000  }
0x304: {  	[sflag:s1] =	ssyncset.done $0x0  }
0x305: {  	[sflag:s1] =	ssyncadd.s32 $0xFFFFF000  }
0x306: {  	_ =	swait.ge [sflag:s1], $0x1000  }
0x307: {  	[sflag:s1] =	ssyncset.done $0x0  }
0x308: {  	[sflag:s1] =	ssyncadd.s32 $0xFFFFF000  }
0x309: {  	_ =	swait.ge [sflag:s1], $0x1000  }
0x30a: {  	[sflag:s1] =	ssyncset.done $0x0  }
0x30b: {  	[sflag:s1] =	ssyncadd.s32 $0xFFFFF000  }
0x30c: {  	_ =	swait.ge [sflag:s1], $0x1000  }
0x30d: {  	s21 =	sshra.s32 s0, $0x2;
	[sflag:s1] =	ssyncset.done $0x0  }
0x30e: {  	s0 =	sadd.s32 $0x280, s21;
	[sflag:s1] =	ssyncadd.s32 $0xFFFFF000  }
0x30f: {  	[tilespmem:s11], [sflag:$0x1] =	stream.indirect.gather [spmem:s3], $0x20, s0, s12, $0xb8;
	[tilespmem:$0x1E290] =	vst v63  }
0x310: {  	s0 =	sadd.s32 $0x300, s21  }
0x311: {  	[tilespmem:s13], [sflag:$0x2] =	stream.indirect.gather [spmem:s3], $0x20, s0, s12, $0xb8;
	[tilespmem:$0x1E290] =	vst v63  }
0x312: {  	s0 =	sadd.s32 $0x380, s21  }
0x313: {  	[tilespmem:s15], [sflag:$0x3] =	stream.indirect.gather [spmem:s3], $0x20, s0, s12, $0xb8;
	[tilespmem:$0x1E290] =	vst v63  }
0x314: {  	s0 =	sadd.s32 $0x400, s21  }
0x315: {  	[tilespmem:s18], [sflag:$0x4] =	stream.indirect.gather [spmem:s3], $0x20, s0, s12, $0xb8;
	[tilespmem:$0x1E290] =	vst v63  }
0x316: {  	s0 =	sadd.s32 $0x480, s21  }
0x317: {  	[tilespmem:s20], [sflag:$0x5] =	stream.indirect.gather [spmem:s3], $0x20, s0, s12, $0xb8;
	[tilespmem:$0x1E290] =	vst v63  }
0x318: {  	_ =	swait.ge [sflag:s8], $0x1000  }
0x319: {  	[sflag:s8] =	ssyncset.done $0x0  }
0x31a: {  	s0 =	sadd.s32 $0x5280, s21;
	[sflag:s8] =	ssyncadd.s32 $0xFFFFF000  }
0x31b: {  	[spmem:s2] =	stream.indirect.scatter.add.f32 [tilespmem:s11], [sflag:$0x6], $0x20, s0, s12, $0xb8;
	[tilespmem:$0x1E290] =	vst v63  }
0x31c: {  	_ =	swait.ge [sflag:s26], $0x1000  }
0x31d: {  	[sflag:s26] =	ssyncset.done $0x0  }
0x31e: {  	s0 =	sadd.s32 $0x5300, s21;
	[sflag:s26] =	ssyncadd.s32 $0xFFFFF000  }
0x31f: {  	[spmem:s2] =	stream.indirect.scatter.add.f32 [tilespmem:s13], [sflag:$0x6], $0x20, s0, s12, $0xb8;
	[tilespmem:$0x1E290] =	vst v63  }
0x320: {  	_ =	swait.ge [sflag:s14], $0x1000  }
0x321: {  	[sflag:s14] =	ssyncset.done $0x0  }
0x322: {  	s0 =	sadd.s32 $0x5380, s21;
	[sflag:s14] =	ssyncadd.s32 $0xFFFFF000  }
0x323: {  	[spmem:s2] =	stream.indirect.scatter.add.f32 [tilespmem:s15], [sflag:$0x6], $0x20, s0, s12, $0xb8;
	[tilespmem:$0x1E290] =	vst v63  }
0x324: {  	_ =	swait.ge [sflag:s17], $0x1000  }
0x325: {  	[sflag:s17] =	ssyncset.done $0x0  }
.Ltmp10:
0x326: {  	s0 =	sadd.s32 $0x5400, s21;
	[sflag:s17] =	ssyncadd.s32 $0xFFFFF000;
	(pc) =	sbr.rel @p0 .LBB2_22-.Ltmp10, $4  }
0x327: {  	[spmem:s2] =	stream.indirect.scatter.add.f32 [tilespmem:s18], [sflag:$0x6], $0x20, s0, s12, $0xb8;
	[tilespmem:$0x1E290] =	vst v63  }
0x328: {  	_ =	swait.ge [sflag:s7], $0x1000  }
0x329: {  	[sflag:s7] =	ssyncset.done $0x0  }
0x32a: {  	s21 =	sadd.s32 $0x5480, s21;
	[sflag:s7] =	ssyncadd.s32 $0xFFFFF000  }
0x32b: {  	[spmem:s2] =	stream.indirect.scatter.add.f32 [tilespmem:s20], [sflag:$0x6], $0x20, s21, s12, $0xb8;
	[tilespmem:$0x1E290] =	vst v63  }
0x32c: {  	_ =	swait.ge [sflag:s1], $0x1000  }
0x32d: {  	[sflag:s1] =	ssyncset.done $0x0  }
0x32e: {  	[sflag:s1] =	ssyncadd.s32 $0xFFFFF000  }
0x32f: {  	_ =	swait.ge [sflag:s1], $0x1000  }
0x330: {  	[sflag:s1] =	ssyncset.done $0x0  }
0x331: {  	[sflag:s1] =	ssyncadd.s32 $0xFFFFF000  }
0x332: {  	_ =	swait.ge [sflag:s1], $0x1000  }
0x333: {  	[sflag:s1] =	ssyncset.done $0x0  }
0x334: {  	[sflag:s1] =	ssyncadd.s32 $0xFFFFF000  }
0x335: {  	_ =	swait.ge [sflag:s1], $0x1000  }
0x336: {  	[sflag:s1] =	ssyncset.done $0x0  }
0x337: {  	[sflag:s1] =	ssyncadd.s32 $0xFFFFF000  }
0x338: {  	_ =	swait.ge [sflag:s1], $0x1000  }
0x339: {  	[sflag:s1] =	ssyncset.done $0x0  }
0x33a: {  	[sflag:s1] =	ssyncadd.s32 $0xFFFFF000  }
0x33b: {  	[bflag:$0x0] =	sbarrier.arrive $0xFFFF  }
0x33c: {  	[tilespmem:s11], [sflag:$0x7] =	stream.linear.gather [spmem:s23], $0x1000, $0x38;
	[tilespmem:$0x1E290] =	vst v63  }
0x33d: {  	_ =	swait.ge [sflag:s9], $0x1000  }
0x33e: {  	[sflag:s9] =	ssyncset.done $0x0  }
0x33f: {  	s0 =	simm.s32 $0x0;
	s10 =	rddreg [dreg:$0x9];
	[sflag:s9] =	ssyncadd.s32 $0xFFFFF000  }
0x340: {  	[hbm4b:s10+s0] =	stream.linear.scatter [tilespmem:s11], [sflag:$0x7], $0x1000, $0x38;
	[tilespmem:$0x1E290] =	vst v63  }
0x341: {  	_ =	swait.ge [sflag:s9], $0x1000  }
0x342: {  	[sflag:s9] =	ssyncset.done $0x0  }
0x343: {  	[sflag:s9] =	ssyncadd.s32 $0xFFFFF000  }
0x344: {  	[tilespmem:s11], [sflag:$0x7] =	stream.linear.gather [spmem:s25], $0x1000, $0x38;
	[tilespmem:$0x1E290] =	vst v63  }
0x345: {  	_ =	swait.ge [sflag:s9], $0x1000  }
0x346: {  	[sflag:s9] =	ssyncset.done $0x0  }
0x347: {  	s25 =	rddreg [dreg:$0xa];
	[sflag:s9] =	ssyncadd.s32 $0xFFFFF000  }
0x348: {  	[hbm4b:s25+s0] =	stream.linear.scatter [tilespmem:s11], [sflag:$0x7], $0x1000, $0x38;
	[tilespmem:$0x1E290] =	vst v63  }
0x349: {  	_ =	swait.ge [sflag:s9], $0x1000  }
0x34a: {  	[sflag:s9] =	ssyncset.done $0x0  }
0x34b: {  	[sflag:s9] =	ssyncadd.s32 $0xFFFFF000  }
0x34c: {  	[tilespmem:s11], [sflag:$0x7] =	stream.linear.gather [spmem:s30], $0x1000, $0x38;
	[tilespmem:$0x1E290] =	vst v63  }
0x34d: {  	_ =	swait.ge [sflag:s9], $0x1000  }
0x34e: {  	[sflag:s9] =	ssyncset.done $0x0  }
0x34f: {  	s6 =	rddreg [dreg:$0xb];
	[sflag:s9] =	ssyncadd.s32 $0xFFFFF000  }
0x350: {  	[hbm4b:s6+s0] =	stream.linear.scatter [tilespmem:s11], [sflag:$0x7], $0x1000, $0x38;
	[tilespmem:$0x1E290] =	vst v63  }
0x351: {  	_ =	swait.ge [sflag:s9], $0x1000  }
0x352: {  	[sflag:s9] =	ssyncset.done $0x0  }
0x353: {  	s6 =	rddreg [dreg:$0x1b];
	[sflag:s9] =	ssyncadd.s32 $0xFFFFF000  }
0x354: {  	[tilespmem:s11], [sflag:$0x7] =	stream.linear.gather [spmem:s6], $0x1000, $0x38;
	[tilespmem:$0x1E290] =	vst v63  }
0x355: {  	_ =	swait.ge [sflag:s9], $0x1000  }
0x356: {  	[sflag:s9] =	ssyncset.done $0x0  }
0x357: {  	s21 =	rddreg [dreg:$0xc];
	[sflag:s9] =	ssyncadd.s32 $0xFFFFF000  }
0x358: {  	[hbm4b:s21+s0] =	stream.linear.scatter [tilespmem:s11], [sflag:$0x7], $0x1000, $0x38;
	[tilespmem:$0x1E290] =	vst v63  }
0x359: {  	_ =	swait.ge [sflag:s9], $0x1000  }
0x35a: {  	[sflag:s9] =	ssyncset.done $0x0  }
0x35b: {  	s25 =	rddreg [dreg:$0x1d];
	[sflag:s9] =	ssyncadd.s32 $0xFFFFF000  }
0x35c: {  	[tilespmem:s11], [sflag:$0x7] =	stream.linear.gather [spmem:s25], $0x1000, $0x38;
	[tilespmem:$0x1E290] =	vst v63  }
0x35d: {  	_ =	swait.ge [sflag:s9], $0x1000  }
0x35e: {  	[sflag:s9] =	ssyncset.done $0x0  }
0x35f: {  	s30 =	rddreg [dreg:$0xd];
	[sflag:s9] =	ssyncadd.s32 $0xFFFFF000  }
0x360: {  	[hbm4b:s30+s0] =	stream.linear.scatter [tilespmem:s11], [sflag:$0x7], $0x1000, $0x38;
	[tilespmem:$0x1E290] =	vst v63  }
0x361: {  	_ =	swait.ge [sflag:s9], $0x1000  }
0x362: {  	[sflag:s9] =	ssyncset.done $0x0  }
0x363: {  	s10 =	simm.s32 $0x80;
	s21 =	simm.s32 $0x0;
	[sflag:s9] =	ssyncadd.s32 $0xFFFFF000  }
.LBB2_24:
0x364: {  	p0 =	sne.s32 s10, $0x3F80;
	[tilespmem:s21+$0xA290] =	vst v0;
	s0 =	smov.u32 s10;
	s10 =	sadd.s32 $0x80, s10  }
.Ltmp11:
0x365: {  	[tilespmem:s21+$0xA2A0] =	vst v0;
	(pc) =	sbr.rel @p0 .LBB2_24-.Ltmp11, $2  }
0x366: {  	_ =	sdelay $0x2  }
0x367: {  	s21 =	sshra.s32 s0, $0x2  }
0x368: {  	[tilespmem:s21+$0xA290] =	vst v0  }
0x369: {  	[tilespmem:s21+$0xA2A0] =	vst v0  }
0x36a: {  	[spmem:s22] =	stream.linear.scatter [tilespmem:s11], [sflag:$0x7], $0x1000, $0x38;
	[tilespmem:$0x1E290] =	vst v63  }
0x36b: {  	_ =	swait.ge [sflag:s9], $0x1000  }
0x36c: {  	[sflag:s9] =	ssyncset.done $0x0  }
0x36d: {  	[sflag:s9] =	ssyncadd.s32 $0xFFFFF000  }
0x36e: {  	[spmem:s24] =	stream.linear.scatter [tilespmem:s11], [sflag:$0x7], $0x1000, $0x38;
	[tilespmem:$0x1E290] =	vst v63  }
0x36f: {  	_ =	swait.ge [sflag:s9], $0x1000  }
0x370: {  	[sflag:s9] =	ssyncset.done $0x0  }
0x371: {  	[sflag:s9] =	ssyncadd.s32 $0xFFFFF000  }
0x372: {  	[spmem:s28] =	stream.linear.scatter [tilespmem:s11], [sflag:$0x7], $0x1000, $0x38;
	[tilespmem:$0x1E290] =	vst v63  }
0x373: {  	_ =	swait.ge [sflag:s9], $0x1000  }
0x374: {  	[sflag:s9] =	ssyncset.done $0x0  }
0x375: {  	[sflag:s9] =	ssyncadd.s32 $0xFFFFF000  }
0x376: {  	[spmem:s31] =	stream.linear.scatter [tilespmem:s11], [sflag:$0x7], $0x1000, $0x38;
	[tilespmem:$0x1E290] =	vst v63  }
0x377: {  	_ =	swait.ge [sflag:s9], $0x1000  }
0x378: {  	[sflag:s9] =	ssyncset.done $0x0  }
0x379: {  	[sflag:s9] =	ssyncadd.s32 $0xFFFFF000  }
0x37a: {  	[spmem:s5] =	stream.linear.scatter [tilespmem:s11], [sflag:$0x7], $0x1000, $0x38;
	[tilespmem:$0x1E290] =	vst v63  }
0x37b: {  	_ =	swait.ge [sflag:s9], $0x1000  }
0x37c: {  	[sflag:s9] =	ssyncset.done $0x0  }
0x37d: {  	[sflag:s9] =	ssyncadd.s32 $0xFFFFF000  }
0x37e: {  	s0 =	simm.s32 $0x0;
	[bflag:$0x0] =	sbarrier.arrive $0xFFFF  }
0x37f: {  	[tilespmem:s11], [sflag:$0x1] =	stream.indirect.gather [spmem:s4], $0x20, s0, s12, $0xb8;
	[tilespmem:$0x1E290] =	vst v63  }
0x380: {  	_ = 	snop  }
0x381: {  	[tilespmem:s13], [sflag:$0x2] =	stream.indirect.gather [spmem:s4], $0x20, s12, s12, $0xb8;
	[tilespmem:$0x1E290] =	vst v63  }
0x382: {  	s10 =	simm.s32 $0x100  }
0x383: {  	[tilespmem:s15], [sflag:$0x3] =	stream.indirect.gather [spmem:s4], $0x20, s10, s12, $0xb8;
	[tilespmem:$0x1E290] =	vst v63  }
0x384: {  	s21 =	simm.s32 $0x180  }
0x385: {  	[tilespmem:s18], [sflag:$0x4] =	stream.indirect.gather [spmem:s4], $0x20, s21, s12, $0xb8;
	[tilespmem:$0x1E290] =	vst v63  }
0x386: {  	s25 =	simm.s32 $0x200  }
0x387: {  	[tilespmem:s20], [sflag:$0x5] =	stream.indirect.gather [spmem:s4], $0x20, s25, s12, $0xb8;
	[tilespmem:$0x1E290] =	vst v63  }
0x388: {  	_ =	swait.ge [sflag:s8], $0x1000  }
0x389: {  	[sflag:s8] =	ssyncset.done $0x0  }
0x38a: {  	s6 =	simm.s32 $0x5000;
	[sflag:s8] =	ssyncadd.s32 $0xFFFFF000  }
0x38b: {  	[spmem:s3] =	stream.indirect.scatter.add.f32 [tilespmem:s11], [sflag:$0x6], $0x20, s6, s12, $0xb8;
	[tilespmem:$0x1E290] =	vst v63  }
0x38c: {  	_ =	swait.ge [sflag:s26], $0x1000  }
0x38d: {  	[sflag:s26] =	ssyncset.done $0x0  }
0x38e: {  	s30 =	simm.s32 $0x5080;
	[sflag:s26] =	ssyncadd.s32 $0xFFFFF000  }
0x38f: {  	[spmem:s3] =	stream.indirect.scatter.add.f32 [tilespmem:s13], [sflag:$0x6], $0x20, s30, s12, $0xb8;
	[tilespmem:$0x1E290] =	vst v63  }
0x390: {  	_ =	swait.ge [sflag:s14], $0x1000  }
0x391: {  	[sflag:s14] =	ssyncset.done $0x0  }
0x392: {  	s10 =	simm.s32 $0x5100;
	[sflag:s14] =	ssyncadd.s32 $0xFFFFF000  }
0x393: {  	[spmem:s3] =	stream.indirect.scatter.add.f32 [tilespmem:s15], [sflag:$0x6], $0x20, s10, s12, $0xb8;
	[tilespmem:$0x1E290] =	vst v63  }
0x394: {  	_ =	swait.ge [sflag:s17], $0x1000  }
0x395: {  	[sflag:s17] =	ssyncset.done $0x0  }
0x396: {  	s21 =	simm.s32 $0x5180;
	[sflag:s17] =	ssyncadd.s32 $0xFFFFF000  }
0x397: {  	[spmem:s3] =	stream.indirect.scatter.add.f32 [tilespmem:s18], [sflag:$0x6], $0x20, s21, s12, $0xb8;
	[tilespmem:$0x1E290] =	vst v63  }
0x398: {  	_ =	swait.ge [sflag:s7], $0x1000  }
0x399: {  	[sflag:s7] =	ssyncset.done $0x0  }
0x39a: {  	s25 =	simm.s32 $0x5200;
	[sflag:s7] =	ssyncadd.s32 $0xFFFFF000  }
0x39b: {  	[spmem:s3] =	stream.indirect.scatter.add.f32 [tilespmem:s20], [sflag:$0x6], $0x20, s25, s12, $0xb8;
	[tilespmem:$0x1E290] =	vst v63  }
0x39c: {  	_ =	swait.ge [sflag:s1], $0x1000  }
0x39d: {  	[sflag:s1] =	ssyncset.done $0x0  }
0x39e: {  	[sflag:s1] =	ssyncadd.s32 $0xFFFFF000  }
0x39f: {  	_ =	swait.ge [sflag:s1], $0x1000  }
0x3a0: {  	[sflag:s1] =	ssyncset.done $0x0  }
0x3a1: {  	[sflag:s1] =	ssyncadd.s32 $0xFFFFF000  }
0x3a2: {  	_ =	swait.ge [sflag:s1], $0x1000  }
0x3a3: {  	[sflag:s1] =	ssyncset.done $0x0  }
0x3a4: {  	[sflag:s1] =	ssyncadd.s32 $0xFFFFF000  }
0x3a5: {  	_ =	swait.ge [sflag:s1], $0x1000  }
0x3a6: {  	[sflag:s1] =	ssyncset.done $0x0  }
0x3a7: {  	[sflag:s1] =	ssyncadd.s32 $0xFFFFF000  }
0x3a8: {  	_ =	swait.ge [sflag:s1], $0x1000  }
0x3a9: {  	[sflag:s1] =	ssyncset.done $0x0  }
0x3aa: {  	s30 =	simm.s32 $0x280;
	[sflag:s1] =	ssyncadd.s32 $0xFFFFF000  }
0x3ab: {  	[tilespmem:s11], [sflag:$0x1] =	stream.indirect.gather [spmem:s4], $0x20, s30, s12, $0xb8;
	[tilespmem:$0x1E290] =	vst v63  }
0x3ac: {  	s10 =	simm.s32 $0x300  }
0x3ad: {  	[tilespmem:s13], [sflag:$0x2] =	stream.indirect.gather [spmem:s4], $0x20, s10, s12, $0xb8;
	[tilespmem:$0x1E290] =	vst v63  }
0x3ae: {  	s21 =	simm.s32 $0x380  }
0x3af: {  	[tilespmem:s15], [sflag:$0x3] =	stream.indirect.gather [spmem:s4], $0x20, s21, s12, $0xb8;
	[tilespmem:$0x1E290] =	vst v63  }
0x3b0: {  	s25 =	simm.s32 $0x400  }
0x3b1: {  	[tilespmem:s18], [sflag:$0x4] =	stream.indirect.gather [spmem:s4], $0x20, s25, s12, $0xb8;
	[tilespmem:$0x1E290] =	vst v63  }
0x3b2: {  	s30 =	simm.s32 $0x480  }
0x3b3: {  	[tilespmem:s20], [sflag:$0x5] =	stream.indirect.gather [spmem:s4], $0x20, s30, s12, $0xb8;
	[tilespmem:$0x1E290] =	vst v63  }
0x3b4: {  	_ =	swait.ge [sflag:s8], $0x1000  }
0x3b5: {  	[sflag:s8] =	ssyncset.done $0x0  }
0x3b6: {  	s10 =	simm.s32 $0x5280;
	[sflag:s8] =	ssyncadd.s32 $0xFFFFF000  }
0x3b7: {  	[spmem:s3] =	stream.indirect.scatter.add.f32 [tilespmem:s11], [sflag:$0x6], $0x20, s10, s12, $0xb8;
	[tilespmem:$0x1E290] =	vst v63  }
0x3b8: {  	_ =	swait.ge [sflag:s26], $0x1000  }
0x3b9: {  	[sflag:s26] =	ssyncset.done $0x0  }
0x3ba: {  	s21 =	simm.s32 $0x5300;
	[sflag:s26] =	ssyncadd.s32 $0xFFFFF000  }
0x3bb: {  	[spmem:s3] =	stream.indirect.scatter.add.f32 [tilespmem:s13], [sflag:$0x6], $0x20, s21, s12, $0xb8;
	[tilespmem:$0x1E290] =	vst v63  }
0x3bc: {  	_ =	swait.ge [sflag:s14], $0x1000  }
0x3bd: {  	[sflag:s14] =	ssyncset.done $0x0  }
0x3be: {  	s25 =	simm.s32 $0x5380;
	[sflag:s14] =	ssyncadd.s32 $0xFFFFF000  }
0x3bf: {  	[spmem:s3] =	stream.indirect.scatter.add.f32 [tilespmem:s15], [sflag:$0x6], $0x20, s25, s12, $0xb8;
	[tilespmem:$0x1E290] =	vst v63  }
0x3c0: {  	_ =	swait.ge [sflag:s17], $0x1000  }
0x3c1: {  	[sflag:s17] =	ssyncset.done $0x0  }
0x3c2: {  	s30 =	simm.s32 $0x5400;
	[sflag:s17] =	ssyncadd.s32 $0xFFFFF000  }
0x3c3: {  	[spmem:s3] =	stream.indirect.scatter.add.f32 [tilespmem:s18], [sflag:$0x6], $0x20, s30, s12, $0xb8;
	[tilespmem:$0x1E290] =	vst v63  }
0x3c4: {  	_ =	swait.ge [sflag:s7], $0x1000  }
0x3c5: {  	[sflag:s7] =	ssyncset.done $0x0  }
0x3c6: {  	s10 =	simm.s32 $0xA00;
	s21 =	simm.s32 $0x5480;
	[sflag:s7] =	ssyncadd.s32 $0xFFFFF000  }
.LBB2_26:
0x3c7: {  	[spmem:s3] =	stream.indirect.scatter.add.f32 [tilespmem:s20], [sflag:$0x6], $0x20, s21, s12, $0xb8;
	[tilespmem:$0x1E290] =	vst v63  }
0x3c8: {  	s0 =	smov.u32 s10  }
0x3c9: {  	p0 =	sne.s32 s10, $0x12C00;
	s10 =	sadd.s32 $0xA00, s10;
	_ =	swait.ge [sflag:s1], $0x1000  }
0x3ca: {  	[sflag:s1] =	ssyncset.done $0x0  }
0x3cb: {  	[sflag:s1] =	ssyncadd.s32 $0xFFFFF000  }
0x3cc: {  	_ =	swait.ge [sflag:s1], $0x1000  }
0x3cd: {  	[sflag:s1] =	ssyncset.done $0x0  }
0x3ce: {  	[sflag:s1] =	ssyncadd.s32 $0xFFFFF000  }
0x3cf: {  	_ =	swait.ge [sflag:s1], $0x1000  }
0x3d0: {  	[sflag:s1] =	ssyncset.done $0x0  }
0x3d1: {  	[sflag:s1] =	ssyncadd.s32 $0xFFFFF000  }
0x3d2: {  	_ =	swait.ge [sflag:s1], $0x1000  }
0x3d3: {  	[sflag:s1] =	ssyncset.done $0x0  }
0x3d4: {  	[sflag:s1] =	ssyncadd.s32 $0xFFFFF000  }
0x3d5: {  	_ =	swait.ge [sflag:s1], $0x1000  }
0x3d6: {  	s21 =	sshra.s32 s0, $0x2;
	[sflag:s1] =	ssyncset.done $0x0  }
0x3d7: {  	s0 =	sadd.s32 $0x280, s21;
	[sflag:s1] =	ssyncadd.s32 $0xFFFFF000  }
0x3d8: {  	[tilespmem:s11], [sflag:$0x1] =	stream.indirect.gather [spmem:s4], $0x20, s0, s12, $0xb8;
	[tilespmem:$0x1E290] =	vst v63  }
0x3d9: {  	s0 =	sadd.s32 $0x300, s21  }
0x3da: {  	[tilespmem:s13], [sflag:$0x2] =	stream.indirect.gather [spmem:s4], $0x20, s0, s12, $0xb8;
	[tilespmem:$0x1E290] =	vst v63  }
0x3db: {  	s0 =	sadd.s32 $0x380, s21  }
0x3dc: {  	[tilespmem:s15], [sflag:$0x3] =	stream.indirect.gather [spmem:s4], $0x20, s0, s12, $0xb8;
	[tilespmem:$0x1E290] =	vst v63  }
0x3dd: {  	s0 =	sadd.s32 $0x400, s21  }
0x3de: {  	[tilespmem:s18], [sflag:$0x4] =	stream.indirect.gather [spmem:s4], $0x20, s0, s12, $0xb8;
	[tilespmem:$0x1E290] =	vst v63  }
0x3df: {  	s0 =	sadd.s32 $0x480, s21  }
0x3e0: {  	[tilespmem:s20], [sflag:$0x5] =	stream.indirect.gather [spmem:s4], $0x20, s0, s12, $0xb8;
	[tilespmem:$0x1E290] =	vst v63  }
0x3e1: {  	_ =	swait.ge [sflag:s8], $0x1000  }
0x3e2: {  	[sflag:s8] =	ssyncset.done $0x0  }
0x3e3: {  	s0 =	sadd.s32 $0x5280, s21;
	[sflag:s8] =	ssyncadd.s32 $0xFFFFF000  }
0x3e4: {  	[spmem:s3] =	stream.indirect.scatter.add.f32 [tilespmem:s11], [sflag:$0x6], $0x20, s0, s12, $0xb8;
	[tilespmem:$0x1E290] =	vst v63  }
0x3e5: {  	_ =	swait.ge [sflag:s26], $0x1000  }
0x3e6: {  	[sflag:s26] =	ssyncset.done $0x0  }
0x3e7: {  	s0 =	sadd.s32 $0x5300, s21;
	[sflag:s26] =	ssyncadd.s32 $0xFFFFF000  }
0x3e8: {  	[spmem:s3] =	stream.indirect.scatter.add.f32 [tilespmem:s13], [sflag:$0x6], $0x20, s0, s12, $0xb8;
	[tilespmem:$0x1E290] =	vst v63  }
0x3e9: {  	_ =	swait.ge [sflag:s14], $0x1000  }
0x3ea: {  	[sflag:s14] =	ssyncset.done $0x0  }
0x3eb: {  	s0 =	sadd.s32 $0x5380, s21;
	[sflag:s14] =	ssyncadd.s32 $0xFFFFF000  }
0x3ec: {  	[spmem:s3] =	stream.indirect.scatter.add.f32 [tilespmem:s15], [sflag:$0x6], $0x20, s0, s12, $0xb8;
	[tilespmem:$0x1E290] =	vst v63  }
0x3ed: {  	_ =	swait.ge [sflag:s17], $0x1000  }
0x3ee: {  	[sflag:s17] =	ssyncset.done $0x0  }
.Ltmp12:
0x3ef: {  	s0 =	sadd.s32 $0x5400, s21;
	[sflag:s17] =	ssyncadd.s32 $0xFFFFF000;
	(pc) =	sbr.rel @p0 .LBB2_26-.Ltmp12, $4  }
0x3f0: {  	[spmem:s3] =	stream.indirect.scatter.add.f32 [tilespmem:s18], [sflag:$0x6], $0x20, s0, s12, $0xb8;
	[tilespmem:$0x1E290] =	vst v63  }
0x3f1: {  	_ =	swait.ge [sflag:s7], $0x1000  }
0x3f2: {  	[sflag:s7] =	ssyncset.done $0x0  }
0x3f3: {  	s21 =	sadd.s32 $0x5480, s21;
	[sflag:s7] =	ssyncadd.s32 $0xFFFFF000  }
0x3f4: {  	[spmem:s3] =	stream.indirect.scatter.add.f32 [tilespmem:s20], [sflag:$0x6], $0x20, s21, s12, $0xb8;
	[tilespmem:$0x1E290] =	vst v63  }
0x3f5: {  	_ =	swait.ge [sflag:s1], $0x1000  }
0x3f6: {  	[sflag:s1] =	ssyncset.done $0x0  }
0x3f7: {  	[sflag:s1] =	ssyncadd.s32 $0xFFFFF000  }
0x3f8: {  	_ =	swait.ge [sflag:s1], $0x1000  }
0x3f9: {  	[sflag:s1] =	ssyncset.done $0x0  }
0x3fa: {  	[sflag:s1] =	ssyncadd.s32 $0xFFFFF000  }
0x3fb: {  	_ =	swait.ge [sflag:s1], $0x1000  }
0x3fc: {  	[sflag:s1] =	ssyncset.done $0x0  }
0x3fd: {  	[sflag:s1] =	ssyncadd.s32 $0xFFFFF000  }
0x3fe: {  	_ =	swait.ge [sflag:s1], $0x1000  }
0x3ff: {  	[sflag:s1] =	ssyncset.done $0x0  }
0x400: {  	[sflag:s1] =	ssyncadd.s32 $0xFFFFF000  }
0x401: {  	_ =	swait.ge [sflag:s1], $0x1000  }
0x402: {  	[sflag:s1] =	ssyncset.done $0x0  }
0x403: {  	[sflag:s1] =	ssyncadd.s32 $0xFFFFF000  }
0x404: {  	[bflag:$0x0] =	sbarrier.arrive $0xFFFF  }
0x405: {  	[tilespmem:s11], [sflag:$0x7] =	stream.linear.gather [spmem:s22], $0x1000, $0x38;
	[tilespmem:$0x1E290] =	vst v63  }
0x406: {  	_ =	swait.ge [sflag:s9], $0x1000  }
0x407: {  	[sflag:s9] =	ssyncset.done $0x0  }
0x408: {  	s0 =	rddreg [dreg:$0xe];
	[sflag:s9] =	ssyncadd.s32 $0xFFFFF000  }
0x409: {  	[hbm4b:s0+s16] =	stream.linear.scatter [tilespmem:s11], [sflag:$0x7], $0x1000, $0x38;
	[tilespmem:$0x1E290] =	vst v63  }
0x40a: {  	_ =	swait.ge [sflag:s9], $0x1000  }
0x40b: {  	[sflag:s9] =	ssyncset.done $0x0  }
0x40c: {  	[sflag:s9] =	ssyncadd.s32 $0xFFFFF000  }
0x40d: {  	[tilespmem:s11], [sflag:$0x7] =	stream.linear.gather [spmem:s24], $0x1000, $0x38;
	[tilespmem:$0x1E290] =	vst v63  }
0x40e: {  	_ =	swait.ge [sflag:s9], $0x1000  }
0x40f: {  	[sflag:s9] =	ssyncset.done $0x0  }
0x410: {  	s30 =	rddreg [dreg:$0xf];
	[sflag:s9] =	ssyncadd.s32 $0xFFFFF000  }
0x411: {  	[hbm4b:s30+s16] =	stream.linear.scatter [tilespmem:s11], [sflag:$0x7], $0x1000, $0x38;
	[tilespmem:$0x1E290] =	vst v63  }
0x412: {  	_ =	swait.ge [sflag:s9], $0x1000  }
0x413: {  	[sflag:s9] =	ssyncset.done $0x0  }
0x414: {  	[sflag:s9] =	ssyncadd.s32 $0xFFFFF000  }
0x415: {  	[tilespmem:s11], [sflag:$0x7] =	stream.linear.gather [spmem:s28], $0x1000, $0x38;
	[tilespmem:$0x1E290] =	vst v63  }
0x416: {  	_ =	swait.ge [sflag:s9], $0x1000  }
0x417: {  	[sflag:s9] =	ssyncset.done $0x0  }
0x418: {  	s10 =	rddreg [dreg:$0x10];
	[sflag:s9] =	ssyncadd.s32 $0xFFFFF000  }
0x419: {  	[hbm4b:s10+s16] =	stream.linear.scatter [tilespmem:s11], [sflag:$0x7], $0x1000, $0x38;
	[tilespmem:$0x1E290] =	vst v63  }
0x41a: {  	_ =	swait.ge [sflag:s9], $0x1000  }
0x41b: {  	[sflag:s9] =	ssyncset.done $0x0  }
0x41c: {  	[sflag:s9] =	ssyncadd.s32 $0xFFFFF000  }
0x41d: {  	[tilespmem:s11], [sflag:$0x7] =	stream.linear.gather [spmem:s31], $0x1000, $0x38;
	[tilespmem:$0x1E290] =	vst v63  }
0x41e: {  	_ =	swait.ge [sflag:s9], $0x1000  }
0x41f: {  	[sflag:s9] =	ssyncset.done $0x0  }
0x420: {  	s21 =	rddreg [dreg:$0x11];
	[sflag:s9] =	ssyncadd.s32 $0xFFFFF000  }
0x421: {  	[hbm4b:s21+s16] =	stream.linear.scatter [tilespmem:s11], [sflag:$0x7], $0x1000, $0x38;
	[tilespmem:$0x1E290] =	vst v63  }
0x422: {  	_ =	swait.ge [sflag:s9], $0x1000  }
0x423: {  	[sflag:s9] =	ssyncset.done $0x0  }
0x424: {  	[sflag:s9] =	ssyncadd.s32 $0xFFFFF000  }
0x425: {  	[tilespmem:s11], [sflag:$0x7] =	stream.linear.gather [spmem:s5], $0x1000, $0x38;
	[tilespmem:$0x1E290] =	vst v63  }
0x426: {  	_ =	swait.ge [sflag:s9], $0x1000  }
0x427: {  	[sflag:s9] =	ssyncset.done $0x0  }
0x428: {  	s25 =	rddreg [dreg:$0x12];
	[sflag:s9] =	ssyncadd.s32 $0xFFFFF000  }
0x429: {  	[hbm4b:s25+s16] =	stream.linear.scatter [tilespmem:s11], [sflag:$0x7], $0x1000, $0x38;
	[tilespmem:$0x1E290] =	vst v63  }
0x42a: {  	_ =	swait.ge [sflag:s9], $0x1000  }
0x42b: {  	s19 =	sadd.s32 $0x1, s19;
	s30 =	rddreg [dreg:$0x1e]  }
0x42c: {  	p0 =	sne.s32 s19, s30  }
.Ltmp13:
0x42d: {  	_ = 	snop;
	(pc) =	sbr.rel @p0 .LBB2_1-.Ltmp13, $3  }
0x42e: {  	_ =	sdelay $0x1  }
0x42f: {  	[sflag:s9] =	ssyncset.done $0x0  }
0x430: {  	[sflag:s9] =	ssyncadd.s32 $0xFFFFF000  }
0x431: {  	_ =	sfence.sel $0x180000  }
0x432: {  	[bflag:$0x0] =	sbarrier.arrive $0xFFFF  }
0x433: {  	_ =	strace $0x9000004A  }
0x434: {  	s0 =	stileid.u32;
	[bflag:$0x2] =	sbarrier.arrive $0xFFFF  }
0x435: {  	p0 =	sne.s32 s0, $0x0;
	s0 =	rddreg [dreg:$0x5]  }
0x436: {  	s0 =	sadd.s32 @!p0 $0x100000, s0  }
0x437: {  	[sflag:s0] =	ssyncadd.tile.s32 @!p0 $0x1;
	_ =	shalt  }
.Lfunc_end2:
_tile_overlayer_lowered:
.L_overlay_start_2:
0x438: {  	(tag) =	ssettag $0x2  }
0x439: {  	s0 =	rddreg [dreg:$0x0];
	s2 =	stileid.u32  }
0x43a: {  	s1 =	rddreg [dreg:$0x1];
	p0 =	sne.s32 s2, $0x0  }
0x43b: {  	s3 =	rddreg [dreg:$0x2];
	[bflag:$0x3] =	sbarrier.arrive $0xFFFF;
	s2 =	simm.s32 @!p0 $0x1C07  }
0x43c: {  	[timem:s3], [sflag:s2] =	dma.local @!p0 [hbm:s0], s1  }
0x43d: {  	s0 =	simm.s32 @!p0 $0x7  }
0x43e: {  	_ =	swait.ge @!p0 [sflag:s0], s1  }
0x43f: {  	s1 =	ssub.s32 @!p0 $0x0, s1;
	[sflag:s0] =	ssyncset.done @!p0 $0x0  }
0x440: {  	[sflag:s0] =	ssyncadd.s32 @!p0 s1  }
0x441: {  	[bflag:$0x3] =	sbarrier.arrive $0xFFFF  }
0x442: {  	_ =	shalt  }

</sc_bundles>
